<compile_context>
chip_gen: v7x
topology: tpu7x:2x2x1
jax: 0.10.2.dev20260603
libtpu: 0.0.44.dev20260713+nightly
codegen_flags: <defaults>
</compile_context>

<pallas_src>
import functools

import jax
import jax.numpy as jnp
from jax import lax
from jax.experimental import pallas as pl
from jax.experimental.pallas import tpu as pltpu
from jax.experimental.pallas import tpu_sc as plsc

N = 50000
D = 128
E = 160000
R = 3

NC = 2
NS = 16
LANES = 16

EPT = E // NS
CHUNK = 128
NCH = 80
EPAD = NCH * CHUNK

NP = 50176
TPT = NP // NS
ZCH = 784
WPT = N // NS
WCH = 125
ZBR = 64

CWA = 64


def _zero_fill(buf, rows, cols):
    z = jnp.zeros((LANES,), jnp.float32)

    def body(i, _):
        for k in range(cols // LANES):
            buf[i, pl.ds(k * LANES, LANES)] = z
        return 0

    lax.fori_loop(0, rows, body, 0)


def _deg_body(srcd, dstd, out, idxv, val, wb, acc):
    c = lax.axis_index("c")
    s = lax.axis_index("s")

    _zero_fill(wb, ZCH, 16)
    for q in range(TPT // ZCH):
        pltpu.sync_copy(wb, acc.at[pl.ds(s * TPT + q * ZCH, ZCH)])
    plsc.subcore_barrier()

    lane = lax.iota(jnp.int32, LANES)

    def run_task(t, idx_arr, r):
        oh = jnp.where(lane == t, 1.0, 0.0).astype(jnp.float32)

        def fill(i, _):
            val[i, pl.ds(0, LANES)] = oh
            return 0

        lax.fori_loop(0, CHUNK, fill, 0)
        pltpu.sync_copy(idx_arr.at[r, s], idxv)

        def body(j, _):
            pltpu.sync_copy(val, acc.at[idxv.at[j]], add=True)
            return 0

        lax.fori_loop(0, NCH, body, 0)

    for core in range(NC):
        @pl.when(c == core)
        def _():
            for t in range(3 * core, 3 * core + 3):
                r, which = divmod(t, 2)
                run_task(t, srcd if which == 0 else dstd, r)

    plsc.subcore_barrier()
    for q in range(TPT // ZCH):
        row = s * TPT + q * ZCH
        pltpu.sync_copy(acc.at[pl.ds(row, ZCH)], wb)
        pltpu.sync_copy(wb, out.at[c, pl.ds(row, ZCH)])


def _deg_call(srcd, dstd):
    fn = pl.kernel(
        _deg_body,
        out_type=jax.ShapeDtypeStruct((NC, NP, 16), jnp.float32),
        compiler_params=pltpu.CompilerParams(use_tc_tiling_on_sc=False),
        mesh=plsc.VectorSubcoreMesh(core_axis_name="c", subcore_axis_name="s"),
        scratch_types=[
            pltpu.VMEM((NCH, CHUNK), jnp.int32),
            pltpu.VMEM((CHUNK, 16), jnp.float32),
            pltpu.VMEM((ZCH, 16), jnp.float32),
            pltpu.VMEM_SHARED((NP, 16), jnp.float32),
        ],
    )
    return fn(srcd, dstd)


def _agg_body(hs12, srcg, dstd, zhbm, out, gidx, didx, gb0, gb1, zb, acc,
              sem0, sem1):
    c = lax.axis_index("c")
    s = lax.axis_index("s")

    pltpu.sync_copy(zhbm, zb)

    def run_pass(r):
        def zq(q, _):
            pltpu.sync_copy(zb, acc.at[pl.ds(s * TPT + q * ZBR, ZBR)])
            return 0

        lax.fori_loop(0, TPT // ZBR, zq, 0)
        plsc.subcore_barrier()

        pltpu.sync_copy(srcg.at[r, s], gidx)
        pltpu.sync_copy(dstd.at[r, s], didx)
        base = r * (2 * N) + c

        def xform(j, _):
            for k in range(CHUNK // LANES):
                v = gidx[j, pl.ds(k * LANES, LANES)]
                gidx[j, pl.ds(k * LANES, LANES)] = v * 2 + base
            return 0

        lax.fori_loop(0, NCH, xform, 0)

        pltpu.async_copy(hs12.at[gidx.at[0]], gb0, sem0)

        def pair(jj, _):
            j0 = 2 * jj
            pltpu.async_copy(hs12.at[gidx.at[j0 + 1]], gb1, sem1)
            pltpu.make_async_copy(hs12.at[gidx.at[j0]], gb0, sem0).wait()
            pltpu.sync_copy(gb0, acc.at[didx.at[j0]], add=True)

            @pl.when(jj + 1 < NCH // 2)
            def _():
                pltpu.async_copy(hs12.at[gidx.at[j0 + 2]], gb0, sem0)

            pltpu.make_async_copy(hs12.at[gidx.at[j0 + 1]], gb1, sem1).wait()
            pltpu.sync_copy(gb1, acc.at[didx.at[j0 + 1]], add=True)
            return 0

        lax.fori_loop(0, NCH // 2, pair, 0)
        plsc.subcore_barrier()

        pltpu.sync_copy(acc.at[pl.ds(s * WPT, WPT)],
                        out.at[r, pl.ds(s * WPT, WPT), pl.ds(c * CWA, CWA)])
        plsc.subcore_barrier()

    for r in range(R):
        run_pass(r)


def _agg_call(hs, srcg, dstd):
    hs12 = hs.reshape(R * N * 2, CWA)
    zhbm = jnp.zeros((ZBR, CWA), jnp.bfloat16)
    fn = pl.kernel(
        _agg_body,
        out_type=jax.ShapeDtypeStruct((R, N, D), jnp.bfloat16),
        compiler_params=pltpu.CompilerParams(use_tc_tiling_on_sc=False),
        mesh=plsc.VectorSubcoreMesh(core_axis_name="c", subcore_axis_name="s"),
        scratch_types=[
            pltpu.VMEM((NCH, CHUNK), jnp.int32),
            pltpu.VMEM((NCH, CHUNK), jnp.int32),
            pltpu.VMEM((CHUNK, CWA), jnp.bfloat16),
            pltpu.VMEM((CHUNK, CWA), jnp.bfloat16),
            pltpu.VMEM((ZBR, CWA), jnp.bfloat16),
            pltpu.VMEM_SHARED((NP, CWA), jnp.bfloat16),
            pltpu.SemaphoreType.DMA,
            pltpu.SemaphoreType.DMA,
        ],
    )
    return fn(hs12, srcg, dstd, zhbm)


BN = 2000
GRID = N // BN


def _rsqrt_deg(cnt_blk):
    c = cnt_blk[0] + cnt_blk[1]
    return lax.rsqrt(jnp.maximum(c, 1.0))


def _prep_body(x_ref, cnt_ref, hs_ref):
    d = _rsqrt_deg(cnt_ref[...])
    x = x_ref[...]
    for r in range(R):
        hs_ref[r] = (x * d[:, 2 * r:2 * r + 1]).astype(jnp.bfloat16)


def _prep_call(x, cnt):
    return pl.pallas_call(
        _prep_body,
        grid=(GRID,),
        in_specs=[
            pl.BlockSpec((BN, D), lambda i: (i, 0)),
            pl.BlockSpec((NC, BN, 16), lambda i: (0, i, 0)),
        ],
        out_specs=pl.BlockSpec((R, BN, D), lambda i: (0, i, 0)),
        out_shape=jax.ShapeDtypeStruct((R, N, D), jnp.bfloat16),
    )(x, cnt)


def _layer_body(agg_ref, w_ref, b_ref, cnt_ref, out_ref, *, relu_scale):
    d = _rsqrt_deg(cnt_ref[...])
    w = w_ref[...]
    b = b_ref[...]
    acc = (b[0] + b[1] + b[2])[None, :]
    for r in range(R):
        m = jnp.dot(agg_ref[r], w[r], preferred_element_type=jnp.float32)
        acc = acc + m * d[:, 2 * r + 1:2 * r + 2]
    if relu_scale:
        h = jnp.maximum(acc, 0.0)
        for r in range(R):
            out_ref[r] = (h * d[:, 2 * r:2 * r + 1]).astype(jnp.bfloat16)
    else:
        out_ref[...] = acc


def _layer_call(agg, w, b, cnt, relu_scale):
    h = w.shape[-1]
    if relu_scale:
        out_shape = jax.ShapeDtypeStruct((R, N, h), jnp.bfloat16)
        out_spec = pl.BlockSpec((R, BN, h), lambda i: (0, i, 0))
    else:
        out_shape = jax.ShapeDtypeStruct((N, h), jnp.float32)
        out_spec = pl.BlockSpec((BN, h), lambda i: (i, 0))
    return pl.pallas_call(
        functools.partial(_layer_body, relu_scale=relu_scale),
        grid=(GRID,),
        in_specs=[
            pl.BlockSpec((R, BN, D), lambda i: (0, i, 0)),
            pl.BlockSpec((R, D, h), lambda i: (0, 0, 0)),
            pl.BlockSpec((R, h), lambda i: (0, 0)),
            pl.BlockSpec((NC, BN, 16), lambda i: (0, i, 0)),
        ],
        out_specs=out_spec,
        out_shape=out_shape,
    )(agg, w, b, cnt)


def _pad_idx(v, padval):
    v = v.reshape(NS, EPT)
    pad = jnp.full((NS, EPAD - EPT), padval, jnp.int32)
    return jnp.concatenate([v, pad], axis=1).reshape(NS, NCH, CHUNK)


def kernel(x, edge_index_r0, edge_index_r1, edge_index_r2, W1, b1, W2, b2):
    eis = (edge_index_r0, edge_index_r1, edge_index_r2)
    srcg = jnp.stack([_pad_idx(ei[0], 0) for ei in eis])
    srcd = jnp.stack([_pad_idx(ei[0], N) for ei in eis])
    dstd = jnp.stack([_pad_idx(ei[1], N) for ei in eis])

    cnt = _deg_call(srcd, dstd)
    hs1 = _prep_call(x, cnt)
    agg1 = _agg_call(hs1, srcg, dstd)
    hs2 = _layer_call(agg1, W1, b1, cnt, True)
    agg2 = _agg_call(hs2, srcg, dstd)
    out = _layer_call(agg2, W2, b2, cnt, False)
    return out

# --- scband reference (transcript-rebuilt; emitter-appended) ---
"""Pipeline reference for scband-gaergcn-13846974562749 (READ-ONLY COPY).

The authoritative reference and input builder live on the scoring server;
editing this copy changes nothing except your own understanding.
"""

import jax, jax.numpy as jnp
import numpy as np

N = 50000
D = 128
H = 128
E = 160000
R = 3


def setup_inputs(seed: int = 0) -> dict:
    key = jax.random.key(seed)
    ks = jax.random.split(key, 12)
    x = jax.random.normal(ks[0], (N, D), dtype=jnp.float32)
    ei0 = jax.random.randint(ks[1], (2, E), 0, N, dtype=jnp.int32)
    ei1 = jax.random.randint(ks[2], (2, E), 0, N, dtype=jnp.int32)
    ei2 = jax.random.randint(ks[3], (2, E), 0, N, dtype=jnp.int32)
    # Per-relation GraphConv weights for conv1 and conv2 (Glorot-ish scale)
    W1 = jax.random.normal(ks[4], (R, D, H), dtype=jnp.float32) * (1.0 / np.sqrt(D))
    b1 = jnp.zeros((R, H), dtype=jnp.float32)
    W2 = jax.random.normal(ks[5], (R, H, H), dtype=jnp.float32) * (1.0 / np.sqrt(H))
    b2 = jnp.zeros((R, H), dtype=jnp.float32)
    return {"x": x, "edge_index_r0": ei0, "edge_index_r1": ei1, "edge_index_r2": ei2,
            "W1": W1, "b1": b1, "W2": W2, "b2": b2}


def _graphconv(h, src, dst, W, b):
    # DGL GraphConv with norm='both': src deg^-1/2, copy_u+sum aggregate, dst deg^-1/2, linear, bias
    ones = jnp.ones(src.shape[0], dtype=jnp.float32)
    deg_out = jnp.clip(jax.ops.segment_sum(ones, src, num_segments=N), 1.0, None)
    deg_in = jnp.clip(jax.ops.segment_sum(ones, dst, num_segments=N), 1.0, None)
    hs = h * (deg_out ** -0.5)[:, None]
    msg = jnp.take(hs, src, axis=0)
    agg = jax.ops.segment_sum(msg, dst, num_segments=N)
    rst = jnp.matmul(agg, W)
    rst = rst * (deg_in ** -0.5)[:, None]
    return rst + b


def reference(x, edge_index_r0, edge_index_r1, edge_index_r2, W1, b1, W2, b2):
    eis = (edge_index_r0, edge_index_r1, edge_index_r2)

    def hetero_layer(h, W, b):
        # HeteroGraphConv with aggregate='sum' over relations
        out = jnp.zeros((N, W.shape[-1]), dtype=jnp.float32)
        for r in range(R):
            out = out + _graphconv(h, eis[r][0], eis[r][1], W[r], b[r])
        return out

    h1 = jax.nn.relu(hetero_layer(x, W1, b1))
    out = hetero_layer(h1, W2, b2)
    return out

if __name__ == "__main__":
    import jax
    _d = setup_inputs()
    print(jax.jit(kernel)(*tuple(_d.values())))

</pallas_src>

<mosaic_0001>
#map = affine_map<(d0, d1) -> (0, 0)>
#map1 = affine_map<(d0, d1) -> (0, 0, 0, 0)>
#map2 = affine_map<(d0, d1) -> (0, 0, 0)>
module attributes {stable_mosaic.version = 14 : i64} {
  func.func @_agg_body(%arg0: i32, %arg1: i32, %arg2: memref<300000x64xbf16, #tpu.memory_space<hbm>>, %arg3: memref<3x16x80x128xi32, #tpu.memory_space<hbm>>, %arg4: memref<3x16x80x128xi32, #tpu.memory_space<hbm>>, %arg5: memref<64x64xbf16, #tpu.memory_space<hbm>>, %arg6: memref<3x50000x128xbf16, #tpu.memory_space<hbm>>, %arg7: memref<80x128xi32, #tpu.memory_space<vmem>>, %arg8: memref<80x128xi32, #tpu.memory_space<vmem>>, %arg9: memref<128x64xbf16, #tpu.memory_space<vmem>>, %arg10: memref<128x64xbf16, #tpu.memory_space<vmem>>, %arg11: memref<64x64xbf16, #tpu.memory_space<vmem>>, %arg12: memref<50176x64xbf16, #tpu.memory_space<vmem_shared>>, %arg13: memref<!tpu.dma_semaphore, #tpu.memory_space<semaphore_mem>>, %arg14: memref<!tpu.dma_semaphore, #tpu.memory_space<semaphore_mem>>) attributes {dimension_semantics = [#tpu.dimension_semantics<core_parallel>, #tpu.dimension_semantics<subcore_parallel>], iteration_bounds = array<i64: 2, 16>, scalar_prefetch = 0 : i64, scratch_operands = 8 : i64, tpu.core_type = #tpu.core_type<sc_vector_subcore>, window_params = [{transform_indices = #map}, {transform_indices = #map1}, {transform_indices = #map1}, {transform_indices = #map}, {transform_indices = #map2}]} {
    "tpu.region"() ({
      %run_scoped3A_120 = tpu.sem_alloc : memref<!tpu.dma_semaphore, #tpu.memory_space<semaphore_mem>>
      tpu.enqueue_dma source(%arg5 : memref<64x64xbf16, #tpu.memory_space<hbm>>) target(%arg11 : memref<64x64xbf16, #tpu.memory_space<vmem>>) target_semaphore(%run_scoped3A_120 : memref<!tpu.dma_semaphore, #tpu.memory_space<semaphore_mem>>)
      tpu.wait_dma2 semaphore(%run_scoped3A_120 : memref<!tpu.dma_semaphore, #tpu.memory_space<semaphore_mem>>) src(%arg5 : memref<64x64xbf16, #tpu.memory_space<hbm>>) dst(%arg11 : memref<64x64xbf16, #tpu.memory_space<vmem>>)
      tpu.yield
    }) : () -> ()
    %scan3A = arith.constant 0 : i32
    %scan3A_0 = arith.constant 0 : i32
    %scan3A_1 = arith.constant 49 : i32
    %scan3A_2 = arith.addi %scan3A_0, %scan3A_1 : i32
    %scan3A_3 = arith.constant 1 : i32
    %scan3A_4 = scf.for %scan3A_120 = %scan3A_0 to %scan3A_2 step %scan3A_3 iter_args(%scan3A_121 = %scan3A) -> (i32)  : i32 {
      %mul3A_122 = arith.constant 3136 : i32
      %mul3A_123 = arith.muli %arg1, %mul3A_122 : i32
      %mul3A_124 = arith.constant 64 : i32
      %mul3A_125 = arith.muli %scan3A_120, %mul3A_124 : i32
      %add3A_126 = arith.addi %mul3A_123, %mul3A_125 : i32
      "tpu.region"() ({
        %run_scoped3A_128 = tpu.sem_alloc : memref<!tpu.dma_semaphore, #tpu.memory_space<semaphore_mem>>
        %dma_start3A_129 = arith.constant 0 : i32
        %dma_start3A_130 = tpu.memref_slice %arg12[%add3A_126, %dma_start3A_129] : memref<50176x64xbf16, #tpu.memory_space<vmem_shared>> -> memref<64x64xbf16, #tpu.memory_space<vmem_shared>>
        %dma_start3A_131 = arith.constant 0 : i32
        %dma_start3A_132 = tpu.memref_slice %arg12[%add3A_126, %dma_start3A_131] : memref<50176x64xbf16, #tpu.memory_space<vmem_shared>> -> memref<64x64xbf16, #tpu.memory_space<vmem_shared>>
        tpu.enqueue_dma source(%arg11 : memref<64x64xbf16, #tpu.memory_space<vmem>>) target(%dma_start3A_132 : memref<64x64xbf16, #tpu.memory_space<vmem_shared>>) target_semaphore(%run_scoped3A_128 : memref<!tpu.dma_semaphore, #tpu.memory_space<semaphore_mem>>)
        %dma_wait3A = arith.constant 0 : i32
        %dma_wait3A_133 = tpu.memref_slice %arg12[%add3A_126, %dma_wait3A] : memref<50176x64xbf16, #tpu.memory_space<vmem_shared>> -> memref<64x64xbf16, #tpu.memory_space<vmem_shared>>
        %dma_wait3A_134 = arith.constant 0 : i32
        %dma_wait3A_135 = tpu.memref_slice %arg12[%add3A_126, %dma_wait3A_134] : memref<50176x64xbf16, #tpu.memory_space<vmem_shared>> -> memref<64x64xbf16, #tpu.memory_space<vmem_shared>>
        tpu.wait_dma2 semaphore(%run_scoped3A_128 : memref<!tpu.dma_semaphore, #tpu.memory_space<semaphore_mem>>) src(%arg11 : memref<64x64xbf16, #tpu.memory_space<vmem>>) dst(%dma_wait3A_135 : memref<64x64xbf16, #tpu.memory_space<vmem_shared>>)
        tpu.yield
      }) : () -> ()
      %scan3A_127 = arith.constant 0 : i32
      scf.yield %scan3A_127 : i32
    }
    %scan3A_5 = arith.constant 49 : i32
    %barrier3A = arith.constant 0 : index
    tpu.barrier barrier_id(%barrier3A)
    %run_scoped3A = arith.constant 0 : i32
    "tpu.region"() ({
      %run_scoped3A_120 = tpu.sem_alloc : memref<!tpu.dma_semaphore, #tpu.memory_space<semaphore_mem>>
      %dma_start3A_121 = arith.constant 0 : i32
      %dma_start3A_122 = arith.constant 0 : i32
      %dma_start3A_123 = tpu.memref_slice %arg3[%run_scoped3A, %arg1, %dma_start3A_121, %dma_start3A_122] : memref<3x16x80x128xi32, #tpu.memory_space<hbm>> -> memref<1x1x80x128xi32, #tpu.memory_space<hbm>>
      %dma_start3A_124 = tpu.memref_squeeze %dma_start3A_123 : memref<1x1x80x128xi32, #tpu.memory_space<hbm>> -> memref<80x128xi32, #tpu.memory_space<hbm>>
      %dma_start3A_125 = arith.constant 0 : i32
      %dma_start3A_126 = arith.constant 0 : i32
      %dma_start3A_127 = tpu.memref_slice %arg3[%run_scoped3A, %arg1, %dma_start3A_125, %dma_start3A_126] : memref<3x16x80x128xi32, #tpu.memory_space<hbm>> -> memref<1x1x80x128xi32, #tpu.memory_space<hbm>>
      %dma_start3A_128 = tpu.memref_squeeze %dma_start3A_127 : memref<1x1x80x128xi32, #tpu.memory_space<hbm>> -> memref<80x128xi32, #tpu.memory_space<hbm>>
      tpu.enqueue_dma source(%dma_start3A_128 : memref<80x128xi32, #tpu.memory_space<hbm>>) target(%arg7 : memref<80x128xi32, #tpu.memory_space<vmem>>) target_semaphore(%run_scoped3A_120 : memref<!tpu.dma_semaphore, #tpu.memory_space<semaphore_mem>>)
      %dma_wait3A = arith.constant 0 : i32
      %dma_wait3A_129 = arith.constant 0 : i32
      %dma_wait3A_130 = tpu.memref_slice %arg3[%run_scoped3A, %arg1, %dma_wait3A, %dma_wait3A_129] : memref<3x16x80x128xi32, #tpu.memory_space<hbm>> -> memref<1x1x80x128xi32, #tpu.memory_space<hbm>>
      %dma_wait3A_131 = tpu.memref_squeeze %dma_wait3A_130 : memref<1x1x80x128xi32, #tpu.memory_space<hbm>> -> memref<80x128xi32, #tpu.memory_space<hbm>>
      %dma_wait3A_132 = arith.constant 0 : i32
      %dma_wait3A_133 = arith.constant 0 : i32
      %dma_wait3A_134 = tpu.memref_slice %arg3[%run_scoped3A, %arg1, %dma_wait3A_132, %dma_wait3A_133] : memref<3x16x80x128xi32, #tpu.memory_space<hbm>> -> memref<1x1x80x128xi32, #tpu.memory_space<hbm>>
      %dma_wait3A_135 = tpu.memref_squeeze %dma_wait3A_134 : memref<1x1x80x128xi32, #tpu.memory_space<hbm>> -> memref<80x128xi32, #tpu.memory_space<hbm>>
      tpu.wait_dma2 semaphore(%run_scoped3A_120 : memref<!tpu.dma_semaphore, #tpu.memory_space<semaphore_mem>>) src(%dma_wait3A_135 : memref<80x128xi32, #tpu.memory_space<hbm>>) dst(%arg7 : memref<80x128xi32, #tpu.memory_space<vmem>>)
      tpu.yield
    }) : () -> ()
    %run_scoped3A_6 = arith.constant 0 : i32
    "tpu.region"() ({
      %run_scoped3A_120 = tpu.sem_alloc : memref<!tpu.dma_semaphore, #tpu.memory_space<semaphore_mem>>
      %dma_start3A_121 = arith.constant 0 : i32
      %dma_start3A_122 = arith.constant 0 : i32
      %dma_start3A_123 = tpu.memref_slice %arg4[%run_scoped3A_6, %arg1, %dma_start3A_121, %dma_start3A_122] : memref<3x16x80x128xi32, #tpu.memory_space<hbm>> -> memref<1x1x80x128xi32, #tpu.memory_space<hbm>>
      %dma_start3A_124 = tpu.memref_squeeze %dma_start3A_123 : memref<1x1x80x128xi32, #tpu.memory_space<hbm>> -> memref<80x128xi32, #tpu.memory_space<hbm>>
      %dma_start3A_125 = arith.constant 0 : i32
      %dma_start3A_126 = arith.constant 0 : i32
      %dma_start3A_127 = tpu.memref_slice %arg4[%run_scoped3A_6, %arg1, %dma_start3A_125, %dma_start3A_126] : memref<3x16x80x128xi32, #tpu.memory_space<hbm>> -> memref<1x1x80x128xi32, #tpu.memory_space<hbm>>
      %dma_start3A_128 = tpu.memref_squeeze %dma_start3A_127 : memref<1x1x80x128xi32, #tpu.memory_space<hbm>> -> memref<80x128xi32, #tpu.memory_space<hbm>>
      tpu.enqueue_dma source(%dma_start3A_128 : memref<80x128xi32, #tpu.memory_space<hbm>>) target(%arg8 : memref<80x128xi32, #tpu.memory_space<vmem>>) target_semaphore(%run_scoped3A_120 : memref<!tpu.dma_semaphore, #tpu.memory_space<semaphore_mem>>)
      %dma_wait3A = arith.constant 0 : i32
      %dma_wait3A_129 = arith.constant 0 : i32
      %dma_wait3A_130 = tpu.memref_slice %arg4[%run_scoped3A_6, %arg1, %dma_wait3A, %dma_wait3A_129] : memref<3x16x80x128xi32, #tpu.memory_space<hbm>> -> memref<1x1x80x128xi32, #tpu.memory_space<hbm>>
      %dma_wait3A_131 = tpu.memref_squeeze %dma_wait3A_130 : memref<1x1x80x128xi32, #tpu.memory_space<hbm>> -> memref<80x128xi32, #tpu.memory_space<hbm>>
      %dma_wait3A_132 = arith.constant 0 : i32
      %dma_wait3A_133 = arith.constant 0 : i32
      %dma_wait3A_134 = tpu.memref_slice %arg4[%run_scoped3A_6, %arg1, %dma_wait3A_132, %dma_wait3A_133] : memref<3x16x80x128xi32, #tpu.memory_space<hbm>> -> memref<1x1x80x128xi32, #tpu.memory_space<hbm>>
      %dma_wait3A_135 = tpu.memref_squeeze %dma_wait3A_134 : memref<1x1x80x128xi32, #tpu.memory_space<hbm>> -> memref<80x128xi32, #tpu.memory_space<hbm>>
      tpu.wait_dma2 semaphore(%run_scoped3A_120 : memref<!tpu.dma_semaphore, #tpu.memory_space<semaphore_mem>>) src(%dma_wait3A_135 : memref<80x128xi32, #tpu.memory_space<hbm>>) dst(%arg8 : memref<80x128xi32, #tpu.memory_space<vmem>>)
      tpu.yield
    }) : () -> ()
    %add3A = arith.constant 0 : i32
    %add3A_7 = arith.addi %add3A, %arg0 : i32
    %scan3A_8 = arith.constant 0 : i32
    %scan3A_9 = arith.constant 0 : i32
    %scan3A_10 = arith.constant 80 : i32
    %scan3A_11 = arith.addi %scan3A_9, %scan3A_10 : i32
    %scan3A_12 = arith.constant 1 : i32
    %scan3A_13 = scf.for %scan3A_120 = %scan3A_9 to %scan3A_11 step %scan3A_12 iter_args(%scan3A_121 = %scan3A_8) -> (i32)  : i32 {
      %get3A = arith.index_cast %scan3A_120 : i32 to index
      %get3A_122 = arith.constant 0 : index
      %get3A_123 = tpu.vector_load %arg7[%get3A, %get3A_122] {strides = array<i32>} : memref<80x128xi32, #tpu.memory_space<vmem>>, vector<1x16xi32>,
      %get3A_124 = vector.shape_cast %get3A_123 : vector<1x16xi32> to vector<16xi32>
      %mul3A_125 = arith.constant 2 : i32
      %mul3A_126 = vector.broadcast %mul3A_125 : i32 to vector<16xi32>
      %mul3A_127 = arith.muli %get3A_124, %mul3A_126 : vector<16xi32>
      %add3A_128 = vector.broadcast %add3A_7 : i32 to vector<16xi32>
      %add3A_129 = arith.addi %mul3A_127, %add3A_128 : vector<16xi32>
      %swap3A = arith.index_cast %scan3A_120 : i32 to index
      %swap3A_130 = arith.constant 0 : index
      %swap3A_131 = tpu.vector_load %arg7[%swap3A, %swap3A_130] {strides = array<i32>} : memref<80x128xi32, #tpu.memory_space<vmem>>, vector<1x16xi32>,
      %swap3A_132 = vector.shape_cast %swap3A_131 : vector<1x16xi32> to vector<16xi32>
      %swap3A_133 = vector.shape_cast %add3A_129 : vector<16xi32> to vector<1x16xi32>
      tpu.vector_store %arg7[%swap3A, %swap3A_130], %swap3A_133 {strides = array<i32>} : memref<80x128xi32, #tpu.memory_space<vmem>>, vector<1x16xi32>,
      %get3A_134 = arith.index_cast %scan3A_120 : i32 to index
      %get3A_135 = arith.constant 16 : index
      %get3A_136 = tpu.vector_load %arg7[%get3A_134, %get3A_135] {strides = array<i32>} : memref<80x128xi32, #tpu.memory_space<vmem>>, vector<1x16xi32>,
      %get3A_137 = vector.shape_cast %get3A_136 : vector<1x16xi32> to vector<16xi32>
      %mul3A_138 = arith.constant 2 : i32
      %mul3A_139 = vector.broadcast %mul3A_138 : i32 to vector<16xi32>
      %mul3A_140 = arith.muli %get3A_137, %mul3A_139 : vector<16xi32>
      %add3A_141 = vector.broadcast %add3A_7 : i32 to vector<16xi32>
      %add3A_142 = arith.addi %mul3A_140, %add3A_141 : vector<16xi32>
      %swap3A_143 = arith.index_cast %scan3A_120 : i32 to index
      %swap3A_144 = arith.constant 16 : index
      %swap3A_145 = tpu.vector_load %arg7[%swap3A_143, %swap3A_144] {strides = array<i32>} : memref<80x128xi32, #tpu.memory_space<vmem>>, vector<1x16xi32>,
      %swap3A_146 = vector.shape_cast %swap3A_145 : vector<1x16xi32> to vector<16xi32>
      %swap3A_147 = vector.shape_cast %add3A_142 : vector<16xi32> to vector<1x16xi32>
      tpu.vector_store %arg7[%swap3A_143, %swap3A_144], %swap3A_147 {strides = array<i32>} : memref<80x128xi32, #tpu.memory_space<vmem>>, vector<1x16xi32>,
      %get3A_148 = arith.index_cast %scan3A_120 : i32 to index
      %get3A_149 = arith.constant 32 : index
      %get3A_150 = tpu.vector_load %arg7[%get3A_148, %get3A_149] {strides = array<i32>} : memref<80x128xi32, #tpu.memory_space<vmem>>, vector<1x16xi32>,
      %get3A_151 = vector.shape_cast %get3A_150 : vector<1x16xi32> to vector<16xi32>
      %mul3A_152 = arith.constant 2 : i32
      %mul3A_153 = vector.broadcast %mul3A_152 : i32 to vector<16xi32>
      %mul3A_154 = arith.muli %get3A_151, %mul3A_153 : vector<16xi32>
      %add3A_155 = vector.broadcast %add3A_7 : i32 to vector<16xi32>
      %add3A_156 = arith.addi %mul3A_154, %add3A_155 : vector<16xi32>
      %swap3A_157 = arith.index_cast %scan3A_120 : i32 to index
      %swap3A_158 = arith.constant 32 : index
      %swap3A_159 = tpu.vector_load %arg7[%swap3A_157, %swap3A_158] {strides = array<i32>} : memref<80x128xi32, #tpu.memory_space<vmem>>, vector<1x16xi32>,
      %swap3A_160 = vector.shape_cast %swap3A_159 : vector<1x16xi32> to vector<16xi32>
      %swap3A_161 = vector.shape_cast %add3A_156 : vector<16xi32> to vector<1x16xi32>
      tpu.vector_store %arg7[%swap3A_157, %swap3A_158], %swap3A_161 {strides = array<i32>} : memref<80x128xi32, #tpu.memory_space<vmem>>, vector<1x16xi32>,
      %get3A_162 = arith.index_cast %scan3A_120 : i32 to index
      %get3A_163 = arith.constant 48 : index
      %get3A_164 = tpu.vector_load %arg7[%get3A_162, %get3A_163] {strides = array<i32>} : memref<80x128xi32, #tpu.memory_space<vmem>>, vector<1x16xi32>,
      %get3A_165 = vector.shape_cast %get3A_164 : vector<1x16xi32> to vector<16xi32>
      %mul3A_166 = arith.constant 2 : i32
      %mul3A_167 = vector.broadcast %mul3A_166 : i32 to vector<16xi32>
      %mul3A_168 = arith.muli %get3A_165, %mul3A_167 : vector<16xi32>
      %add3A_169 = vector.broadcast %add3A_7 : i32 to vector<16xi32>
      %add3A_170 = arith.addi %mul3A_168, %add3A_169 : vector<16xi32>
      %swap3A_171 = arith.index_cast %scan3A_120 : i32 to index
      %swap3A_172 = arith.constant 48 : index
      %swap3A_173 = tpu.vector_load %arg7[%swap3A_171, %swap3A_172] {strides = array<i32>} : memref<80x128xi32, #tpu.memory_space<vmem>>, vector<1x16xi32>,
      %swap3A_174 = vector.shape_cast %swap3A_173 : vector<1x16xi32> to vector<16xi32>
      %swap3A_175 = vector.shape_cast %add3A_170 : vector<16xi32> to vector<1x16xi32>
      tpu.vector_store %arg7[%swap3A_171, %swap3A_172], %swap3A_175 {strides = array<i32>} : memref<80x128xi32, #tpu.memory_space<vmem>>, vector<1x16xi32>,
      %get3A_176 = arith.index_cast %scan3A_120 : i32 to index
      %get3A_177 = arith.constant 64 : index
      %get3A_178 = tpu.vector_load %arg7[%get3A_176, %get3A_177] {strides = array<i32>} : memref<80x128xi32, #tpu.memory_space<vmem>>, vector<1x16xi32>,
      %get3A_179 = vector.shape_cast %get3A_178 : vector<1x16xi32> to vector<16xi32>
      %mul3A_180 = arith.constant 2 : i32
      %mul3A_181 = vector.broadcast %mul3A_180 : i32 to vector<16xi32>
      %mul3A_182 = arith.muli %get3A_179, %mul3A_181 : vector<16xi32>
      %add3A_183 = vector.broadcast %add3A_7 : i32 to vector<16xi32>
      %add3A_184 = arith.addi %mul3A_182, %add3A_183 : vector<16xi32>
      %swap3A_185 = arith.index_cast %scan3A_120 : i32 to index
      %swap3A_186 = arith.constant 64 : index
      %swap3A_187 = tpu.vector_load %arg7[%swap3A_185, %swap3A_186] {strides = array<i32>} : memref<80x128xi32, #tpu.memory_space<vmem>>, vector<1x16xi32>,
      %swap3A_188 = vector.shape_cast %swap3A_187 : vector<1x16xi32> to vector<16xi32>
      %swap3A_189 = vector.shape_cast %add3A_184 : vector<16xi32> to vector<1x16xi32>
      tpu.vector_store %arg7[%swap3A_185, %swap3A_186], %swap3A_189 {strides = array<i32>} : memref<80x128xi32, #tpu.memory_space<vmem>>, vector<1x16xi32>,
      %get3A_190 = arith.index_cast %scan3A_120 : i32 to index
      %get3A_191 = arith.constant 80 : index
      %get3A_192 = tpu.vector_load %arg7[%get3A_190, %get3A_191] {strides = array<i32>} : memref<80x128xi32, #tpu.memory_space<vmem>>, vector<1x16xi32>,
      %get3A_193 = vector.shape_cast %get3A_192 : vector<1x16xi32> to vector<16xi32>
      %mul3A_194 = arith.constant 2 : i32
      %mul3A_195 = vector.broadcast %mul3A_194 : i32 to vector<16xi32>
      %mul3A_196 = arith.muli %get3A_193, %mul3A_195 : vector<16xi32>
      %add3A_197 = vector.broadcast %add3A_7 : i32 to vector<16xi32>
      %add3A_198 = arith.addi %mul3A_196, %add3A_197 : vector<16xi32>
      %swap3A_199 = arith.index_cast %scan3A_120 : i32 to index
      %swap3A_200 = arith.constant 80 : index
      %swap3A_201 = tpu.vector_load %arg7[%swap3A_199, %swap3A_200] {strides = array<i32>} : memref<80x128xi32, #tpu.memory_space<vmem>>, vector<1x16xi32>,
      %swap3A_202 = vector.shape_cast %swap3A_201 : vector<1x16xi32> to vector<16xi32>
      %swap3A_203 = vector.shape_cast %add3A_198 : vector<16xi32> to vector<1x16xi32>
      tpu.vector_store %arg7[%swap3A_199, %swap3A_200], %swap3A_203 {strides = array<i32>} : memref<80x128xi32, #tpu.memory_space<vmem>>, vector<1x16xi32>,
      %get3A_204 = arith.index_cast %scan3A_120 : i32 to index
      %get3A_205 = arith.constant 96 : index
      %get3A_206 = tpu.vector_load %arg7[%get3A_204, %get3A_205] {strides = array<i32>} : memref<80x128xi32, #tpu.memory_space<vmem>>, vector<1x16xi32>,
      %get3A_207 = vector.shape_cast %get3A_206 : vector<1x16xi32> to vector<16xi32>
      %mul3A_208 = arith.constant 2 : i32
      %mul3A_209 = vector.broadcast %mul3A_208 : i32 to vector<16xi32>
      %mul3A_210 = arith.muli %get3A_207, %mul3A_209 : vector<16xi32>
      %add3A_211 = vector.broadcast %add3A_7 : i32 to vector<16xi32>
      %add3A_212 = arith.addi %mul3A_210, %add3A_211 : vector<16xi32>
      %swap3A_213 = arith.index_cast %scan3A_120 : i32 to index
      %swap3A_214 = arith.constant 96 : index
      %swap3A_215 = tpu.vector_load %arg7[%swap3A_213, %swap3A_214] {strides = array<i32>} : memref<80x128xi32, #tpu.memory_space<vmem>>, vector<1x16xi32>,
      %swap3A_216 = vector.shape_cast %swap3A_215 : vector<1x16xi32> to vector<16xi32>
      %swap3A_217 = vector.shape_cast %add3A_212 : vector<16xi32> to vector<1x16xi32>
      tpu.vector_store %arg7[%swap3A_213, %swap3A_214], %swap3A_217 {strides = array<i32>} : memref<80x128xi32, #tpu.memory_space<vmem>>, vector<1x16xi32>,
      %get3A_218 = arith.index_cast %scan3A_120 : i32 to index
      %get3A_219 = arith.constant 112 : index
      %get3A_220 = tpu.vector_load %arg7[%get3A_218, %get3A_219] {strides = array<i32>} : memref<80x128xi32, #tpu.memory_space<vmem>>, vector<1x16xi32>,
      %get3A_221 = vector.shape_cast %get3A_220 : vector<1x16xi32> to vector<16xi32>
      %mul3A_222 = arith.constant 2 : i32
      %mul3A_223 = vector.broadcast %mul3A_222 : i32 to vector<16xi32>
      %mul3A_224 = arith.muli %get3A_221, %mul3A_223 : vector<16xi32>
      %add3A_225 = vector.broadcast %add3A_7 : i32 to vector<16xi32>
      %add3A_226 = arith.addi %mul3A_224, %add3A_225 : vector<16xi32>
      %swap3A_227 = arith.index_cast %scan3A_120 : i32 to index
      %swap3A_228 = arith.constant 112 : index
      %swap3A_229 = tpu.vector_load %arg7[%swap3A_227, %swap3A_228] {strides = array<i32>} : memref<80x128xi32, #tpu.memory_space<vmem>>, vector<1x16xi32>,
      %swap3A_230 = vector.shape_cast %swap3A_229 : vector<1x16xi32> to vector<16xi32>
      %swap3A_231 = vector.shape_cast %add3A_226 : vector<16xi32> to vector<1x16xi32>
      tpu.vector_store %arg7[%swap3A_227, %swap3A_228], %swap3A_231 {strides = array<i32>} : memref<80x128xi32, #tpu.memory_space<vmem>>, vector<1x16xi32>,
      %scan3A_232 = arith.constant 0 : i32
      scf.yield %scan3A_232 : i32
    }
    %scan3A_14 = arith.constant 80 : i32
    %dma_start3A = arith.constant 0 : i32
    %dma_start3A_15 = arith.constant 0 : i32
    %dma_start3A_16 = tpu.memref_slice %arg7[%dma_start3A, %dma_start3A_15] : memref<80x128xi32, #tpu.memory_space<vmem>> -> memref<1x128xi32, #tpu.memory_space<vmem>>
    %dma_start3A_17 = tpu.memref_squeeze %dma_start3A_16 : memref<1x128xi32, #tpu.memory_space<vmem>> -> memref<128xi32, #tpu.memory_space<vmem>>
    %dma_start3A_18 = arith.constant 0 : i32
    %dma_start3A_19 = arith.constant 0 : i32
    %dma_start3A_20 = tpu.memref_slice %arg2[%dma_start3A_18, %dma_start3A_19] : memref<300000x64xbf16, #tpu.memory_space<hbm>> -> memref<300000x64xbf16, #tpu.memory_space<hbm>>
    tpu.enqueue_indirect_dma source(%dma_start3A_20 : memref<300000x64xbf16, #tpu.memory_space<hbm>>) target(%arg9 : memref<128x64xbf16, #tpu.memory_space<vmem>>) offsets(%dma_start3A_17 : memref<128xi32, #tpu.memory_space<vmem>>) semaphore(%arg13 : memref<!tpu.dma_semaphore, #tpu.memory_space<semaphore_mem>>)
    %scan3A_21 = arith.constant 0 : i32
    %scan3A_22 = arith.constant 0 : i32
    %scan3A_23 = arith.constant 40 : i32
    %scan3A_24 = arith.addi %scan3A_22, %scan3A_23 : i32
    %scan3A_25 = arith.constant 1 : i32
    %scan3A_26 = scf.for %scan3A_120 = %scan3A_22 to %scan3A_24 step %scan3A_25 iter_args(%scan3A_121 = %scan3A_21) -> (i32)  : i32 {
      %mul3A_122 = arith.constant 2 : i32
      %mul3A_123 = arith.muli %mul3A_122, %scan3A_120 : i32
      %add3A_124 = arith.constant 1 : i32
      %add3A_125 = arith.addi %mul3A_123, %add3A_124 : i32
      %dma_start3A_126 = arith.constant 0 : i32
      %dma_start3A_127 = tpu.memref_slice %arg7[%add3A_125, %dma_start3A_126] : memref<80x128xi32, #tpu.memory_space<vmem>> -> memref<1x128xi32, #tpu.memory_space<vmem>>
      %dma_start3A_128 = tpu.memref_squeeze %dma_start3A_127 : memref<1x128xi32, #tpu.memory_space<vmem>> -> memref<128xi32, #tpu.memory_space<vmem>>
      %dma_start3A_129 = arith.constant 0 : i32
      %dma_start3A_130 = arith.constant 0 : i32
      %dma_start3A_131 = tpu.memref_slice %arg2[%dma_start3A_129, %dma_start3A_130] : memref<300000x64xbf16, #tpu.memory_space<hbm>> -> memref<300000x64xbf16, #tpu.memory_space<hbm>>
      tpu.enqueue_indirect_dma source(%dma_start3A_131 : memref<300000x64xbf16, #tpu.memory_space<hbm>>) target(%arg10 : memref<128x64xbf16, #tpu.memory_space<vmem>>) offsets(%dma_start3A_128 : memref<128xi32, #tpu.memory_space<vmem>>) semaphore(%arg14 : memref<!tpu.dma_semaphore, #tpu.memory_space<semaphore_mem>>)
      %dma_wait3A = arith.constant 0 : i32
      %dma_wait3A_132 = tpu.memref_slice %arg7[%mul3A_123, %dma_wait3A] : memref<80x128xi32, #tpu.memory_space<vmem>> -> memref<1x128xi32, #tpu.memory_space<vmem>>
      %dma_wait3A_133 = tpu.memref_squeeze %dma_wait3A_132 : memref<1x128xi32, #tpu.memory_space<vmem>> -> memref<128xi32, #tpu.memory_space<vmem>>
      %dma_wait3A_134 = arith.constant 0 : i32
      %dma_wait3A_135 = arith.constant 0 : i32
      %dma_wait3A_136 = tpu.memref_slice %arg2[%dma_wait3A_134, %dma_wait3A_135] : memref<300000x64xbf16, #tpu.memory_space<hbm>> -> memref<300000x64xbf16, #tpu.memory_space<hbm>>
      tpu.wait_indirect_dma semaphore(%arg13 : memref<!tpu.dma_semaphore, #tpu.memory_space<semaphore_mem>>) src(%dma_wait3A_136 : memref<300000x64xbf16, #tpu.memory_space<hbm>>) dst(%arg9 : memref<128x64xbf16, #tpu.memory_space<vmem>>)
      "tpu.region"() ({
        %run_scoped3A_152 = tpu.sem_alloc : memref<!tpu.dma_semaphore, #tpu.memory_space<semaphore_mem>>
        %dma_start3A_153 = arith.constant 0 : i32
        %dma_start3A_154 = tpu.memref_slice %arg8[%mul3A_123, %dma_start3A_153] : memref<80x128xi32, #tpu.memory_space<vmem>> -> memref<1x128xi32, #tpu.memory_space<vmem>>
        %dma_start3A_155 = tpu.memref_squeeze %dma_start3A_154 : memref<1x128xi32, #tpu.memory_space<vmem>> -> memref<128xi32, #tpu.memory_space<vmem>>
        %dma_start3A_156 = arith.constant 0 : i32
        %dma_start3A_157 = arith.constant 0 : i32
        %dma_start3A_158 = tpu.memref_slice %arg12[%dma_start3A_156, %dma_start3A_157] : memref<50176x64xbf16, #tpu.memory_space<vmem_shared>> -> memref<50176x64xbf16, #tpu.memory_space<vmem_shared>>
        tpu.enqueue_indirect_dma source(%arg9 : memref<128x64xbf16, #tpu.memory_space<vmem>>) target(%dma_start3A_158 : memref<50176x64xbf16, #tpu.memory_space<vmem_shared>>) offsets(%dma_start3A_155 : memref<128xi32, #tpu.memory_space<vmem>>) semaphore(%run_scoped3A_152 : memref<!tpu.dma_semaphore, #tpu.memory_space<semaphore_mem>>) {add = true}
        %dma_wait3A_159 = arith.constant 0 : i32
        %dma_wait3A_160 = tpu.memref_slice %arg8[%mul3A_123, %dma_wait3A_159] : memref<80x128xi32, #tpu.memory_space<vmem>> -> memref<1x128xi32, #tpu.memory_space<vmem>>
        %dma_wait3A_161 = tpu.memref_squeeze %dma_wait3A_160 : memref<1x128xi32, #tpu.memory_space<vmem>> -> memref<128xi32, #tpu.memory_space<vmem>>
        %dma_wait3A_162 = arith.constant 0 : i32
        %dma_wait3A_163 = arith.constant 0 : i32
        %dma_wait3A_164 = tpu.memref_slice %arg12[%dma_wait3A_162, %dma_wait3A_163] : memref<50176x64xbf16, #tpu.memory_space<vmem_shared>> -> memref<50176x64xbf16, #tpu.memory_space<vmem_shared>>
        tpu.wait_indirect_dma semaphore(%run_scoped3A_152 : memref<!tpu.dma_semaphore, #tpu.memory_space<semaphore_mem>>) src(%arg9 : memref<128x64xbf16, #tpu.memory_space<vmem>>) dst(%dma_wait3A_164 : memref<50176x64xbf16, #tpu.memory_space<vmem_shared>>)
        tpu.yield
      }) : () -> ()
      %add3A_137 = arith.constant 1 : i32
      %add3A_138 = arith.addi %scan3A_120, %add3A_137 : i32
      %lt3A = arith.constant 40 : i32
      %lt3A_139 = arith.cmpi slt, %add3A_138, %lt3A : i32
      %convert_element_type3A = arith.extui %lt3A_139 : i1 to i32
      %cond3A = arith.constant 0 : i32
      %cond3A_140 = arith.cmpi ne, %convert_element_type3A, %cond3A : i32
      scf.if %cond3A_140 {
        %add3A_152 = arith.constant 2 : i32
        %add3A_153 = arith.addi %mul3A_123, %add3A_152 : i32
        %dma_start3A_154 = arith.constant 0 : i32
        %dma_start3A_155 = tpu.memref_slice %arg7[%add3A_153, %dma_start3A_154] : memref<80x128xi32, #tpu.memory_space<vmem>> -> memref<1x128xi32, #tpu.memory_space<vmem>>
        %dma_start3A_156 = tpu.memref_squeeze %dma_start3A_155 : memref<1x128xi32, #tpu.memory_space<vmem>> -> memref<128xi32, #tpu.memory_space<vmem>>
        %dma_start3A_157 = arith.constant 0 : i32
        %dma_start3A_158 = arith.constant 0 : i32
        %dma_start3A_159 = tpu.memref_slice %arg2[%dma_start3A_157, %dma_start3A_158] : memref<300000x64xbf16, #tpu.memory_space<hbm>> -> memref<300000x64xbf16, #tpu.memory_space<hbm>>
        tpu.enqueue_indirect_dma source(%dma_start3A_159 : memref<300000x64xbf16, #tpu.memory_space<hbm>>) target(%arg9 : memref<128x64xbf16, #tpu.memory_space<vmem>>) offsets(%dma_start3A_156 : memref<128xi32, #tpu.memory_space<vmem>>) semaphore(%arg13 : memref<!tpu.dma_semaphore, #tpu.memory_space<semaphore_mem>>)
      } else {
      }
      %add3A_141 = arith.constant 1 : i32
      %add3A_142 = arith.addi %mul3A_123, %add3A_141 : i32
      %dma_wait3A_143 = arith.constant 0 : i32
      %dma_wait3A_144 = tpu.memref_slice %arg7[%add3A_142, %dma_wait3A_143] : memref<80x128xi32, #tpu.memory_space<vmem>> -> memref<1x128xi32, #tpu.memory_space<vmem>>
      %dma_wait3A_145 = tpu.memref_squeeze %dma_wait3A_144 : memref<1x128xi32, #tpu.memory_space<vmem>> -> memref<128xi32, #tpu.memory_space<vmem>>
      %dma_wait3A_146 = arith.constant 0 : i32
      %dma_wait3A_147 = arith.constant 0 : i32
      %dma_wait3A_148 = tpu.memref_slice %arg2[%dma_wait3A_146, %dma_wait3A_147] : memref<300000x64xbf16, #tpu.memory_space<hbm>> -> memref<300000x64xbf16, #tpu.memory_space<hbm>>
      tpu.wait_indirect_dma semaphore(%arg14 : memref<!tpu.dma_semaphore, #tpu.memory_space<semaphore_mem>>) src(%dma_wait3A_148 : memref<300000x64xbf16, #tpu.memory_space<hbm>>) dst(%arg10 : memref<128x64xbf16, #tpu.memory_space<vmem>>)
      %add3A_149 = arith.constant 1 : i32
      %add3A_150 = arith.addi %mul3A_123, %add3A_149 : i32
      "tpu.region"() ({
        %run_scoped3A_152 = tpu.sem_alloc : memref<!tpu.dma_semaphore, #tpu.memory_space<semaphore_mem>>
        %dma_start3A_153 = arith.constant 0 : i32
        %dma_start3A_154 = tpu.memref_slice %arg8[%add3A_150, %dma_start3A_153] : memref<80x128xi32, #tpu.memory_space<vmem>> -> memref<1x128xi32, #tpu.memory_space<vmem>>
        %dma_start3A_155 = tpu.memref_squeeze %dma_start3A_154 : memref<1x128xi32, #tpu.memory_space<vmem>> -> memref<128xi32, #tpu.memory_space<vmem>>
        %dma_start3A_156 = arith.constant 0 : i32
        %dma_start3A_157 = arith.constant 0 : i32
        %dma_start3A_158 = tpu.memref_slice %arg12[%dma_start3A_156, %dma_start3A_157] : memref<50176x64xbf16, #tpu.memory_space<vmem_shared>> -> memref<50176x64xbf16, #tpu.memory_space<vmem_shared>>
        tpu.enqueue_indirect_dma source(%arg10 : memref<128x64xbf16, #tpu.memory_space<vmem>>) target(%dma_start3A_158 : memref<50176x64xbf16, #tpu.memory_space<vmem_shared>>) offsets(%dma_start3A_155 : memref<128xi32, #tpu.memory_space<vmem>>) semaphore(%run_scoped3A_152 : memref<!tpu.dma_semaphore, #tpu.memory_space<semaphore_mem>>) {add = true}
        %dma_wait3A_159 = arith.constant 0 : i32
        %dma_wait3A_160 = tpu.memref_slice %arg8[%add3A_150, %dma_wait3A_159] : memref<80x128xi32, #tpu.memory_space<vmem>> -> memref<1x128xi32, #tpu.memory_space<vmem>>
        %dma_wait3A_161 = tpu.memref_squeeze %dma_wait3A_160 : memref<1x128xi32, #tpu.memory_space<vmem>> -> memref<128xi32, #tpu.memory_space<vmem>>
        %dma_wait3A_162 = arith.constant 0 : i32
        %dma_wait3A_163 = arith.constant 0 : i32
        %dma_wait3A_164 = tpu.memref_slice %arg12[%dma_wait3A_162, %dma_wait3A_163] : memref<50176x64xbf16, #tpu.memory_space<vmem_shared>> -> memref<50176x64xbf16, #tpu.memory_space<vmem_shared>>
        tpu.wait_indirect_dma semaphore(%run_scoped3A_152 : memref<!tpu.dma_semaphore, #tpu.memory_space<semaphore_mem>>) src(%arg10 : memref<128x64xbf16, #tpu.memory_space<vmem>>) dst(%dma_wait3A_164 : memref<50176x64xbf16, #tpu.memory_space<vmem_shared>>)
        tpu.yield
      }) : () -> ()
      %scan3A_151 = arith.constant 0 : i32
      scf.yield %scan3A_151 : i32
    }
    %scan3A_27 = arith.constant 40 : i32
    %barrier3A_28 = arith.constant 0 : index
    tpu.barrier barrier_id(%barrier3A_28)
    %mul3A = arith.constant 3125 : i32
    %mul3A_29 = arith.muli %arg1, %mul3A : i32
    %mul3A_30 = arith.constant 3125 : i32
    %mul3A_31 = arith.muli %arg1, %mul3A_30 : i32
    %mul3A_32 = arith.constant 64 : i32
    %mul3A_33 = arith.muli %arg0, %mul3A_32 : i32
    %run_scoped3A_34 = arith.constant 0 : i32
    "tpu.region"() ({
      %run_scoped3A_120 = tpu.sem_alloc : memref<!tpu.dma_semaphore, #tpu.memory_space<semaphore_mem>>
      %dma_start3A_121 = tpu.memref_slice %arg6[%run_scoped3A_34, %mul3A_31, %mul3A_33] : memref<3x50000x128xbf16, #tpu.memory_space<hbm>> -> memref<1x3125x64xbf16, #tpu.memory_space<hbm>>
      %dma_start3A_122 = tpu.memref_squeeze %dma_start3A_121 : memref<1x3125x64xbf16, #tpu.memory_space<hbm>> -> memref<3125x64xbf16, #tpu.memory_space<hbm>>
      %dma_start3A_123 = arith.constant 0 : i32
      %dma_start3A_124 = tpu.memref_slice %arg12[%mul3A_29, %dma_start3A_123] : memref<50176x64xbf16, #tpu.memory_space<vmem_shared>> -> memref<3125x64xbf16, #tpu.memory_space<vmem_shared>>
      tpu.enqueue_dma source(%dma_start3A_124 : memref<3125x64xbf16, #tpu.memory_space<vmem_shared>>) target(%dma_start3A_122 : memref<3125x64xbf16, #tpu.memory_space<hbm>>) target_semaphore(%run_scoped3A_120 : memref<!tpu.dma_semaphore, #tpu.memory_space<semaphore_mem>>)
      %dma_wait3A = tpu.memref_slice %arg6[%run_scoped3A_34, %mul3A_31, %mul3A_33] : memref<3x50000x128xbf16, #tpu.memory_space<hbm>> -> memref<1x3125x64xbf16, #tpu.memory_space<hbm>>
      %dma_wait3A_125 = tpu.memref_squeeze %dma_wait3A : memref<1x3125x64xbf16, #tpu.memory_space<hbm>> -> memref<3125x64xbf16, #tpu.memory_space<hbm>>
      %dma_wait3A_126 = arith.constant 0 : i32
      %dma_wait3A_127 = tpu.memref_slice %arg12[%mul3A_29, %dma_wait3A_126] : memref<50176x64xbf16, #tpu.memory_space<vmem_shared>> -> memref<3125x64xbf16, #tpu.memory_space<vmem_shared>>
      tpu.wait_dma2 semaphore(%run_scoped3A_120 : memref<!tpu.dma_semaphore, #tpu.memory_space<semaphore_mem>>) src(%dma_wait3A_127 : memref<3125x64xbf16, #tpu.memory_space<vmem_shared>>) dst(%dma_wait3A_125 : memref<3125x64xbf16, #tpu.memory_space<hbm>>)
      tpu.yield
    }) : () -> ()
    %barrier3A_35 = arith.constant 0 : index
    tpu.barrier barrier_id(%barrier3A_35)
    %scan3A_36 = arith.constant 0 : i32
    %scan3A_37 = arith.constant 0 : i32
    %scan3A_38 = arith.constant 49 : i32
    %scan3A_39 = arith.addi %scan3A_37, %scan3A_38 : i32
    %scan3A_40 = arith.constant 1 : i32
    %scan3A_41 = scf.for %scan3A_120 = %scan3A_37 to %scan3A_39 step %scan3A_40 iter_args(%scan3A_121 = %scan3A_36) -> (i32)  : i32 {
      %mul3A_122 = arith.constant 3136 : i32
      %mul3A_123 = arith.muli %arg1, %mul3A_122 : i32
      %mul3A_124 = arith.constant 64 : i32
      %mul3A_125 = arith.muli %scan3A_120, %mul3A_124 : i32
      %add3A_126 = arith.addi %mul3A_123, %mul3A_125 : i32
      "tpu.region"() ({
        %run_scoped3A_128 = tpu.sem_alloc : memref<!tpu.dma_semaphore, #tpu.memory_space<semaphore_mem>>
        %dma_start3A_129 = arith.constant 0 : i32
        %dma_start3A_130 = tpu.memref_slice %arg12[%add3A_126, %dma_start3A_129] : memref<50176x64xbf16, #tpu.memory_space<vmem_shared>> -> memref<64x64xbf16, #tpu.memory_space<vmem_shared>>
        %dma_start3A_131 = arith.constant 0 : i32
        %dma_start3A_132 = tpu.memref_slice %arg12[%add3A_126, %dma_start3A_131] : memref<50176x64xbf16, #tpu.memory_space<vmem_shared>> -> memref<64x64xbf16, #tpu.memory_space<vmem_shared>>
        tpu.enqueue_dma source(%arg11 : memref<64x64xbf16, #tpu.memory_space<vmem>>) target(%dma_start3A_132 : memref<64x64xbf16, #tpu.memory_space<vmem_shared>>) target_semaphore(%run_scoped3A_128 : memref<!tpu.dma_semaphore, #tpu.memory_space<semaphore_mem>>)
        %dma_wait3A = arith.constant 0 : i32
        %dma_wait3A_133 = tpu.memref_slice %arg12[%add3A_126, %dma_wait3A] : memref<50176x64xbf16, #tpu.memory_space<vmem_shared>> -> memref<64x64xbf16, #tpu.memory_space<vmem_shared>>
        %dma_wait3A_134 = arith.constant 0 : i32
        %dma_wait3A_135 = tpu.memref_slice %arg12[%add3A_126, %dma_wait3A_134] : memref<50176x64xbf16, #tpu.memory_space<vmem_shared>> -> memref<64x64xbf16, #tpu.memory_space<vmem_shared>>
        tpu.wait_dma2 semaphore(%run_scoped3A_128 : memref<!tpu.dma_semaphore, #tpu.memory_space<semaphore_mem>>) src(%arg11 : memref<64x64xbf16, #tpu.memory_space<vmem>>) dst(%dma_wait3A_135 : memref<64x64xbf16, #tpu.memory_space<vmem_shared>>)
        tpu.yield
      }) : () -> ()
      %scan3A_127 = arith.constant 0 : i32
      scf.yield %scan3A_127 : i32
    }
    %scan3A_42 = arith.constant 49 : i32
    %barrier3A_43 = arith.constant 0 : index
    tpu.barrier barrier_id(%barrier3A_43)
    %run_scoped3A_44 = arith.constant 1 : i32
    "tpu.region"() ({
      %run_scoped3A_120 = tpu.sem_alloc : memref<!tpu.dma_semaphore, #tpu.memory_space<semaphore_mem>>
      %dma_start3A_121 = arith.constant 0 : i32
      %dma_start3A_122 = arith.constant 0 : i32
      %dma_start3A_123 = tpu.memref_slice %arg3[%run_scoped3A_44, %arg1, %dma_start3A_121, %dma_start3A_122] : memref<3x16x80x128xi32, #tpu.memory_space<hbm>> -> memref<1x1x80x128xi32, #tpu.memory_space<hbm>>
      %dma_start3A_124 = tpu.memref_squeeze %dma_start3A_123 : memref<1x1x80x128xi32, #tpu.memory_space<hbm>> -> memref<80x128xi32, #tpu.memory_space<hbm>>
      %dma_start3A_125 = arith.constant 0 : i32
      %dma_start3A_126 = arith.constant 0 : i32
      %dma_start3A_127 = tpu.memref_slice %arg3[%run_scoped3A_44, %arg1, %dma_start3A_125, %dma_start3A_126] : memref<3x16x80x128xi32, #tpu.memory_space<hbm>> -> memref<1x1x80x128xi32, #tpu.memory_space<hbm>>
      %dma_start3A_128 = tpu.memref_squeeze %dma_start3A_127 : memref<1x1x80x128xi32, #tpu.memory_space<hbm>> -> memref<80x128xi32, #tpu.memory_space<hbm>>
      tpu.enqueue_dma source(%dma_start3A_128 : memref<80x128xi32, #tpu.memory_space<hbm>>) target(%arg7 : memref<80x128xi32, #tpu.memory_space<vmem>>) target_semaphore(%run_scoped3A_120 : memref<!tpu.dma_semaphore, #tpu.memory_space<semaphore_mem>>)
      %dma_wait3A = arith.constant 0 : i32
      %dma_wait3A_129 = arith.constant 0 : i32
      %dma_wait3A_130 = tpu.memref_slice %arg3[%run_scoped3A_44, %arg1, %dma_wait3A, %dma_wait3A_129] : memref<3x16x80x128xi32, #tpu.memory_space<hbm>> -> memref<1x1x80x128xi32, #tpu.memory_space<hbm>>
      %dma_wait3A_131 = tpu.memref_squeeze %dma_wait3A_130 : memref<1x1x80x128xi32, #tpu.memory_space<hbm>> -> memref<80x128xi32, #tpu.memory_space<hbm>>
      %dma_wait3A_132 = arith.constant 0 : i32
      %dma_wait3A_133 = arith.constant 0 : i32
      %dma_wait3A_134 = tpu.memref_slice %arg3[%run_scoped3A_44, %arg1, %dma_wait3A_132, %dma_wait3A_133] : memref<3x16x80x128xi32, #tpu.memory_space<hbm>> -> memref<1x1x80x128xi32, #tpu.memory_space<hbm>>
      %dma_wait3A_135 = tpu.memref_squeeze %dma_wait3A_134 : memref<1x1x80x128xi32, #tpu.memory_space<hbm>> -> memref<80x128xi32, #tpu.memory_space<hbm>>
      tpu.wait_dma2 semaphore(%run_scoped3A_120 : memref<!tpu.dma_semaphore, #tpu.memory_space<semaphore_mem>>) src(%dma_wait3A_135 : memref<80x128xi32, #tpu.memory_space<hbm>>) dst(%arg7 : memref<80x128xi32, #tpu.memory_space<vmem>>)
      tpu.yield
    }) : () -> ()
    %run_scoped3A_45 = arith.constant 1 : i32
    "tpu.region"() ({
      %run_scoped3A_120 = tpu.sem_alloc : memref<!tpu.dma_semaphore, #tpu.memory_space<semaphore_mem>>
      %dma_start3A_121 = arith.constant 0 : i32
      %dma_start3A_122 = arith.constant 0 : i32
      %dma_start3A_123 = tpu.memref_slice %arg4[%run_scoped3A_45, %arg1, %dma_start3A_121, %dma_start3A_122] : memref<3x16x80x128xi32, #tpu.memory_space<hbm>> -> memref<1x1x80x128xi32, #tpu.memory_space<hbm>>
      %dma_start3A_124 = tpu.memref_squeeze %dma_start3A_123 : memref<1x1x80x128xi32, #tpu.memory_space<hbm>> -> memref<80x128xi32, #tpu.memory_space<hbm>>
      %dma_start3A_125 = arith.constant 0 : i32
      %dma_start3A_126 = arith.constant 0 : i32
      %dma_start3A_127 = tpu.memref_slice %arg4[%run_scoped3A_45, %arg1, %dma_start3A_125, %dma_start3A_126] : memref<3x16x80x128xi32, #tpu.memory_space<hbm>> -> memref<1x1x80x128xi32, #tpu.memory_space<hbm>>
      %dma_start3A_128 = tpu.memref_squeeze %dma_start3A_127 : memref<1x1x80x128xi32, #tpu.memory_space<hbm>> -> memref<80x128xi32, #tpu.memory_space<hbm>>
      tpu.enqueue_dma source(%dma_start3A_128 : memref<80x128xi32, #tpu.memory_space<hbm>>) target(%arg8 : memref<80x128xi32, #tpu.memory_space<vmem>>) target_semaphore(%run_scoped3A_120 : memref<!tpu.dma_semaphore, #tpu.memory_space<semaphore_mem>>)
      %dma_wait3A = arith.constant 0 : i32
      %dma_wait3A_129 = arith.constant 0 : i32
      %dma_wait3A_130 = tpu.memref_slice %arg4[%run_scoped3A_45, %arg1, %dma_wait3A, %dma_wait3A_129] : memref<3x16x80x128xi32, #tpu.memory_space<hbm>> -> memref<1x1x80x128xi32, #tpu.memory_space<hbm>>
      %dma_wait3A_131 = tpu.memref_squeeze %dma_wait3A_130 : memref<1x1x80x128xi32, #tpu.memory_space<hbm>> -> memref<80x128xi32, #tpu.memory_space<hbm>>
      %dma_wait3A_132 = arith.constant 0 : i32
      %dma_wait3A_133 = arith.constant 0 : i32
      %dma_wait3A_134 = tpu.memref_slice %arg4[%run_scoped3A_45, %arg1, %dma_wait3A_132, %dma_wait3A_133] : memref<3x16x80x128xi32, #tpu.memory_space<hbm>> -> memref<1x1x80x128xi32, #tpu.memory_space<hbm>>
      %dma_wait3A_135 = tpu.memref_squeeze %dma_wait3A_134 : memref<1x1x80x128xi32, #tpu.memory_space<hbm>> -> memref<80x128xi32, #tpu.memory_space<hbm>>
      tpu.wait_dma2 semaphore(%run_scoped3A_120 : memref<!tpu.dma_semaphore, #tpu.memory_space<semaphore_mem>>) src(%dma_wait3A_135 : memref<80x128xi32, #tpu.memory_space<hbm>>) dst(%arg8 : memref<80x128xi32, #tpu.memory_space<vmem>>)
      tpu.yield
    }) : () -> ()
    %add3A_46 = arith.constant 100000 : i32
    %add3A_47 = arith.addi %add3A_46, %arg0 : i32
    %scan3A_48 = arith.constant 0 : i32
    %scan3A_49 = arith.constant 0 : i32
    %scan3A_50 = arith.constant 80 : i32
    %scan3A_51 = arith.addi %scan3A_49, %scan3A_50 : i32
    %scan3A_52 = arith.constant 1 : i32
    %scan3A_53 = scf.for %scan3A_120 = %scan3A_49 to %scan3A_51 step %scan3A_52 iter_args(%scan3A_121 = %scan3A_48) -> (i32)  : i32 {
      %get3A = arith.index_cast %scan3A_120 : i32 to index
      %get3A_122 = arith.constant 0 : index
      %get3A_123 = tpu.vector_load %arg7[%get3A, %get3A_122] {strides = array<i32>} : memref<80x128xi32, #tpu.memory_space<vmem>>, vector<1x16xi32>,
      %get3A_124 = vector.shape_cast %get3A_123 : vector<1x16xi32> to vector<16xi32>
      %mul3A_125 = arith.constant 2 : i32
      %mul3A_126 = vector.broadcast %mul3A_125 : i32 to vector<16xi32>
      %mul3A_127 = arith.muli %get3A_124, %mul3A_126 : vector<16xi32>
      %add3A_128 = vector.broadcast %add3A_47 : i32 to vector<16xi32>
      %add3A_129 = arith.addi %mul3A_127, %add3A_128 : vector<16xi32>
      %swap3A = arith.index_cast %scan3A_120 : i32 to index
      %swap3A_130 = arith.constant 0 : index
      %swap3A_131 = tpu.vector_load %arg7[%swap3A, %swap3A_130] {strides = array<i32>} : memref<80x128xi32, #tpu.memory_space<vmem>>, vector<1x16xi32>,
      %swap3A_132 = vector.shape_cast %swap3A_131 : vector<1x16xi32> to vector<16xi32>
      %swap3A_133 = vector.shape_cast %add3A_129 : vector<16xi32> to vector<1x16xi32>
      tpu.vector_store %arg7[%swap3A, %swap3A_130], %swap3A_133 {strides = array<i32>} : memref<80x128xi32, #tpu.memory_space<vmem>>, vector<1x16xi32>,
      %get3A_134 = arith.index_cast %scan3A_120 : i32 to index
      %get3A_135 = arith.constant 16 : index
      %get3A_136 = tpu.vector_load %arg7[%get3A_134, %get3A_135] {strides = array<i32>} : memref<80x128xi32, #tpu.memory_space<vmem>>, vector<1x16xi32>,
      %get3A_137 = vector.shape_cast %get3A_136 : vector<1x16xi32> to vector<16xi32>
      %mul3A_138 = arith.constant 2 : i32
      %mul3A_139 = vector.broadcast %mul3A_138 : i32 to vector<16xi32>
      %mul3A_140 = arith.muli %get3A_137, %mul3A_139 : vector<16xi32>
      %add3A_141 = vector.broadcast %add3A_47 : i32 to vector<16xi32>
      %add3A_142 = arith.addi %mul3A_140, %add3A_141 : vector<16xi32>
      %swap3A_143 = arith.index_cast %scan3A_120 : i32 to index
      %swap3A_144 = arith.constant 16 : index
      %swap3A_145 = tpu.vector_load %arg7[%swap3A_143, %swap3A_144] {strides = array<i32>} : memref<80x128xi32, #tpu.memory_space<vmem>>, vector<1x16xi32>,
      %swap3A_146 = vector.shape_cast %swap3A_145 : vector<1x16xi32> to vector<16xi32>
      %swap3A_147 = vector.shape_cast %add3A_142 : vector<16xi32> to vector<1x16xi32>
      tpu.vector_store %arg7[%swap3A_143, %swap3A_144], %swap3A_147 {strides = array<i32>} : memref<80x128xi32, #tpu.memory_space<vmem>>, vector<1x16xi32>,
      %get3A_148 = arith.index_cast %scan3A_120 : i32 to index
      %get3A_149 = arith.constant 32 : index
      %get3A_150 = tpu.vector_load %arg7[%get3A_148, %get3A_149] {strides = array<i32>} : memref<80x128xi32, #tpu.memory_space<vmem>>, vector<1x16xi32>,
      %get3A_151 = vector.shape_cast %get3A_150 : vector<1x16xi32> to vector<16xi32>
      %mul3A_152 = arith.constant 2 : i32
      %mul3A_153 = vector.broadcast %mul3A_152 : i32 to vector<16xi32>
      %mul3A_154 = arith.muli %get3A_151, %mul3A_153 : vector<16xi32>
      %add3A_155 = vector.broadcast %add3A_47 : i32 to vector<16xi32>
      %add3A_156 = arith.addi %mul3A_154, %add3A_155 : vector<16xi32>
      %swap3A_157 = arith.index_cast %scan3A_120 : i32 to index
      %swap3A_158 = arith.constant 32 : index
      %swap3A_159 = tpu.vector_load %arg7[%swap3A_157, %swap3A_158] {strides = array<i32>} : memref<80x128xi32, #tpu.memory_space<vmem>>, vector<1x16xi32>,
      %swap3A_160 = vector.shape_cast %swap3A_159 : vector<1x16xi32> to vector<16xi32>
      %swap3A_161 = vector.shape_cast %add3A_156 : vector<16xi32> to vector<1x16xi32>
      tpu.vector_store %arg7[%swap3A_157, %swap3A_158], %swap3A_161 {strides = array<i32>} : memref<80x128xi32, #tpu.memory_space<vmem>>, vector<1x16xi32>,
      %get3A_162 = arith.index_cast %scan3A_120 : i32 to index
      %get3A_163 = arith.constant 48 : index
      %get3A_164 = tpu.vector_load %arg7[%get3A_162, %get3A_163] {strides = array<i32>} : memref<80x128xi32, #tpu.memory_space<vmem>>, vector<1x16xi32>,
      %get3A_165 = vector.shape_cast %get3A_164 : vector<1x16xi32> to vector<16xi32>
      %mul3A_166 = arith.constant 2 : i32
      %mul3A_167 = vector.broadcast %mul3A_166 : i32 to vector<16xi32>
      %mul3A_168 = arith.muli %get3A_165, %mul3A_167 : vector<16xi32>
      %add3A_169 = vector.broadcast %add3A_47 : i32 to vector<16xi32>
      %add3A_170 = arith.addi %mul3A_168, %add3A_169 : vector<16xi32>
      %swap3A_171 = arith.index_cast %scan3A_120 : i32 to index
      %swap3A_172 = arith.constant 48 : index
      %swap3A_173 = tpu.vector_load %arg7[%swap3A_171, %swap3A_172] {strides = array<i32>} : memref<80x128xi32, #tpu.memory_space<vmem>>, vector<1x16xi32>,
      %swap3A_174 = vector.shape_cast %swap3A_173 : vector<1x16xi32> to vector<16xi32>
      %swap3A_175 = vector.shape_cast %add3A_170 : vector<16xi32> to vector<1x16xi32>
      tpu.vector_store %arg7[%swap3A_171, %swap3A_172], %swap3A_175 {strides = array<i32>} : memref<80x128xi32, #tpu.memory_space<vmem>>, vector<1x16xi32>,
      %get3A_176 = arith.index_cast %scan3A_120 : i32 to index
      %get3A_177 = arith.constant 64 : index
      %get3A_178 = tpu.vector_load %arg7[%get3A_176, %get3A_177] {strides = array<i32>} : memref<80x128xi32, #tpu.memory_space<vmem>>, vector<1x16xi32>,
      %get3A_179 = vector.shape_cast %get3A_178 : vector<1x16xi32> to vector<16xi32>
      %mul3A_180 = arith.constant 2 : i32
      %mul3A_181 = vector.broadcast %mul3A_180 : i32 to vector<16xi32>
      %mul3A_182 = arith.muli %get3A_179, %mul3A_181 : vector<16xi32>
      %add3A_183 = vector.broadcast %add3A_47 : i32 to vector<16xi32>
      %add3A_184 = arith.addi %mul3A_182, %add3A_183 : vector<16xi32>
      %swap3A_185 = arith.index_cast %scan3A_120 : i32 to index
      %swap3A_186 = arith.constant 64 : index
      %swap3A_187 = tpu.vector_load %arg7[%swap3A_185, %swap3A_186] {strides = array<i32>} : memref<80x128xi32, #tpu.memory_space<vmem>>, vector<1x16xi32>,
      %swap3A_188 = vector.shape_cast %swap3A_187 : vector<1x16xi32> to vector<16xi32>
      %swap3A_189 = vector.shape_cast %add3A_184 : vector<16xi32> to vector<1x16xi32>
      tpu.vector_store %arg7[%swap3A_185, %swap3A_186], %swap3A_189 {strides = array<i32>} : memref<80x128xi32, #tpu.memory_space<vmem>>, vector<1x16xi32>,
      %get3A_190 = arith.index_cast %scan3A_120 : i32 to index
      %get3A_191 = arith.constant 80 : index
      %get3A_192 = tpu.vector_load %arg7[%get3A_190, %get3A_191] {strides = array<i32>} : memref<80x128xi32, #tpu.memory_space<vmem>>, vector<1x16xi32>,
      %get3A_193 = vector.shape_cast %get3A_192 : vector<1x16xi32> to vector<16xi32>
      %mul3A_194 = arith.constant 2 : i32
      %mul3A_195 = vector.broadcast %mul3A_194 : i32 to vector<16xi32>
      %mul3A_196 = arith.muli %get3A_193, %mul3A_195 : vector<16xi32>
      %add3A_197 = vector.broadcast %add3A_47 : i32 to vector<16xi32>
      %add3A_198 = arith.addi %mul3A_196, %add3A_197 : vector<16xi32>
      %swap3A_199 = arith.index_cast %scan3A_120 : i32 to index
      %swap3A_200 = arith.constant 80 : index
      %swap3A_201 = tpu.vector_load %arg7[%swap3A_199, %swap3A_200] {strides = array<i32>} : memref<80x128xi32, #tpu.memory_space<vmem>>, vector<1x16xi32>,
      %swap3A_202 = vector.shape_cast %swap3A_201 : vector<1x16xi32> to vector<16xi32>
      %swap3A_203 = vector.shape_cast %add3A_198 : vector<16xi32> to vector<1x16xi32>
      tpu.vector_store %arg7[%swap3A_199, %swap3A_200], %swap3A_203 {strides = array<i32>} : memref<80x128xi32, #tpu.memory_space<vmem>>, vector<1x16xi32>,
      %get3A_204 = arith.index_cast %scan3A_120 : i32 to index
      %get3A_205 = arith.constant 96 : index
      %get3A_206 = tpu.vector_load %arg7[%get3A_204, %get3A_205] {strides = array<i32>} : memref<80x128xi32, #tpu.memory_space<vmem>>, vector<1x16xi32>,
      %get3A_207 = vector.shape_cast %get3A_206 : vector<1x16xi32> to vector<16xi32>
      %mul3A_208 = arith.constant 2 : i32
      %mul3A_209 = vector.broadcast %mul3A_208 : i32 to vector<16xi32>
      %mul3A_210 = arith.muli %get3A_207, %mul3A_209 : vector<16xi32>
      %add3A_211 = vector.broadcast %add3A_47 : i32 to vector<16xi32>
      %add3A_212 = arith.addi %mul3A_210, %add3A_211 : vector<16xi32>
      %swap3A_213 = arith.index_cast %scan3A_120 : i32 to index
      %swap3A_214 = arith.constant 96 : index
      %swap3A_215 = tpu.vector_load %arg7[%swap3A_213, %swap3A_214] {strides = array<i32>} : memref<80x128xi32, #tpu.memory_space<vmem>>, vector<1x16xi32>,
      %swap3A_216 = vector.shape_cast %swap3A_215 : vector<1x16xi32> to vector<16xi32>
      %swap3A_217 = vector.shape_cast %add3A_212 : vector<16xi32> to vector<1x16xi32>
      tpu.vector_store %arg7[%swap3A_213, %swap3A_214], %swap3A_217 {strides = array<i32>} : memref<80x128xi32, #tpu.memory_space<vmem>>, vector<1x16xi32>,
      %get3A_218 = arith.index_cast %scan3A_120 : i32 to index
      %get3A_219 = arith.constant 112 : index
      %get3A_220 = tpu.vector_load %arg7[%get3A_218, %get3A_219] {strides = array<i32>} : memref<80x128xi32, #tpu.memory_space<vmem>>, vector<1x16xi32>,
      %get3A_221 = vector.shape_cast %get3A_220 : vector<1x16xi32> to vector<16xi32>
      %mul3A_222 = arith.constant 2 : i32
      %mul3A_223 = vector.broadcast %mul3A_222 : i32 to vector<16xi32>
      %mul3A_224 = arith.muli %get3A_221, %mul3A_223 : vector<16xi32>
      %add3A_225 = vector.broadcast %add3A_47 : i32 to vector<16xi32>
      %add3A_226 = arith.addi %mul3A_224, %add3A_225 : vector<16xi32>
      %swap3A_227 = arith.index_cast %scan3A_120 : i32 to index
      %swap3A_228 = arith.constant 112 : index
      %swap3A_229 = tpu.vector_load %arg7[%swap3A_227, %swap3A_228] {strides = array<i32>} : memref<80x128xi32, #tpu.memory_space<vmem>>, vector<1x16xi32>,
      %swap3A_230 = vector.shape_cast %swap3A_229 : vector<1x16xi32> to vector<16xi32>
      %swap3A_231 = vector.shape_cast %add3A_226 : vector<16xi32> to vector<1x16xi32>
      tpu.vector_store %arg7[%swap3A_227, %swap3A_228], %swap3A_231 {strides = array<i32>} : memref<80x128xi32, #tpu.memory_space<vmem>>, vector<1x16xi32>,
      %scan3A_232 = arith.constant 0 : i32
      scf.yield %scan3A_232 : i32
    }
    %scan3A_54 = arith.constant 80 : i32
    %dma_start3A_55 = arith.constant 0 : i32
    %dma_start3A_56 = arith.constant 0 : i32
    %dma_start3A_57 = tpu.memref_slice %arg7[%dma_start3A_55, %dma_start3A_56] : memref<80x128xi32, #tpu.memory_space<vmem>> -> memref<1x128xi32, #tpu.memory_space<vmem>>
    %dma_start3A_58 = tpu.memref_squeeze %dma_start3A_57 : memref<1x128xi32, #tpu.memory_space<vmem>> -> memref<128xi32, #tpu.memory_space<vmem>>
    %dma_start3A_59 = arith.constant 0 : i32
    %dma_start3A_60 = arith.constant 0 : i32
    %dma_start3A_61 = tpu.memref_slice %arg2[%dma_start3A_59, %dma_start3A_60] : memref<300000x64xbf16, #tpu.memory_space<hbm>> -> memref<300000x64xbf16, #tpu.memory_space<hbm>>
    tpu.enqueue_indirect_dma source(%dma_start3A_61 : memref<300000x64xbf16, #tpu.memory_space<hbm>>) target(%arg9 : memref<128x64xbf16, #tpu.memory_space<vmem>>) offsets(%dma_start3A_58 : memref<128xi32, #tpu.memory_space<vmem>>) semaphore(%arg13 : memref<!tpu.dma_semaphore, #tpu.memory_space<semaphore_mem>>)
    %scan3A_62 = arith.constant 0 : i32
    %scan3A_63 = arith.constant 0 : i32
    %scan3A_64 = arith.constant 40 : i32
    %scan3A_65 = arith.addi %scan3A_63, %scan3A_64 : i32
    %scan3A_66 = arith.constant 1 : i32
    %scan3A_67 = scf.for %scan3A_120 = %scan3A_63 to %scan3A_65 step %scan3A_66 iter_args(%scan3A_121 = %scan3A_62) -> (i32)  : i32 {
      %mul3A_122 = arith.constant 2 : i32
      %mul3A_123 = arith.muli %mul3A_122, %scan3A_120 : i32
      %add3A_124 = arith.constant 1 : i32
      %add3A_125 = arith.addi %mul3A_123, %add3A_124 : i32
      %dma_start3A_126 = arith.constant 0 : i32
      %dma_start3A_127 = tpu.memref_slice %arg7[%add3A_125, %dma_start3A_126] : memref<80x128xi32, #tpu.memory_space<vmem>> -> memref<1x128xi32, #tpu.memory_space<vmem>>
      %dma_start3A_128 = tpu.memref_squeeze %dma_start3A_127 : memref<1x128xi32, #tpu.memory_space<vmem>> -> memref<128xi32, #tpu.memory_space<vmem>>
      %dma_start3A_129 = arith.constant 0 : i32
      %dma_start3A_130 = arith.constant 0 : i32
      %dma_start3A_131 = tpu.memref_slice %arg2[%dma_start3A_129, %dma_start3A_130] : memref<300000x64xbf16, #tpu.memory_space<hbm>> -> memref<300000x64xbf16, #tpu.memory_space<hbm>>
      tpu.enqueue_indirect_dma source(%dma_start3A_131 : memref<300000x64xbf16, #tpu.memory_space<hbm>>) target(%arg10 : memref<128x64xbf16, #tpu.memory_space<vmem>>) offsets(%dma_start3A_128 : memref<128xi32, #tpu.memory_space<vmem>>) semaphore(%arg14 : memref<!tpu.dma_semaphore, #tpu.memory_space<semaphore_mem>>)
      %dma_wait3A = arith.constant 0 : i32
      %dma_wait3A_132 = tpu.memref_slice %arg7[%mul3A_123, %dma_wait3A] : memref<80x128xi32, #tpu.memory_space<vmem>> -> memref<1x128xi32, #tpu.memory_space<vmem>>
      %dma_wait3A_133 = tpu.memref_squeeze %dma_wait3A_132 : memref<1x128xi32, #tpu.memory_space<vmem>> -> memref<128xi32, #tpu.memory_space<vmem>>
      %dma_wait3A_134 = arith.constant 0 : i32
      %dma_wait3A_135 = arith.constant 0 : i32
      %dma_wait3A_136 = tpu.memref_slice %arg2[%dma_wait3A_134, %dma_wait3A_135] : memref<300000x64xbf16, #tpu.memory_space<hbm>> -> memref<300000x64xbf16, #tpu.memory_space<hbm>>
      tpu.wait_indirect_dma semaphore(%arg13 : memref<!tpu.dma_semaphore, #tpu.memory_space<semaphore_mem>>) src(%dma_wait3A_136 : memref<300000x64xbf16, #tpu.memory_space<hbm>>) dst(%arg9 : memref<128x64xbf16, #tpu.memory_space<vmem>>)
      "tpu.region"() ({
        %run_scoped3A_152 = tpu.sem_alloc : memref<!tpu.dma_semaphore, #tpu.memory_space<semaphore_mem>>
        %dma_start3A_153 = arith.constant 0 : i32
        %dma_start3A_154 = tpu.memref_slice %arg8[%mul3A_123, %dma_start3A_153] : memref<80x128xi32, #tpu.memory_space<vmem>> -> memref<1x128xi32, #tpu.memory_space<vmem>>
        %dma_start3A_155 = tpu.memref_squeeze %dma_start3A_154 : memref<1x128xi32, #tpu.memory_space<vmem>> -> memref<128xi32, #tpu.memory_space<vmem>>
        %dma_start3A_156 = arith.constant 0 : i32
        %dma_start3A_157 = arith.constant 0 : i32
        %dma_start3A_158 = tpu.memref_slice %arg12[%dma_start3A_156, %dma_start3A_157] : memref<50176x64xbf16, #tpu.memory_space<vmem_shared>> -> memref<50176x64xbf16, #tpu.memory_space<vmem_shared>>
        tpu.enqueue_indirect_dma source(%arg9 : memref<128x64xbf16, #tpu.memory_space<vmem>>) target(%dma_start3A_158 : memref<50176x64xbf16, #tpu.memory_space<vmem_shared>>) offsets(%dma_start3A_155 : memref<128xi32, #tpu.memory_space<vmem>>) semaphore(%run_scoped3A_152 : memref<!tpu.dma_semaphore, #tpu.memory_space<semaphore_mem>>) {add = true}
        %dma_wait3A_159 = arith.constant 0 : i32
        %dma_wait3A_160 = tpu.memref_slice %arg8[%mul3A_123, %dma_wait3A_159] : memref<80x128xi32, #tpu.memory_space<vmem>> -> memref<1x128xi32, #tpu.memory_space<vmem>>
        %dma_wait3A_161 = tpu.memref_squeeze %dma_wait3A_160 : memref<1x128xi32, #tpu.memory_space<vmem>> -> memref<128xi32, #tpu.memory_space<vmem>>
        %dma_wait3A_162 = arith.constant 0 : i32
        %dma_wait3A_163 = arith.constant 0 : i32
        %dma_wait3A_164 = tpu.memref_slice %arg12[%dma_wait3A_162, %dma_wait3A_163] : memref<50176x64xbf16, #tpu.memory_space<vmem_shared>> -> memref<50176x64xbf16, #tpu.memory_space<vmem_shared>>
        tpu.wait_indirect_dma semaphore(%run_scoped3A_152 : memref<!tpu.dma_semaphore, #tpu.memory_space<semaphore_mem>>) src(%arg9 : memref<128x64xbf16, #tpu.memory_space<vmem>>) dst(%dma_wait3A_164 : memref<50176x64xbf16, #tpu.memory_space<vmem_shared>>)
        tpu.yield
      }) : () -> ()
      %add3A_137 = arith.constant 1 : i32
      %add3A_138 = arith.addi %scan3A_120, %add3A_137 : i32
      %lt3A = arith.constant 40 : i32
      %lt3A_139 = arith.cmpi slt, %add3A_138, %lt3A : i32
      %convert_element_type3A = arith.extui %lt3A_139 : i1 to i32
      %cond3A = arith.constant 0 : i32
      %cond3A_140 = arith.cmpi ne, %convert_element_type3A, %cond3A : i32
      scf.if %cond3A_140 {
        %add3A_152 = arith.constant 2 : i32
        %add3A_153 = arith.addi %mul3A_123, %add3A_152 : i32
        %dma_start3A_154 = arith.constant 0 : i32
        %dma_start3A_155 = tpu.memref_slice %arg7[%add3A_153, %dma_start3A_154] : memref<80x128xi32, #tpu.memory_space<vmem>> -> memref<1x128xi32, #tpu.memory_space<vmem>>
        %dma_start3A_156 = tpu.memref_squeeze %dma_start3A_155 : memref<1x128xi32, #tpu.memory_space<vmem>> -> memref<128xi32, #tpu.memory_space<vmem>>
        %dma_start3A_157 = arith.constant 0 : i32
        %dma_start3A_158 = arith.constant 0 : i32
        %dma_start3A_159 = tpu.memref_slice %arg2[%dma_start3A_157, %dma_start3A_158] : memref<300000x64xbf16, #tpu.memory_space<hbm>> -> memref<300000x64xbf16, #tpu.memory_space<hbm>>
        tpu.enqueue_indirect_dma source(%dma_start3A_159 : memref<300000x64xbf16, #tpu.memory_space<hbm>>) target(%arg9 : memref<128x64xbf16, #tpu.memory_space<vmem>>) offsets(%dma_start3A_156 : memref<128xi32, #tpu.memory_space<vmem>>) semaphore(%arg13 : memref<!tpu.dma_semaphore, #tpu.memory_space<semaphore_mem>>)
      } else {
      }
      %add3A_141 = arith.constant 1 : i32
      %add3A_142 = arith.addi %mul3A_123, %add3A_141 : i32
      %dma_wait3A_143 = arith.constant 0 : i32
      %dma_wait3A_144 = tpu.memref_slice %arg7[%add3A_142, %dma_wait3A_143] : memref<80x128xi32, #tpu.memory_space<vmem>> -> memref<1x128xi32, #tpu.memory_space<vmem>>
      %dma_wait3A_145 = tpu.memref_squeeze %dma_wait3A_144 : memref<1x128xi32, #tpu.memory_space<vmem>> -> memref<128xi32, #tpu.memory_space<vmem>>
      %dma_wait3A_146 = arith.constant 0 : i32
      %dma_wait3A_147 = arith.constant 0 : i32
      %dma_wait3A_148 = tpu.memref_slice %arg2[%dma_wait3A_146, %dma_wait3A_147] : memref<300000x64xbf16, #tpu.memory_space<hbm>> -> memref<300000x64xbf16, #tpu.memory_space<hbm>>
      tpu.wait_indirect_dma semaphore(%arg14 : memref<!tpu.dma_semaphore, #tpu.memory_space<semaphore_mem>>) src(%dma_wait3A_148 : memref<300000x64xbf16, #tpu.memory_space<hbm>>) dst(%arg10 : memref<128x64xbf16, #tpu.memory_space<vmem>>)
      %add3A_149 = arith.constant 1 : i32
      %add3A_150 = arith.addi %mul3A_123, %add3A_149 : i32
      "tpu.region"() ({
        %run_scoped3A_152 = tpu.sem_alloc : memref<!tpu.dma_semaphore, #tpu.memory_space<semaphore_mem>>
        %dma_start3A_153 = arith.constant 0 : i32
        %dma_start3A_154 = tpu.memref_slice %arg8[%add3A_150, %dma_start3A_153] : memref<80x128xi32, #tpu.memory_space<vmem>> -> memref<1x128xi32, #tpu.memory_space<vmem>>
        %dma_start3A_155 = tpu.memref_squeeze %dma_start3A_154 : memref<1x128xi32, #tpu.memory_space<vmem>> -> memref<128xi32, #tpu.memory_space<vmem>>
        %dma_start3A_156 = arith.constant 0 : i32
        %dma_start3A_157 = arith.constant 0 : i32
        %dma_start3A_158 = tpu.memref_slice %arg12[%dma_start3A_156, %dma_start3A_157] : memref<50176x64xbf16, #tpu.memory_space<vmem_shared>> -> memref<50176x64xbf16, #tpu.memory_space<vmem_shared>>
        tpu.enqueue_indirect_dma source(%arg10 : memref<128x64xbf16, #tpu.memory_space<vmem>>) target(%dma_start3A_158 : memref<50176x64xbf16, #tpu.memory_space<vmem_shared>>) offsets(%dma_start3A_155 : memref<128xi32, #tpu.memory_space<vmem>>) semaphore(%run_scoped3A_152 : memref<!tpu.dma_semaphore, #tpu.memory_space<semaphore_mem>>) {add = true}
        %dma_wait3A_159 = arith.constant 0 : i32
        %dma_wait3A_160 = tpu.memref_slice %arg8[%add3A_150, %dma_wait3A_159] : memref<80x128xi32, #tpu.memory_space<vmem>> -> memref<1x128xi32, #tpu.memory_space<vmem>>
        %dma_wait3A_161 = tpu.memref_squeeze %dma_wait3A_160 : memref<1x128xi32, #tpu.memory_space<vmem>> -> memref<128xi32, #tpu.memory_space<vmem>>
        %dma_wait3A_162 = arith.constant 0 : i32
        %dma_wait3A_163 = arith.constant 0 : i32
        %dma_wait3A_164 = tpu.memref_slice %arg12[%dma_wait3A_162, %dma_wait3A_163] : memref<50176x64xbf16, #tpu.memory_space<vmem_shared>> -> memref<50176x64xbf16, #tpu.memory_space<vmem_shared>>
        tpu.wait_indirect_dma semaphore(%run_scoped3A_152 : memref<!tpu.dma_semaphore, #tpu.memory_space<semaphore_mem>>) src(%arg10 : memref<128x64xbf16, #tpu.memory_space<vmem>>) dst(%dma_wait3A_164 : memref<50176x64xbf16, #tpu.memory_space<vmem_shared>>)
        tpu.yield
      }) : () -> ()
      %scan3A_151 = arith.constant 0 : i32
      scf.yield %scan3A_151 : i32
    }
    %scan3A_68 = arith.constant 40 : i32
    %barrier3A_69 = arith.constant 0 : index
    tpu.barrier barrier_id(%barrier3A_69)
    %mul3A_70 = arith.constant 3125 : i32
    %mul3A_71 = arith.muli %arg1, %mul3A_70 : i32
    %mul3A_72 = arith.constant 3125 : i32
    %mul3A_73 = arith.muli %arg1, %mul3A_72 : i32
    %mul3A_74 = arith.constant 64 : i32
    %mul3A_75 = arith.muli %arg0, %mul3A_74 : i32
    %run_scoped3A_76 = arith.constant 1 : i32
    "tpu.region"() ({
      %run_scoped3A_120 = tpu.sem_alloc : memref<!tpu.dma_semaphore, #tpu.memory_space<semaphore_mem>>
      %dma_start3A_121 = tpu.memref_slice %arg6[%run_scoped3A_76, %mul3A_73, %mul3A_75] : memref<3x50000x128xbf16, #tpu.memory_space<hbm>> -> memref<1x3125x64xbf16, #tpu.memory_space<hbm>>
      %dma_start3A_122 = tpu.memref_squeeze %dma_start3A_121 : memref<1x3125x64xbf16, #tpu.memory_space<hbm>> -> memref<3125x64xbf16, #tpu.memory_space<hbm>>
      %dma_start3A_123 = arith.constant 0 : i32
      %dma_start3A_124 = tpu.memref_slice %arg12[%mul3A_71, %dma_start3A_123] : memref<50176x64xbf16, #tpu.memory_space<vmem_shared>> -> memref<3125x64xbf16, #tpu.memory_space<vmem_shared>>
      tpu.enqueue_dma source(%dma_start3A_124 : memref<3125x64xbf16, #tpu.memory_space<vmem_shared>>) target(%dma_start3A_122 : memref<3125x64xbf16, #tpu.memory_space<hbm>>) target_semaphore(%run_scoped3A_120 : memref<!tpu.dma_semaphore, #tpu.memory_space<semaphore_mem>>)
      %dma_wait3A = tpu.memref_slice %arg6[%run_scoped3A_76, %mul3A_73, %mul3A_75] : memref<3x50000x128xbf16, #tpu.memory_space<hbm>> -> memref<1x3125x64xbf16, #tpu.memory_space<hbm>>
      %dma_wait3A_125 = tpu.memref_squeeze %dma_wait3A : memref<1x3125x64xbf16, #tpu.memory_space<hbm>> -> memref<3125x64xbf16, #tpu.memory_space<hbm>>
      %dma_wait3A_126 = arith.constant 0 : i32
      %dma_wait3A_127 = tpu.memref_slice %arg12[%mul3A_71, %dma_wait3A_126] : memref<50176x64xbf16, #tpu.memory_space<vmem_shared>> -> memref<3125x64xbf16, #tpu.memory_space<vmem_shared>>
      tpu.wait_dma2 semaphore(%run_scoped3A_120 : memref<!tpu.dma_semaphore, #tpu.memory_space<semaphore_mem>>) src(%dma_wait3A_127 : memref<3125x64xbf16, #tpu.memory_space<vmem_shared>>) dst(%dma_wait3A_125 : memref<3125x64xbf16, #tpu.memory_space<hbm>>)
      tpu.yield
    }) : () -> ()
    %barrier3A_77 = arith.constant 0 : index
    tpu.barrier barrier_id(%barrier3A_77)
    %scan3A_78 = arith.constant 0 : i32
    %scan3A_79 = arith.constant 0 : i32
    %scan3A_80 = arith.constant 49 : i32
    %scan3A_81 = arith.addi %scan3A_79, %scan3A_80 : i32
    %scan3A_82 = arith.constant 1 : i32
    %scan3A_83 = scf.for %scan3A_120 = %scan3A_79 to %scan3A_81 step %scan3A_82 iter_args(%scan3A_121 = %scan3A_78) -> (i32)  : i32 {
      %mul3A_122 = arith.constant 3136 : i32
      %mul3A_123 = arith.muli %arg1, %mul3A_122 : i32
      %mul3A_124 = arith.constant 64 : i32
      %mul3A_125 = arith.muli %scan3A_120, %mul3A_124 : i32
      %add3A_126 = arith.addi %mul3A_123, %mul3A_125 : i32
      "tpu.region"() ({
        %run_scoped3A_128 = tpu.sem_alloc : memref<!tpu.dma_semaphore, #tpu.memory_space<semaphore_mem>>
        %dma_start3A_129 = arith.constant 0 : i32
        %dma_start3A_130 = tpu.memref_slice %arg12[%add3A_126, %dma_start3A_129] : memref<50176x64xbf16, #tpu.memory_space<vmem_shared>> -> memref<64x64xbf16, #tpu.memory_space<vmem_shared>>
        %dma_start3A_131 = arith.constant 0 : i32
        %dma_start3A_132 = tpu.memref_slice %arg12[%add3A_126, %dma_start3A_131] : memref<50176x64xbf16, #tpu.memory_space<vmem_shared>> -> memref<64x64xbf16, #tpu.memory_space<vmem_shared>>
        tpu.enqueue_dma source(%arg11 : memref<64x64xbf16, #tpu.memory_space<vmem>>) target(%dma_start3A_132 : memref<64x64xbf16, #tpu.memory_space<vmem_shared>>) target_semaphore(%run_scoped3A_128 : memref<!tpu.dma_semaphore, #tpu.memory_space<semaphore_mem>>)
        %dma_wait3A = arith.constant 0 : i32
        %dma_wait3A_133 = tpu.memref_slice %arg12[%add3A_126, %dma_wait3A] : memref<50176x64xbf16, #tpu.memory_space<vmem_shared>> -> memref<64x64xbf16, #tpu.memory_space<vmem_shared>>
        %dma_wait3A_134 = arith.constant 0 : i32
        %dma_wait3A_135 = tpu.memref_slice %arg12[%add3A_126, %dma_wait3A_134] : memref<50176x64xbf16, #tpu.memory_space<vmem_shared>> -> memref<64x64xbf16, #tpu.memory_space<vmem_shared>>
        tpu.wait_dma2 semaphore(%run_scoped3A_128 : memref<!tpu.dma_semaphore, #tpu.memory_space<semaphore_mem>>) src(%arg11 : memref<64x64xbf16, #tpu.memory_space<vmem>>) dst(%dma_wait3A_135 : memref<64x64xbf16, #tpu.memory_space<vmem_shared>>)
        tpu.yield
      }) : () -> ()
      %scan3A_127 = arith.constant 0 : i32
      scf.yield %scan3A_127 : i32
    }
    %scan3A_84 = arith.constant 49 : i32
    %barrier3A_85 = arith.constant 0 : index
    tpu.barrier barrier_id(%barrier3A_85)
    %run_scoped3A_86 = arith.constant 2 : i32
    "tpu.region"() ({
      %run_scoped3A_120 = tpu.sem_alloc : memref<!tpu.dma_semaphore, #tpu.memory_space<semaphore_mem>>
      %dma_start3A_121 = arith.constant 0 : i32
      %dma_start3A_122 = arith.constant 0 : i32
      %dma_start3A_123 = tpu.memref_slice %arg3[%run_scoped3A_86, %arg1, %dma_start3A_121, %dma_start3A_122] : memref<3x16x80x128xi32, #tpu.memory_space<hbm>> -> memref<1x1x80x128xi32, #tpu.memory_space<hbm>>
      %dma_start3A_124 = tpu.memref_squeeze %dma_start3A_123 : memref<1x1x80x128xi32, #tpu.memory_space<hbm>> -> memref<80x128xi32, #tpu.memory_space<hbm>>
      %dma_start3A_125 = arith.constant 0 : i32
      %dma_start3A_126 = arith.constant 0 : i32
      %dma_start3A_127 = tpu.memref_slice %arg3[%run_scoped3A_86, %arg1, %dma_start3A_125, %dma_start3A_126] : memref<3x16x80x128xi32, #tpu.memory_space<hbm>> -> memref<1x1x80x128xi32, #tpu.memory_space<hbm>>
      %dma_start3A_128 = tpu.memref_squeeze %dma_start3A_127 : memref<1x1x80x128xi32, #tpu.memory_space<hbm>> -> memref<80x128xi32, #tpu.memory_space<hbm>>
      tpu.enqueue_dma source(%dma_start3A_128 : memref<80x128xi32, #tpu.memory_space<hbm>>) target(%arg7 : memref<80x128xi32, #tpu.memory_space<vmem>>) target_semaphore(%run_scoped3A_120 : memref<!tpu.dma_semaphore, #tpu.memory_space<semaphore_mem>>)
      %dma_wait3A = arith.constant 0 : i32
      %dma_wait3A_129 = arith.constant 0 : i32
      %dma_wait3A_130 = tpu.memref_slice %arg3[%run_scoped3A_86, %arg1, %dma_wait3A, %dma_wait3A_129] : memref<3x16x80x128xi32, #tpu.memory_space<hbm>> -> memref<1x1x80x128xi32, #tpu.memory_space<hbm>>
      %dma_wait3A_131 = tpu.memref_squeeze %dma_wait3A_130 : memref<1x1x80x128xi32, #tpu.memory_space<hbm>> -> memref<80x128xi32, #tpu.memory_space<hbm>>
      %dma_wait3A_132 = arith.constant 0 : i32
      %dma_wait3A_133 = arith.constant 0 : i32
      %dma_wait3A_134 = tpu.memref_slice %arg3[%run_scoped3A_86, %arg1, %dma_wait3A_132, %dma_wait3A_133] : memref<3x16x80x128xi32, #tpu.memory_space<hbm>> -> memref<1x1x80x128xi32, #tpu.memory_space<hbm>>
      %dma_wait3A_135 = tpu.memref_squeeze %dma_wait3A_134 : memref<1x1x80x128xi32, #tpu.memory_space<hbm>> -> memref<80x128xi32, #tpu.memory_space<hbm>>
      tpu.wait_dma2 semaphore(%run_scoped3A_120 : memref<!tpu.dma_semaphore, #tpu.memory_space<semaphore_mem>>) src(%dma_wait3A_135 : memref<80x128xi32, #tpu.memory_space<hbm>>) dst(%arg7 : memref<80x128xi32, #tpu.memory_space<vmem>>)
      tpu.yield
    }) : () -> ()
    %run_scoped3A_87 = arith.constant 2 : i32
    "tpu.region"() ({
      %run_scoped3A_120 = tpu.sem_alloc : memref<!tpu.dma_semaphore, #tpu.memory_space<semaphore_mem>>
      %dma_start3A_121 = arith.constant 0 : i32
      %dma_start3A_122 = arith.constant 0 : i32
      %dma_start3A_123 = tpu.memref_slice %arg4[%run_scoped3A_87, %arg1, %dma_start3A_121, %dma_start3A_122] : memref<3x16x80x128xi32, #tpu.memory_space<hbm>> -> memref<1x1x80x128xi32, #tpu.memory_space<hbm>>
      %dma_start3A_124 = tpu.memref_squeeze %dma_start3A_123 : memref<1x1x80x128xi32, #tpu.memory_space<hbm>> -> memref<80x128xi32, #tpu.memory_space<hbm>>
      %dma_start3A_125 = arith.constant 0 : i32
      %dma_start3A_126 = arith.constant 0 : i32
      %dma_start3A_127 = tpu.memref_slice %arg4[%run_scoped3A_87, %arg1, %dma_start3A_125, %dma_start3A_126] : memref<3x16x80x128xi32, #tpu.memory_space<hbm>> -> memref<1x1x80x128xi32, #tpu.memory_space<hbm>>
      %dma_start3A_128 = tpu.memref_squeeze %dma_start3A_127 : memref<1x1x80x128xi32, #tpu.memory_space<hbm>> -> memref<80x128xi32, #tpu.memory_space<hbm>>
      tpu.enqueue_dma source(%dma_start3A_128 : memref<80x128xi32, #tpu.memory_space<hbm>>) target(%arg8 : memref<80x128xi32, #tpu.memory_space<vmem>>) target_semaphore(%run_scoped3A_120 : memref<!tpu.dma_semaphore, #tpu.memory_space<semaphore_mem>>)
      %dma_wait3A = arith.constant 0 : i32
      %dma_wait3A_129 = arith.constant 0 : i32
      %dma_wait3A_130 = tpu.memref_slice %arg4[%run_scoped3A_87, %arg1, %dma_wait3A, %dma_wait3A_129] : memref<3x16x80x128xi32, #tpu.memory_space<hbm>> -> memref<1x1x80x128xi32, #tpu.memory_space<hbm>>
      %dma_wait3A_131 = tpu.memref_squeeze %dma_wait3A_130 : memref<1x1x80x128xi32, #tpu.memory_space<hbm>> -> memref<80x128xi32, #tpu.memory_space<hbm>>
      %dma_wait3A_132 = arith.constant 0 : i32
      %dma_wait3A_133 = arith.constant 0 : i32
      %dma_wait3A_134 = tpu.memref_slice %arg4[%run_scoped3A_87, %arg1, %dma_wait3A_132, %dma_wait3A_133] : memref<3x16x80x128xi32, #tpu.memory_space<hbm>> -> memref<1x1x80x128xi32, #tpu.memory_space<hbm>>
      %dma_wait3A_135 = tpu.memref_squeeze %dma_wait3A_134 : memref<1x1x80x128xi32, #tpu.memory_space<hbm>> -> memref<80x128xi32, #tpu.memory_space<hbm>>
      tpu.wait_dma2 semaphore(%run_scoped3A_120 : memref<!tpu.dma_semaphore, #tpu.memory_space<semaphore_mem>>) src(%dma_wait3A_135 : memref<80x128xi32, #tpu.memory_space<hbm>>) dst(%arg8 : memref<80x128xi32, #tpu.memory_space<vmem>>)
      tpu.yield
    }) : () -> ()
    %add3A_88 = arith.constant 200000 : i32
    %add3A_89 = arith.addi %add3A_88, %arg0 : i32
    %scan3A_90 = arith.constant 0 : i32
    %scan3A_91 = arith.constant 0 : i32
    %scan3A_92 = arith.constant 80 : i32
    %scan3A_93 = arith.addi %scan3A_91, %scan3A_92 : i32
    %scan3A_94 = arith.constant 1 : i32
    %scan3A_95 = scf.for %scan3A_120 = %scan3A_91 to %scan3A_93 step %scan3A_94 iter_args(%scan3A_121 = %scan3A_90) -> (i32)  : i32 {
      %get3A = arith.index_cast %scan3A_120 : i32 to index
      %get3A_122 = arith.constant 0 : index
      %get3A_123 = tpu.vector_load %arg7[%get3A, %get3A_122] {strides = array<i32>} : memref<80x128xi32, #tpu.memory_space<vmem>>, vector<1x16xi32>,
      %get3A_124 = vector.shape_cast %get3A_123 : vector<1x16xi32> to vector<16xi32>
      %mul3A_125 = arith.constant 2 : i32
      %mul3A_126 = vector.broadcast %mul3A_125 : i32 to vector<16xi32>
      %mul3A_127 = arith.muli %get3A_124, %mul3A_126 : vector<16xi32>
      %add3A_128 = vector.broadcast %add3A_89 : i32 to vector<16xi32>
      %add3A_129 = arith.addi %mul3A_127, %add3A_128 : vector<16xi32>
      %swap3A = arith.index_cast %scan3A_120 : i32 to index
      %swap3A_130 = arith.constant 0 : index
      %swap3A_131 = tpu.vector_load %arg7[%swap3A, %swap3A_130] {strides = array<i32>} : memref<80x128xi32, #tpu.memory_space<vmem>>, vector<1x16xi32>,
      %swap3A_132 = vector.shape_cast %swap3A_131 : vector<1x16xi32> to vector<16xi32>
      %swap3A_133 = vector.shape_cast %add3A_129 : vector<16xi32> to vector<1x16xi32>
      tpu.vector_store %arg7[%swap3A, %swap3A_130], %swap3A_133 {strides = array<i32>} : memref<80x128xi32, #tpu.memory_space<vmem>>, vector<1x16xi32>,
      %get3A_134 = arith.index_cast %scan3A_120 : i32 to index
      %get3A_135 = arith.constant 16 : index
      %get3A_136 = tpu.vector_load %arg7[%get3A_134, %get3A_135] {strides = array<i32>} : memref<80x128xi32, #tpu.memory_space<vmem>>, vector<1x16xi32>,
      %get3A_137 = vector.shape_cast %get3A_136 : vector<1x16xi32> to vector<16xi32>
      %mul3A_138 = arith.constant 2 : i32
      %mul3A_139 = vector.broadcast %mul3A_138 : i32 to vector<16xi32>
      %mul3A_140 = arith.muli %get3A_137, %mul3A_139 : vector<16xi32>
      %add3A_141 = vector.broadcast %add3A_89 : i32 to vector<16xi32>
      %add3A_142 = arith.addi %mul3A_140, %add3A_141 : vector<16xi32>
      %swap3A_143 = arith.index_cast %scan3A_120 : i32 to index
      %swap3A_144 = arith.constant 16 : index
      %swap3A_145 = tpu.vector_load %arg7[%swap3A_143, %swap3A_144] {strides = array<i32>} : memref<80x128xi32, #tpu.memory_space<vmem>>, vector<1x16xi32>,
      %swap3A_146 = vector.shape_cast %swap3A_145 : vector<1x16xi32> to vector<16xi32>
      %swap3A_147 = vector.shape_cast %add3A_142 : vector<16xi32> to vector<1x16xi32>
      tpu.vector_store %arg7[%swap3A_143, %swap3A_144], %swap3A_147 {strides = array<i32>} : memref<80x128xi32, #tpu.memory_space<vmem>>, vector<1x16xi32>,
      %get3A_148 = arith.index_cast %scan3A_120 : i32 to index
      %get3A_149 = arith.constant 32 : index
      %get3A_150 = tpu.vector_load %arg7[%get3A_148, %get3A_149] {strides = array<i32>} : memref<80x128xi32, #tpu.memory_space<vmem>>, vector<1x16xi32>,
      %get3A_151 = vector.shape_cast %get3A_150 : vector<1x16xi32> to vector<16xi32>
      %mul3A_152 = arith.constant 2 : i32
      %mul3A_153 = vector.broadcast %mul3A_152 : i32 to vector<16xi32>
      %mul3A_154 = arith.muli %get3A_151, %mul3A_153 : vector<16xi32>
      %add3A_155 = vector.broadcast %add3A_89 : i32 to vector<16xi32>
      %add3A_156 = arith.addi %mul3A_154, %add3A_155 : vector<16xi32>
      %swap3A_157 = arith.index_cast %scan3A_120 : i32 to index
      %swap3A_158 = arith.constant 32 : index
      %swap3A_159 = tpu.vector_load %arg7[%swap3A_157, %swap3A_158] {strides = array<i32>} : memref<80x128xi32, #tpu.memory_space<vmem>>, vector<1x16xi32>,
      %swap3A_160 = vector.shape_cast %swap3A_159 : vector<1x16xi32> to vector<16xi32>
      %swap3A_161 = vector.shape_cast %add3A_156 : vector<16xi32> to vector<1x16xi32>
      tpu.vector_store %arg7[%swap3A_157, %swap3A_158], %swap3A_161 {strides = array<i32>} : memref<80x128xi32, #tpu.memory_space<vmem>>, vector<1x16xi32>,
      %get3A_162 = arith.index_cast %scan3A_120 : i32 to index
      %get3A_163 = arith.constant 48 : index
      %get3A_164 = tpu.vector_load %arg7[%get3A_162, %get3A_163] {strides = array<i32>} : memref<80x128xi32, #tpu.memory_space<vmem>>, vector<1x16xi32>,
      %get3A_165 = vector.shape_cast %get3A_164 : vector<1x16xi32> to vector<16xi32>
      %mul3A_166 = arith.constant 2 : i32
      %mul3A_167 = vector.broadcast %mul3A_166 : i32 to vector<16xi32>
      %mul3A_168 = arith.muli %get3A_165, %mul3A_167 : vector<16xi32>
      %add3A_169 = vector.broadcast %add3A_89 : i32 to vector<16xi32>
      %add3A_170 = arith.addi %mul3A_168, %add3A_169 : vector<16xi32>
      %swap3A_171 = arith.index_cast %scan3A_120 : i32 to index
      %swap3A_172 = arith.constant 48 : index
      %swap3A_173 = tpu.vector_load %arg7[%swap3A_171, %swap3A_172] {strides = array<i32>} : memref<80x128xi32, #tpu.memory_space<vmem>>, vector<1x16xi32>,
      %swap3A_174 = vector.shape_cast %swap3A_173 : vector<1x16xi32> to vector<16xi32>
      %swap3A_175 = vector.shape_cast %add3A_170 : vector<16xi32> to vector<1x16xi32>
      tpu.vector_store %arg7[%swap3A_171, %swap3A_172], %swap3A_175 {strides = array<i32>} : memref<80x128xi32, #tpu.memory_space<vmem>>, vector<1x16xi32>,
      %get3A_176 = arith.index_cast %scan3A_120 : i32 to index
      %get3A_177 = arith.constant 64 : index
      %get3A_178 = tpu.vector_load %arg7[%get3A_176, %get3A_177] {strides = array<i32>} : memref<80x128xi32, #tpu.memory_space<vmem>>, vector<1x16xi32>,
      %get3A_179 = vector.shape_cast %get3A_178 : vector<1x16xi32> to vector<16xi32>
      %mul3A_180 = arith.constant 2 : i32
      %mul3A_181 = vector.broadcast %mul3A_180 : i32 to vector<16xi32>
      %mul3A_182 = arith.muli %get3A_179, %mul3A_181 : vector<16xi32>
      %add3A_183 = vector.broadcast %add3A_89 : i32 to vector<16xi32>
      %add3A_184 = arith.addi %mul3A_182, %add3A_183 : vector<16xi32>
      %swap3A_185 = arith.index_cast %scan3A_120 : i32 to index
      %swap3A_186 = arith.constant 64 : index
      %swap3A_187 = tpu.vector_load %arg7[%swap3A_185, %swap3A_186] {strides = array<i32>} : memref<80x128xi32, #tpu.memory_space<vmem>>, vector<1x16xi32>,
      %swap3A_188 = vector.shape_cast %swap3A_187 : vector<1x16xi32> to vector<16xi32>
      %swap3A_189 = vector.shape_cast %add3A_184 : vector<16xi32> to vector<1x16xi32>
      tpu.vector_store %arg7[%swap3A_185, %swap3A_186], %swap3A_189 {strides = array<i32>} : memref<80x128xi32, #tpu.memory_space<vmem>>, vector<1x16xi32>,
      %get3A_190 = arith.index_cast %scan3A_120 : i32 to index
      %get3A_191 = arith.constant 80 : index
      %get3A_192 = tpu.vector_load %arg7[%get3A_190, %get3A_191] {strides = array<i32>} : memref<80x128xi32, #tpu.memory_space<vmem>>, vector<1x16xi32>,
      %get3A_193 = vector.shape_cast %get3A_192 : vector<1x16xi32> to vector<16xi32>
      %mul3A_194 = arith.constant 2 : i32
      %mul3A_195 = vector.broadcast %mul3A_194 : i32 to vector<16xi32>
      %mul3A_196 = arith.muli %get3A_193, %mul3A_195 : vector<16xi32>
      %add3A_197 = vector.broadcast %add3A_89 : i32 to vector<16xi32>
      %add3A_198 = arith.addi %mul3A_196, %add3A_197 : vector<16xi32>
      %swap3A_199 = arith.index_cast %scan3A_120 : i32 to index
      %swap3A_200 = arith.constant 80 : index
      %swap3A_201 = tpu.vector_load %arg7[%swap3A_199, %swap3A_200] {strides = array<i32>} : memref<80x128xi32, #tpu.memory_space<vmem>>, vector<1x16xi32>,
      %swap3A_202 = vector.shape_cast %swap3A_201 : vector<1x16xi32> to vector<16xi32>
      %swap3A_203 = vector.shape_cast %add3A_198 : vector<16xi32> to vector<1x16xi32>
      tpu.vector_store %arg7[%swap3A_199, %swap3A_200], %swap3A_203 {strides = array<i32>} : memref<80x128xi32, #tpu.memory_space<vmem>>, vector<1x16xi32>,
      %get3A_204 = arith.index_cast %scan3A_120 : i32 to index
      %get3A_205 = arith.constant 96 : index
      %get3A_206 = tpu.vector_load %arg7[%get3A_204, %get3A_205] {strides = array<i32>} : memref<80x128xi32, #tpu.memory_space<vmem>>, vector<1x16xi32>,
      %get3A_207 = vector.shape_cast %get3A_206 : vector<1x16xi32> to vector<16xi32>
      %mul3A_208 = arith.constant 2 : i32
      %mul3A_209 = vector.broadcast %mul3A_208 : i32 to vector<16xi32>
      %mul3A_210 = arith.muli %get3A_207, %mul3A_209 : vector<16xi32>
      %add3A_211 = vector.broadcast %add3A_89 : i32 to vector<16xi32>
      %add3A_212 = arith.addi %mul3A_210, %add3A_211 : vector<16xi32>
      %swap3A_213 = arith.index_cast %scan3A_120 : i32 to index
      %swap3A_214 = arith.constant 96 : index
      %swap3A_215 = tpu.vector_load %arg7[%swap3A_213, %swap3A_214] {strides = array<i32>} : memref<80x128xi32, #tpu.memory_space<vmem>>, vector<1x16xi32>,
      %swap3A_216 = vector.shape_cast %swap3A_215 : vector<1x16xi32> to vector<16xi32>
      %swap3A_217 = vector.shape_cast %add3A_212 : vector<16xi32> to vector<1x16xi32>
      tpu.vector_store %arg7[%swap3A_213, %swap3A_214], %swap3A_217 {strides = array<i32>} : memref<80x128xi32, #tpu.memory_space<vmem>>, vector<1x16xi32>,
      %get3A_218 = arith.index_cast %scan3A_120 : i32 to index
      %get3A_219 = arith.constant 112 : index
      %get3A_220 = tpu.vector_load %arg7[%get3A_218, %get3A_219] {strides = array<i32>} : memref<80x128xi32, #tpu.memory_space<vmem>>, vector<1x16xi32>,
      %get3A_221 = vector.shape_cast %get3A_220 : vector<1x16xi32> to vector<16xi32>
      %mul3A_222 = arith.constant 2 : i32
      %mul3A_223 = vector.broadcast %mul3A_222 : i32 to vector<16xi32>
      %mul3A_224 = arith.muli %get3A_221, %mul3A_223 : vector<16xi32>
      %add3A_225 = vector.broadcast %add3A_89 : i32 to vector<16xi32>
      %add3A_226 = arith.addi %mul3A_224, %add3A_225 : vector<16xi32>
      %swap3A_227 = arith.index_cast %scan3A_120 : i32 to index
      %swap3A_228 = arith.constant 112 : index
      %swap3A_229 = tpu.vector_load %arg7[%swap3A_227, %swap3A_228] {strides = array<i32>} : memref<80x128xi32, #tpu.memory_space<vmem>>, vector<1x16xi32>,
      %swap3A_230 = vector.shape_cast %swap3A_229 : vector<1x16xi32> to vector<16xi32>
      %swap3A_231 = vector.shape_cast %add3A_226 : vector<16xi32> to vector<1x16xi32>
      tpu.vector_store %arg7[%swap3A_227, %swap3A_228], %swap3A_231 {strides = array<i32>} : memref<80x128xi32, #tpu.memory_space<vmem>>, vector<1x16xi32>,
      %scan3A_232 = arith.constant 0 : i32
      scf.yield %scan3A_232 : i32
    }
    %scan3A_96 = arith.constant 80 : i32
    %dma_start3A_97 = arith.constant 0 : i32
    %dma_start3A_98 = arith.constant 0 : i32
    %dma_start3A_99 = tpu.memref_slice %arg7[%dma_start3A_97, %dma_start3A_98] : memref<80x128xi32, #tpu.memory_space<vmem>> -> memref<1x128xi32, #tpu.memory_space<vmem>>
    %dma_start3A_100 = tpu.memref_squeeze %dma_start3A_99 : memref<1x128xi32, #tpu.memory_space<vmem>> -> memref<128xi32, #tpu.memory_space<vmem>>
    %dma_start3A_101 = arith.constant 0 : i32
    %dma_start3A_102 = arith.constant 0 : i32
    %dma_start3A_103 = tpu.memref_slice %arg2[%dma_start3A_101, %dma_start3A_102] : memref<300000x64xbf16, #tpu.memory_space<hbm>> -> memref<300000x64xbf16, #tpu.memory_space<hbm>>
    tpu.enqueue_indirect_dma source(%dma_start3A_103 : memref<300000x64xbf16, #tpu.memory_space<hbm>>) target(%arg9 : memref<128x64xbf16, #tpu.memory_space<vmem>>) offsets(%dma_start3A_100 : memref<128xi32, #tpu.memory_space<vmem>>) semaphore(%arg13 : memref<!tpu.dma_semaphore, #tpu.memory_space<semaphore_mem>>)
    %scan3A_104 = arith.constant 0 : i32
    %scan3A_105 = arith.constant 0 : i32
    %scan3A_106 = arith.constant 40 : i32
    %scan3A_107 = arith.addi %scan3A_105, %scan3A_106 : i32
    %scan3A_108 = arith.constant 1 : i32
    %scan3A_109 = scf.for %scan3A_120 = %scan3A_105 to %scan3A_107 step %scan3A_108 iter_args(%scan3A_121 = %scan3A_104) -> (i32)  : i32 {
      %mul3A_122 = arith.constant 2 : i32
      %mul3A_123 = arith.muli %mul3A_122, %scan3A_120 : i32
      %add3A_124 = arith.constant 1 : i32
      %add3A_125 = arith.addi %mul3A_123, %add3A_124 : i32
      %dma_start3A_126 = arith.constant 0 : i32
      %dma_start3A_127 = tpu.memref_slice %arg7[%add3A_125, %dma_start3A_126] : memref<80x128xi32, #tpu.memory_space<vmem>> -> memref<1x128xi32, #tpu.memory_space<vmem>>
      %dma_start3A_128 = tpu.memref_squeeze %dma_start3A_127 : memref<1x128xi32, #tpu.memory_space<vmem>> -> memref<128xi32, #tpu.memory_space<vmem>>
      %dma_start3A_129 = arith.constant 0 : i32
      %dma_start3A_130 = arith.constant 0 : i32
      %dma_start3A_131 = tpu.memref_slice %arg2[%dma_start3A_129, %dma_start3A_130] : memref<300000x64xbf16, #tpu.memory_space<hbm>> -> memref<300000x64xbf16, #tpu.memory_space<hbm>>
      tpu.enqueue_indirect_dma source(%dma_start3A_131 : memref<300000x64xbf16, #tpu.memory_space<hbm>>) target(%arg10 : memref<128x64xbf16, #tpu.memory_space<vmem>>) offsets(%dma_start3A_128 : memref<128xi32, #tpu.memory_space<vmem>>) semaphore(%arg14 : memref<!tpu.dma_semaphore, #tpu.memory_space<semaphore_mem>>)
      %dma_wait3A = arith.constant 0 : i32
      %dma_wait3A_132 = tpu.memref_slice %arg7[%mul3A_123, %dma_wait3A] : memref<80x128xi32, #tpu.memory_space<vmem>> -> memref<1x128xi32, #tpu.memory_space<vmem>>
      %dma_wait3A_133 = tpu.memref_squeeze %dma_wait3A_132 : memref<1x128xi32, #tpu.memory_space<vmem>> -> memref<128xi32, #tpu.memory_space<vmem>>
      %dma_wait3A_134 = arith.constant 0 : i32
      %dma_wait3A_135 = arith.constant 0 : i32
      %dma_wait3A_136 = tpu.memref_slice %arg2[%dma_wait3A_134, %dma_wait3A_135] : memref<300000x64xbf16, #tpu.memory_space<hbm>> -> memref<300000x64xbf16, #tpu.memory_space<hbm>>
      tpu.wait_indirect_dma semaphore(%arg13 : memref<!tpu.dma_semaphore, #tpu.memory_space<semaphore_mem>>) src(%dma_wait3A_136 : memref<300000x64xbf16, #tpu.memory_space<hbm>>) dst(%arg9 : memref<128x64xbf16, #tpu.memory_space<vmem>>)
      "tpu.region"() ({
        %run_scoped3A_152 = tpu.sem_alloc : memref<!tpu.dma_semaphore, #tpu.memory_space<semaphore_mem>>
        %dma_start3A_153 = arith.constant 0 : i32
        %dma_start3A_154 = tpu.memref_slice %arg8[%mul3A_123, %dma_start3A_153] : memref<80x128xi32, #tpu.memory_space<vmem>> -> memref<1x128xi32, #tpu.memory_space<vmem>>
        %dma_start3A_155 = tpu.memref_squeeze %dma_start3A_154 : memref<1x128xi32, #tpu.memory_space<vmem>> -> memref<128xi32, #tpu.memory_space<vmem>>
        %dma_start3A_156 = arith.constant 0 : i32
        %dma_start3A_157 = arith.constant 0 : i32
        %dma_start3A_158 = tpu.memref_slice %arg12[%dma_start3A_156, %dma_start3A_157] : memref<50176x64xbf16, #tpu.memory_space<vmem_shared>> -> memref<50176x64xbf16, #tpu.memory_space<vmem_shared>>
        tpu.enqueue_indirect_dma source(%arg9 : memref<128x64xbf16, #tpu.memory_space<vmem>>) target(%dma_start3A_158 : memref<50176x64xbf16, #tpu.memory_space<vmem_shared>>) offsets(%dma_start3A_155 : memref<128xi32, #tpu.memory_space<vmem>>) semaphore(%run_scoped3A_152 : memref<!tpu.dma_semaphore, #tpu.memory_space<semaphore_mem>>) {add = true}
        %dma_wait3A_159 = arith.constant 0 : i32
        %dma_wait3A_160 = tpu.memref_slice %arg8[%mul3A_123, %dma_wait3A_159] : memref<80x128xi32, #tpu.memory_space<vmem>> -> memref<1x128xi32, #tpu.memory_space<vmem>>
        %dma_wait3A_161 = tpu.memref_squeeze %dma_wait3A_160 : memref<1x128xi32, #tpu.memory_space<vmem>> -> memref<128xi32, #tpu.memory_space<vmem>>
        %dma_wait3A_162 = arith.constant 0 : i32
        %dma_wait3A_163 = arith.constant 0 : i32
        %dma_wait3A_164 = tpu.memref_slice %arg12[%dma_wait3A_162, %dma_wait3A_163] : memref<50176x64xbf16, #tpu.memory_space<vmem_shared>> -> memref<50176x64xbf16, #tpu.memory_space<vmem_shared>>
        tpu.wait_indirect_dma semaphore(%run_scoped3A_152 : memref<!tpu.dma_semaphore, #tpu.memory_space<semaphore_mem>>) src(%arg9 : memref<128x64xbf16, #tpu.memory_space<vmem>>) dst(%dma_wait3A_164 : memref<50176x64xbf16, #tpu.memory_space<vmem_shared>>)
        tpu.yield
      }) : () -> ()
      %add3A_137 = arith.constant 1 : i32
      %add3A_138 = arith.addi %scan3A_120, %add3A_137 : i32
      %lt3A = arith.constant 40 : i32
      %lt3A_139 = arith.cmpi slt, %add3A_138, %lt3A : i32
      %convert_element_type3A = arith.extui %lt3A_139 : i1 to i32
      %cond3A = arith.constant 0 : i32
      %cond3A_140 = arith.cmpi ne, %convert_element_type3A, %cond3A : i32
      scf.if %cond3A_140 {
        %add3A_152 = arith.constant 2 : i32
        %add3A_153 = arith.addi %mul3A_123, %add3A_152 : i32
        %dma_start3A_154 = arith.constant 0 : i32
        %dma_start3A_155 = tpu.memref_slice %arg7[%add3A_153, %dma_start3A_154] : memref<80x128xi32, #tpu.memory_space<vmem>> -> memref<1x128xi32, #tpu.memory_space<vmem>>
        %dma_start3A_156 = tpu.memref_squeeze %dma_start3A_155 : memref<1x128xi32, #tpu.memory_space<vmem>> -> memref<128xi32, #tpu.memory_space<vmem>>
        %dma_start3A_157 = arith.constant 0 : i32
        %dma_start3A_158 = arith.constant 0 : i32
        %dma_start3A_159 = tpu.memref_slice %arg2[%dma_start3A_157, %dma_start3A_158] : memref<300000x64xbf16, #tpu.memory_space<hbm>> -> memref<300000x64xbf16, #tpu.memory_space<hbm>>
        tpu.enqueue_indirect_dma source(%dma_start3A_159 : memref<300000x64xbf16, #tpu.memory_space<hbm>>) target(%arg9 : memref<128x64xbf16, #tpu.memory_space<vmem>>) offsets(%dma_start3A_156 : memref<128xi32, #tpu.memory_space<vmem>>) semaphore(%arg13 : memref<!tpu.dma_semaphore, #tpu.memory_space<semaphore_mem>>)
      } else {
      }
      %add3A_141 = arith.constant 1 : i32
      %add3A_142 = arith.addi %mul3A_123, %add3A_141 : i32
      %dma_wait3A_143 = arith.constant 0 : i32
      %dma_wait3A_144 = tpu.memref_slice %arg7[%add3A_142, %dma_wait3A_143] : memref<80x128xi32, #tpu.memory_space<vmem>> -> memref<1x128xi32, #tpu.memory_space<vmem>>
      %dma_wait3A_145 = tpu.memref_squeeze %dma_wait3A_144 : memref<1x128xi32, #tpu.memory_space<vmem>> -> memref<128xi32, #tpu.memory_space<vmem>>
      %dma_wait3A_146 = arith.constant 0 : i32
      %dma_wait3A_147 = arith.constant 0 : i32
      %dma_wait3A_148 = tpu.memref_slice %arg2[%dma_wait3A_146, %dma_wait3A_147] : memref<300000x64xbf16, #tpu.memory_space<hbm>> -> memref<300000x64xbf16, #tpu.memory_space<hbm>>
      tpu.wait_indirect_dma semaphore(%arg14 : memref<!tpu.dma_semaphore, #tpu.memory_space<semaphore_mem>>) src(%dma_wait3A_148 : memref<300000x64xbf16, #tpu.memory_space<hbm>>) dst(%arg10 : memref<128x64xbf16, #tpu.memory_space<vmem>>)
      %add3A_149 = arith.constant 1 : i32
      %add3A_150 = arith.addi %mul3A_123, %add3A_149 : i32
      "tpu.region"() ({
        %run_scoped3A_152 = tpu.sem_alloc : memref<!tpu.dma_semaphore, #tpu.memory_space<semaphore_mem>>
        %dma_start3A_153 = arith.constant 0 : i32
        %dma_start3A_154 = tpu.memref_slice %arg8[%add3A_150, %dma_start3A_153] : memref<80x128xi32, #tpu.memory_space<vmem>> -> memref<1x128xi32, #tpu.memory_space<vmem>>
        %dma_start3A_155 = tpu.memref_squeeze %dma_start3A_154 : memref<1x128xi32, #tpu.memory_space<vmem>> -> memref<128xi32, #tpu.memory_space<vmem>>
        %dma_start3A_156 = arith.constant 0 : i32
        %dma_start3A_157 = arith.constant 0 : i32
        %dma_start3A_158 = tpu.memref_slice %arg12[%dma_start3A_156, %dma_start3A_157] : memref<50176x64xbf16, #tpu.memory_space<vmem_shared>> -> memref<50176x64xbf16, #tpu.memory_space<vmem_shared>>
        tpu.enqueue_indirect_dma source(%arg10 : memref<128x64xbf16, #tpu.memory_space<vmem>>) target(%dma_start3A_158 : memref<50176x64xbf16, #tpu.memory_space<vmem_shared>>) offsets(%dma_start3A_155 : memref<128xi32, #tpu.memory_space<vmem>>) semaphore(%run_scoped3A_152 : memref<!tpu.dma_semaphore, #tpu.memory_space<semaphore_mem>>) {add = true}
        %dma_wait3A_159 = arith.constant 0 : i32
        %dma_wait3A_160 = tpu.memref_slice %arg8[%add3A_150, %dma_wait3A_159] : memref<80x128xi32, #tpu.memory_space<vmem>> -> memref<1x128xi32, #tpu.memory_space<vmem>>
        %dma_wait3A_161 = tpu.memref_squeeze %dma_wait3A_160 : memref<1x128xi32, #tpu.memory_space<vmem>> -> memref<128xi32, #tpu.memory_space<vmem>>
        %dma_wait3A_162 = arith.constant 0 : i32
        %dma_wait3A_163 = arith.constant 0 : i32
        %dma_wait3A_164 = tpu.memref_slice %arg12[%dma_wait3A_162, %dma_wait3A_163] : memref<50176x64xbf16, #tpu.memory_space<vmem_shared>> -> memref<50176x64xbf16, #tpu.memory_space<vmem_shared>>
        tpu.wait_indirect_dma semaphore(%run_scoped3A_152 : memref<!tpu.dma_semaphore, #tpu.memory_space<semaphore_mem>>) src(%arg10 : memref<128x64xbf16, #tpu.memory_space<vmem>>) dst(%dma_wait3A_164 : memref<50176x64xbf16, #tpu.memory_space<vmem_shared>>)
        tpu.yield
      }) : () -> ()
      %scan3A_151 = arith.constant 0 : i32
      scf.yield %scan3A_151 : i32
    }
    %scan3A_110 = arith.constant 40 : i32
    %barrier3A_111 = arith.constant 0 : index
    tpu.barrier barrier_id(%barrier3A_111)
    %mul3A_112 = arith.constant 3125 : i32
    %mul3A_113 = arith.muli %arg1, %mul3A_112 : i32
    %mul3A_114 = arith.constant 3125 : i32
    %mul3A_115 = arith.muli %arg1, %mul3A_114 : i32
    %mul3A_116 = arith.constant 64 : i32
    %mul3A_117 = arith.muli %arg0, %mul3A_116 : i32
    %run_scoped3A_118 = arith.constant 2 : i32
    "tpu.region"() ({
      %run_scoped3A_120 = tpu.sem_alloc : memref<!tpu.dma_semaphore, #tpu.memory_space<semaphore_mem>>
      %dma_start3A_121 = tpu.memref_slice %arg6[%run_scoped3A_118, %mul3A_115, %mul3A_117] : memref<3x50000x128xbf16, #tpu.memory_space<hbm>> -> memref<1x3125x64xbf16, #tpu.memory_space<hbm>>
      %dma_start3A_122 = tpu.memref_squeeze %dma_start3A_121 : memref<1x3125x64xbf16, #tpu.memory_space<hbm>> -> memref<3125x64xbf16, #tpu.memory_space<hbm>>
      %dma_start3A_123 = arith.constant 0 : i32
      %dma_start3A_124 = tpu.memref_slice %arg12[%mul3A_113, %dma_start3A_123] : memref<50176x64xbf16, #tpu.memory_space<vmem_shared>> -> memref<3125x64xbf16, #tpu.memory_space<vmem_shared>>
      tpu.enqueue_dma source(%dma_start3A_124 : memref<3125x64xbf16, #tpu.memory_space<vmem_shared>>) target(%dma_start3A_122 : memref<3125x64xbf16, #tpu.memory_space<hbm>>) target_semaphore(%run_scoped3A_120 : memref<!tpu.dma_semaphore, #tpu.memory_space<semaphore_mem>>)
      %dma_wait3A = tpu.memref_slice %arg6[%run_scoped3A_118, %mul3A_115, %mul3A_117] : memref<3x50000x128xbf16, #tpu.memory_space<hbm>> -> memref<1x3125x64xbf16, #tpu.memory_space<hbm>>
      %dma_wait3A_125 = tpu.memref_squeeze %dma_wait3A : memref<1x3125x64xbf16, #tpu.memory_space<hbm>> -> memref<3125x64xbf16, #tpu.memory_space<hbm>>
      %dma_wait3A_126 = arith.constant 0 : i32
      %dma_wait3A_127 = tpu.memref_slice %arg12[%mul3A_113, %dma_wait3A_126] : memref<50176x64xbf16, #tpu.memory_space<vmem_shared>> -> memref<3125x64xbf16, #tpu.memory_space<vmem_shared>>
      tpu.wait_dma2 semaphore(%run_scoped3A_120 : memref<!tpu.dma_semaphore, #tpu.memory_space<semaphore_mem>>) src(%dma_wait3A_127 : memref<3125x64xbf16, #tpu.memory_space<vmem_shared>>) dst(%dma_wait3A_125 : memref<3125x64xbf16, #tpu.memory_space<hbm>>)
      tpu.yield
    }) : () -> ()
    %barrier3A_119 = arith.constant 0 : index
    tpu.barrier barrier_id(%barrier3A_119)
    return
  }
}

#map = affine_map<(d0, d1) -> (0, 0, 0, 0)>
#map1 = affine_map<(d0, d1) -> (0, 0, 0)>
module attributes {stable_mosaic.version = 14 : i64} {
  func.func @_deg_body(%arg0: i32, %arg1: i32, %arg2: memref<3x16x80x128xi32, #tpu.memory_space<hbm>>, %arg3: memref<3x16x80x128xi32, #tpu.memory_space<hbm>>, %arg4: memref<2x50176x16xf32, #tpu.memory_space<hbm>>, %arg5: memref<80x128xi32, #tpu.memory_space<vmem>>, %arg6: memref<128x16xf32, #tpu.memory_space<vmem>>, %arg7: memref<784x16xf32, #tpu.memory_space<vmem>>, %arg8: memref<50176x16xf32, #tpu.memory_space<vmem_shared>>) attributes {dimension_semantics = [#tpu.dimension_semantics<core_parallel>, #tpu.dimension_semantics<subcore_parallel>], iteration_bounds = array<i64: 2, 16>, scalar_prefetch = 0 : i64, scratch_operands = 4 : i64, tpu.core_type = #tpu.core_type<sc_vector_subcore>, window_params = [{transform_indices = #map}, {transform_indices = #map}, {transform_indices = #map1}]} {
    %broadcast_in_dim3A = arith.constant 0.000000e+00 : f32
    %broadcast_in_dim3A_0 = vector.broadcast %broadcast_in_dim3A : f32 to vector<16xf32>
    %scan3A = arith.constant 0 : i32
    %scan3A_1 = arith.constant 0 : i32
    %scan3A_2 = arith.constant 784 : i32
    %scan3A_3 = arith.addi %scan3A_1, %scan3A_2 : i32
    %scan3A_4 = arith.constant 1 : i32
    %scan3A_5 = scf.for %scan3A_45 = %scan3A_1 to %scan3A_3 step %scan3A_4 iter_args(%scan3A_46 = %scan3A) -> (i32)  : i32 {
      %swap3A = arith.index_cast %scan3A_45 : i32 to index
      %swap3A_47 = arith.constant 0 : index
      %swap3A_48 = tpu.vector_load %arg7[%swap3A, %swap3A_47] {strides = array<i32>} : memref<784x16xf32, #tpu.memory_space<vmem>>, vector<1x16xf32>,
      %swap3A_49 = vector.shape_cast %swap3A_48 : vector<1x16xf32> to vector<16xf32>
      %swap3A_50 = vector.shape_cast %broadcast_in_dim3A_0 : vector<16xf32> to vector<1x16xf32>
      tpu.vector_store %arg7[%swap3A, %swap3A_47], %swap3A_50 {strides = array<i32>} : memref<784x16xf32, #tpu.memory_space<vmem>>, vector<1x16xf32>,
      %scan3A_51 = arith.constant 0 : i32
      scf.yield %scan3A_51 : i32
    }
    %scan3A_6 = arith.constant 784 : i32
    %mul3A = arith.constant 3136 : i32
    %mul3A_7 = arith.muli %arg1, %mul3A : i32
    %add3A = arith.constant 0 : i32
    %add3A_8 = arith.addi %mul3A_7, %add3A : i32
    "tpu.region"() ({
      %run_scoped3A = tpu.sem_alloc : memref<!tpu.dma_semaphore, #tpu.memory_space<semaphore_mem>>
      %dma_start3A = arith.constant 0 : i32
      %dma_start3A_45 = tpu.memref_slice %arg8[%add3A_8, %dma_start3A] : memref<50176x16xf32, #tpu.memory_space<vmem_shared>> -> memref<784x16xf32, #tpu.memory_space<vmem_shared>>
      %dma_start3A_46 = arith.constant 0 : i32
      %dma_start3A_47 = tpu.memref_slice %arg8[%add3A_8, %dma_start3A_46] : memref<50176x16xf32, #tpu.memory_space<vmem_shared>> -> memref<784x16xf32, #tpu.memory_space<vmem_shared>>
      tpu.enqueue_dma source(%arg7 : memref<784x16xf32, #tpu.memory_space<vmem>>) target(%dma_start3A_47 : memref<784x16xf32, #tpu.memory_space<vmem_shared>>) target_semaphore(%run_scoped3A : memref<!tpu.dma_semaphore, #tpu.memory_space<semaphore_mem>>)
      %dma_wait3A = arith.constant 0 : i32
      %dma_wait3A_48 = tpu.memref_slice %arg8[%add3A_8, %dma_wait3A] : memref<50176x16xf32, #tpu.memory_space<vmem_shared>> -> memref<784x16xf32, #tpu.memory_space<vmem_shared>>
      %dma_wait3A_49 = arith.constant 0 : i32
      %dma_wait3A_50 = tpu.memref_slice %arg8[%add3A_8, %dma_wait3A_49] : memref<50176x16xf32, #tpu.memory_space<vmem_shared>> -> memref<784x16xf32, #tpu.memory_space<vmem_shared>>
      tpu.wait_dma2 semaphore(%run_scoped3A : memref<!tpu.dma_semaphore, #tpu.memory_space<semaphore_mem>>) src(%arg7 : memref<784x16xf32, #tpu.memory_space<vmem>>) dst(%dma_wait3A_50 : memref<784x16xf32, #tpu.memory_space<vmem_shared>>)
      tpu.yield
    }) : () -> ()
    %mul3A_9 = arith.constant 3136 : i32
    %mul3A_10 = arith.muli %arg1, %mul3A_9 : i32
    %add3A_11 = arith.constant 784 : i32
    %add3A_12 = arith.addi %mul3A_10, %add3A_11 : i32
    "tpu.region"() ({
      %run_scoped3A = tpu.sem_alloc : memref<!tpu.dma_semaphore, #tpu.memory_space<semaphore_mem>>
      %dma_start3A = arith.constant 0 : i32
      %dma_start3A_45 = tpu.memref_slice %arg8[%add3A_12, %dma_start3A] : memref<50176x16xf32, #tpu.memory_space<vmem_shared>> -> memref<784x16xf32, #tpu.memory_space<vmem_shared>>
      %dma_start3A_46 = arith.constant 0 : i32
      %dma_start3A_47 = tpu.memref_slice %arg8[%add3A_12, %dma_start3A_46] : memref<50176x16xf32, #tpu.memory_space<vmem_shared>> -> memref<784x16xf32, #tpu.memory_space<vmem_shared>>
      tpu.enqueue_dma source(%arg7 : memref<784x16xf32, #tpu.memory_space<vmem>>) target(%dma_start3A_47 : memref<784x16xf32, #tpu.memory_space<vmem_shared>>) target_semaphore(%run_scoped3A : memref<!tpu.dma_semaphore, #tpu.memory_space<semaphore_mem>>)
      %dma_wait3A = arith.constant 0 : i32
      %dma_wait3A_48 = tpu.memref_slice %arg8[%add3A_12, %dma_wait3A] : memref<50176x16xf32, #tpu.memory_space<vmem_shared>> -> memref<784x16xf32, #tpu.memory_space<vmem_shared>>
      %dma_wait3A_49 = arith.constant 0 : i32
      %dma_wait3A_50 = tpu.memref_slice %arg8[%add3A_12, %dma_wait3A_49] : memref<50176x16xf32, #tpu.memory_space<vmem_shared>> -> memref<784x16xf32, #tpu.memory_space<vmem_shared>>
      tpu.wait_dma2 semaphore(%run_scoped3A : memref<!tpu.dma_semaphore, #tpu.memory_space<semaphore_mem>>) src(%arg7 : memref<784x16xf32, #tpu.memory_space<vmem>>) dst(%dma_wait3A_50 : memref<784x16xf32, #tpu.memory_space<vmem_shared>>)
      tpu.yield
    }) : () -> ()
    %mul3A_13 = arith.constant 3136 : i32
    %mul3A_14 = arith.muli %arg1, %mul3A_13 : i32
    %add3A_15 = arith.constant 1568 : i32
    %add3A_16 = arith.addi %mul3A_14, %add3A_15 : i32
    "tpu.region"() ({
      %run_scoped3A = tpu.sem_alloc : memref<!tpu.dma_semaphore, #tpu.memory_space<semaphore_mem>>
      %dma_start3A = arith.constant 0 : i32
      %dma_start3A_45 = tpu.memref_slice %arg8[%add3A_16, %dma_start3A] : memref<50176x16xf32, #tpu.memory_space<vmem_shared>> -> memref<784x16xf32, #tpu.memory_space<vmem_shared>>
      %dma_start3A_46 = arith.constant 0 : i32
      %dma_start3A_47 = tpu.memref_slice %arg8[%add3A_16, %dma_start3A_46] : memref<50176x16xf32, #tpu.memory_space<vmem_shared>> -> memref<784x16xf32, #tpu.memory_space<vmem_shared>>
      tpu.enqueue_dma source(%arg7 : memref<784x16xf32, #tpu.memory_space<vmem>>) target(%dma_start3A_47 : memref<784x16xf32, #tpu.memory_space<vmem_shared>>) target_semaphore(%run_scoped3A : memref<!tpu.dma_semaphore, #tpu.memory_space<semaphore_mem>>)
      %dma_wait3A = arith.constant 0 : i32
      %dma_wait3A_48 = tpu.memref_slice %arg8[%add3A_16, %dma_wait3A] : memref<50176x16xf32, #tpu.memory_space<vmem_shared>> -> memref<784x16xf32, #tpu.memory_space<vmem_shared>>
      %dma_wait3A_49 = arith.constant 0 : i32
      %dma_wait3A_50 = tpu.memref_slice %arg8[%add3A_16, %dma_wait3A_49] : memref<50176x16xf32, #tpu.memory_space<vmem_shared>> -> memref<784x16xf32, #tpu.memory_space<vmem_shared>>
      tpu.wait_dma2 semaphore(%run_scoped3A : memref<!tpu.dma_semaphore, #tpu.memory_space<semaphore_mem>>) src(%arg7 : memref<784x16xf32, #tpu.memory_space<vmem>>) dst(%dma_wait3A_50 : memref<784x16xf32, #tpu.memory_space<vmem_shared>>)
      tpu.yield
    }) : () -> ()
    %mul3A_17 = arith.constant 3136 : i32
    %mul3A_18 = arith.muli %arg1, %mul3A_17 : i32
    %add3A_19 = arith.constant 2352 : i32
    %add3A_20 = arith.addi %mul3A_18, %add3A_19 : i32
    "tpu.region"() ({
      %run_scoped3A = tpu.sem_alloc : memref<!tpu.dma_semaphore, #tpu.memory_space<semaphore_mem>>
      %dma_start3A = arith.constant 0 : i32
      %dma_start3A_45 = tpu.memref_slice %arg8[%add3A_20, %dma_start3A] : memref<50176x16xf32, #tpu.memory_space<vmem_shared>> -> memref<784x16xf32, #tpu.memory_space<vmem_shared>>
      %dma_start3A_46 = arith.constant 0 : i32
      %dma_start3A_47 = tpu.memref_slice %arg8[%add3A_20, %dma_start3A_46] : memref<50176x16xf32, #tpu.memory_space<vmem_shared>> -> memref<784x16xf32, #tpu.memory_space<vmem_shared>>
      tpu.enqueue_dma source(%arg7 : memref<784x16xf32, #tpu.memory_space<vmem>>) target(%dma_start3A_47 : memref<784x16xf32, #tpu.memory_space<vmem_shared>>) target_semaphore(%run_scoped3A : memref<!tpu.dma_semaphore, #tpu.memory_space<semaphore_mem>>)
      %dma_wait3A = arith.constant 0 : i32
      %dma_wait3A_48 = tpu.memref_slice %arg8[%add3A_20, %dma_wait3A] : memref<50176x16xf32, #tpu.memory_space<vmem_shared>> -> memref<784x16xf32, #tpu.memory_space<vmem_shared>>
      %dma_wait3A_49 = arith.constant 0 : i32
      %dma_wait3A_50 = tpu.memref_slice %arg8[%add3A_20, %dma_wait3A_49] : memref<50176x16xf32, #tpu.memory_space<vmem_shared>> -> memref<784x16xf32, #tpu.memory_space<vmem_shared>>
      tpu.wait_dma2 semaphore(%run_scoped3A : memref<!tpu.dma_semaphore, #tpu.memory_space<semaphore_mem>>) src(%arg7 : memref<784x16xf32, #tpu.memory_space<vmem>>) dst(%dma_wait3A_50 : memref<784x16xf32, #tpu.memory_space<vmem_shared>>)
      tpu.yield
    }) : () -> ()
    %barrier3A = arith.constant 0 : index
    tpu.barrier barrier_id(%barrier3A)
    %iota3A = tpu.iota {dimensions = array<i32: 0>} : vector<16xi32>
    %eq3A = arith.constant 0 : i32
    %eq3A_21 = arith.cmpi eq, %arg0, %eq3A : i32
    %convert_element_type3A = arith.extui %eq3A_21 : i1 to i32
    %cond3A = arith.constant 0 : i32
    %cond3A_22 = arith.cmpi ne, %convert_element_type3A, %cond3A : i32
    scf.if %cond3A_22 {
      %eq3A_45 = arith.constant 0 : i32
      %eq3A_46 = vector.broadcast %eq3A_45 : i32 to vector<16xi32>
      %eq3A_47 = arith.cmpi eq, %iota3A, %eq3A_46 : vector<16xi32>
      %jit3A = arith.constant 1.000000e+00 : f32
      %jit3A_48 = arith.constant 0.000000e+00 : f32
      %broadcast_in_dim3A_49 = vector.broadcast %jit3A : f32 to vector<16xf32>
      %broadcast_in_dim3A_50 = vector.broadcast %jit3A_48 : f32 to vector<16xf32>
      %select_n3A = arith.select %eq3A_47, %broadcast_in_dim3A_49, %broadcast_in_dim3A_50 : vector<16xi1>, vector<16xf32>
      %scan3A_51 = arith.constant 0 : i32
      %scan3A_52 = arith.constant 0 : i32
      %scan3A_53 = arith.constant 128 : i32
      %scan3A_54 = arith.addi %scan3A_52, %scan3A_53 : i32
      %scan3A_55 = arith.constant 1 : i32
      %scan3A_56 = scf.for %scan3A_111 = %scan3A_52 to %scan3A_54 step %scan3A_55 iter_args(%scan3A_112 = %scan3A_51) -> (i32)  : i32 {
        %swap3A = arith.index_cast %scan3A_111 : i32 to index
        %swap3A_113 = arith.constant 0 : index
        %swap3A_114 = tpu.vector_load %arg6[%swap3A, %swap3A_113] {strides = array<i32>} : memref<128x16xf32, #tpu.memory_space<vmem>>, vector<1x16xf32>,
        %swap3A_115 = vector.shape_cast %swap3A_114 : vector<1x16xf32> to vector<16xf32>
        %swap3A_116 = vector.shape_cast %select_n3A : vector<16xf32> to vector<1x16xf32>
        tpu.vector_store %arg6[%swap3A, %swap3A_113], %swap3A_116 {strides = array<i32>} : memref<128x16xf32, #tpu.memory_space<vmem>>, vector<1x16xf32>,
        %scan3A_117 = arith.constant 0 : i32
        scf.yield %scan3A_117 : i32
      }
      %scan3A_57 = arith.constant 128 : i32
      %run_scoped3A = arith.constant 0 : i32
      "tpu.region"() ({
        %run_scoped3A_111 = tpu.sem_alloc : memref<!tpu.dma_semaphore, #tpu.memory_space<semaphore_mem>>
        %dma_start3A = arith.constant 0 : i32
        %dma_start3A_112 = arith.constant 0 : i32
        %dma_start3A_113 = tpu.memref_slice %arg2[%run_scoped3A, %arg1, %dma_start3A, %dma_start3A_112] : memref<3x16x80x128xi32, #tpu.memory_space<hbm>> -> memref<1x1x80x128xi32, #tpu.memory_space<hbm>>
        %dma_start3A_114 = tpu.memref_squeeze %dma_start3A_113 : memref<1x1x80x128xi32, #tpu.memory_space<hbm>> -> memref<80x128xi32, #tpu.memory_space<hbm>>
        %dma_start3A_115 = arith.constant 0 : i32
        %dma_start3A_116 = arith.constant 0 : i32
        %dma_start3A_117 = tpu.memref_slice %arg2[%run_scoped3A, %arg1, %dma_start3A_115, %dma_start3A_116] : memref<3x16x80x128xi32, #tpu.memory_space<hbm>> -> memref<1x1x80x128xi32, #tpu.memory_space<hbm>>
        %dma_start3A_118 = tpu.memref_squeeze %dma_start3A_117 : memref<1x1x80x128xi32, #tpu.memory_space<hbm>> -> memref<80x128xi32, #tpu.memory_space<hbm>>
        tpu.enqueue_dma source(%dma_start3A_118 : memref<80x128xi32, #tpu.memory_space<hbm>>) target(%arg5 : memref<80x128xi32, #tpu.memory_space<vmem>>) target_semaphore(%run_scoped3A_111 : memref<!tpu.dma_semaphore, #tpu.memory_space<semaphore_mem>>)
        %dma_wait3A = arith.constant 0 : i32
        %dma_wait3A_119 = arith.constant 0 : i32
        %dma_wait3A_120 = tpu.memref_slice %arg2[%run_scoped3A, %arg1, %dma_wait3A, %dma_wait3A_119] : memref<3x16x80x128xi32, #tpu.memory_space<hbm>> -> memref<1x1x80x128xi32, #tpu.memory_space<hbm>>
        %dma_wait3A_121 = tpu.memref_squeeze %dma_wait3A_120 : memref<1x1x80x128xi32, #tpu.memory_space<hbm>> -> memref<80x128xi32, #tpu.memory_space<hbm>>
        %dma_wait3A_122 = arith.constant 0 : i32
        %dma_wait3A_123 = arith.constant 0 : i32
        %dma_wait3A_124 = tpu.memref_slice %arg2[%run_scoped3A, %arg1, %dma_wait3A_122, %dma_wait3A_123] : memref<3x16x80x128xi32, #tpu.memory_space<hbm>> -> memref<1x1x80x128xi32, #tpu.memory_space<hbm>>
        %dma_wait3A_125 = tpu.memref_squeeze %dma_wait3A_124 : memref<1x1x80x128xi32, #tpu.memory_space<hbm>> -> memref<80x128xi32, #tpu.memory_space<hbm>>
        tpu.wait_dma2 semaphore(%run_scoped3A_111 : memref<!tpu.dma_semaphore, #tpu.memory_space<semaphore_mem>>) src(%dma_wait3A_125 : memref<80x128xi32, #tpu.memory_space<hbm>>) dst(%arg5 : memref<80x128xi32, #tpu.memory_space<vmem>>)
        tpu.yield
      }) : () -> ()
      %scan3A_58 = arith.constant 0 : i32
      %scan3A_59 = arith.constant 0 : i32
      %scan3A_60 = arith.constant 80 : i32
      %scan3A_61 = arith.addi %scan3A_59, %scan3A_60 : i32
      %scan3A_62 = arith.constant 1 : i32
      %scan3A_63 = scf.for %scan3A_111 = %scan3A_59 to %scan3A_61 step %scan3A_62 iter_args(%scan3A_112 = %scan3A_58) -> (i32)  : i32 {
        "tpu.region"() ({
          %run_scoped3A_114 = tpu.sem_alloc : memref<!tpu.dma_semaphore, #tpu.memory_space<semaphore_mem>>
          %dma_start3A = arith.constant 0 : i32
          %dma_start3A_115 = tpu.memref_slice %arg5[%scan3A_111, %dma_start3A] : memref<80x128xi32, #tpu.memory_space<vmem>> -> memref<1x128xi32, #tpu.memory_space<vmem>>
          %dma_start3A_116 = tpu.memref_squeeze %dma_start3A_115 : memref<1x128xi32, #tpu.memory_space<vmem>> -> memref<128xi32, #tpu.memory_space<vmem>>
          %dma_start3A_117 = arith.constant 0 : i32
          %dma_start3A_118 = arith.constant 0 : i32
          %dma_start3A_119 = tpu.memref_slice %arg8[%dma_start3A_117, %dma_start3A_118] : memref<50176x16xf32, #tpu.memory_space<vmem_shared>> -> memref<50176x16xf32, #tpu.memory_space<vmem_shared>>
          tpu.enqueue_indirect_dma source(%arg6 : memref<128x16xf32, #tpu.memory_space<vmem>>) target(%dma_start3A_119 : memref<50176x16xf32, #tpu.memory_space<vmem_shared>>) offsets(%dma_start3A_116 : memref<128xi32, #tpu.memory_space<vmem>>) semaphore(%run_scoped3A_114 : memref<!tpu.dma_semaphore, #tpu.memory_space<semaphore_mem>>) {add = true}
          %dma_wait3A = arith.constant 0 : i32
          %dma_wait3A_120 = tpu.memref_slice %arg5[%scan3A_111, %dma_wait3A] : memref<80x128xi32, #tpu.memory_space<vmem>> -> memref<1x128xi32, #tpu.memory_space<vmem>>
          %dma_wait3A_121 = tpu.memref_squeeze %dma_wait3A_120 : memref<1x128xi32, #tpu.memory_space<vmem>> -> memref<128xi32, #tpu.memory_space<vmem>>
          %dma_wait3A_122 = arith.constant 0 : i32
          %dma_wait3A_123 = arith.constant 0 : i32
          %dma_wait3A_124 = tpu.memref_slice %arg8[%dma_wait3A_122, %dma_wait3A_123] : memref<50176x16xf32, #tpu.memory_space<vmem_shared>> -> memref<50176x16xf32, #tpu.memory_space<vmem_shared>>
          tpu.wait_indirect_dma semaphore(%run_scoped3A_114 : memref<!tpu.dma_semaphore, #tpu.memory_space<semaphore_mem>>) src(%arg6 : memref<128x16xf32, #tpu.memory_space<vmem>>) dst(%dma_wait3A_124 : memref<50176x16xf32, #tpu.memory_space<vmem_shared>>)
          tpu.yield
        }) : () -> ()
        %scan3A_113 = arith.constant 0 : i32
        scf.yield %scan3A_113 : i32
      }
      %scan3A_64 = arith.constant 80 : i32
      %eq3A_65 = arith.constant 1 : i32
      %eq3A_66 = vector.broadcast %eq3A_65 : i32 to vector<16xi32>
      %eq3A_67 = arith.cmpi eq, %iota3A, %eq3A_66 : vector<16xi32>
      %jit3A_68 = arith.constant 1.000000e+00 : f32
      %jit3A_69 = arith.constant 0.000000e+00 : f32
      %broadcast_in_dim3A_70 = vector.broadcast %jit3A_68 : f32 to vector<16xf32>
      %broadcast_in_dim3A_71 = vector.broadcast %jit3A_69 : f32 to vector<16xf32>
      %select_n3A_72 = arith.select %eq3A_67, %broadcast_in_dim3A_70, %broadcast_in_dim3A_71 : vector<16xi1>, vector<16xf32>
      %scan3A_73 = arith.constant 0 : i32
      %scan3A_74 = arith.constant 0 : i32
      %scan3A_75 = arith.constant 128 : i32
      %scan3A_76 = arith.addi %scan3A_74, %scan3A_75 : i32
      %scan3A_77 = arith.constant 1 : i32
      %scan3A_78 = scf.for %scan3A_111 = %scan3A_74 to %scan3A_76 step %scan3A_77 iter_args(%scan3A_112 = %scan3A_73) -> (i32)  : i32 {
        %swap3A = arith.index_cast %scan3A_111 : i32 to index
        %swap3A_113 = arith.constant 0 : index
        %swap3A_114 = tpu.vector_load %arg6[%swap3A, %swap3A_113] {strides = array<i32>} : memref<128x16xf32, #tpu.memory_space<vmem>>, vector<1x16xf32>,
        %swap3A_115 = vector.shape_cast %swap3A_114 : vector<1x16xf32> to vector<16xf32>
        %swap3A_116 = vector.shape_cast %select_n3A_72 : vector<16xf32> to vector<1x16xf32>
        tpu.vector_store %arg6[%swap3A, %swap3A_113], %swap3A_116 {strides = array<i32>} : memref<128x16xf32, #tpu.memory_space<vmem>>, vector<1x16xf32>,
        %scan3A_117 = arith.constant 0 : i32
        scf.yield %scan3A_117 : i32
      }
      %scan3A_79 = arith.constant 128 : i32
      %run_scoped3A_80 = arith.constant 0 : i32
      "tpu.region"() ({
        %run_scoped3A_111 = tpu.sem_alloc : memref<!tpu.dma_semaphore, #tpu.memory_space<semaphore_mem>>
        %dma_start3A = arith.constant 0 : i32
        %dma_start3A_112 = arith.constant 0 : i32
        %dma_start3A_113 = tpu.memref_slice %arg3[%run_scoped3A_80, %arg1, %dma_start3A, %dma_start3A_112] : memref<3x16x80x128xi32, #tpu.memory_space<hbm>> -> memref<1x1x80x128xi32, #tpu.memory_space<hbm>>
        %dma_start3A_114 = tpu.memref_squeeze %dma_start3A_113 : memref<1x1x80x128xi32, #tpu.memory_space<hbm>> -> memref<80x128xi32, #tpu.memory_space<hbm>>
        %dma_start3A_115 = arith.constant 0 : i32
        %dma_start3A_116 = arith.constant 0 : i32
        %dma_start3A_117 = tpu.memref_slice %arg3[%run_scoped3A_80, %arg1, %dma_start3A_115, %dma_start3A_116] : memref<3x16x80x128xi32, #tpu.memory_space<hbm>> -> memref<1x1x80x128xi32, #tpu.memory_space<hbm>>
        %dma_start3A_118 = tpu.memref_squeeze %dma_start3A_117 : memref<1x1x80x128xi32, #tpu.memory_space<hbm>> -> memref<80x128xi32, #tpu.memory_space<hbm>>
        tpu.enqueue_dma source(%dma_start3A_118 : memref<80x128xi32, #tpu.memory_space<hbm>>) target(%arg5 : memref<80x128xi32, #tpu.memory_space<vmem>>) target_semaphore(%run_scoped3A_111 : memref<!tpu.dma_semaphore, #tpu.memory_space<semaphore_mem>>)
        %dma_wait3A = arith.constant 0 : i32
        %dma_wait3A_119 = arith.constant 0 : i32
        %dma_wait3A_120 = tpu.memref_slice %arg3[%run_scoped3A_80, %arg1, %dma_wait3A, %dma_wait3A_119] : memref<3x16x80x128xi32, #tpu.memory_space<hbm>> -> memref<1x1x80x128xi32, #tpu.memory_space<hbm>>
        %dma_wait3A_121 = tpu.memref_squeeze %dma_wait3A_120 : memref<1x1x80x128xi32, #tpu.memory_space<hbm>> -> memref<80x128xi32, #tpu.memory_space<hbm>>
        %dma_wait3A_122 = arith.constant 0 : i32
        %dma_wait3A_123 = arith.constant 0 : i32
        %dma_wait3A_124 = tpu.memref_slice %arg3[%run_scoped3A_80, %arg1, %dma_wait3A_122, %dma_wait3A_123] : memref<3x16x80x128xi32, #tpu.memory_space<hbm>> -> memref<1x1x80x128xi32, #tpu.memory_space<hbm>>
        %dma_wait3A_125 = tpu.memref_squeeze %dma_wait3A_124 : memref<1x1x80x128xi32, #tpu.memory_space<hbm>> -> memref<80x128xi32, #tpu.memory_space<hbm>>
        tpu.wait_dma2 semaphore(%run_scoped3A_111 : memref<!tpu.dma_semaphore, #tpu.memory_space<semaphore_mem>>) src(%dma_wait3A_125 : memref<80x128xi32, #tpu.memory_space<hbm>>) dst(%arg5 : memref<80x128xi32, #tpu.memory_space<vmem>>)
        tpu.yield
      }) : () -> ()
      %scan3A_81 = arith.constant 0 : i32
      %scan3A_82 = arith.constant 0 : i32
      %scan3A_83 = arith.constant 80 : i32
      %scan3A_84 = arith.addi %scan3A_82, %scan3A_83 : i32
      %scan3A_85 = arith.constant 1 : i32
      %scan3A_86 = scf.for %scan3A_111 = %scan3A_82 to %scan3A_84 step %scan3A_85 iter_args(%scan3A_112 = %scan3A_81) -> (i32)  : i32 {
        "tpu.region"() ({
          %run_scoped3A_114 = tpu.sem_alloc : memref<!tpu.dma_semaphore, #tpu.memory_space<semaphore_mem>>
          %dma_start3A = arith.constant 0 : i32
          %dma_start3A_115 = tpu.memref_slice %arg5[%scan3A_111, %dma_start3A] : memref<80x128xi32, #tpu.memory_space<vmem>> -> memref<1x128xi32, #tpu.memory_space<vmem>>
          %dma_start3A_116 = tpu.memref_squeeze %dma_start3A_115 : memref<1x128xi32, #tpu.memory_space<vmem>> -> memref<128xi32, #tpu.memory_space<vmem>>
          %dma_start3A_117 = arith.constant 0 : i32
          %dma_start3A_118 = arith.constant 0 : i32
          %dma_start3A_119 = tpu.memref_slice %arg8[%dma_start3A_117, %dma_start3A_118] : memref<50176x16xf32, #tpu.memory_space<vmem_shared>> -> memref<50176x16xf32, #tpu.memory_space<vmem_shared>>
          tpu.enqueue_indirect_dma source(%arg6 : memref<128x16xf32, #tpu.memory_space<vmem>>) target(%dma_start3A_119 : memref<50176x16xf32, #tpu.memory_space<vmem_shared>>) offsets(%dma_start3A_116 : memref<128xi32, #tpu.memory_space<vmem>>) semaphore(%run_scoped3A_114 : memref<!tpu.dma_semaphore, #tpu.memory_space<semaphore_mem>>) {add = true}
          %dma_wait3A = arith.constant 0 : i32
          %dma_wait3A_120 = tpu.memref_slice %arg5[%scan3A_111, %dma_wait3A] : memref<80x128xi32, #tpu.memory_space<vmem>> -> memref<1x128xi32, #tpu.memory_space<vmem>>
          %dma_wait3A_121 = tpu.memref_squeeze %dma_wait3A_120 : memref<1x128xi32, #tpu.memory_space<vmem>> -> memref<128xi32, #tpu.memory_space<vmem>>
          %dma_wait3A_122 = arith.constant 0 : i32
          %dma_wait3A_123 = arith.constant 0 : i32
          %dma_wait3A_124 = tpu.memref_slice %arg8[%dma_wait3A_122, %dma_wait3A_123] : memref<50176x16xf32, #tpu.memory_space<vmem_shared>> -> memref<50176x16xf32, #tpu.memory_space<vmem_shared>>
          tpu.wait_indirect_dma semaphore(%run_scoped3A_114 : memref<!tpu.dma_semaphore, #tpu.memory_space<semaphore_mem>>) src(%arg6 : memref<128x16xf32, #tpu.memory_space<vmem>>) dst(%dma_wait3A_124 : memref<50176x16xf32, #tpu.memory_space<vmem_shared>>)
          tpu.yield
        }) : () -> ()
        %scan3A_113 = arith.constant 0 : i32
        scf.yield %scan3A_113 : i32
      }
      %scan3A_87 = arith.constant 80 : i32
      %eq3A_88 = arith.constant 2 : i32
      %eq3A_89 = vector.broadcast %eq3A_88 : i32 to vector<16xi32>
      %eq3A_90 = arith.cmpi eq, %iota3A, %eq3A_89 : vector<16xi32>
      %jit3A_91 = arith.constant 1.000000e+00 : f32
      %jit3A_92 = arith.constant 0.000000e+00 : f32
      %broadcast_in_dim3A_93 = vector.broadcast %jit3A_91 : f32 to vector<16xf32>
      %broadcast_in_dim3A_94 = vector.broadcast %jit3A_92 : f32 to vector<16xf32>
      %select_n3A_95 = arith.select %eq3A_90, %broadcast_in_dim3A_93, %broadcast_in_dim3A_94 : vector<16xi1>, vector<16xf32>
      %scan3A_96 = arith.constant 0 : i32
      %scan3A_97 = arith.constant 0 : i32
      %scan3A_98 = arith.constant 128 : i32
      %scan3A_99 = arith.addi %scan3A_97, %scan3A_98 : i32
      %scan3A_100 = arith.constant 1 : i32
      %scan3A_101 = scf.for %scan3A_111 = %scan3A_97 to %scan3A_99 step %scan3A_100 iter_args(%scan3A_112 = %scan3A_96) -> (i32)  : i32 {
        %swap3A = arith.index_cast %scan3A_111 : i32 to index
        %swap3A_113 = arith.constant 0 : index
        %swap3A_114 = tpu.vector_load %arg6[%swap3A, %swap3A_113] {strides = array<i32>} : memref<128x16xf32, #tpu.memory_space<vmem>>, vector<1x16xf32>,
        %swap3A_115 = vector.shape_cast %swap3A_114 : vector<1x16xf32> to vector<16xf32>
        %swap3A_116 = vector.shape_cast %select_n3A_95 : vector<16xf32> to vector<1x16xf32>
        tpu.vector_store %arg6[%swap3A, %swap3A_113], %swap3A_116 {strides = array<i32>} : memref<128x16xf32, #tpu.memory_space<vmem>>, vector<1x16xf32>,
        %scan3A_117 = arith.constant 0 : i32
        scf.yield %scan3A_117 : i32
      }
      %scan3A_102 = arith.constant 128 : i32
      %run_scoped3A_103 = arith.constant 1 : i32
      "tpu.region"() ({
        %run_scoped3A_111 = tpu.sem_alloc : memref<!tpu.dma_semaphore, #tpu.memory_space<semaphore_mem>>
        %dma_start3A = arith.constant 0 : i32
        %dma_start3A_112 = arith.constant 0 : i32
        %dma_start3A_113 = tpu.memref_slice %arg2[%run_scoped3A_103, %arg1, %dma_start3A, %dma_start3A_112] : memref<3x16x80x128xi32, #tpu.memory_space<hbm>> -> memref<1x1x80x128xi32, #tpu.memory_space<hbm>>
        %dma_start3A_114 = tpu.memref_squeeze %dma_start3A_113 : memref<1x1x80x128xi32, #tpu.memory_space<hbm>> -> memref<80x128xi32, #tpu.memory_space<hbm>>
        %dma_start3A_115 = arith.constant 0 : i32
        %dma_start3A_116 = arith.constant 0 : i32
        %dma_start3A_117 = tpu.memref_slice %arg2[%run_scoped3A_103, %arg1, %dma_start3A_115, %dma_start3A_116] : memref<3x16x80x128xi32, #tpu.memory_space<hbm>> -> memref<1x1x80x128xi32, #tpu.memory_space<hbm>>
        %dma_start3A_118 = tpu.memref_squeeze %dma_start3A_117 : memref<1x1x80x128xi32, #tpu.memory_space<hbm>> -> memref<80x128xi32, #tpu.memory_space<hbm>>
        tpu.enqueue_dma source(%dma_start3A_118 : memref<80x128xi32, #tpu.memory_space<hbm>>) target(%arg5 : memref<80x128xi32, #tpu.memory_space<vmem>>) target_semaphore(%run_scoped3A_111 : memref<!tpu.dma_semaphore, #tpu.memory_space<semaphore_mem>>)
        %dma_wait3A = arith.constant 0 : i32
        %dma_wait3A_119 = arith.constant 0 : i32
        %dma_wait3A_120 = tpu.memref_slice %arg2[%run_scoped3A_103, %arg1, %dma_wait3A, %dma_wait3A_119] : memref<3x16x80x128xi32, #tpu.memory_space<hbm>> -> memref<1x1x80x128xi32, #tpu.memory_space<hbm>>
        %dma_wait3A_121 = tpu.memref_squeeze %dma_wait3A_120 : memref<1x1x80x128xi32, #tpu.memory_space<hbm>> -> memref<80x128xi32, #tpu.memory_space<hbm>>
        %dma_wait3A_122 = arith.constant 0 : i32
        %dma_wait3A_123 = arith.constant 0 : i32
        %dma_wait3A_124 = tpu.memref_slice %arg2[%run_scoped3A_103, %arg1, %dma_wait3A_122, %dma_wait3A_123] : memref<3x16x80x128xi32, #tpu.memory_space<hbm>> -> memref<1x1x80x128xi32, #tpu.memory_space<hbm>>
        %dma_wait3A_125 = tpu.memref_squeeze %dma_wait3A_124 : memref<1x1x80x128xi32, #tpu.memory_space<hbm>> -> memref<80x128xi32, #tpu.memory_space<hbm>>
        tpu.wait_dma2 semaphore(%run_scoped3A_111 : memref<!tpu.dma_semaphore, #tpu.memory_space<semaphore_mem>>) src(%dma_wait3A_125 : memref<80x128xi32, #tpu.memory_space<hbm>>) dst(%arg5 : memref<80x128xi32, #tpu.memory_space<vmem>>)
        tpu.yield
      }) : () -> ()
      %scan3A_104 = arith.constant 0 : i32
      %scan3A_105 = arith.constant 0 : i32
      %scan3A_106 = arith.constant 80 : i32
      %scan3A_107 = arith.addi %scan3A_105, %scan3A_106 : i32
      %scan3A_108 = arith.constant 1 : i32
      %scan3A_109 = scf.for %scan3A_111 = %scan3A_105 to %scan3A_107 step %scan3A_108 iter_args(%scan3A_112 = %scan3A_104) -> (i32)  : i32 {
        "tpu.region"() ({
          %run_scoped3A_114 = tpu.sem_alloc : memref<!tpu.dma_semaphore, #tpu.memory_space<semaphore_mem>>
          %dma_start3A = arith.constant 0 : i32
          %dma_start3A_115 = tpu.memref_slice %arg5[%scan3A_111, %dma_start3A] : memref<80x128xi32, #tpu.memory_space<vmem>> -> memref<1x128xi32, #tpu.memory_space<vmem>>
          %dma_start3A_116 = tpu.memref_squeeze %dma_start3A_115 : memref<1x128xi32, #tpu.memory_space<vmem>> -> memref<128xi32, #tpu.memory_space<vmem>>
          %dma_start3A_117 = arith.constant 0 : i32
          %dma_start3A_118 = arith.constant 0 : i32
          %dma_start3A_119 = tpu.memref_slice %arg8[%dma_start3A_117, %dma_start3A_118] : memref<50176x16xf32, #tpu.memory_space<vmem_shared>> -> memref<50176x16xf32, #tpu.memory_space<vmem_shared>>
          tpu.enqueue_indirect_dma source(%arg6 : memref<128x16xf32, #tpu.memory_space<vmem>>) target(%dma_start3A_119 : memref<50176x16xf32, #tpu.memory_space<vmem_shared>>) offsets(%dma_start3A_116 : memref<128xi32, #tpu.memory_space<vmem>>) semaphore(%run_scoped3A_114 : memref<!tpu.dma_semaphore, #tpu.memory_space<semaphore_mem>>) {add = true}
          %dma_wait3A = arith.constant 0 : i32
          %dma_wait3A_120 = tpu.memref_slice %arg5[%scan3A_111, %dma_wait3A] : memref<80x128xi32, #tpu.memory_space<vmem>> -> memref<1x128xi32, #tpu.memory_space<vmem>>
          %dma_wait3A_121 = tpu.memref_squeeze %dma_wait3A_120 : memref<1x128xi32, #tpu.memory_space<vmem>> -> memref<128xi32, #tpu.memory_space<vmem>>
          %dma_wait3A_122 = arith.constant 0 : i32
          %dma_wait3A_123 = arith.constant 0 : i32
          %dma_wait3A_124 = tpu.memref_slice %arg8[%dma_wait3A_122, %dma_wait3A_123] : memref<50176x16xf32, #tpu.memory_space<vmem_shared>> -> memref<50176x16xf32, #tpu.memory_space<vmem_shared>>
          tpu.wait_indirect_dma semaphore(%run_scoped3A_114 : memref<!tpu.dma_semaphore, #tpu.memory_space<semaphore_mem>>) src(%arg6 : memref<128x16xf32, #tpu.memory_space<vmem>>) dst(%dma_wait3A_124 : memref<50176x16xf32, #tpu.memory_space<vmem_shared>>)
          tpu.yield
        }) : () -> ()
        %scan3A_113 = arith.constant 0 : i32
        scf.yield %scan3A_113 : i32
      }
      %scan3A_110 = arith.constant 80 : i32
    } else {
    }
    %eq3A_23 = arith.constant 1 : i32
    %eq3A_24 = arith.cmpi eq, %arg0, %eq3A_23 : i32
    %convert_element_type3A_25 = arith.extui %eq3A_24 : i1 to i32
    %cond3A_26 = arith.constant 0 : i32
    %cond3A_27 = arith.cmpi ne, %convert_element_type3A_25, %cond3A_26 : i32
    scf.if %cond3A_27 {
      %eq3A_45 = arith.constant 3 : i32
      %eq3A_46 = vector.broadcast %eq3A_45 : i32 to vector<16xi32>
      %eq3A_47 = arith.cmpi eq, %iota3A, %eq3A_46 : vector<16xi32>
      %jit3A = arith.constant 1.000000e+00 : f32
      %jit3A_48 = arith.constant 0.000000e+00 : f32
      %broadcast_in_dim3A_49 = vector.broadcast %jit3A : f32 to vector<16xf32>
      %broadcast_in_dim3A_50 = vector.broadcast %jit3A_48 : f32 to vector<16xf32>
      %select_n3A = arith.select %eq3A_47, %broadcast_in_dim3A_49, %broadcast_in_dim3A_50 : vector<16xi1>, vector<16xf32>
      %scan3A_51 = arith.constant 0 : i32
      %scan3A_52 = arith.constant 0 : i32
      %scan3A_53 = arith.constant 128 : i32
      %scan3A_54 = arith.addi %scan3A_52, %scan3A_53 : i32
      %scan3A_55 = arith.constant 1 : i32
      %scan3A_56 = scf.for %scan3A_111 = %scan3A_52 to %scan3A_54 step %scan3A_55 iter_args(%scan3A_112 = %scan3A_51) -> (i32)  : i32 {
        %swap3A = arith.index_cast %scan3A_111 : i32 to index
        %swap3A_113 = arith.constant 0 : index
        %swap3A_114 = tpu.vector_load %arg6[%swap3A, %swap3A_113] {strides = array<i32>} : memref<128x16xf32, #tpu.memory_space<vmem>>, vector<1x16xf32>,
        %swap3A_115 = vector.shape_cast %swap3A_114 : vector<1x16xf32> to vector<16xf32>
        %swap3A_116 = vector.shape_cast %select_n3A : vector<16xf32> to vector<1x16xf32>
        tpu.vector_store %arg6[%swap3A, %swap3A_113], %swap3A_116 {strides = array<i32>} : memref<128x16xf32, #tpu.memory_space<vmem>>, vector<1x16xf32>,
        %scan3A_117 = arith.constant 0 : i32
        scf.yield %scan3A_117 : i32
      }
      %scan3A_57 = arith.constant 128 : i32
      %run_scoped3A = arith.constant 1 : i32
      "tpu.region"() ({
        %run_scoped3A_111 = tpu.sem_alloc : memref<!tpu.dma_semaphore, #tpu.memory_space<semaphore_mem>>
        %dma_start3A = arith.constant 0 : i32
        %dma_start3A_112 = arith.constant 0 : i32
        %dma_start3A_113 = tpu.memref_slice %arg3[%run_scoped3A, %arg1, %dma_start3A, %dma_start3A_112] : memref<3x16x80x128xi32, #tpu.memory_space<hbm>> -> memref<1x1x80x128xi32, #tpu.memory_space<hbm>>
        %dma_start3A_114 = tpu.memref_squeeze %dma_start3A_113 : memref<1x1x80x128xi32, #tpu.memory_space<hbm>> -> memref<80x128xi32, #tpu.memory_space<hbm>>
        %dma_start3A_115 = arith.constant 0 : i32
        %dma_start3A_116 = arith.constant 0 : i32
        %dma_start3A_117 = tpu.memref_slice %arg3[%run_scoped3A, %arg1, %dma_start3A_115, %dma_start3A_116] : memref<3x16x80x128xi32, #tpu.memory_space<hbm>> -> memref<1x1x80x128xi32, #tpu.memory_space<hbm>>
        %dma_start3A_118 = tpu.memref_squeeze %dma_start3A_117 : memref<1x1x80x128xi32, #tpu.memory_space<hbm>> -> memref<80x128xi32, #tpu.memory_space<hbm>>
        tpu.enqueue_dma source(%dma_start3A_118 : memref<80x128xi32, #tpu.memory_space<hbm>>) target(%arg5 : memref<80x128xi32, #tpu.memory_space<vmem>>) target_semaphore(%run_scoped3A_111 : memref<!tpu.dma_semaphore, #tpu.memory_space<semaphore_mem>>)
        %dma_wait3A = arith.constant 0 : i32
        %dma_wait3A_119 = arith.constant 0 : i32
        %dma_wait3A_120 = tpu.memref_slice %arg3[%run_scoped3A, %arg1, %dma_wait3A, %dma_wait3A_119] : memref<3x16x80x128xi32, #tpu.memory_space<hbm>> -> memref<1x1x80x128xi32, #tpu.memory_space<hbm>>
        %dma_wait3A_121 = tpu.memref_squeeze %dma_wait3A_120 : memref<1x1x80x128xi32, #tpu.memory_space<hbm>> -> memref<80x128xi32, #tpu.memory_space<hbm>>
        %dma_wait3A_122 = arith.constant 0 : i32
        %dma_wait3A_123 = arith.constant 0 : i32
        %dma_wait3A_124 = tpu.memref_slice %arg3[%run_scoped3A, %arg1, %dma_wait3A_122, %dma_wait3A_123] : memref<3x16x80x128xi32, #tpu.memory_space<hbm>> -> memref<1x1x80x128xi32, #tpu.memory_space<hbm>>
        %dma_wait3A_125 = tpu.memref_squeeze %dma_wait3A_124 : memref<1x1x80x128xi32, #tpu.memory_space<hbm>> -> memref<80x128xi32, #tpu.memory_space<hbm>>
        tpu.wait_dma2 semaphore(%run_scoped3A_111 : memref<!tpu.dma_semaphore, #tpu.memory_space<semaphore_mem>>) src(%dma_wait3A_125 : memref<80x128xi32, #tpu.memory_space<hbm>>) dst(%arg5 : memref<80x128xi32, #tpu.memory_space<vmem>>)
        tpu.yield
      }) : () -> ()
      %scan3A_58 = arith.constant 0 : i32
      %scan3A_59 = arith.constant 0 : i32
      %scan3A_60 = arith.constant 80 : i32
      %scan3A_61 = arith.addi %scan3A_59, %scan3A_60 : i32
      %scan3A_62 = arith.constant 1 : i32
      %scan3A_63 = scf.for %scan3A_111 = %scan3A_59 to %scan3A_61 step %scan3A_62 iter_args(%scan3A_112 = %scan3A_58) -> (i32)  : i32 {
        "tpu.region"() ({
          %run_scoped3A_114 = tpu.sem_alloc : memref<!tpu.dma_semaphore, #tpu.memory_space<semaphore_mem>>
          %dma_start3A = arith.constant 0 : i32
          %dma_start3A_115 = tpu.memref_slice %arg5[%scan3A_111, %dma_start3A] : memref<80x128xi32, #tpu.memory_space<vmem>> -> memref<1x128xi32, #tpu.memory_space<vmem>>
          %dma_start3A_116 = tpu.memref_squeeze %dma_start3A_115 : memref<1x128xi32, #tpu.memory_space<vmem>> -> memref<128xi32, #tpu.memory_space<vmem>>
          %dma_start3A_117 = arith.constant 0 : i32
          %dma_start3A_118 = arith.constant 0 : i32
          %dma_start3A_119 = tpu.memref_slice %arg8[%dma_start3A_117, %dma_start3A_118] : memref<50176x16xf32, #tpu.memory_space<vmem_shared>> -> memref<50176x16xf32, #tpu.memory_space<vmem_shared>>
          tpu.enqueue_indirect_dma source(%arg6 : memref<128x16xf32, #tpu.memory_space<vmem>>) target(%dma_start3A_119 : memref<50176x16xf32, #tpu.memory_space<vmem_shared>>) offsets(%dma_start3A_116 : memref<128xi32, #tpu.memory_space<vmem>>) semaphore(%run_scoped3A_114 : memref<!tpu.dma_semaphore, #tpu.memory_space<semaphore_mem>>) {add = true}
          %dma_wait3A = arith.constant 0 : i32
          %dma_wait3A_120 = tpu.memref_slice %arg5[%scan3A_111, %dma_wait3A] : memref<80x128xi32, #tpu.memory_space<vmem>> -> memref<1x128xi32, #tpu.memory_space<vmem>>
          %dma_wait3A_121 = tpu.memref_squeeze %dma_wait3A_120 : memref<1x128xi32, #tpu.memory_space<vmem>> -> memref<128xi32, #tpu.memory_space<vmem>>
          %dma_wait3A_122 = arith.constant 0 : i32
          %dma_wait3A_123 = arith.constant 0 : i32
          %dma_wait3A_124 = tpu.memref_slice %arg8[%dma_wait3A_122, %dma_wait3A_123] : memref<50176x16xf32, #tpu.memory_space<vmem_shared>> -> memref<50176x16xf32, #tpu.memory_space<vmem_shared>>
          tpu.wait_indirect_dma semaphore(%run_scoped3A_114 : memref<!tpu.dma_semaphore, #tpu.memory_space<semaphore_mem>>) src(%arg6 : memref<128x16xf32, #tpu.memory_space<vmem>>) dst(%dma_wait3A_124 : memref<50176x16xf32, #tpu.memory_space<vmem_shared>>)
          tpu.yield
        }) : () -> ()
        %scan3A_113 = arith.constant 0 : i32
        scf.yield %scan3A_113 : i32
      }
      %scan3A_64 = arith.constant 80 : i32
      %eq3A_65 = arith.constant 4 : i32
      %eq3A_66 = vector.broadcast %eq3A_65 : i32 to vector<16xi32>
      %eq3A_67 = arith.cmpi eq, %iota3A, %eq3A_66 : vector<16xi32>
      %jit3A_68 = arith.constant 1.000000e+00 : f32
      %jit3A_69 = arith.constant 0.000000e+00 : f32
      %broadcast_in_dim3A_70 = vector.broadcast %jit3A_68 : f32 to vector<16xf32>
      %broadcast_in_dim3A_71 = vector.broadcast %jit3A_69 : f32 to vector<16xf32>
      %select_n3A_72 = arith.select %eq3A_67, %broadcast_in_dim3A_70, %broadcast_in_dim3A_71 : vector<16xi1>, vector<16xf32>
      %scan3A_73 = arith.constant 0 : i32
      %scan3A_74 = arith.constant 0 : i32
      %scan3A_75 = arith.constant 128 : i32
      %scan3A_76 = arith.addi %scan3A_74, %scan3A_75 : i32
      %scan3A_77 = arith.constant 1 : i32
      %scan3A_78 = scf.for %scan3A_111 = %scan3A_74 to %scan3A_76 step %scan3A_77 iter_args(%scan3A_112 = %scan3A_73) -> (i32)  : i32 {
        %swap3A = arith.index_cast %scan3A_111 : i32 to index
        %swap3A_113 = arith.constant 0 : index
        %swap3A_114 = tpu.vector_load %arg6[%swap3A, %swap3A_113] {strides = array<i32>} : memref<128x16xf32, #tpu.memory_space<vmem>>, vector<1x16xf32>,
        %swap3A_115 = vector.shape_cast %swap3A_114 : vector<1x16xf32> to vector<16xf32>
        %swap3A_116 = vector.shape_cast %select_n3A_72 : vector<16xf32> to vector<1x16xf32>
        tpu.vector_store %arg6[%swap3A, %swap3A_113], %swap3A_116 {strides = array<i32>} : memref<128x16xf32, #tpu.memory_space<vmem>>, vector<1x16xf32>,
        %scan3A_117 = arith.constant 0 : i32
        scf.yield %scan3A_117 : i32
      }
      %scan3A_79 = arith.constant 128 : i32
      %run_scoped3A_80 = arith.constant 2 : i32
      "tpu.region"() ({
        %run_scoped3A_111 = tpu.sem_alloc : memref<!tpu.dma_semaphore, #tpu.memory_space<semaphore_mem>>
        %dma_start3A = arith.constant 0 : i32
        %dma_start3A_112 = arith.constant 0 : i32
        %dma_start3A_113 = tpu.memref_slice %arg2[%run_scoped3A_80, %arg1, %dma_start3A, %dma_start3A_112] : memref<3x16x80x128xi32, #tpu.memory_space<hbm>> -> memref<1x1x80x128xi32, #tpu.memory_space<hbm>>
        %dma_start3A_114 = tpu.memref_squeeze %dma_start3A_113 : memref<1x1x80x128xi32, #tpu.memory_space<hbm>> -> memref<80x128xi32, #tpu.memory_space<hbm>>
        %dma_start3A_115 = arith.constant 0 : i32
        %dma_start3A_116 = arith.constant 0 : i32
        %dma_start3A_117 = tpu.memref_slice %arg2[%run_scoped3A_80, %arg1, %dma_start3A_115, %dma_start3A_116] : memref<3x16x80x128xi32, #tpu.memory_space<hbm>> -> memref<1x1x80x128xi32, #tpu.memory_space<hbm>>
        %dma_start3A_118 = tpu.memref_squeeze %dma_start3A_117 : memref<1x1x80x128xi32, #tpu.memory_space<hbm>> -> memref<80x128xi32, #tpu.memory_space<hbm>>
        tpu.enqueue_dma source(%dma_start3A_118 : memref<80x128xi32, #tpu.memory_space<hbm>>) target(%arg5 : memref<80x128xi32, #tpu.memory_space<vmem>>) target_semaphore(%run_scoped3A_111 : memref<!tpu.dma_semaphore, #tpu.memory_space<semaphore_mem>>)
        %dma_wait3A = arith.constant 0 : i32
        %dma_wait3A_119 = arith.constant 0 : i32
        %dma_wait3A_120 = tpu.memref_slice %arg2[%run_scoped3A_80, %arg1, %dma_wait3A, %dma_wait3A_119] : memref<3x16x80x128xi32, #tpu.memory_space<hbm>> -> memref<1x1x80x128xi32, #tpu.memory_space<hbm>>
        %dma_wait3A_121 = tpu.memref_squeeze %dma_wait3A_120 : memref<1x1x80x128xi32, #tpu.memory_space<hbm>> -> memref<80x128xi32, #tpu.memory_space<hbm>>
        %dma_wait3A_122 = arith.constant 0 : i32
        %dma_wait3A_123 = arith.constant 0 : i32
        %dma_wait3A_124 = tpu.memref_slice %arg2[%run_scoped3A_80, %arg1, %dma_wait3A_122, %dma_wait3A_123] : memref<3x16x80x128xi32, #tpu.memory_space<hbm>> -> memref<1x1x80x128xi32, #tpu.memory_space<hbm>>
        %dma_wait3A_125 = tpu.memref_squeeze %dma_wait3A_124 : memref<1x1x80x128xi32, #tpu.memory_space<hbm>> -> memref<80x128xi32, #tpu.memory_space<hbm>>
        tpu.wait_dma2 semaphore(%run_scoped3A_111 : memref<!tpu.dma_semaphore, #tpu.memory_space<semaphore_mem>>) src(%dma_wait3A_125 : memref<80x128xi32, #tpu.memory_space<hbm>>) dst(%arg5 : memref<80x128xi32, #tpu.memory_space<vmem>>)
        tpu.yield
      }) : () -> ()
      %scan3A_81 = arith.constant 0 : i32
      %scan3A_82 = arith.constant 0 : i32
      %scan3A_83 = arith.constant 80 : i32
      %scan3A_84 = arith.addi %scan3A_82, %scan3A_83 : i32
      %scan3A_85 = arith.constant 1 : i32
      %scan3A_86 = scf.for %scan3A_111 = %scan3A_82 to %scan3A_84 step %scan3A_85 iter_args(%scan3A_112 = %scan3A_81) -> (i32)  : i32 {
        "tpu.region"() ({
          %run_scoped3A_114 = tpu.sem_alloc : memref<!tpu.dma_semaphore, #tpu.memory_space<semaphore_mem>>
          %dma_start3A = arith.constant 0 : i32
          %dma_start3A_115 = tpu.memref_slice %arg5[%scan3A_111, %dma_start3A] : memref<80x128xi32, #tpu.memory_space<vmem>> -> memref<1x128xi32, #tpu.memory_space<vmem>>
          %dma_start3A_116 = tpu.memref_squeeze %dma_start3A_115 : memref<1x128xi32, #tpu.memory_space<vmem>> -> memref<128xi32, #tpu.memory_space<vmem>>
          %dma_start3A_117 = arith.constant 0 : i32
          %dma_start3A_118 = arith.constant 0 : i32
          %dma_start3A_119 = tpu.memref_slice %arg8[%dma_start3A_117, %dma_start3A_118] : memref<50176x16xf32, #tpu.memory_space<vmem_shared>> -> memref<50176x16xf32, #tpu.memory_space<vmem_shared>>
          tpu.enqueue_indirect_dma source(%arg6 : memref<128x16xf32, #tpu.memory_space<vmem>>) target(%dma_start3A_119 : memref<50176x16xf32, #tpu.memory_space<vmem_shared>>) offsets(%dma_start3A_116 : memref<128xi32, #tpu.memory_space<vmem>>) semaphore(%run_scoped3A_114 : memref<!tpu.dma_semaphore, #tpu.memory_space<semaphore_mem>>) {add = true}
          %dma_wait3A = arith.constant 0 : i32
          %dma_wait3A_120 = tpu.memref_slice %arg5[%scan3A_111, %dma_wait3A] : memref<80x128xi32, #tpu.memory_space<vmem>> -> memref<1x128xi32, #tpu.memory_space<vmem>>
          %dma_wait3A_121 = tpu.memref_squeeze %dma_wait3A_120 : memref<1x128xi32, #tpu.memory_space<vmem>> -> memref<128xi32, #tpu.memory_space<vmem>>
          %dma_wait3A_122 = arith.constant 0 : i32
          %dma_wait3A_123 = arith.constant 0 : i32
          %dma_wait3A_124 = tpu.memref_slice %arg8[%dma_wait3A_122, %dma_wait3A_123] : memref<50176x16xf32, #tpu.memory_space<vmem_shared>> -> memref<50176x16xf32, #tpu.memory_space<vmem_shared>>
          tpu.wait_indirect_dma semaphore(%run_scoped3A_114 : memref<!tpu.dma_semaphore, #tpu.memory_space<semaphore_mem>>) src(%arg6 : memref<128x16xf32, #tpu.memory_space<vmem>>) dst(%dma_wait3A_124 : memref<50176x16xf32, #tpu.memory_space<vmem_shared>>)
          tpu.yield
        }) : () -> ()
        %scan3A_113 = arith.constant 0 : i32
        scf.yield %scan3A_113 : i32
      }
      %scan3A_87 = arith.constant 80 : i32
      %eq3A_88 = arith.constant 5 : i32
      %eq3A_89 = vector.broadcast %eq3A_88 : i32 to vector<16xi32>
      %eq3A_90 = arith.cmpi eq, %iota3A, %eq3A_89 : vector<16xi32>
      %jit3A_91 = arith.constant 1.000000e+00 : f32
      %jit3A_92 = arith.constant 0.000000e+00 : f32
      %broadcast_in_dim3A_93 = vector.broadcast %jit3A_91 : f32 to vector<16xf32>
      %broadcast_in_dim3A_94 = vector.broadcast %jit3A_92 : f32 to vector<16xf32>
      %select_n3A_95 = arith.select %eq3A_90, %broadcast_in_dim3A_93, %broadcast_in_dim3A_94 : vector<16xi1>, vector<16xf32>
      %scan3A_96 = arith.constant 0 : i32
      %scan3A_97 = arith.constant 0 : i32
      %scan3A_98 = arith.constant 128 : i32
      %scan3A_99 = arith.addi %scan3A_97, %scan3A_98 : i32
      %scan3A_100 = arith.constant 1 : i32
      %scan3A_101 = scf.for %scan3A_111 = %scan3A_97 to %scan3A_99 step %scan3A_100 iter_args(%scan3A_112 = %scan3A_96) -> (i32)  : i32 {
        %swap3A = arith.index_cast %scan3A_111 : i32 to index
        %swap3A_113 = arith.constant 0 : index
        %swap3A_114 = tpu.vector_load %arg6[%swap3A, %swap3A_113] {strides = array<i32>} : memref<128x16xf32, #tpu.memory_space<vmem>>, vector<1x16xf32>,
        %swap3A_115 = vector.shape_cast %swap3A_114 : vector<1x16xf32> to vector<16xf32>
        %swap3A_116 = vector.shape_cast %select_n3A_95 : vector<16xf32> to vector<1x16xf32>
        tpu.vector_store %arg6[%swap3A, %swap3A_113], %swap3A_116 {strides = array<i32>} : memref<128x16xf32, #tpu.memory_space<vmem>>, vector<1x16xf32>,
        %scan3A_117 = arith.constant 0 : i32
        scf.yield %scan3A_117 : i32
      }
      %scan3A_102 = arith.constant 128 : i32
      %run_scoped3A_103 = arith.constant 2 : i32
      "tpu.region"() ({
        %run_scoped3A_111 = tpu.sem_alloc : memref<!tpu.dma_semaphore, #tpu.memory_space<semaphore_mem>>
        %dma_start3A = arith.constant 0 : i32
        %dma_start3A_112 = arith.constant 0 : i32
        %dma_start3A_113 = tpu.memref_slice %arg3[%run_scoped3A_103, %arg1, %dma_start3A, %dma_start3A_112] : memref<3x16x80x128xi32, #tpu.memory_space<hbm>> -> memref<1x1x80x128xi32, #tpu.memory_space<hbm>>
        %dma_start3A_114 = tpu.memref_squeeze %dma_start3A_113 : memref<1x1x80x128xi32, #tpu.memory_space<hbm>> -> memref<80x128xi32, #tpu.memory_space<hbm>>
        %dma_start3A_115 = arith.constant 0 : i32
        %dma_start3A_116 = arith.constant 0 : i32
        %dma_start3A_117 = tpu.memref_slice %arg3[%run_scoped3A_103, %arg1, %dma_start3A_115, %dma_start3A_116] : memref<3x16x80x128xi32, #tpu.memory_space<hbm>> -> memref<1x1x80x128xi32, #tpu.memory_space<hbm>>
        %dma_start3A_118 = tpu.memref_squeeze %dma_start3A_117 : memref<1x1x80x128xi32, #tpu.memory_space<hbm>> -> memref<80x128xi32, #tpu.memory_space<hbm>>
        tpu.enqueue_dma source(%dma_start3A_118 : memref<80x128xi32, #tpu.memory_space<hbm>>) target(%arg5 : memref<80x128xi32, #tpu.memory_space<vmem>>) target_semaphore(%run_scoped3A_111 : memref<!tpu.dma_semaphore, #tpu.memory_space<semaphore_mem>>)
        %dma_wait3A = arith.constant 0 : i32
        %dma_wait3A_119 = arith.constant 0 : i32
        %dma_wait3A_120 = tpu.memref_slice %arg3[%run_scoped3A_103, %arg1, %dma_wait3A, %dma_wait3A_119] : memref<3x16x80x128xi32, #tpu.memory_space<hbm>> -> memref<1x1x80x128xi32, #tpu.memory_space<hbm>>
        %dma_wait3A_121 = tpu.memref_squeeze %dma_wait3A_120 : memref<1x1x80x128xi32, #tpu.memory_space<hbm>> -> memref<80x128xi32, #tpu.memory_space<hbm>>
        %dma_wait3A_122 = arith.constant 0 : i32
        %dma_wait3A_123 = arith.constant 0 : i32
        %dma_wait3A_124 = tpu.memref_slice %arg3[%run_scoped3A_103, %arg1, %dma_wait3A_122, %dma_wait3A_123] : memref<3x16x80x128xi32, #tpu.memory_space<hbm>> -> memref<1x1x80x128xi32, #tpu.memory_space<hbm>>
        %dma_wait3A_125 = tpu.memref_squeeze %dma_wait3A_124 : memref<1x1x80x128xi32, #tpu.memory_space<hbm>> -> memref<80x128xi32, #tpu.memory_space<hbm>>
        tpu.wait_dma2 semaphore(%run_scoped3A_111 : memref<!tpu.dma_semaphore, #tpu.memory_space<semaphore_mem>>) src(%dma_wait3A_125 : memref<80x128xi32, #tpu.memory_space<hbm>>) dst(%arg5 : memref<80x128xi32, #tpu.memory_space<vmem>>)
        tpu.yield
      }) : () -> ()
      %scan3A_104 = arith.constant 0 : i32
      %scan3A_105 = arith.constant 0 : i32
      %scan3A_106 = arith.constant 80 : i32
      %scan3A_107 = arith.addi %scan3A_105, %scan3A_106 : i32
      %scan3A_108 = arith.constant 1 : i32
      %scan3A_109 = scf.for %scan3A_111 = %scan3A_105 to %scan3A_107 step %scan3A_108 iter_args(%scan3A_112 = %scan3A_104) -> (i32)  : i32 {
        "tpu.region"() ({
          %run_scoped3A_114 = tpu.sem_alloc : memref<!tpu.dma_semaphore, #tpu.memory_space<semaphore_mem>>
          %dma_start3A = arith.constant 0 : i32
          %dma_start3A_115 = tpu.memref_slice %arg5[%scan3A_111, %dma_start3A] : memref<80x128xi32, #tpu.memory_space<vmem>> -> memref<1x128xi32, #tpu.memory_space<vmem>>
          %dma_start3A_116 = tpu.memref_squeeze %dma_start3A_115 : memref<1x128xi32, #tpu.memory_space<vmem>> -> memref<128xi32, #tpu.memory_space<vmem>>
          %dma_start3A_117 = arith.constant 0 : i32
          %dma_start3A_118 = arith.constant 0 : i32
          %dma_start3A_119 = tpu.memref_slice %arg8[%dma_start3A_117, %dma_start3A_118] : memref<50176x16xf32, #tpu.memory_space<vmem_shared>> -> memref<50176x16xf32, #tpu.memory_space<vmem_shared>>
          tpu.enqueue_indirect_dma source(%arg6 : memref<128x16xf32, #tpu.memory_space<vmem>>) target(%dma_start3A_119 : memref<50176x16xf32, #tpu.memory_space<vmem_shared>>) offsets(%dma_start3A_116 : memref<128xi32, #tpu.memory_space<vmem>>) semaphore(%run_scoped3A_114 : memref<!tpu.dma_semaphore, #tpu.memory_space<semaphore_mem>>) {add = true}
          %dma_wait3A = arith.constant 0 : i32
          %dma_wait3A_120 = tpu.memref_slice %arg5[%scan3A_111, %dma_wait3A] : memref<80x128xi32, #tpu.memory_space<vmem>> -> memref<1x128xi32, #tpu.memory_space<vmem>>
          %dma_wait3A_121 = tpu.memref_squeeze %dma_wait3A_120 : memref<1x128xi32, #tpu.memory_space<vmem>> -> memref<128xi32, #tpu.memory_space<vmem>>
          %dma_wait3A_122 = arith.constant 0 : i32
          %dma_wait3A_123 = arith.constant 0 : i32
          %dma_wait3A_124 = tpu.memref_slice %arg8[%dma_wait3A_122, %dma_wait3A_123] : memref<50176x16xf32, #tpu.memory_space<vmem_shared>> -> memref<50176x16xf32, #tpu.memory_space<vmem_shared>>
          tpu.wait_indirect_dma semaphore(%run_scoped3A_114 : memref<!tpu.dma_semaphore, #tpu.memory_space<semaphore_mem>>) src(%arg6 : memref<128x16xf32, #tpu.memory_space<vmem>>) dst(%dma_wait3A_124 : memref<50176x16xf32, #tpu.memory_space<vmem_shared>>)
          tpu.yield
        }) : () -> ()
        %scan3A_113 = arith.constant 0 : i32
        scf.yield %scan3A_113 : i32
      }
      %scan3A_110 = arith.constant 80 : i32
    } else {
    }
    %barrier3A_28 = arith.constant 0 : index
    tpu.barrier barrier_id(%barrier3A_28)
    %mul3A_29 = arith.constant 3136 : i32
    %mul3A_30 = arith.muli %arg1, %mul3A_29 : i32
    %add3A_31 = arith.constant 0 : i32
    %add3A_32 = arith.addi %mul3A_30, %add3A_31 : i32
    "tpu.region"() ({
      %run_scoped3A = tpu.sem_alloc : memref<!tpu.dma_semaphore, #tpu.memory_space<semaphore_mem>>
      %dma_start3A = arith.constant 0 : i32
      %dma_start3A_45 = tpu.memref_slice %arg8[%add3A_32, %dma_start3A] : memref<50176x16xf32, #tpu.memory_space<vmem_shared>> -> memref<784x16xf32, #tpu.memory_space<vmem_shared>>
      %dma_start3A_46 = arith.constant 0 : i32
      %dma_start3A_47 = tpu.memref_slice %arg8[%add3A_32, %dma_start3A_46] : memref<50176x16xf32, #tpu.memory_space<vmem_shared>> -> memref<784x16xf32, #tpu.memory_space<vmem_shared>>
      tpu.enqueue_dma source(%dma_start3A_47 : memref<784x16xf32, #tpu.memory_space<vmem_shared>>) target(%arg7 : memref<784x16xf32, #tpu.memory_space<vmem>>) target_semaphore(%run_scoped3A : memref<!tpu.dma_semaphore, #tpu.memory_space<semaphore_mem>>)
      %dma_wait3A = arith.constant 0 : i32
      %dma_wait3A_48 = tpu.memref_slice %arg8[%add3A_32, %dma_wait3A] : memref<50176x16xf32, #tpu.memory_space<vmem_shared>> -> memref<784x16xf32, #tpu.memory_space<vmem_shared>>
      %dma_wait3A_49 = arith.constant 0 : i32
      %dma_wait3A_50 = tpu.memref_slice %arg8[%add3A_32, %dma_wait3A_49] : memref<50176x16xf32, #tpu.memory_space<vmem_shared>> -> memref<784x16xf32, #tpu.memory_space<vmem_shared>>
      tpu.wait_dma2 semaphore(%run_scoped3A : memref<!tpu.dma_semaphore, #tpu.memory_space<semaphore_mem>>) src(%dma_wait3A_50 : memref<784x16xf32, #tpu.memory_space<vmem_shared>>) dst(%arg7 : memref<784x16xf32, #tpu.memory_space<vmem>>)
      tpu.yield
    }) : () -> ()
    "tpu.region"() ({
      %run_scoped3A = tpu.sem_alloc : memref<!tpu.dma_semaphore, #tpu.memory_space<semaphore_mem>>
      %dma_start3A = arith.constant 0 : i32
      %dma_start3A_45 = tpu.memref_slice %arg4[%arg0, %add3A_32, %dma_start3A] : memref<2x50176x16xf32, #tpu.memory_space<hbm>> -> memref<1x784x16xf32, #tpu.memory_space<hbm>>
      %dma_start3A_46 = tpu.memref_squeeze %dma_start3A_45 : memref<1x784x16xf32, #tpu.memory_space<hbm>> -> memref<784x16xf32, #tpu.memory_space<hbm>>
      %dma_start3A_47 = arith.constant 0 : i32
      %dma_start3A_48 = tpu.memref_slice %arg4[%arg0, %add3A_32, %dma_start3A_47] : memref<2x50176x16xf32, #tpu.memory_space<hbm>> -> memref<1x784x16xf32, #tpu.memory_space<hbm>>
      %dma_start3A_49 = tpu.memref_squeeze %dma_start3A_48 : memref<1x784x16xf32, #tpu.memory_space<hbm>> -> memref<784x16xf32, #tpu.memory_space<hbm>>
      tpu.enqueue_dma source(%arg7 : memref<784x16xf32, #tpu.memory_space<vmem>>) target(%dma_start3A_49 : memref<784x16xf32, #tpu.memory_space<hbm>>) target_semaphore(%run_scoped3A : memref<!tpu.dma_semaphore, #tpu.memory_space<semaphore_mem>>)
      %dma_wait3A = arith.constant 0 : i32
      %dma_wait3A_50 = tpu.memref_slice %arg4[%arg0, %add3A_32, %dma_wait3A] : memref<2x50176x16xf32, #tpu.memory_space<hbm>> -> memref<1x784x16xf32, #tpu.memory_space<hbm>>
      %dma_wait3A_51 = tpu.memref_squeeze %dma_wait3A_50 : memref<1x784x16xf32, #tpu.memory_space<hbm>> -> memref<784x16xf32, #tpu.memory_space<hbm>>
      %dma_wait3A_52 = arith.constant 0 : i32
      %dma_wait3A_53 = tpu.memref_slice %arg4[%arg0, %add3A_32, %dma_wait3A_52] : memref<2x50176x16xf32, #tpu.memory_space<hbm>> -> memref<1x784x16xf32, #tpu.memory_space<hbm>>
      %dma_wait3A_54 = tpu.memref_squeeze %dma_wait3A_53 : memref<1x784x16xf32, #tpu.memory_space<hbm>> -> memref<784x16xf32, #tpu.memory_space<hbm>>
      tpu.wait_dma2 semaphore(%run_scoped3A : memref<!tpu.dma_semaphore, #tpu.memory_space<semaphore_mem>>) src(%arg7 : memref<784x16xf32, #tpu.memory_space<vmem>>) dst(%dma_wait3A_54 : memref<784x16xf32, #tpu.memory_space<hbm>>)
      tpu.yield
    }) : () -> ()
    %mul3A_33 = arith.constant 3136 : i32
    %mul3A_34 = arith.muli %arg1, %mul3A_33 : i32
    %add3A_35 = arith.constant 784 : i32
    %add3A_36 = arith.addi %mul3A_34, %add3A_35 : i32
    "tpu.region"() ({
      %run_scoped3A = tpu.sem_alloc : memref<!tpu.dma_semaphore, #tpu.memory_space<semaphore_mem>>
      %dma_start3A = arith.constant 0 : i32
      %dma_start3A_45 = tpu.memref_slice %arg8[%add3A_36, %dma_start3A] : memref<50176x16xf32, #tpu.memory_space<vmem_shared>> -> memref<784x16xf32, #tpu.memory_space<vmem_shared>>
      %dma_start3A_46 = arith.constant 0 : i32
      %dma_start3A_47 = tpu.memref_slice %arg8[%add3A_36, %dma_start3A_46] : memref<50176x16xf32, #tpu.memory_space<vmem_shared>> -> memref<784x16xf32, #tpu.memory_space<vmem_shared>>
      tpu.enqueue_dma source(%dma_start3A_47 : memref<784x16xf32, #tpu.memory_space<vmem_shared>>) target(%arg7 : memref<784x16xf32, #tpu.memory_space<vmem>>) target_semaphore(%run_scoped3A : memref<!tpu.dma_semaphore, #tpu.memory_space<semaphore_mem>>)
      %dma_wait3A = arith.constant 0 : i32
      %dma_wait3A_48 = tpu.memref_slice %arg8[%add3A_36, %dma_wait3A] : memref<50176x16xf32, #tpu.memory_space<vmem_shared>> -> memref<784x16xf32, #tpu.memory_space<vmem_shared>>
      %dma_wait3A_49 = arith.constant 0 : i32
      %dma_wait3A_50 = tpu.memref_slice %arg8[%add3A_36, %dma_wait3A_49] : memref<50176x16xf32, #tpu.memory_space<vmem_shared>> -> memref<784x16xf32, #tpu.memory_space<vmem_shared>>
      tpu.wait_dma2 semaphore(%run_scoped3A : memref<!tpu.dma_semaphore, #tpu.memory_space<semaphore_mem>>) src(%dma_wait3A_50 : memref<784x16xf32, #tpu.memory_space<vmem_shared>>) dst(%arg7 : memref<784x16xf32, #tpu.memory_space<vmem>>)
      tpu.yield
    }) : () -> ()
    "tpu.region"() ({
      %run_scoped3A = tpu.sem_alloc : memref<!tpu.dma_semaphore, #tpu.memory_space<semaphore_mem>>
      %dma_start3A = arith.constant 0 : i32
      %dma_start3A_45 = tpu.memref_slice %arg4[%arg0, %add3A_36, %dma_start3A] : memref<2x50176x16xf32, #tpu.memory_space<hbm>> -> memref<1x784x16xf32, #tpu.memory_space<hbm>>
      %dma_start3A_46 = tpu.memref_squeeze %dma_start3A_45 : memref<1x784x16xf32, #tpu.memory_space<hbm>> -> memref<784x16xf32, #tpu.memory_space<hbm>>
      %dma_start3A_47 = arith.constant 0 : i32
      %dma_start3A_48 = tpu.memref_slice %arg4[%arg0, %add3A_36, %dma_start3A_47] : memref<2x50176x16xf32, #tpu.memory_space<hbm>> -> memref<1x784x16xf32, #tpu.memory_space<hbm>>
      %dma_start3A_49 = tpu.memref_squeeze %dma_start3A_48 : memref<1x784x16xf32, #tpu.memory_space<hbm>> -> memref<784x16xf32, #tpu.memory_space<hbm>>
      tpu.enqueue_dma source(%arg7 : memref<784x16xf32, #tpu.memory_space<vmem>>) target(%dma_start3A_49 : memref<784x16xf32, #tpu.memory_space<hbm>>) target_semaphore(%run_scoped3A : memref<!tpu.dma_semaphore, #tpu.memory_space<semaphore_mem>>)
      %dma_wait3A = arith.constant 0 : i32
      %dma_wait3A_50 = tpu.memref_slice %arg4[%arg0, %add3A_36, %dma_wait3A] : memref<2x50176x16xf32, #tpu.memory_space<hbm>> -> memref<1x784x16xf32, #tpu.memory_space<hbm>>
      %dma_wait3A_51 = tpu.memref_squeeze %dma_wait3A_50 : memref<1x784x16xf32, #tpu.memory_space<hbm>> -> memref<784x16xf32, #tpu.memory_space<hbm>>
      %dma_wait3A_52 = arith.constant 0 : i32
      %dma_wait3A_53 = tpu.memref_slice %arg4[%arg0, %add3A_36, %dma_wait3A_52] : memref<2x50176x16xf32, #tpu.memory_space<hbm>> -> memref<1x784x16xf32, #tpu.memory_space<hbm>>
      %dma_wait3A_54 = tpu.memref_squeeze %dma_wait3A_53 : memref<1x784x16xf32, #tpu.memory_space<hbm>> -> memref<784x16xf32, #tpu.memory_space<hbm>>
      tpu.wait_dma2 semaphore(%run_scoped3A : memref<!tpu.dma_semaphore, #tpu.memory_space<semaphore_mem>>) src(%arg7 : memref<784x16xf32, #tpu.memory_space<vmem>>) dst(%dma_wait3A_54 : memref<784x16xf32, #tpu.memory_space<hbm>>)
      tpu.yield
    }) : () -> ()
    %mul3A_37 = arith.constant 3136 : i32
    %mul3A_38 = arith.muli %arg1, %mul3A_37 : i32
    %add3A_39 = arith.constant 1568 : i32
    %add3A_40 = arith.addi %mul3A_38, %add3A_39 : i32
    "tpu.region"() ({
      %run_scoped3A = tpu.sem_alloc : memref<!tpu.dma_semaphore, #tpu.memory_space<semaphore_mem>>
      %dma_start3A = arith.constant 0 : i32
      %dma_start3A_45 = tpu.memref_slice %arg8[%add3A_40, %dma_start3A] : memref<50176x16xf32, #tpu.memory_space<vmem_shared>> -> memref<784x16xf32, #tpu.memory_space<vmem_shared>>
      %dma_start3A_46 = arith.constant 0 : i32
      %dma_start3A_47 = tpu.memref_slice %arg8[%add3A_40, %dma_start3A_46] : memref<50176x16xf32, #tpu.memory_space<vmem_shared>> -> memref<784x16xf32, #tpu.memory_space<vmem_shared>>
      tpu.enqueue_dma source(%dma_start3A_47 : memref<784x16xf32, #tpu.memory_space<vmem_shared>>) target(%arg7 : memref<784x16xf32, #tpu.memory_space<vmem>>) target_semaphore(%run_scoped3A : memref<!tpu.dma_semaphore, #tpu.memory_space<semaphore_mem>>)
      %dma_wait3A = arith.constant 0 : i32
      %dma_wait3A_48 = tpu.memref_slice %arg8[%add3A_40, %dma_wait3A] : memref<50176x16xf32, #tpu.memory_space<vmem_shared>> -> memref<784x16xf32, #tpu.memory_space<vmem_shared>>
      %dma_wait3A_49 = arith.constant 0 : i32
      %dma_wait3A_50 = tpu.memref_slice %arg8[%add3A_40, %dma_wait3A_49] : memref<50176x16xf32, #tpu.memory_space<vmem_shared>> -> memref<784x16xf32, #tpu.memory_space<vmem_shared>>
      tpu.wait_dma2 semaphore(%run_scoped3A : memref<!tpu.dma_semaphore, #tpu.memory_space<semaphore_mem>>) src(%dma_wait3A_50 : memref<784x16xf32, #tpu.memory_space<vmem_shared>>) dst(%arg7 : memref<784x16xf32, #tpu.memory_space<vmem>>)
      tpu.yield
    }) : () -> ()
    "tpu.region"() ({
      %run_scoped3A = tpu.sem_alloc : memref<!tpu.dma_semaphore, #tpu.memory_space<semaphore_mem>>
      %dma_start3A = arith.constant 0 : i32
      %dma_start3A_45 = tpu.memref_slice %arg4[%arg0, %add3A_40, %dma_start3A] : memref<2x50176x16xf32, #tpu.memory_space<hbm>> -> memref<1x784x16xf32, #tpu.memory_space<hbm>>
      %dma_start3A_46 = tpu.memref_squeeze %dma_start3A_45 : memref<1x784x16xf32, #tpu.memory_space<hbm>> -> memref<784x16xf32, #tpu.memory_space<hbm>>
      %dma_start3A_47 = arith.constant 0 : i32
      %dma_start3A_48 = tpu.memref_slice %arg4[%arg0, %add3A_40, %dma_start3A_47] : memref<2x50176x16xf32, #tpu.memory_space<hbm>> -> memref<1x784x16xf32, #tpu.memory_space<hbm>>
      %dma_start3A_49 = tpu.memref_squeeze %dma_start3A_48 : memref<1x784x16xf32, #tpu.memory_space<hbm>> -> memref<784x16xf32, #tpu.memory_space<hbm>>
      tpu.enqueue_dma source(%arg7 : memref<784x16xf32, #tpu.memory_space<vmem>>) target(%dma_start3A_49 : memref<784x16xf32, #tpu.memory_space<hbm>>) target_semaphore(%run_scoped3A : memref<!tpu.dma_semaphore, #tpu.memory_space<semaphore_mem>>)
      %dma_wait3A = arith.constant 0 : i32
      %dma_wait3A_50 = tpu.memref_slice %arg4[%arg0, %add3A_40, %dma_wait3A] : memref<2x50176x16xf32, #tpu.memory_space<hbm>> -> memref<1x784x16xf32, #tpu.memory_space<hbm>>
      %dma_wait3A_51 = tpu.memref_squeeze %dma_wait3A_50 : memref<1x784x16xf32, #tpu.memory_space<hbm>> -> memref<784x16xf32, #tpu.memory_space<hbm>>
      %dma_wait3A_52 = arith.constant 0 : i32
      %dma_wait3A_53 = tpu.memref_slice %arg4[%arg0, %add3A_40, %dma_wait3A_52] : memref<2x50176x16xf32, #tpu.memory_space<hbm>> -> memref<1x784x16xf32, #tpu.memory_space<hbm>>
      %dma_wait3A_54 = tpu.memref_squeeze %dma_wait3A_53 : memref<1x784x16xf32, #tpu.memory_space<hbm>> -> memref<784x16xf32, #tpu.memory_space<hbm>>
      tpu.wait_dma2 semaphore(%run_scoped3A : memref<!tpu.dma_semaphore, #tpu.memory_space<semaphore_mem>>) src(%arg7 : memref<784x16xf32, #tpu.memory_space<vmem>>) dst(%dma_wait3A_54 : memref<784x16xf32, #tpu.memory_space<hbm>>)
      tpu.yield
    }) : () -> ()
    %mul3A_41 = arith.constant 3136 : i32
    %mul3A_42 = arith.muli %arg1, %mul3A_41 : i32
    %add3A_43 = arith.constant 2352 : i32
    %add3A_44 = arith.addi %mul3A_42, %add3A_43 : i32
    "tpu.region"() ({
      %run_scoped3A = tpu.sem_alloc : memref<!tpu.dma_semaphore, #tpu.memory_space<semaphore_mem>>
      %dma_start3A = arith.constant 0 : i32
      %dma_start3A_45 = tpu.memref_slice %arg8[%add3A_44, %dma_start3A] : memref<50176x16xf32, #tpu.memory_space<vmem_shared>> -> memref<784x16xf32, #tpu.memory_space<vmem_shared>>
      %dma_start3A_46 = arith.constant 0 : i32
      %dma_start3A_47 = tpu.memref_slice %arg8[%add3A_44, %dma_start3A_46] : memref<50176x16xf32, #tpu.memory_space<vmem_shared>> -> memref<784x16xf32, #tpu.memory_space<vmem_shared>>
      tpu.enqueue_dma source(%dma_start3A_47 : memref<784x16xf32, #tpu.memory_space<vmem_shared>>) target(%arg7 : memref<784x16xf32, #tpu.memory_space<vmem>>) target_semaphore(%run_scoped3A : memref<!tpu.dma_semaphore, #tpu.memory_space<semaphore_mem>>)
      %dma_wait3A = arith.constant 0 : i32
      %dma_wait3A_48 = tpu.memref_slice %arg8[%add3A_44, %dma_wait3A] : memref<50176x16xf32, #tpu.memory_space<vmem_shared>> -> memref<784x16xf32, #tpu.memory_space<vmem_shared>>
      %dma_wait3A_49 = arith.constant 0 : i32
      %dma_wait3A_50 = tpu.memref_slice %arg8[%add3A_44, %dma_wait3A_49] : memref<50176x16xf32, #tpu.memory_space<vmem_shared>> -> memref<784x16xf32, #tpu.memory_space<vmem_shared>>
      tpu.wait_dma2 semaphore(%run_scoped3A : memref<!tpu.dma_semaphore, #tpu.memory_space<semaphore_mem>>) src(%dma_wait3A_50 : memref<784x16xf32, #tpu.memory_space<vmem_shared>>) dst(%arg7 : memref<784x16xf32, #tpu.memory_space<vmem>>)
      tpu.yield
    }) : () -> ()
    "tpu.region"() ({
      %run_scoped3A = tpu.sem_alloc : memref<!tpu.dma_semaphore, #tpu.memory_space<semaphore_mem>>
      %dma_start3A = arith.constant 0 : i32
      %dma_start3A_45 = tpu.memref_slice %arg4[%arg0, %add3A_44, %dma_start3A] : memref<2x50176x16xf32, #tpu.memory_space<hbm>> -> memref<1x784x16xf32, #tpu.memory_space<hbm>>
      %dma_start3A_46 = tpu.memref_squeeze %dma_start3A_45 : memref<1x784x16xf32, #tpu.memory_space<hbm>> -> memref<784x16xf32, #tpu.memory_space<hbm>>
      %dma_start3A_47 = arith.constant 0 : i32
      %dma_start3A_48 = tpu.memref_slice %arg4[%arg0, %add3A_44, %dma_start3A_47] : memref<2x50176x16xf32, #tpu.memory_space<hbm>> -> memref<1x784x16xf32, #tpu.memory_space<hbm>>
      %dma_start3A_49 = tpu.memref_squeeze %dma_start3A_48 : memref<1x784x16xf32, #tpu.memory_space<hbm>> -> memref<784x16xf32, #tpu.memory_space<hbm>>
      tpu.enqueue_dma source(%arg7 : memref<784x16xf32, #tpu.memory_space<vmem>>) target(%dma_start3A_49 : memref<784x16xf32, #tpu.memory_space<hbm>>) target_semaphore(%run_scoped3A : memref<!tpu.dma_semaphore, #tpu.memory_space<semaphore_mem>>)
      %dma_wait3A = arith.constant 0 : i32
      %dma_wait3A_50 = tpu.memref_slice %arg4[%arg0, %add3A_44, %dma_wait3A] : memref<2x50176x16xf32, #tpu.memory_space<hbm>> -> memref<1x784x16xf32, #tpu.memory_space<hbm>>
      %dma_wait3A_51 = tpu.memref_squeeze %dma_wait3A_50 : memref<1x784x16xf32, #tpu.memory_space<hbm>> -> memref<784x16xf32, #tpu.memory_space<hbm>>
      %dma_wait3A_52 = arith.constant 0 : i32
      %dma_wait3A_53 = tpu.memref_slice %arg4[%arg0, %add3A_44, %dma_wait3A_52] : memref<2x50176x16xf32, #tpu.memory_space<hbm>> -> memref<1x784x16xf32, #tpu.memory_space<hbm>>
      %dma_wait3A_54 = tpu.memref_squeeze %dma_wait3A_53 : memref<1x784x16xf32, #tpu.memory_space<hbm>> -> memref<784x16xf32, #tpu.memory_space<hbm>>
      tpu.wait_dma2 semaphore(%run_scoped3A : memref<!tpu.dma_semaphore, #tpu.memory_space<semaphore_mem>>) src(%arg7 : memref<784x16xf32, #tpu.memory_space<vmem>>) dst(%dma_wait3A_54 : memref<784x16xf32, #tpu.memory_space<hbm>>)
      tpu.yield
    }) : () -> ()
    return
  }
}

#map = affine_map<(d0, d1) -> (0, 0)>
#map1 = affine_map<(d0, d1) -> (0, 0, 0, 0)>
#map2 = affine_map<(d0, d1) -> (0, 0, 0)>
module attributes {stable_mosaic.version = 14 : i64} {
  func.func @_agg_body(%arg0: i32, %arg1: i32, %arg2: memref<300000x64xbf16, #tpu.memory_space<hbm>>, %arg3: memref<3x16x80x128xi32, #tpu.memory_space<hbm>>, %arg4: memref<3x16x80x128xi32, #tpu.memory_space<hbm>>, %arg5: memref<64x64xbf16, #tpu.memory_space<hbm>>, %arg6: memref<3x50000x128xbf16, #tpu.memory_space<hbm>>, %arg7: memref<80x128xi32, #tpu.memory_space<vmem>>, %arg8: memref<80x128xi32, #tpu.memory_space<vmem>>, %arg9: memref<128x64xbf16, #tpu.memory_space<vmem>>, %arg10: memref<128x64xbf16, #tpu.memory_space<vmem>>, %arg11: memref<64x64xbf16, #tpu.memory_space<vmem>>, %arg12: memref<50176x64xbf16, #tpu.memory_space<vmem_shared>>, %arg13: memref<!tpu.dma_semaphore, #tpu.memory_space<semaphore_mem>>, %arg14: memref<!tpu.dma_semaphore, #tpu.memory_space<semaphore_mem>>) attributes {dimension_semantics = [#tpu.dimension_semantics<core_parallel>, #tpu.dimension_semantics<subcore_parallel>], iteration_bounds = array<i64: 2, 16>, scalar_prefetch = 0 : i64, scratch_operands = 8 : i64, tpu.core_type = #tpu.core_type<sc_vector_subcore>, window_params = [{transform_indices = #map}, {transform_indices = #map1}, {transform_indices = #map1}, {transform_indices = #map}, {transform_indices = #map2}]} {
    "tpu.region"() ({
      %run_scoped3A_120 = tpu.sem_alloc : memref<!tpu.dma_semaphore, #tpu.memory_space<semaphore_mem>>
      tpu.enqueue_dma source(%arg5 : memref<64x64xbf16, #tpu.memory_space<hbm>>) target(%arg11 : memref<64x64xbf16, #tpu.memory_space<vmem>>) target_semaphore(%run_scoped3A_120 : memref<!tpu.dma_semaphore, #tpu.memory_space<semaphore_mem>>)
      tpu.wait_dma2 semaphore(%run_scoped3A_120 : memref<!tpu.dma_semaphore, #tpu.memory_space<semaphore_mem>>) src(%arg5 : memref<64x64xbf16, #tpu.memory_space<hbm>>) dst(%arg11 : memref<64x64xbf16, #tpu.memory_space<vmem>>)
      tpu.yield
    }) : () -> ()
    %scan3A = arith.constant 0 : i32
    %scan3A_0 = arith.constant 0 : i32
    %scan3A_1 = arith.constant 49 : i32
    %scan3A_2 = arith.addi %scan3A_0, %scan3A_1 : i32
    %scan3A_3 = arith.constant 1 : i32
    %scan3A_4 = scf.for %scan3A_120 = %scan3A_0 to %scan3A_2 step %scan3A_3 iter_args(%scan3A_121 = %scan3A) -> (i32)  : i32 {
      %mul3A_122 = arith.constant 3136 : i32
      %mul3A_123 = arith.muli %arg1, %mul3A_122 : i32
      %mul3A_124 = arith.constant 64 : i32
      %mul3A_125 = arith.muli %scan3A_120, %mul3A_124 : i32
      %add3A_126 = arith.addi %mul3A_123, %mul3A_125 : i32
      "tpu.region"() ({
        %run_scoped3A_128 = tpu.sem_alloc : memref<!tpu.dma_semaphore, #tpu.memory_space<semaphore_mem>>
        %dma_start3A_129 = arith.constant 0 : i32
        %dma_start3A_130 = tpu.memref_slice %arg12[%add3A_126, %dma_start3A_129] : memref<50176x64xbf16, #tpu.memory_space<vmem_shared>> -> memref<64x64xbf16, #tpu.memory_space<vmem_shared>>
        %dma_start3A_131 = arith.constant 0 : i32
        %dma_start3A_132 = tpu.memref_slice %arg12[%add3A_126, %dma_start3A_131] : memref<50176x64xbf16, #tpu.memory_space<vmem_shared>> -> memref<64x64xbf16, #tpu.memory_space<vmem_shared>>
        tpu.enqueue_dma source(%arg11 : memref<64x64xbf16, #tpu.memory_space<vmem>>) target(%dma_start3A_132 : memref<64x64xbf16, #tpu.memory_space<vmem_shared>>) target_semaphore(%run_scoped3A_128 : memref<!tpu.dma_semaphore, #tpu.memory_space<semaphore_mem>>)
        %dma_wait3A = arith.constant 0 : i32
        %dma_wait3A_133 = tpu.memref_slice %arg12[%add3A_126, %dma_wait3A] : memref<50176x64xbf16, #tpu.memory_space<vmem_shared>> -> memref<64x64xbf16, #tpu.memory_space<vmem_shared>>
        %dma_wait3A_134 = arith.constant 0 : i32
        %dma_wait3A_135 = tpu.memref_slice %arg12[%add3A_126, %dma_wait3A_134] : memref<50176x64xbf16, #tpu.memory_space<vmem_shared>> -> memref<64x64xbf16, #tpu.memory_space<vmem_shared>>
        tpu.wait_dma2 semaphore(%run_scoped3A_128 : memref<!tpu.dma_semaphore, #tpu.memory_space<semaphore_mem>>) src(%arg11 : memref<64x64xbf16, #tpu.memory_space<vmem>>) dst(%dma_wait3A_135 : memref<64x64xbf16, #tpu.memory_space<vmem_shared>>)
        tpu.yield
      }) : () -> ()
      %scan3A_127 = arith.constant 0 : i32
      scf.yield %scan3A_127 : i32
    }
    %scan3A_5 = arith.constant 49 : i32
    %barrier3A = arith.constant 0 : index
    tpu.barrier barrier_id(%barrier3A)
    %run_scoped3A = arith.constant 0 : i32
    "tpu.region"() ({
      %run_scoped3A_120 = tpu.sem_alloc : memref<!tpu.dma_semaphore, #tpu.memory_space<semaphore_mem>>
      %dma_start3A_121 = arith.constant 0 : i32
      %dma_start3A_122 = arith.constant 0 : i32
      %dma_start3A_123 = tpu.memref_slice %arg3[%run_scoped3A, %arg1, %dma_start3A_121, %dma_start3A_122] : memref<3x16x80x128xi32, #tpu.memory_space<hbm>> -> memref<1x1x80x128xi32, #tpu.memory_space<hbm>>
      %dma_start3A_124 = tpu.memref_squeeze %dma_start3A_123 : memref<1x1x80x128xi32, #tpu.memory_space<hbm>> -> memref<80x128xi32, #tpu.memory_space<hbm>>
      %dma_start3A_125 = arith.constant 0 : i32
      %dma_start3A_126 = arith.constant 0 : i32
      %dma_start3A_127 = tpu.memref_slice %arg3[%run_scoped3A, %arg1, %dma_start3A_125, %dma_start3A_126] : memref<3x16x80x128xi32, #tpu.memory_space<hbm>> -> memref<1x1x80x128xi32, #tpu.memory_space<hbm>>
      %dma_start3A_128 = tpu.memref_squeeze %dma_start3A_127 : memref<1x1x80x128xi32, #tpu.memory_space<hbm>> -> memref<80x128xi32, #tpu.memory_space<hbm>>
      tpu.enqueue_dma source(%dma_start3A_128 : memref<80x128xi32, #tpu.memory_space<hbm>>) target(%arg7 : memref<80x128xi32, #tpu.memory_space<vmem>>) target_semaphore(%run_scoped3A_120 : memref<!tpu.dma_semaphore, #tpu.memory_space<semaphore_mem>>)
      %dma_wait3A = arith.constant 0 : i32
      %dma_wait3A_129 = arith.constant 0 : i32
      %dma_wait3A_130 = tpu.memref_slice %arg3[%run_scoped3A, %arg1, %dma_wait3A, %dma_wait3A_129] : memref<3x16x80x128xi32, #tpu.memory_space<hbm>> -> memref<1x1x80x128xi32, #tpu.memory_space<hbm>>
      %dma_wait3A_131 = tpu.memref_squeeze %dma_wait3A_130 : memref<1x1x80x128xi32, #tpu.memory_space<hbm>> -> memref<80x128xi32, #tpu.memory_space<hbm>>
      %dma_wait3A_132 = arith.constant 0 : i32
      %dma_wait3A_133 = arith.constant 0 : i32
      %dma_wait3A_134 = tpu.memref_slice %arg3[%run_scoped3A, %arg1, %dma_wait3A_132, %dma_wait3A_133] : memref<3x16x80x128xi32, #tpu.memory_space<hbm>> -> memref<1x1x80x128xi32, #tpu.memory_space<hbm>>
      %dma_wait3A_135 = tpu.memref_squeeze %dma_wait3A_134 : memref<1x1x80x128xi32, #tpu.memory_space<hbm>> -> memref<80x128xi32, #tpu.memory_space<hbm>>
      tpu.wait_dma2 semaphore(%run_scoped3A_120 : memref<!tpu.dma_semaphore, #tpu.memory_space<semaphore_mem>>) src(%dma_wait3A_135 : memref<80x128xi32, #tpu.memory_space<hbm>>) dst(%arg7 : memref<80x128xi32, #tpu.memory_space<vmem>>)
      tpu.yield
    }) : () -> ()
    %run_scoped3A_6 = arith.constant 0 : i32
    "tpu.region"() ({
      %run_scoped3A_120 = tpu.sem_alloc : memref<!tpu.dma_semaphore, #tpu.memory_space<semaphore_mem>>
      %dma_start3A_121 = arith.constant 0 : i32
      %dma_start3A_122 = arith.constant 0 : i32
      %dma_start3A_123 = tpu.memref_slice %arg4[%run_scoped3A_6, %arg1, %dma_start3A_121, %dma_start3A_122] : memref<3x16x80x128xi32, #tpu.memory_space<hbm>> -> memref<1x1x80x128xi32, #tpu.memory_space<hbm>>
      %dma_start3A_124 = tpu.memref_squeeze %dma_start3A_123 : memref<1x1x80x128xi32, #tpu.memory_space<hbm>> -> memref<80x128xi32, #tpu.memory_space<hbm>>
      %dma_start3A_125 = arith.constant 0 : i32
      %dma_start3A_126 = arith.constant 0 : i32
      %dma_start3A_127 = tpu.memref_slice %arg4[%run_scoped3A_6, %arg1, %dma_start3A_125, %dma_start3A_126] : memref<3x16x80x128xi32, #tpu.memory_space<hbm>> -> memref<1x1x80x128xi32, #tpu.memory_space<hbm>>
      %dma_start3A_128 = tpu.memref_squeeze %dma_start3A_127 : memref<1x1x80x128xi32, #tpu.memory_space<hbm>> -> memref<80x128xi32, #tpu.memory_space<hbm>>
      tpu.enqueue_dma source(%dma_start3A_128 : memref<80x128xi32, #tpu.memory_space<hbm>>) target(%arg8 : memref<80x128xi32, #tpu.memory_space<vmem>>) target_semaphore(%run_scoped3A_120 : memref<!tpu.dma_semaphore, #tpu.memory_space<semaphore_mem>>)
      %dma_wait3A = arith.constant 0 : i32
      %dma_wait3A_129 = arith.constant 0 : i32
      %dma_wait3A_130 = tpu.memref_slice %arg4[%run_scoped3A_6, %arg1, %dma_wait3A, %dma_wait3A_129] : memref<3x16x80x128xi32, #tpu.memory_space<hbm>> -> memref<1x1x80x128xi32, #tpu.memory_space<hbm>>
      %dma_wait3A_131 = tpu.memref_squeeze %dma_wait3A_130 : memref<1x1x80x128xi32, #tpu.memory_space<hbm>> -> memref<80x128xi32, #tpu.memory_space<hbm>>
      %dma_wait3A_132 = arith.constant 0 : i32
      %dma_wait3A_133 = arith.constant 0 : i32
      %dma_wait3A_134 = tpu.memref_slice %arg4[%run_scoped3A_6, %arg1, %dma_wait3A_132, %dma_wait3A_133] : memref<3x16x80x128xi32, #tpu.memory_space<hbm>> -> memref<1x1x80x128xi32, #tpu.memory_space<hbm>>
      %dma_wait3A_135 = tpu.memref_squeeze %dma_wait3A_134 : memref<1x1x80x128xi32, #tpu.memory_space<hbm>> -> memref<80x128xi32, #tpu.memory_space<hbm>>
      tpu.wait_dma2 semaphore(%run_scoped3A_120 : memref<!tpu.dma_semaphore, #tpu.memory_space<semaphore_mem>>) src(%dma_wait3A_135 : memref<80x128xi32, #tpu.memory_space<hbm>>) dst(%arg8 : memref<80x128xi32, #tpu.memory_space<vmem>>)
      tpu.yield
    }) : () -> ()
    %add3A = arith.constant 0 : i32
    %add3A_7 = arith.addi %add3A, %arg0 : i32
    %scan3A_8 = arith.constant 0 : i32
    %scan3A_9 = arith.constant 0 : i32
    %scan3A_10 = arith.constant 80 : i32
    %scan3A_11 = arith.addi %scan3A_9, %scan3A_10 : i32
    %scan3A_12 = arith.constant 1 : i32
    %scan3A_13 = scf.for %scan3A_120 = %scan3A_9 to %scan3A_11 step %scan3A_12 iter_args(%scan3A_121 = %scan3A_8) -> (i32)  : i32 {
      %get3A = arith.index_cast %scan3A_120 : i32 to index
      %get3A_122 = arith.constant 0 : index
      %get3A_123 = tpu.vector_load %arg7[%get3A, %get3A_122] {strides = array<i32>} : memref<80x128xi32, #tpu.memory_space<vmem>>, vector<1x16xi32>,
      %get3A_124 = vector.shape_cast %get3A_123 : vector<1x16xi32> to vector<16xi32>
      %mul3A_125 = arith.constant 2 : i32
      %mul3A_126 = vector.broadcast %mul3A_125 : i32 to vector<16xi32>
      %mul3A_127 = arith.muli %get3A_124, %mul3A_126 : vector<16xi32>
      %add3A_128 = vector.broadcast %add3A_7 : i32 to vector<16xi32>
      %add3A_129 = arith.addi %mul3A_127, %add3A_128 : vector<16xi32>
      %swap3A = arith.index_cast %scan3A_120 : i32 to index
      %swap3A_130 = arith.constant 0 : index
      %swap3A_131 = tpu.vector_load %arg7[%swap3A, %swap3A_130] {strides = array<i32>} : memref<80x128xi32, #tpu.memory_space<vmem>>, vector<1x16xi32>,
      %swap3A_132 = vector.shape_cast %swap3A_131 : vector<1x16xi32> to vector<16xi32>
      %swap3A_133 = vector.shape_cast %add3A_129 : vector<16xi32> to vector<1x16xi32>
      tpu.vector_store %arg7[%swap3A, %swap3A_130], %swap3A_133 {strides = array<i32>} : memref<80x128xi32, #tpu.memory_space<vmem>>, vector<1x16xi32>,
      %get3A_134 = arith.index_cast %scan3A_120 : i32 to index
      %get3A_135 = arith.constant 16 : index
      %get3A_136 = tpu.vector_load %arg7[%get3A_134, %get3A_135] {strides = array<i32>} : memref<80x128xi32, #tpu.memory_space<vmem>>, vector<1x16xi32>,
      %get3A_137 = vector.shape_cast %get3A_136 : vector<1x16xi32> to vector<16xi32>
      %mul3A_138 = arith.constant 2 : i32
      %mul3A_139 = vector.broadcast %mul3A_138 : i32 to vector<16xi32>
      %mul3A_140 = arith.muli %get3A_137, %mul3A_139 : vector<16xi32>
      %add3A_141 = vector.broadcast %add3A_7 : i32 to vector<16xi32>
      %add3A_142 = arith.addi %mul3A_140, %add3A_141 : vector<16xi32>
      %swap3A_143 = arith.index_cast %scan3A_120 : i32 to index
      %swap3A_144 = arith.constant 16 : index
      %swap3A_145 = tpu.vector_load %arg7[%swap3A_143, %swap3A_144] {strides = array<i32>} : memref<80x128xi32, #tpu.memory_space<vmem>>, vector<1x16xi32>,
      %swap3A_146 = vector.shape_cast %swap3A_145 : vector<1x16xi32> to vector<16xi32>
      %swap3A_147 = vector.shape_cast %add3A_142 : vector<16xi32> to vector<1x16xi32>
      tpu.vector_store %arg7[%swap3A_143, %swap3A_144], %swap3A_147 {strides = array<i32>} : memref<80x128xi32, #tpu.memory_space<vmem>>, vector<1x16xi32>,
      %get3A_148 = arith.index_cast %scan3A_120 : i32 to index
      %get3A_149 = arith.constant 32 : index
      %get3A_150 = tpu.vector_load %arg7[%get3A_148, %get3A_149] {strides = array<i32>} : memref<80x128xi32, #tpu.memory_space<vmem>>, vector<1x16xi32>,
      %get3A_151 = vector.shape_cast %get3A_150 : vector<1x16xi32> to vector<16xi32>
      %mul3A_152 = arith.constant 2 : i32
      %mul3A_153 = vector.broadcast %mul3A_152 : i32 to vector<16xi32>
      %mul3A_154 = arith.muli %get3A_151, %mul3A_153 : vector<16xi32>
      %add3A_155 = vector.broadcast %add3A_7 : i32 to vector<16xi32>
      %add3A_156 = arith.addi %mul3A_154, %add3A_155 : vector<16xi32>
      %swap3A_157 = arith.index_cast %scan3A_120 : i32 to index
      %swap3A_158 = arith.constant 32 : index
      %swap3A_159 = tpu.vector_load %arg7[%swap3A_157, %swap3A_158] {strides = array<i32>} : memref<80x128xi32, #tpu.memory_space<vmem>>, vector<1x16xi32>,
      %swap3A_160 = vector.shape_cast %swap3A_159 : vector<1x16xi32> to vector<16xi32>
      %swap3A_161 = vector.shape_cast %add3A_156 : vector<16xi32> to vector<1x16xi32>
      tpu.vector_store %arg7[%swap3A_157, %swap3A_158], %swap3A_161 {strides = array<i32>} : memref<80x128xi32, #tpu.memory_space<vmem>>, vector<1x16xi32>,
      %get3A_162 = arith.index_cast %scan3A_120 : i32 to index
      %get3A_163 = arith.constant 48 : index
      %get3A_164 = tpu.vector_load %arg7[%get3A_162, %get3A_163] {strides = array<i32>} : memref<80x128xi32, #tpu.memory_space<vmem>>, vector<1x16xi32>,
      %get3A_165 = vector.shape_cast %get3A_164 : vector<1x16xi32> to vector<16xi32>
      %mul3A_166 = arith.constant 2 : i32
      %mul3A_167 = vector.broadcast %mul3A_166 : i32 to vector<16xi32>
      %mul3A_168 = arith.muli %get3A_165, %mul3A_167 : vector<16xi32>
      %add3A_169 = vector.broadcast %add3A_7 : i32 to vector<16xi32>
      %add3A_170 = arith.addi %mul3A_168, %add3A_169 : vector<16xi32>
      %swap3A_171 = arith.index_cast %scan3A_120 : i32 to index
      %swap3A_172 = arith.constant 48 : index
      %swap3A_173 = tpu.vector_load %arg7[%swap3A_171, %swap3A_172] {strides = array<i32>} : memref<80x128xi32, #tpu.memory_space<vmem>>, vector<1x16xi32>,
      %swap3A_174 = vector.shape_cast %swap3A_173 : vector<1x16xi32> to vector<16xi32>
      %swap3A_175 = vector.shape_cast %add3A_170 : vector<16xi32> to vector<1x16xi32>
      tpu.vector_store %arg7[%swap3A_171, %swap3A_172], %swap3A_175 {strides = array<i32>} : memref<80x128xi32, #tpu.memory_space<vmem>>, vector<1x16xi32>,
      %get3A_176 = arith.index_cast %scan3A_120 : i32 to index
      %get3A_177 = arith.constant 64 : index
      %get3A_178 = tpu.vector_load %arg7[%get3A_176, %get3A_177] {strides = array<i32>} : memref<80x128xi32, #tpu.memory_space<vmem>>, vector<1x16xi32>,
      %get3A_179 = vector.shape_cast %get3A_178 : vector<1x16xi32> to vector<16xi32>
      %mul3A_180 = arith.constant 2 : i32
      %mul3A_181 = vector.broadcast %mul3A_180 : i32 to vector<16xi32>
      %mul3A_182 = arith.muli %get3A_179, %mul3A_181 : vector<16xi32>
      %add3A_183 = vector.broadcast %add3A_7 : i32 to vector<16xi32>
      %add3A_184 = arith.addi %mul3A_182, %add3A_183 : vector<16xi32>
      %swap3A_185 = arith.index_cast %scan3A_120 : i32 to index
      %swap3A_186 = arith.constant 64 : index
      %swap3A_187 = tpu.vector_load %arg7[%swap3A_185, %swap3A_186] {strides = array<i32>} : memref<80x128xi32, #tpu.memory_space<vmem>>, vector<1x16xi32>,
      %swap3A_188 = vector.shape_cast %swap3A_187 : vector<1x16xi32> to vector<16xi32>
      %swap3A_189 = vector.shape_cast %add3A_184 : vector<16xi32> to vector<1x16xi32>
      tpu.vector_store %arg7[%swap3A_185, %swap3A_186], %swap3A_189 {strides = array<i32>} : memref<80x128xi32, #tpu.memory_space<vmem>>, vector<1x16xi32>,
      %get3A_190 = arith.index_cast %scan3A_120 : i32 to index
      %get3A_191 = arith.constant 80 : index
      %get3A_192 = tpu.vector_load %arg7[%get3A_190, %get3A_191] {strides = array<i32>} : memref<80x128xi32, #tpu.memory_space<vmem>>, vector<1x16xi32>,
      %get3A_193 = vector.shape_cast %get3A_192 : vector<1x16xi32> to vector<16xi32>
      %mul3A_194 = arith.constant 2 : i32
      %mul3A_195 = vector.broadcast %mul3A_194 : i32 to vector<16xi32>
      %mul3A_196 = arith.muli %get3A_193, %mul3A_195 : vector<16xi32>
      %add3A_197 = vector.broadcast %add3A_7 : i32 to vector<16xi32>
      %add3A_198 = arith.addi %mul3A_196, %add3A_197 : vector<16xi32>
      %swap3A_199 = arith.index_cast %scan3A_120 : i32 to index
      %swap3A_200 = arith.constant 80 : index
      %swap3A_201 = tpu.vector_load %arg7[%swap3A_199, %swap3A_200] {strides = array<i32>} : memref<80x128xi32, #tpu.memory_space<vmem>>, vector<1x16xi32>,
      %swap3A_202 = vector.shape_cast %swap3A_201 : vector<1x16xi32> to vector<16xi32>
      %swap3A_203 = vector.shape_cast %add3A_198 : vector<16xi32> to vector<1x16xi32>
      tpu.vector_store %arg7[%swap3A_199, %swap3A_200], %swap3A_203 {strides = array<i32>} : memref<80x128xi32, #tpu.memory_space<vmem>>, vector<1x16xi32>,
      %get3A_204 = arith.index_cast %scan3A_120 : i32 to index
      %get3A_205 = arith.constant 96 : index
      %get3A_206 = tpu.vector_load %arg7[%get3A_204, %get3A_205] {strides = array<i32>} : memref<80x128xi32, #tpu.memory_space<vmem>>, vector<1x16xi32>,
      %get3A_207 = vector.shape_cast %get3A_206 : vector<1x16xi32> to vector<16xi32>
      %mul3A_208 = arith.constant 2 : i32
      %mul3A_209 = vector.broadcast %mul3A_208 : i32 to vector<16xi32>
      %mul3A_210 = arith.muli %get3A_207, %mul3A_209 : vector<16xi32>
      %add3A_211 = vector.broadcast %add3A_7 : i32 to vector<16xi32>
      %add3A_212 = arith.addi %mul3A_210, %add3A_211 : vector<16xi32>
      %swap3A_213 = arith.index_cast %scan3A_120 : i32 to index
      %swap3A_214 = arith.constant 96 : index
      %swap3A_215 = tpu.vector_load %arg7[%swap3A_213, %swap3A_214] {strides = array<i32>} : memref<80x128xi32, #tpu.memory_space<vmem>>, vector<1x16xi32>,
      %swap3A_216 = vector.shape_cast %swap3A_215 : vector<1x16xi32> to vector<16xi32>
      %swap3A_217 = vector.shape_cast %add3A_212 : vector<16xi32> to vector<1x16xi32>
      tpu.vector_store %arg7[%swap3A_213, %swap3A_214], %swap3A_217 {strides = array<i32>} : memref<80x128xi32, #tpu.memory_space<vmem>>, vector<1x16xi32>,
      %get3A_218 = arith.index_cast %scan3A_120 : i32 to index
      %get3A_219 = arith.constant 112 : index
      %get3A_220 = tpu.vector_load %arg7[%get3A_218, %get3A_219] {strides = array<i32>} : memref<80x128xi32, #tpu.memory_space<vmem>>, vector<1x16xi32>,
      %get3A_221 = vector.shape_cast %get3A_220 : vector<1x16xi32> to vector<16xi32>
      %mul3A_222 = arith.constant 2 : i32
      %mul3A_223 = vector.broadcast %mul3A_222 : i32 to vector<16xi32>
      %mul3A_224 = arith.muli %get3A_221, %mul3A_223 : vector<16xi32>
      %add3A_225 = vector.broadcast %add3A_7 : i32 to vector<16xi32>
      %add3A_226 = arith.addi %mul3A_224, %add3A_225 : vector<16xi32>
      %swap3A_227 = arith.index_cast %scan3A_120 : i32 to index
      %swap3A_228 = arith.constant 112 : index
      %swap3A_229 = tpu.vector_load %arg7[%swap3A_227, %swap3A_228] {strides = array<i32>} : memref<80x128xi32, #tpu.memory_space<vmem>>, vector<1x16xi32>,
      %swap3A_230 = vector.shape_cast %swap3A_229 : vector<1x16xi32> to vector<16xi32>
      %swap3A_231 = vector.shape_cast %add3A_226 : vector<16xi32> to vector<1x16xi32>
      tpu.vector_store %arg7[%swap3A_227, %swap3A_228], %swap3A_231 {strides = array<i32>} : memref<80x128xi32, #tpu.memory_space<vmem>>, vector<1x16xi32>,
      %scan3A_232 = arith.constant 0 : i32
      scf.yield %scan3A_232 : i32
    }
    %scan3A_14 = arith.constant 80 : i32
    %dma_start3A = arith.constant 0 : i32
    %dma_start3A_15 = arith.constant 0 : i32
    %dma_start3A_16 = tpu.memref_slice %arg7[%dma_start3A, %dma_start3A_15] : memref<80x128xi32, #tpu.memory_space<vmem>> -> memref<1x128xi32, #tpu.memory_space<vmem>>
    %dma_start3A_17 = tpu.memref_squeeze %dma_start3A_16 : memref<1x128xi32, #tpu.memory_space<vmem>> -> memref<128xi32, #tpu.memory_space<vmem>>
    %dma_start3A_18 = arith.constant 0 : i32
    %dma_start3A_19 = arith.constant 0 : i32
    %dma_start3A_20 = tpu.memref_slice %arg2[%dma_start3A_18, %dma_start3A_19] : memref<300000x64xbf16, #tpu.memory_space<hbm>> -> memref<300000x64xbf16, #tpu.memory_space<hbm>>
    tpu.enqueue_indirect_dma source(%dma_start3A_20 : memref<300000x64xbf16, #tpu.memory_space<hbm>>) target(%arg9 : memref<128x64xbf16, #tpu.memory_space<vmem>>) offsets(%dma_start3A_17 : memref<128xi32, #tpu.memory_space<vmem>>) semaphore(%arg13 : memref<!tpu.dma_semaphore, #tpu.memory_space<semaphore_mem>>)
    %scan3A_21 = arith.constant 0 : i32
    %scan3A_22 = arith.constant 0 : i32
    %scan3A_23 = arith.constant 40 : i32
    %scan3A_24 = arith.addi %scan3A_22, %scan3A_23 : i32
    %scan3A_25 = arith.constant 1 : i32
    %scan3A_26 = scf.for %scan3A_120 = %scan3A_22 to %scan3A_24 step %scan3A_25 iter_args(%scan3A_121 = %scan3A_21) -> (i32)  : i32 {
      %mul3A_122 = arith.constant 2 : i32
      %mul3A_123 = arith.muli %mul3A_122, %scan3A_120 : i32
      %add3A_124 = arith.constant 1 : i32
      %add3A_125 = arith.addi %mul3A_123, %add3A_124 : i32
      %dma_start3A_126 = arith.constant 0 : i32
      %dma_start3A_127 = tpu.memref_slice %arg7[%add3A_125, %dma_start3A_126] : memref<80x128xi32, #tpu.memory_space<vmem>> -> memref<1x128xi32, #tpu.memory_space<vmem>>
      %dma_start3A_128 = tpu.memref_squeeze %dma_start3A_127 : memref<1x128xi32, #tpu.memory_space<vmem>> -> memref<128xi32, #tpu.memory_space<vmem>>
      %dma_start3A_129 = arith.constant 0 : i32
      %dma_start3A_130 = arith.constant 0 : i32
      %dma_start3A_131 = tpu.memref_slice %arg2[%dma_start3A_129, %dma_start3A_130] : memref<300000x64xbf16, #tpu.memory_space<hbm>> -> memref<300000x64xbf16, #tpu.memory_space<hbm>>
      tpu.enqueue_indirect_dma source(%dma_start3A_131 : memref<300000x64xbf16, #tpu.memory_space<hbm>>) target(%arg10 : memref<128x64xbf16, #tpu.memory_space<vmem>>) offsets(%dma_start3A_128 : memref<128xi32, #tpu.memory_space<vmem>>) semaphore(%arg14 : memref<!tpu.dma_semaphore, #tpu.memory_space<semaphore_mem>>)
      %dma_wait3A = arith.constant 0 : i32
      %dma_wait3A_132 = tpu.memref_slice %arg7[%mul3A_123, %dma_wait3A] : memref<80x128xi32, #tpu.memory_space<vmem>> -> memref<1x128xi32, #tpu.memory_space<vmem>>
      %dma_wait3A_133 = tpu.memref_squeeze %dma_wait3A_132 : memref<1x128xi32, #tpu.memory_space<vmem>> -> memref<128xi32, #tpu.memory_space<vmem>>
      %dma_wait3A_134 = arith.constant 0 : i32
      %dma_wait3A_135 = arith.constant 0 : i32
      %dma_wait3A_136 = tpu.memref_slice %arg2[%dma_wait3A_134, %dma_wait3A_135] : memref<300000x64xbf16, #tpu.memory_space<hbm>> -> memref<300000x64xbf16, #tpu.memory_space<hbm>>
      tpu.wait_indirect_dma semaphore(%arg13 : memref<!tpu.dma_semaphore, #tpu.memory_space<semaphore_mem>>) src(%dma_wait3A_136 : memref<300000x64xbf16, #tpu.memory_space<hbm>>) dst(%arg9 : memref<128x64xbf16, #tpu.memory_space<vmem>>)
      "tpu.region"() ({
        %run_scoped3A_152 = tpu.sem_alloc : memref<!tpu.dma_semaphore, #tpu.memory_space<semaphore_mem>>
        %dma_start3A_153 = arith.constant 0 : i32
        %dma_start3A_154 = tpu.memref_slice %arg8[%mul3A_123, %dma_start3A_153] : memref<80x128xi32, #tpu.memory_space<vmem>> -> memref<1x128xi32, #tpu.memory_space<vmem>>
        %dma_start3A_155 = tpu.memref_squeeze %dma_start3A_154 : memref<1x128xi32, #tpu.memory_space<vmem>> -> memref<128xi32, #tpu.memory_space<vmem>>
        %dma_start3A_156 = arith.constant 0 : i32
        %dma_start3A_157 = arith.constant 0 : i32
        %dma_start3A_158 = tpu.memref_slice %arg12[%dma_start3A_156, %dma_start3A_157] : memref<50176x64xbf16, #tpu.memory_space<vmem_shared>> -> memref<50176x64xbf16, #tpu.memory_space<vmem_shared>>
        tpu.enqueue_indirect_dma source(%arg9 : memref<128x64xbf16, #tpu.memory_space<vmem>>) target(%dma_start3A_158 : memref<50176x64xbf16, #tpu.memory_space<vmem_shared>>) offsets(%dma_start3A_155 : memref<128xi32, #tpu.memory_space<vmem>>) semaphore(%run_scoped3A_152 : memref<!tpu.dma_semaphore, #tpu.memory_space<semaphore_mem>>) {add = true}
        %dma_wait3A_159 = arith.constant 0 : i32
        %dma_wait3A_160 = tpu.memref_slice %arg8[%mul3A_123, %dma_wait3A_159] : memref<80x128xi32, #tpu.memory_space<vmem>> -> memref<1x128xi32, #tpu.memory_space<vmem>>
        %dma_wait3A_161 = tpu.memref_squeeze %dma_wait3A_160 : memref<1x128xi32, #tpu.memory_space<vmem>> -> memref<128xi32, #tpu.memory_space<vmem>>
        %dma_wait3A_162 = arith.constant 0 : i32
        %dma_wait3A_163 = arith.constant 0 : i32
        %dma_wait3A_164 = tpu.memref_slice %arg12[%dma_wait3A_162, %dma_wait3A_163] : memref<50176x64xbf16, #tpu.memory_space<vmem_shared>> -> memref<50176x64xbf16, #tpu.memory_space<vmem_shared>>
        tpu.wait_indirect_dma semaphore(%run_scoped3A_152 : memref<!tpu.dma_semaphore, #tpu.memory_space<semaphore_mem>>) src(%arg9 : memref<128x64xbf16, #tpu.memory_space<vmem>>) dst(%dma_wait3A_164 : memref<50176x64xbf16, #tpu.memory_space<vmem_shared>>)
        tpu.yield
      }) : () -> ()
      %add3A_137 = arith.constant 1 : i32
      %add3A_138 = arith.addi %scan3A_120, %add3A_137 : i32
      %lt3A = arith.constant 40 : i32
      %lt3A_139 = arith.cmpi slt, %add3A_138, %lt3A : i32
      %convert_element_type3A = arith.extui %lt3A_139 : i1 to i32
      %cond3A = arith.constant 0 : i32
      %cond3A_140 = arith.cmpi ne, %convert_element_type3A, %cond3A : i32
      scf.if %cond3A_140 {
        %add3A_152 = arith.constant 2 : i32
        %add3A_153 = arith.addi %mul3A_123, %add3A_152 : i32
        %dma_start3A_154 = arith.constant 0 : i32
        %dma_start3A_155 = tpu.memref_slice %arg7[%add3A_153, %dma_start3A_154] : memref<80x128xi32, #tpu.memory_space<vmem>> -> memref<1x128xi32, #tpu.memory_space<vmem>>
        %dma_start3A_156 = tpu.memref_squeeze %dma_start3A_155 : memref<1x128xi32, #tpu.memory_space<vmem>> -> memref<128xi32, #tpu.memory_space<vmem>>
        %dma_start3A_157 = arith.constant 0 : i32
        %dma_start3A_158 = arith.constant 0 : i32
        %dma_start3A_159 = tpu.memref_slice %arg2[%dma_start3A_157, %dma_start3A_158] : memref<300000x64xbf16, #tpu.memory_space<hbm>> -> memref<300000x64xbf16, #tpu.memory_space<hbm>>
        tpu.enqueue_indirect_dma source(%dma_start3A_159 : memref<300000x64xbf16, #tpu.memory_space<hbm>>) target(%arg9 : memref<128x64xbf16, #tpu.memory_space<vmem>>) offsets(%dma_start3A_156 : memref<128xi32, #tpu.memory_space<vmem>>) semaphore(%arg13 : memref<!tpu.dma_semaphore, #tpu.memory_space<semaphore_mem>>)
      } else {
      }
      %add3A_141 = arith.constant 1 : i32
      %add3A_142 = arith.addi %mul3A_123, %add3A_141 : i32
      %dma_wait3A_143 = arith.constant 0 : i32
      %dma_wait3A_144 = tpu.memref_slice %arg7[%add3A_142, %dma_wait3A_143] : memref<80x128xi32, #tpu.memory_space<vmem>> -> memref<1x128xi32, #tpu.memory_space<vmem>>
      %dma_wait3A_145 = tpu.memref_squeeze %dma_wait3A_144 : memref<1x128xi32, #tpu.memory_space<vmem>> -> memref<128xi32, #tpu.memory_space<vmem>>
      %dma_wait3A_146 = arith.constant 0 : i32
      %dma_wait3A_147 = arith.constant 0 : i32
      %dma_wait3A_148 = tpu.memref_slice %arg2[%dma_wait3A_146, %dma_wait3A_147] : memref<300000x64xbf16, #tpu.memory_space<hbm>> -> memref<300000x64xbf16, #tpu.memory_space<hbm>>
      tpu.wait_indirect_dma semaphore(%arg14 : memref<!tpu.dma_semaphore, #tpu.memory_space<semaphore_mem>>) src(%dma_wait3A_148 : memref<300000x64xbf16, #tpu.memory_space<hbm>>) dst(%arg10 : memref<128x64xbf16, #tpu.memory_space<vmem>>)
      %add3A_149 = arith.constant 1 : i32
      %add3A_150 = arith.addi %mul3A_123, %add3A_149 : i32
      "tpu.region"() ({
        %run_scoped3A_152 = tpu.sem_alloc : memref<!tpu.dma_semaphore, #tpu.memory_space<semaphore_mem>>
        %dma_start3A_153 = arith.constant 0 : i32
        %dma_start3A_154 = tpu.memref_slice %arg8[%add3A_150, %dma_start3A_153] : memref<80x128xi32, #tpu.memory_space<vmem>> -> memref<1x128xi32, #tpu.memory_space<vmem>>
        %dma_start3A_155 = tpu.memref_squeeze %dma_start3A_154 : memref<1x128xi32, #tpu.memory_space<vmem>> -> memref<128xi32, #tpu.memory_space<vmem>>
        %dma_start3A_156 = arith.constant 0 : i32
        %dma_start3A_157 = arith.constant 0 : i32
        %dma_start3A_158 = tpu.memref_slice %arg12[%dma_start3A_156, %dma_start3A_157] : memref<50176x64xbf16, #tpu.memory_space<vmem_shared>> -> memref<50176x64xbf16, #tpu.memory_space<vmem_shared>>
        tpu.enqueue_indirect_dma source(%arg10 : memref<128x64xbf16, #tpu.memory_space<vmem>>) target(%dma_start3A_158 : memref<50176x64xbf16, #tpu.memory_space<vmem_shared>>) offsets(%dma_start3A_155 : memref<128xi32, #tpu.memory_space<vmem>>) semaphore(%run_scoped3A_152 : memref<!tpu.dma_semaphore, #tpu.memory_space<semaphore_mem>>) {add = true}
        %dma_wait3A_159 = arith.constant 0 : i32
        %dma_wait3A_160 = tpu.memref_slice %arg8[%add3A_150, %dma_wait3A_159] : memref<80x128xi32, #tpu.memory_space<vmem>> -> memref<1x128xi32, #tpu.memory_space<vmem>>
        %dma_wait3A_161 = tpu.memref_squeeze %dma_wait3A_160 : memref<1x128xi32, #tpu.memory_space<vmem>> -> memref<128xi32, #tpu.memory_space<vmem>>
        %dma_wait3A_162 = arith.constant 0 : i32
        %dma_wait3A_163 = arith.constant 0 : i32
        %dma_wait3A_164 = tpu.memref_slice %arg12[%dma_wait3A_162, %dma_wait3A_163] : memref<50176x64xbf16, #tpu.memory_space<vmem_shared>> -> memref<50176x64xbf16, #tpu.memory_space<vmem_shared>>
        tpu.wait_indirect_dma semaphore(%run_scoped3A_152 : memref<!tpu.dma_semaphore, #tpu.memory_space<semaphore_mem>>) src(%arg10 : memref<128x64xbf16, #tpu.memory_space<vmem>>) dst(%dma_wait3A_164 : memref<50176x64xbf16, #tpu.memory_space<vmem_shared>>)
        tpu.yield
      }) : () -> ()
      %scan3A_151 = arith.constant 0 : i32
      scf.yield %scan3A_151 : i32
    }
    %scan3A_27 = arith.constant 40 : i32
    %barrier3A_28 = arith.constant 0 : index
    tpu.barrier barrier_id(%barrier3A_28)
    %mul3A = arith.constant 3125 : i32
    %mul3A_29 = arith.muli %arg1, %mul3A : i32
    %mul3A_30 = arith.constant 3125 : i32
    %mul3A_31 = arith.muli %arg1, %mul3A_30 : i32
    %mul3A_32 = arith.constant 64 : i32
    %mul3A_33 = arith.muli %arg0, %mul3A_32 : i32
    %run_scoped3A_34 = arith.constant 0 : i32
    "tpu.region"() ({
      %run_scoped3A_120 = tpu.sem_alloc : memref<!tpu.dma_semaphore, #tpu.memory_space<semaphore_mem>>
      %dma_start3A_121 = tpu.memref_slice %arg6[%run_scoped3A_34, %mul3A_31, %mul3A_33] : memref<3x50000x128xbf16, #tpu.memory_space<hbm>> -> memref<1x3125x64xbf16, #tpu.memory_space<hbm>>
      %dma_start3A_122 = tpu.memref_squeeze %dma_start3A_121 : memref<1x3125x64xbf16, #tpu.memory_space<hbm>> -> memref<3125x64xbf16, #tpu.memory_space<hbm>>
      %dma_start3A_123 = arith.constant 0 : i32
      %dma_start3A_124 = tpu.memref_slice %arg12[%mul3A_29, %dma_start3A_123] : memref<50176x64xbf16, #tpu.memory_space<vmem_shared>> -> memref<3125x64xbf16, #tpu.memory_space<vmem_shared>>
      tpu.enqueue_dma source(%dma_start3A_124 : memref<3125x64xbf16, #tpu.memory_space<vmem_shared>>) target(%dma_start3A_122 : memref<3125x64xbf16, #tpu.memory_space<hbm>>) target_semaphore(%run_scoped3A_120 : memref<!tpu.dma_semaphore, #tpu.memory_space<semaphore_mem>>)
      %dma_wait3A = tpu.memref_slice %arg6[%run_scoped3A_34, %mul3A_31, %mul3A_33] : memref<3x50000x128xbf16, #tpu.memory_space<hbm>> -> memref<1x3125x64xbf16, #tpu.memory_space<hbm>>
      %dma_wait3A_125 = tpu.memref_squeeze %dma_wait3A : memref<1x3125x64xbf16, #tpu.memory_space<hbm>> -> memref<3125x64xbf16, #tpu.memory_space<hbm>>
      %dma_wait3A_126 = arith.constant 0 : i32
      %dma_wait3A_127 = tpu.memref_slice %arg12[%mul3A_29, %dma_wait3A_126] : memref<50176x64xbf16, #tpu.memory_space<vmem_shared>> -> memref<3125x64xbf16, #tpu.memory_space<vmem_shared>>
      tpu.wait_dma2 semaphore(%run_scoped3A_120 : memref<!tpu.dma_semaphore, #tpu.memory_space<semaphore_mem>>) src(%dma_wait3A_127 : memref<3125x64xbf16, #tpu.memory_space<vmem_shared>>) dst(%dma_wait3A_125 : memref<3125x64xbf16, #tpu.memory_space<hbm>>)
      tpu.yield
    }) : () -> ()
    %barrier3A_35 = arith.constant 0 : index
    tpu.barrier barrier_id(%barrier3A_35)
    %scan3A_36 = arith.constant 0 : i32
    %scan3A_37 = arith.constant 0 : i32
    %scan3A_38 = arith.constant 49 : i32
    %scan3A_39 = arith.addi %scan3A_37, %scan3A_38 : i32
    %scan3A_40 = arith.constant 1 : i32
    %scan3A_41 = scf.for %scan3A_120 = %scan3A_37 to %scan3A_39 step %scan3A_40 iter_args(%scan3A_121 = %scan3A_36) -> (i32)  : i32 {
      %mul3A_122 = arith.constant 3136 : i32
      %mul3A_123 = arith.muli %arg1, %mul3A_122 : i32
      %mul3A_124 = arith.constant 64 : i32
      %mul3A_125 = arith.muli %scan3A_120, %mul3A_124 : i32
      %add3A_126 = arith.addi %mul3A_123, %mul3A_125 : i32
      "tpu.region"() ({
        %run_scoped3A_128 = tpu.sem_alloc : memref<!tpu.dma_semaphore, #tpu.memory_space<semaphore_mem>>
        %dma_start3A_129 = arith.constant 0 : i32
        %dma_start3A_130 = tpu.memref_slice %arg12[%add3A_126, %dma_start3A_129] : memref<50176x64xbf16, #tpu.memory_space<vmem_shared>> -> memref<64x64xbf16, #tpu.memory_space<vmem_shared>>
        %dma_start3A_131 = arith.constant 0 : i32
        %dma_start3A_132 = tpu.memref_slice %arg12[%add3A_126, %dma_start3A_131] : memref<50176x64xbf16, #tpu.memory_space<vmem_shared>> -> memref<64x64xbf16, #tpu.memory_space<vmem_shared>>
        tpu.enqueue_dma source(%arg11 : memref<64x64xbf16, #tpu.memory_space<vmem>>) target(%dma_start3A_132 : memref<64x64xbf16, #tpu.memory_space<vmem_shared>>) target_semaphore(%run_scoped3A_128 : memref<!tpu.dma_semaphore, #tpu.memory_space<semaphore_mem>>)
        %dma_wait3A = arith.constant 0 : i32
        %dma_wait3A_133 = tpu.memref_slice %arg12[%add3A_126, %dma_wait3A] : memref<50176x64xbf16, #tpu.memory_space<vmem_shared>> -> memref<64x64xbf16, #tpu.memory_space<vmem_shared>>
        %dma_wait3A_134 = arith.constant 0 : i32
        %dma_wait3A_135 = tpu.memref_slice %arg12[%add3A_126, %dma_wait3A_134] : memref<50176x64xbf16, #tpu.memory_space<vmem_shared>> -> memref<64x64xbf16, #tpu.memory_space<vmem_shared>>
        tpu.wait_dma2 semaphore(%run_scoped3A_128 : memref<!tpu.dma_semaphore, #tpu.memory_space<semaphore_mem>>) src(%arg11 : memref<64x64xbf16, #tpu.memory_space<vmem>>) dst(%dma_wait3A_135 : memref<64x64xbf16, #tpu.memory_space<vmem_shared>>)
        tpu.yield
      }) : () -> ()
      %scan3A_127 = arith.constant 0 : i32
      scf.yield %scan3A_127 : i32
    }
    %scan3A_42 = arith.constant 49 : i32
    %barrier3A_43 = arith.constant 0 : index
    tpu.barrier barrier_id(%barrier3A_43)
    %run_scoped3A_44 = arith.constant 1 : i32
    "tpu.region"() ({
      %run_scoped3A_120 = tpu.sem_alloc : memref<!tpu.dma_semaphore, #tpu.memory_space<semaphore_mem>>
      %dma_start3A_121 = arith.constant 0 : i32
      %dma_start3A_122 = arith.constant 0 : i32
      %dma_start3A_123 = tpu.memref_slice %arg3[%run_scoped3A_44, %arg1, %dma_start3A_121, %dma_start3A_122] : memref<3x16x80x128xi32, #tpu.memory_space<hbm>> -> memref<1x1x80x128xi32, #tpu.memory_space<hbm>>
      %dma_start3A_124 = tpu.memref_squeeze %dma_start3A_123 : memref<1x1x80x128xi32, #tpu.memory_space<hbm>> -> memref<80x128xi32, #tpu.memory_space<hbm>>
      %dma_start3A_125 = arith.constant 0 : i32
      %dma_start3A_126 = arith.constant 0 : i32
      %dma_start3A_127 = tpu.memref_slice %arg3[%run_scoped3A_44, %arg1, %dma_start3A_125, %dma_start3A_126] : memref<3x16x80x128xi32, #tpu.memory_space<hbm>> -> memref<1x1x80x128xi32, #tpu.memory_space<hbm>>
      %dma_start3A_128 = tpu.memref_squeeze %dma_start3A_127 : memref<1x1x80x128xi32, #tpu.memory_space<hbm>> -> memref<80x128xi32, #tpu.memory_space<hbm>>
      tpu.enqueue_dma source(%dma_start3A_128 : memref<80x128xi32, #tpu.memory_space<hbm>>) target(%arg7 : memref<80x128xi32, #tpu.memory_space<vmem>>) target_semaphore(%run_scoped3A_120 : memref<!tpu.dma_semaphore, #tpu.memory_space<semaphore_mem>>)
      %dma_wait3A = arith.constant 0 : i32
      %dma_wait3A_129 = arith.constant 0 : i32
      %dma_wait3A_130 = tpu.memref_slice %arg3[%run_scoped3A_44, %arg1, %dma_wait3A, %dma_wait3A_129] : memref<3x16x80x128xi32, #tpu.memory_space<hbm>> -> memref<1x1x80x128xi32, #tpu.memory_space<hbm>>
      %dma_wait3A_131 = tpu.memref_squeeze %dma_wait3A_130 : memref<1x1x80x128xi32, #tpu.memory_space<hbm>> -> memref<80x128xi32, #tpu.memory_space<hbm>>
      %dma_wait3A_132 = arith.constant 0 : i32
      %dma_wait3A_133 = arith.constant 0 : i32
      %dma_wait3A_134 = tpu.memref_slice %arg3[%run_scoped3A_44, %arg1, %dma_wait3A_132, %dma_wait3A_133] : memref<3x16x80x128xi32, #tpu.memory_space<hbm>> -> memref<1x1x80x128xi32, #tpu.memory_space<hbm>>
      %dma_wait3A_135 = tpu.memref_squeeze %dma_wait3A_134 : memref<1x1x80x128xi32, #tpu.memory_space<hbm>> -> memref<80x128xi32, #tpu.memory_space<hbm>>
      tpu.wait_dma2 semaphore(%run_scoped3A_120 : memref<!tpu.dma_semaphore, #tpu.memory_space<semaphore_mem>>) src(%dma_wait3A_135 : memref<80x128xi32, #tpu.memory_space<hbm>>) dst(%arg7 : memref<80x128xi32, #tpu.memory_space<vmem>>)
      tpu.yield
    }) : () -> ()
    %run_scoped3A_45 = arith.constant 1 : i32
    "tpu.region"() ({
      %run_scoped3A_120 = tpu.sem_alloc : memref<!tpu.dma_semaphore, #tpu.memory_space<semaphore_mem>>
      %dma_start3A_121 = arith.constant 0 : i32
      %dma_start3A_122 = arith.constant 0 : i32
      %dma_start3A_123 = tpu.memref_slice %arg4[%run_scoped3A_45, %arg1, %dma_start3A_121, %dma_start3A_122] : memref<3x16x80x128xi32, #tpu.memory_space<hbm>> -> memref<1x1x80x128xi32, #tpu.memory_space<hbm>>
      %dma_start3A_124 = tpu.memref_squeeze %dma_start3A_123 : memref<1x1x80x128xi32, #tpu.memory_space<hbm>> -> memref<80x128xi32, #tpu.memory_space<hbm>>
      %dma_start3A_125 = arith.constant 0 : i32
      %dma_start3A_126 = arith.constant 0 : i32
      %dma_start3A_127 = tpu.memref_slice %arg4[%run_scoped3A_45, %arg1, %dma_start3A_125, %dma_start3A_126] : memref<3x16x80x128xi32, #tpu.memory_space<hbm>> -> memref<1x1x80x128xi32, #tpu.memory_space<hbm>>
      %dma_start3A_128 = tpu.memref_squeeze %dma_start3A_127 : memref<1x1x80x128xi32, #tpu.memory_space<hbm>> -> memref<80x128xi32, #tpu.memory_space<hbm>>
      tpu.enqueue_dma source(%dma_start3A_128 : memref<80x128xi32, #tpu.memory_space<hbm>>) target(%arg8 : memref<80x128xi32, #tpu.memory_space<vmem>>) target_semaphore(%run_scoped3A_120 : memref<!tpu.dma_semaphore, #tpu.memory_space<semaphore_mem>>)
      %dma_wait3A = arith.constant 0 : i32
      %dma_wait3A_129 = arith.constant 0 : i32
      %dma_wait3A_130 = tpu.memref_slice %arg4[%run_scoped3A_45, %arg1, %dma_wait3A, %dma_wait3A_129] : memref<3x16x80x128xi32, #tpu.memory_space<hbm>> -> memref<1x1x80x128xi32, #tpu.memory_space<hbm>>
      %dma_wait3A_131 = tpu.memref_squeeze %dma_wait3A_130 : memref<1x1x80x128xi32, #tpu.memory_space<hbm>> -> memref<80x128xi32, #tpu.memory_space<hbm>>
      %dma_wait3A_132 = arith.constant 0 : i32
      %dma_wait3A_133 = arith.constant 0 : i32
      %dma_wait3A_134 = tpu.memref_slice %arg4[%run_scoped3A_45, %arg1, %dma_wait3A_132, %dma_wait3A_133] : memref<3x16x80x128xi32, #tpu.memory_space<hbm>> -> memref<1x1x80x128xi32, #tpu.memory_space<hbm>>
      %dma_wait3A_135 = tpu.memref_squeeze %dma_wait3A_134 : memref<1x1x80x128xi32, #tpu.memory_space<hbm>> -> memref<80x128xi32, #tpu.memory_space<hbm>>
      tpu.wait_dma2 semaphore(%run_scoped3A_120 : memref<!tpu.dma_semaphore, #tpu.memory_space<semaphore_mem>>) src(%dma_wait3A_135 : memref<80x128xi32, #tpu.memory_space<hbm>>) dst(%arg8 : memref<80x128xi32, #tpu.memory_space<vmem>>)
      tpu.yield
    }) : () -> ()
    %add3A_46 = arith.constant 100000 : i32
    %add3A_47 = arith.addi %add3A_46, %arg0 : i32
    %scan3A_48 = arith.constant 0 : i32
    %scan3A_49 = arith.constant 0 : i32
    %scan3A_50 = arith.constant 80 : i32
    %scan3A_51 = arith.addi %scan3A_49, %scan3A_50 : i32
    %scan3A_52 = arith.constant 1 : i32
    %scan3A_53 = scf.for %scan3A_120 = %scan3A_49 to %scan3A_51 step %scan3A_52 iter_args(%scan3A_121 = %scan3A_48) -> (i32)  : i32 {
      %get3A = arith.index_cast %scan3A_120 : i32 to index
      %get3A_122 = arith.constant 0 : index
      %get3A_123 = tpu.vector_load %arg7[%get3A, %get3A_122] {strides = array<i32>} : memref<80x128xi32, #tpu.memory_space<vmem>>, vector<1x16xi32>,
      %get3A_124 = vector.shape_cast %get3A_123 : vector<1x16xi32> to vector<16xi32>
      %mul3A_125 = arith.constant 2 : i32
      %mul3A_126 = vector.broadcast %mul3A_125 : i32 to vector<16xi32>
      %mul3A_127 = arith.muli %get3A_124, %mul3A_126 : vector<16xi32>
      %add3A_128 = vector.broadcast %add3A_47 : i32 to vector<16xi32>
      %add3A_129 = arith.addi %mul3A_127, %add3A_128 : vector<16xi32>
      %swap3A = arith.index_cast %scan3A_120 : i32 to index
      %swap3A_130 = arith.constant 0 : index
      %swap3A_131 = tpu.vector_load %arg7[%swap3A, %swap3A_130] {strides = array<i32>} : memref<80x128xi32, #tpu.memory_space<vmem>>, vector<1x16xi32>,
      %swap3A_132 = vector.shape_cast %swap3A_131 : vector<1x16xi32> to vector<16xi32>
      %swap3A_133 = vector.shape_cast %add3A_129 : vector<16xi32> to vector<1x16xi32>
      tpu.vector_store %arg7[%swap3A, %swap3A_130], %swap3A_133 {strides = array<i32>} : memref<80x128xi32, #tpu.memory_space<vmem>>, vector<1x16xi32>,
      %get3A_134 = arith.index_cast %scan3A_120 : i32 to index
      %get3A_135 = arith.constant 16 : index
      %get3A_136 = tpu.vector_load %arg7[%get3A_134, %get3A_135] {strides = array<i32>} : memref<80x128xi32, #tpu.memory_space<vmem>>, vector<1x16xi32>,
      %get3A_137 = vector.shape_cast %get3A_136 : vector<1x16xi32> to vector<16xi32>
      %mul3A_138 = arith.constant 2 : i32
      %mul3A_139 = vector.broadcast %mul3A_138 : i32 to vector<16xi32>
      %mul3A_140 = arith.muli %get3A_137, %mul3A_139 : vector<16xi32>
      %add3A_141 = vector.broadcast %add3A_47 : i32 to vector<16xi32>
      %add3A_142 = arith.addi %mul3A_140, %add3A_141 : vector<16xi32>
      %swap3A_143 = arith.index_cast %scan3A_120 : i32 to index
      %swap3A_144 = arith.constant 16 : index
      %swap3A_145 = tpu.vector_load %arg7[%swap3A_143, %swap3A_144] {strides = array<i32>} : memref<80x128xi32, #tpu.memory_space<vmem>>, vector<1x16xi32>,
      %swap3A_146 = vector.shape_cast %swap3A_145 : vector<1x16xi32> to vector<16xi32>
      %swap3A_147 = vector.shape_cast %add3A_142 : vector<16xi32> to vector<1x16xi32>
      tpu.vector_store %arg7[%swap3A_143, %swap3A_144], %swap3A_147 {strides = array<i32>} : memref<80x128xi32, #tpu.memory_space<vmem>>, vector<1x16xi32>,
      %get3A_148 = arith.index_cast %scan3A_120 : i32 to index
      %get3A_149 = arith.constant 32 : index
      %get3A_150 = tpu.vector_load %arg7[%get3A_148, %get3A_149] {strides = array<i32>} : memref<80x128xi32, #tpu.memory_space<vmem>>, vector<1x16xi32>,
      %get3A_151 = vector.shape_cast %get3A_150 : vector<1x16xi32> to vector<16xi32>
      %mul3A_152 = arith.constant 2 : i32
      %mul3A_153 = vector.broadcast %mul3A_152 : i32 to vector<16xi32>
      %mul3A_154 = arith.muli %get3A_151, %mul3A_153 : vector<16xi32>
      %add3A_155 = vector.broadcast %add3A_47 : i32 to vector<16xi32>
      %add3A_156 = arith.addi %mul3A_154, %add3A_155 : vector<16xi32>
      %swap3A_157 = arith.index_cast %scan3A_120 : i32 to index
      %swap3A_158 = arith.constant 32 : index
      %swap3A_159 = tpu.vector_load %arg7[%swap3A_157, %swap3A_158] {strides = array<i32>} : memref<80x128xi32, #tpu.memory_space<vmem>>, vector<1x16xi32>,
      %swap3A_160 = vector.shape_cast %swap3A_159 : vector<1x16xi32> to vector<16xi32>
      %swap3A_161 = vector.shape_cast %add3A_156 : vector<16xi32> to vector<1x16xi32>
      tpu.vector_store %arg7[%swap3A_157, %swap3A_158], %swap3A_161 {strides = array<i32>} : memref<80x128xi32, #tpu.memory_space<vmem>>, vector<1x16xi32>,
      %get3A_162 = arith.index_cast %scan3A_120 : i32 to index
      %get3A_163 = arith.constant 48 : index
      %get3A_164 = tpu.vector_load %arg7[%get3A_162, %get3A_163] {strides = array<i32>} : memref<80x128xi32, #tpu.memory_space<vmem>>, vector<1x16xi32>,
      %get3A_165 = vector.shape_cast %get3A_164 : vector<1x16xi32> to vector<16xi32>
      %mul3A_166 = arith.constant 2 : i32
      %mul3A_167 = vector.broadcast %mul3A_166 : i32 to vector<16xi32>
      %mul3A_168 = arith.muli %get3A_165, %mul3A_167 : vector<16xi32>
      %add3A_169 = vector.broadcast %add3A_47 : i32 to vector<16xi32>
      %add3A_170 = arith.addi %mul3A_168, %add3A_169 : vector<16xi32>
      %swap3A_171 = arith.index_cast %scan3A_120 : i32 to index
      %swap3A_172 = arith.constant 48 : index
      %swap3A_173 = tpu.vector_load %arg7[%swap3A_171, %swap3A_172] {strides = array<i32>} : memref<80x128xi32, #tpu.memory_space<vmem>>, vector<1x16xi32>,
      %swap3A_174 = vector.shape_cast %swap3A_173 : vector<1x16xi32> to vector<16xi32>
      %swap3A_175 = vector.shape_cast %add3A_170 : vector<16xi32> to vector<1x16xi32>
      tpu.vector_store %arg7[%swap3A_171, %swap3A_172], %swap3A_175 {strides = array<i32>} : memref<80x128xi32, #tpu.memory_space<vmem>>, vector<1x16xi32>,
      %get3A_176 = arith.index_cast %scan3A_120 : i32 to index
      %get3A_177 = arith.constant 64 : index
      %get3A_178 = tpu.vector_load %arg7[%get3A_176, %get3A_177] {strides = array<i32>} : memref<80x128xi32, #tpu.memory_space<vmem>>, vector<1x16xi32>,
      %get3A_179 = vector.shape_cast %get3A_178 : vector<1x16xi32> to vector<16xi32>
      %mul3A_180 = arith.constant 2 : i32
      %mul3A_181 = vector.broadcast %mul3A_180 : i32 to vector<16xi32>
      %mul3A_182 = arith.muli %get3A_179, %mul3A_181 : vector<16xi32>
      %add3A_183 = vector.broadcast %add3A_47 : i32 to vector<16xi32>
      %add3A_184 = arith.addi %mul3A_182, %add3A_183 : vector<16xi32>
      %swap3A_185 = arith.index_cast %scan3A_120 : i32 to index
      %swap3A_186 = arith.constant 64 : index
      %swap3A_187 = tpu.vector_load %arg7[%swap3A_185, %swap3A_186] {strides = array<i32>} : memref<80x128xi32, #tpu.memory_space<vmem>>, vector<1x16xi32>,
      %swap3A_188 = vector.shape_cast %swap3A_187 : vector<1x16xi32> to vector<16xi32>
      %swap3A_189 = vector.shape_cast %add3A_184 : vector<16xi32> to vector<1x16xi32>
      tpu.vector_store %arg7[%swap3A_185, %swap3A_186], %swap3A_189 {strides = array<i32>} : memref<80x128xi32, #tpu.memory_space<vmem>>, vector<1x16xi32>,
      %get3A_190 = arith.index_cast %scan3A_120 : i32 to index
      %get3A_191 = arith.constant 80 : index
      %get3A_192 = tpu.vector_load %arg7[%get3A_190, %get3A_191] {strides = array<i32>} : memref<80x128xi32, #tpu.memory_space<vmem>>, vector<1x16xi32>,
      %get3A_193 = vector.shape_cast %get3A_192 : vector<1x16xi32> to vector<16xi32>
      %mul3A_194 = arith.constant 2 : i32
      %mul3A_195 = vector.broadcast %mul3A_194 : i32 to vector<16xi32>
      %mul3A_196 = arith.muli %get3A_193, %mul3A_195 : vector<16xi32>
      %add3A_197 = vector.broadcast %add3A_47 : i32 to vector<16xi32>
      %add3A_198 = arith.addi %mul3A_196, %add3A_197 : vector<16xi32>
      %swap3A_199 = arith.index_cast %scan3A_120 : i32 to index
      %swap3A_200 = arith.constant 80 : index
      %swap3A_201 = tpu.vector_load %arg7[%swap3A_199, %swap3A_200] {strides = array<i32>} : memref<80x128xi32, #tpu.memory_space<vmem>>, vector<1x16xi32>,
      %swap3A_202 = vector.shape_cast %swap3A_201 : vector<1x16xi32> to vector<16xi32>
      %swap3A_203 = vector.shape_cast %add3A_198 : vector<16xi32> to vector<1x16xi32>
      tpu.vector_store %arg7[%swap3A_199, %swap3A_200], %swap3A_203 {strides = array<i32>} : memref<80x128xi32, #tpu.memory_space<vmem>>, vector<1x16xi32>,
      %get3A_204 = arith.index_cast %scan3A_120 : i32 to index
      %get3A_205 = arith.constant 96 : index
      %get3A_206 = tpu.vector_load %arg7[%get3A_204, %get3A_205] {strides = array<i32>} : memref<80x128xi32, #tpu.memory_space<vmem>>, vector<1x16xi32>,
      %get3A_207 = vector.shape_cast %get3A_206 : vector<1x16xi32> to vector<16xi32>
      %mul3A_208 = arith.constant 2 : i32
      %mul3A_209 = vector.broadcast %mul3A_208 : i32 to vector<16xi32>
      %mul3A_210 = arith.muli %get3A_207, %mul3A_209 : vector<16xi32>
      %add3A_211 = vector.broadcast %add3A_47 : i32 to vector<16xi32>
      %add3A_212 = arith.addi %mul3A_210, %add3A_211 : vector<16xi32>
      %swap3A_213 = arith.index_cast %scan3A_120 : i32 to index
      %swap3A_214 = arith.constant 96 : index
      %swap3A_215 = tpu.vector_load %arg7[%swap3A_213, %swap3A_214] {strides = array<i32>} : memref<80x128xi32, #tpu.memory_space<vmem>>, vector<1x16xi32>,
      %swap3A_216 = vector.shape_cast %swap3A_215 : vector<1x16xi32> to vector<16xi32>
      %swap3A_217 = vector.shape_cast %add3A_212 : vector<16xi32> to vector<1x16xi32>
      tpu.vector_store %arg7[%swap3A_213, %swap3A_214], %swap3A_217 {strides = array<i32>} : memref<80x128xi32, #tpu.memory_space<vmem>>, vector<1x16xi32>,
      %get3A_218 = arith.index_cast %scan3A_120 : i32 to index
      %get3A_219 = arith.constant 112 : index
      %get3A_220 = tpu.vector_load %arg7[%get3A_218, %get3A_219] {strides = array<i32>} : memref<80x128xi32, #tpu.memory_space<vmem>>, vector<1x16xi32>,
      %get3A_221 = vector.shape_cast %get3A_220 : vector<1x16xi32> to vector<16xi32>
      %mul3A_222 = arith.constant 2 : i32
      %mul3A_223 = vector.broadcast %mul3A_222 : i32 to vector<16xi32>
      %mul3A_224 = arith.muli %get3A_221, %mul3A_223 : vector<16xi32>
      %add3A_225 = vector.broadcast %add3A_47 : i32 to vector<16xi32>
      %add3A_226 = arith.addi %mul3A_224, %add3A_225 : vector<16xi32>
      %swap3A_227 = arith.index_cast %scan3A_120 : i32 to index
      %swap3A_228 = arith.constant 112 : index
      %swap3A_229 = tpu.vector_load %arg7[%swap3A_227, %swap3A_228] {strides = array<i32>} : memref<80x128xi32, #tpu.memory_space<vmem>>, vector<1x16xi32>,
      %swap3A_230 = vector.shape_cast %swap3A_229 : vector<1x16xi32> to vector<16xi32>
      %swap3A_231 = vector.shape_cast %add3A_226 : vector<16xi32> to vector<1x16xi32>
      tpu.vector_store %arg7[%swap3A_227, %swap3A_228], %swap3A_231 {strides = array<i32>} : memref<80x128xi32, #tpu.memory_space<vmem>>, vector<1x16xi32>,
      %scan3A_232 = arith.constant 0 : i32
      scf.yield %scan3A_232 : i32
    }
    %scan3A_54 = arith.constant 80 : i32
    %dma_start3A_55 = arith.constant 0 : i32
    %dma_start3A_56 = arith.constant 0 : i32
    %dma_start3A_57 = tpu.memref_slice %arg7[%dma_start3A_55, %dma_start3A_56] : memref<80x128xi32, #tpu.memory_space<vmem>> -> memref<1x128xi32, #tpu.memory_space<vmem>>
    %dma_start3A_58 = tpu.memref_squeeze %dma_start3A_57 : memref<1x128xi32, #tpu.memory_space<vmem>> -> memref<128xi32, #tpu.memory_space<vmem>>
    %dma_start3A_59 = arith.constant 0 : i32
    %dma_start3A_60 = arith.constant 0 : i32
    %dma_start3A_61 = tpu.memref_slice %arg2[%dma_start3A_59, %dma_start3A_60] : memref<300000x64xbf16, #tpu.memory_space<hbm>> -> memref<300000x64xbf16, #tpu.memory_space<hbm>>
    tpu.enqueue_indirect_dma source(%dma_start3A_61 : memref<300000x64xbf16, #tpu.memory_space<hbm>>) target(%arg9 : memref<128x64xbf16, #tpu.memory_space<vmem>>) offsets(%dma_start3A_58 : memref<128xi32, #tpu.memory_space<vmem>>) semaphore(%arg13 : memref<!tpu.dma_semaphore, #tpu.memory_space<semaphore_mem>>)
    %scan3A_62 = arith.constant 0 : i32
    %scan3A_63 = arith.constant 0 : i32
    %scan3A_64 = arith.constant 40 : i32
    %scan3A_65 = arith.addi %scan3A_63, %scan3A_64 : i32
    %scan3A_66 = arith.constant 1 : i32
    %scan3A_67 = scf.for %scan3A_120 = %scan3A_63 to %scan3A_65 step %scan3A_66 iter_args(%scan3A_121 = %scan3A_62) -> (i32)  : i32 {
      %mul3A_122 = arith.constant 2 : i32
      %mul3A_123 = arith.muli %mul3A_122, %scan3A_120 : i32
      %add3A_124 = arith.constant 1 : i32
      %add3A_125 = arith.addi %mul3A_123, %add3A_124 : i32
      %dma_start3A_126 = arith.constant 0 : i32
      %dma_start3A_127 = tpu.memref_slice %arg7[%add3A_125, %dma_start3A_126] : memref<80x128xi32, #tpu.memory_space<vmem>> -> memref<1x128xi32, #tpu.memory_space<vmem>>
      %dma_start3A_128 = tpu.memref_squeeze %dma_start3A_127 : memref<1x128xi32, #tpu.memory_space<vmem>> -> memref<128xi32, #tpu.memory_space<vmem>>
      %dma_start3A_129 = arith.constant 0 : i32
      %dma_start3A_130 = arith.constant 0 : i32
      %dma_start3A_131 = tpu.memref_slice %arg2[%dma_start3A_129, %dma_start3A_130] : memref<300000x64xbf16, #tpu.memory_space<hbm>> -> memref<300000x64xbf16, #tpu.memory_space<hbm>>
      tpu.enqueue_indirect_dma source(%dma_start3A_131 : memref<300000x64xbf16, #tpu.memory_space<hbm>>) target(%arg10 : memref<128x64xbf16, #tpu.memory_space<vmem>>) offsets(%dma_start3A_128 : memref<128xi32, #tpu.memory_space<vmem>>) semaphore(%arg14 : memref<!tpu.dma_semaphore, #tpu.memory_space<semaphore_mem>>)
      %dma_wait3A = arith.constant 0 : i32
      %dma_wait3A_132 = tpu.memref_slice %arg7[%mul3A_123, %dma_wait3A] : memref<80x128xi32, #tpu.memory_space<vmem>> -> memref<1x128xi32, #tpu.memory_space<vmem>>
      %dma_wait3A_133 = tpu.memref_squeeze %dma_wait3A_132 : memref<1x128xi32, #tpu.memory_space<vmem>> -> memref<128xi32, #tpu.memory_space<vmem>>
      %dma_wait3A_134 = arith.constant 0 : i32
      %dma_wait3A_135 = arith.constant 0 : i32
      %dma_wait3A_136 = tpu.memref_slice %arg2[%dma_wait3A_134, %dma_wait3A_135] : memref<300000x64xbf16, #tpu.memory_space<hbm>> -> memref<300000x64xbf16, #tpu.memory_space<hbm>>
      tpu.wait_indirect_dma semaphore(%arg13 : memref<!tpu.dma_semaphore, #tpu.memory_space<semaphore_mem>>) src(%dma_wait3A_136 : memref<300000x64xbf16, #tpu.memory_space<hbm>>) dst(%arg9 : memref<128x64xbf16, #tpu.memory_space<vmem>>)
      "tpu.region"() ({
        %run_scoped3A_152 = tpu.sem_alloc : memref<!tpu.dma_semaphore, #tpu.memory_space<semaphore_mem>>
        %dma_start3A_153 = arith.constant 0 : i32
        %dma_start3A_154 = tpu.memref_slice %arg8[%mul3A_123, %dma_start3A_153] : memref<80x128xi32, #tpu.memory_space<vmem>> -> memref<1x128xi32, #tpu.memory_space<vmem>>
        %dma_start3A_155 = tpu.memref_squeeze %dma_start3A_154 : memref<1x128xi32, #tpu.memory_space<vmem>> -> memref<128xi32, #tpu.memory_space<vmem>>
        %dma_start3A_156 = arith.constant 0 : i32
        %dma_start3A_157 = arith.constant 0 : i32
        %dma_start3A_158 = tpu.memref_slice %arg12[%dma_start3A_156, %dma_start3A_157] : memref<50176x64xbf16, #tpu.memory_space<vmem_shared>> -> memref<50176x64xbf16, #tpu.memory_space<vmem_shared>>
        tpu.enqueue_indirect_dma source(%arg9 : memref<128x64xbf16, #tpu.memory_space<vmem>>) target(%dma_start3A_158 : memref<50176x64xbf16, #tpu.memory_space<vmem_shared>>) offsets(%dma_start3A_155 : memref<128xi32, #tpu.memory_space<vmem>>) semaphore(%run_scoped3A_152 : memref<!tpu.dma_semaphore, #tpu.memory_space<semaphore_mem>>) {add = true}
        %dma_wait3A_159 = arith.constant 0 : i32
        %dma_wait3A_160 = tpu.memref_slice %arg8[%mul3A_123, %dma_wait3A_159] : memref<80x128xi32, #tpu.memory_space<vmem>> -> memref<1x128xi32, #tpu.memory_space<vmem>>
        %dma_wait3A_161 = tpu.memref_squeeze %dma_wait3A_160 : memref<1x128xi32, #tpu.memory_space<vmem>> -> memref<128xi32, #tpu.memory_space<vmem>>
        %dma_wait3A_162 = arith.constant 0 : i32
        %dma_wait3A_163 = arith.constant 0 : i32
        %dma_wait3A_164 = tpu.memref_slice %arg12[%dma_wait3A_162, %dma_wait3A_163] : memref<50176x64xbf16, #tpu.memory_space<vmem_shared>> -> memref<50176x64xbf16, #tpu.memory_space<vmem_shared>>
        tpu.wait_indirect_dma semaphore(%run_scoped3A_152 : memref<!tpu.dma_semaphore, #tpu.memory_space<semaphore_mem>>) src(%arg9 : memref<128x64xbf16, #tpu.memory_space<vmem>>) dst(%dma_wait3A_164 : memref<50176x64xbf16, #tpu.memory_space<vmem_shared>>)
        tpu.yield
      }) : () -> ()
      %add3A_137 = arith.constant 1 : i32
      %add3A_138 = arith.addi %scan3A_120, %add3A_137 : i32
      %lt3A = arith.constant 40 : i32
      %lt3A_139 = arith.cmpi slt, %add3A_138, %lt3A : i32
      %convert_element_type3A = arith.extui %lt3A_139 : i1 to i32
      %cond3A = arith.constant 0 : i32
      %cond3A_140 = arith.cmpi ne, %convert_element_type3A, %cond3A : i32
      scf.if %cond3A_140 {
        %add3A_152 = arith.constant 2 : i32
        %add3A_153 = arith.addi %mul3A_123, %add3A_152 : i32
        %dma_start3A_154 = arith.constant 0 : i32
        %dma_start3A_155 = tpu.memref_slice %arg7[%add3A_153, %dma_start3A_154] : memref<80x128xi32, #tpu.memory_space<vmem>> -> memref<1x128xi32, #tpu.memory_space<vmem>>
        %dma_start3A_156 = tpu.memref_squeeze %dma_start3A_155 : memref<1x128xi32, #tpu.memory_space<vmem>> -> memref<128xi32, #tpu.memory_space<vmem>>
        %dma_start3A_157 = arith.constant 0 : i32
        %dma_start3A_158 = arith.constant 0 : i32
        %dma_start3A_159 = tpu.memref_slice %arg2[%dma_start3A_157, %dma_start3A_158] : memref<300000x64xbf16, #tpu.memory_space<hbm>> -> memref<300000x64xbf16, #tpu.memory_space<hbm>>
        tpu.enqueue_indirect_dma source(%dma_start3A_159 : memref<300000x64xbf16, #tpu.memory_space<hbm>>) target(%arg9 : memref<128x64xbf16, #tpu.memory_space<vmem>>) offsets(%dma_start3A_156 : memref<128xi32, #tpu.memory_space<vmem>>) semaphore(%arg13 : memref<!tpu.dma_semaphore, #tpu.memory_space<semaphore_mem>>)
      } else {
      }
      %add3A_141 = arith.constant 1 : i32
      %add3A_142 = arith.addi %mul3A_123, %add3A_141 : i32
      %dma_wait3A_143 = arith.constant 0 : i32
      %dma_wait3A_144 = tpu.memref_slice %arg7[%add3A_142, %dma_wait3A_143] : memref<80x128xi32, #tpu.memory_space<vmem>> -> memref<1x128xi32, #tpu.memory_space<vmem>>
      %dma_wait3A_145 = tpu.memref_squeeze %dma_wait3A_144 : memref<1x128xi32, #tpu.memory_space<vmem>> -> memref<128xi32, #tpu.memory_space<vmem>>
      %dma_wait3A_146 = arith.constant 0 : i32
      %dma_wait3A_147 = arith.constant 0 : i32
      %dma_wait3A_148 = tpu.memref_slice %arg2[%dma_wait3A_146, %dma_wait3A_147] : memref<300000x64xbf16, #tpu.memory_space<hbm>> -> memref<300000x64xbf16, #tpu.memory_space<hbm>>
      tpu.wait_indirect_dma semaphore(%arg14 : memref<!tpu.dma_semaphore, #tpu.memory_space<semaphore_mem>>) src(%dma_wait3A_148 : memref<300000x64xbf16, #tpu.memory_space<hbm>>) dst(%arg10 : memref<128x64xbf16, #tpu.memory_space<vmem>>)
      %add3A_149 = arith.constant 1 : i32
      %add3A_150 = arith.addi %mul3A_123, %add3A_149 : i32
      "tpu.region"() ({
        %run_scoped3A_152 = tpu.sem_alloc : memref<!tpu.dma_semaphore, #tpu.memory_space<semaphore_mem>>
        %dma_start3A_153 = arith.constant 0 : i32
        %dma_start3A_154 = tpu.memref_slice %arg8[%add3A_150, %dma_start3A_153] : memref<80x128xi32, #tpu.memory_space<vmem>> -> memref<1x128xi32, #tpu.memory_space<vmem>>
        %dma_start3A_155 = tpu.memref_squeeze %dma_start3A_154 : memref<1x128xi32, #tpu.memory_space<vmem>> -> memref<128xi32, #tpu.memory_space<vmem>>
        %dma_start3A_156 = arith.constant 0 : i32
        %dma_start3A_157 = arith.constant 0 : i32
        %dma_start3A_158 = tpu.memref_slice %arg12[%dma_start3A_156, %dma_start3A_157] : memref<50176x64xbf16, #tpu.memory_space<vmem_shared>> -> memref<50176x64xbf16, #tpu.memory_space<vmem_shared>>
        tpu.enqueue_indirect_dma source(%arg10 : memref<128x64xbf16, #tpu.memory_space<vmem>>) target(%dma_start3A_158 : memref<50176x64xbf16, #tpu.memory_space<vmem_shared>>) offsets(%dma_start3A_155 : memref<128xi32, #tpu.memory_space<vmem>>) semaphore(%run_scoped3A_152 : memref<!tpu.dma_semaphore, #tpu.memory_space<semaphore_mem>>) {add = true}
        %dma_wait3A_159 = arith.constant 0 : i32
        %dma_wait3A_160 = tpu.memref_slice %arg8[%add3A_150, %dma_wait3A_159] : memref<80x128xi32, #tpu.memory_space<vmem>> -> memref<1x128xi32, #tpu.memory_space<vmem>>
        %dma_wait3A_161 = tpu.memref_squeeze %dma_wait3A_160 : memref<1x128xi32, #tpu.memory_space<vmem>> -> memref<128xi32, #tpu.memory_space<vmem>>
        %dma_wait3A_162 = arith.constant 0 : i32
        %dma_wait3A_163 = arith.constant 0 : i32
        %dma_wait3A_164 = tpu.memref_slice %arg12[%dma_wait3A_162, %dma_wait3A_163] : memref<50176x64xbf16, #tpu.memory_space<vmem_shared>> -> memref<50176x64xbf16, #tpu.memory_space<vmem_shared>>
        tpu.wait_indirect_dma semaphore(%run_scoped3A_152 : memref<!tpu.dma_semaphore, #tpu.memory_space<semaphore_mem>>) src(%arg10 : memref<128x64xbf16, #tpu.memory_space<vmem>>) dst(%dma_wait3A_164 : memref<50176x64xbf16, #tpu.memory_space<vmem_shared>>)
        tpu.yield
      }) : () -> ()
      %scan3A_151 = arith.constant 0 : i32
      scf.yield %scan3A_151 : i32
    }
    %scan3A_68 = arith.constant 40 : i32
    %barrier3A_69 = arith.constant 0 : index
    tpu.barrier barrier_id(%barrier3A_69)
    %mul3A_70 = arith.constant 3125 : i32
    %mul3A_71 = arith.muli %arg1, %mul3A_70 : i32
    %mul3A_72 = arith.constant 3125 : i32
    %mul3A_73 = arith.muli %arg1, %mul3A_72 : i32
    %mul3A_74 = arith.constant 64 : i32
    %mul3A_75 = arith.muli %arg0, %mul3A_74 : i32
    %run_scoped3A_76 = arith.constant 1 : i32
    "tpu.region"() ({
      %run_scoped3A_120 = tpu.sem_alloc : memref<!tpu.dma_semaphore, #tpu.memory_space<semaphore_mem>>
      %dma_start3A_121 = tpu.memref_slice %arg6[%run_scoped3A_76, %mul3A_73, %mul3A_75] : memref<3x50000x128xbf16, #tpu.memory_space<hbm>> -> memref<1x3125x64xbf16, #tpu.memory_space<hbm>>
      %dma_start3A_122 = tpu.memref_squeeze %dma_start3A_121 : memref<1x3125x64xbf16, #tpu.memory_space<hbm>> -> memref<3125x64xbf16, #tpu.memory_space<hbm>>
      %dma_start3A_123 = arith.constant 0 : i32
      %dma_start3A_124 = tpu.memref_slice %arg12[%mul3A_71, %dma_start3A_123] : memref<50176x64xbf16, #tpu.memory_space<vmem_shared>> -> memref<3125x64xbf16, #tpu.memory_space<vmem_shared>>
      tpu.enqueue_dma source(%dma_start3A_124 : memref<3125x64xbf16, #tpu.memory_space<vmem_shared>>) target(%dma_start3A_122 : memref<3125x64xbf16, #tpu.memory_space<hbm>>) target_semaphore(%run_scoped3A_120 : memref<!tpu.dma_semaphore, #tpu.memory_space<semaphore_mem>>)
      %dma_wait3A = tpu.memref_slice %arg6[%run_scoped3A_76, %mul3A_73, %mul3A_75] : memref<3x50000x128xbf16, #tpu.memory_space<hbm>> -> memref<1x3125x64xbf16, #tpu.memory_space<hbm>>
      %dma_wait3A_125 = tpu.memref_squeeze %dma_wait3A : memref<1x3125x64xbf16, #tpu.memory_space<hbm>> -> memref<3125x64xbf16, #tpu.memory_space<hbm>>
      %dma_wait3A_126 = arith.constant 0 : i32
      %dma_wait3A_127 = tpu.memref_slice %arg12[%mul3A_71, %dma_wait3A_126] : memref<50176x64xbf16, #tpu.memory_space<vmem_shared>> -> memref<3125x64xbf16, #tpu.memory_space<vmem_shared>>
      tpu.wait_dma2 semaphore(%run_scoped3A_120 : memref<!tpu.dma_semaphore, #tpu.memory_space<semaphore_mem>>) src(%dma_wait3A_127 : memref<3125x64xbf16, #tpu.memory_space<vmem_shared>>) dst(%dma_wait3A_125 : memref<3125x64xbf16, #tpu.memory_space<hbm>>)
      tpu.yield
    }) : () -> ()
    %barrier3A_77 = arith.constant 0 : index
    tpu.barrier barrier_id(%barrier3A_77)
    %scan3A_78 = arith.constant 0 : i32
    %scan3A_79 = arith.constant 0 : i32
    %scan3A_80 = arith.constant 49 : i32
    %scan3A_81 = arith.addi %scan3A_79, %scan3A_80 : i32
    %scan3A_82 = arith.constant 1 : i32
    %scan3A_83 = scf.for %scan3A_120 = %scan3A_79 to %scan3A_81 step %scan3A_82 iter_args(%scan3A_121 = %scan3A_78) -> (i32)  : i32 {
      %mul3A_122 = arith.constant 3136 : i32
      %mul3A_123 = arith.muli %arg1, %mul3A_122 : i32
      %mul3A_124 = arith.constant 64 : i32
      %mul3A_125 = arith.muli %scan3A_120, %mul3A_124 : i32
      %add3A_126 = arith.addi %mul3A_123, %mul3A_125 : i32
      "tpu.region"() ({
        %run_scoped3A_128 = tpu.sem_alloc : memref<!tpu.dma_semaphore, #tpu.memory_space<semaphore_mem>>
        %dma_start3A_129 = arith.constant 0 : i32
        %dma_start3A_130 = tpu.memref_slice %arg12[%add3A_126, %dma_start3A_129] : memref<50176x64xbf16, #tpu.memory_space<vmem_shared>> -> memref<64x64xbf16, #tpu.memory_space<vmem_shared>>
        %dma_start3A_131 = arith.constant 0 : i32
        %dma_start3A_132 = tpu.memref_slice %arg12[%add3A_126, %dma_start3A_131] : memref<50176x64xbf16, #tpu.memory_space<vmem_shared>> -> memref<64x64xbf16, #tpu.memory_space<vmem_shared>>
        tpu.enqueue_dma source(%arg11 : memref<64x64xbf16, #tpu.memory_space<vmem>>) target(%dma_start3A_132 : memref<64x64xbf16, #tpu.memory_space<vmem_shared>>) target_semaphore(%run_scoped3A_128 : memref<!tpu.dma_semaphore, #tpu.memory_space<semaphore_mem>>)
        %dma_wait3A = arith.constant 0 : i32
        %dma_wait3A_133 = tpu.memref_slice %arg12[%add3A_126, %dma_wait3A] : memref<50176x64xbf16, #tpu.memory_space<vmem_shared>> -> memref<64x64xbf16, #tpu.memory_space<vmem_shared>>
        %dma_wait3A_134 = arith.constant 0 : i32
        %dma_wait3A_135 = tpu.memref_slice %arg12[%add3A_126, %dma_wait3A_134] : memref<50176x64xbf16, #tpu.memory_space<vmem_shared>> -> memref<64x64xbf16, #tpu.memory_space<vmem_shared>>
        tpu.wait_dma2 semaphore(%run_scoped3A_128 : memref<!tpu.dma_semaphore, #tpu.memory_space<semaphore_mem>>) src(%arg11 : memref<64x64xbf16, #tpu.memory_space<vmem>>) dst(%dma_wait3A_135 : memref<64x64xbf16, #tpu.memory_space<vmem_shared>>)
        tpu.yield
      }) : () -> ()
      %scan3A_127 = arith.constant 0 : i32
      scf.yield %scan3A_127 : i32
    }
    %scan3A_84 = arith.constant 49 : i32
    %barrier3A_85 = arith.constant 0 : index
    tpu.barrier barrier_id(%barrier3A_85)
    %run_scoped3A_86 = arith.constant 2 : i32
    "tpu.region"() ({
      %run_scoped3A_120 = tpu.sem_alloc : memref<!tpu.dma_semaphore, #tpu.memory_space<semaphore_mem>>
      %dma_start3A_121 = arith.constant 0 : i32
      %dma_start3A_122 = arith.constant 0 : i32
      %dma_start3A_123 = tpu.memref_slice %arg3[%run_scoped3A_86, %arg1, %dma_start3A_121, %dma_start3A_122] : memref<3x16x80x128xi32, #tpu.memory_space<hbm>> -> memref<1x1x80x128xi32, #tpu.memory_space<hbm>>
      %dma_start3A_124 = tpu.memref_squeeze %dma_start3A_123 : memref<1x1x80x128xi32, #tpu.memory_space<hbm>> -> memref<80x128xi32, #tpu.memory_space<hbm>>
      %dma_start3A_125 = arith.constant 0 : i32
      %dma_start3A_126 = arith.constant 0 : i32
      %dma_start3A_127 = tpu.memref_slice %arg3[%run_scoped3A_86, %arg1, %dma_start3A_125, %dma_start3A_126] : memref<3x16x80x128xi32, #tpu.memory_space<hbm>> -> memref<1x1x80x128xi32, #tpu.memory_space<hbm>>
      %dma_start3A_128 = tpu.memref_squeeze %dma_start3A_127 : memref<1x1x80x128xi32, #tpu.memory_space<hbm>> -> memref<80x128xi32, #tpu.memory_space<hbm>>
      tpu.enqueue_dma source(%dma_start3A_128 : memref<80x128xi32, #tpu.memory_space<hbm>>) target(%arg7 : memref<80x128xi32, #tpu.memory_space<vmem>>) target_semaphore(%run_scoped3A_120 : memref<!tpu.dma_semaphore, #tpu.memory_space<semaphore_mem>>)
      %dma_wait3A = arith.constant 0 : i32
      %dma_wait3A_129 = arith.constant 0 : i32
      %dma_wait3A_130 = tpu.memref_slice %arg3[%run_scoped3A_86, %arg1, %dma_wait3A, %dma_wait3A_129] : memref<3x16x80x128xi32, #tpu.memory_space<hbm>> -> memref<1x1x80x128xi32, #tpu.memory_space<hbm>>
      %dma_wait3A_131 = tpu.memref_squeeze %dma_wait3A_130 : memref<1x1x80x128xi32, #tpu.memory_space<hbm>> -> memref<80x128xi32, #tpu.memory_space<hbm>>
      %dma_wait3A_132 = arith.constant 0 : i32
      %dma_wait3A_133 = arith.constant 0 : i32
      %dma_wait3A_134 = tpu.memref_slice %arg3[%run_scoped3A_86, %arg1, %dma_wait3A_132, %dma_wait3A_133] : memref<3x16x80x128xi32, #tpu.memory_space<hbm>> -> memref<1x1x80x128xi32, #tpu.memory_space<hbm>>
      %dma_wait3A_135 = tpu.memref_squeeze %dma_wait3A_134 : memref<1x1x80x128xi32, #tpu.memory_space<hbm>> -> memref<80x128xi32, #tpu.memory_space<hbm>>
      tpu.wait_dma2 semaphore(%run_scoped3A_120 : memref<!tpu.dma_semaphore, #tpu.memory_space<semaphore_mem>>) src(%dma_wait3A_135 : memref<80x128xi32, #tpu.memory_space<hbm>>) dst(%arg7 : memref<80x128xi32, #tpu.memory_space<vmem>>)
      tpu.yield
    }) : () -> ()
    %run_scoped3A_87 = arith.constant 2 : i32
    "tpu.region"() ({
      %run_scoped3A_120 = tpu.sem_alloc : memref<!tpu.dma_semaphore, #tpu.memory_space<semaphore_mem>>
      %dma_start3A_121 = arith.constant 0 : i32
      %dma_start3A_122 = arith.constant 0 : i32
      %dma_start3A_123 = tpu.memref_slice %arg4[%run_scoped3A_87, %arg1, %dma_start3A_121, %dma_start3A_122] : memref<3x16x80x128xi32, #tpu.memory_space<hbm>> -> memref<1x1x80x128xi32, #tpu.memory_space<hbm>>
      %dma_start3A_124 = tpu.memref_squeeze %dma_start3A_123 : memref<1x1x80x128xi32, #tpu.memory_space<hbm>> -> memref<80x128xi32, #tpu.memory_space<hbm>>
      %dma_start3A_125 = arith.constant 0 : i32
      %dma_start3A_126 = arith.constant 0 : i32
      %dma_start3A_127 = tpu.memref_slice %arg4[%run_scoped3A_87, %arg1, %dma_start3A_125, %dma_start3A_126] : memref<3x16x80x128xi32, #tpu.memory_space<hbm>> -> memref<1x1x80x128xi32, #tpu.memory_space<hbm>>
      %dma_start3A_128 = tpu.memref_squeeze %dma_start3A_127 : memref<1x1x80x128xi32, #tpu.memory_space<hbm>> -> memref<80x128xi32, #tpu.memory_space<hbm>>
      tpu.enqueue_dma source(%dma_start3A_128 : memref<80x128xi32, #tpu.memory_space<hbm>>) target(%arg8 : memref<80x128xi32, #tpu.memory_space<vmem>>) target_semaphore(%run_scoped3A_120 : memref<!tpu.dma_semaphore, #tpu.memory_space<semaphore_mem>>)
      %dma_wait3A = arith.constant 0 : i32
      %dma_wait3A_129 = arith.constant 0 : i32
      %dma_wait3A_130 = tpu.memref_slice %arg4[%run_scoped3A_87, %arg1, %dma_wait3A, %dma_wait3A_129] : memref<3x16x80x128xi32, #tpu.memory_space<hbm>> -> memref<1x1x80x128xi32, #tpu.memory_space<hbm>>
      %dma_wait3A_131 = tpu.memref_squeeze %dma_wait3A_130 : memref<1x1x80x128xi32, #tpu.memory_space<hbm>> -> memref<80x128xi32, #tpu.memory_space<hbm>>
      %dma_wait3A_132 = arith.constant 0 : i32
      %dma_wait3A_133 = arith.constant 0 : i32
      %dma_wait3A_134 = tpu.memref_slice %arg4[%run_scoped3A_87, %arg1, %dma_wait3A_132, %dma_wait3A_133] : memref<3x16x80x128xi32, #tpu.memory_space<hbm>> -> memref<1x1x80x128xi32, #tpu.memory_space<hbm>>
      %dma_wait3A_135 = tpu.memref_squeeze %dma_wait3A_134 : memref<1x1x80x128xi32, #tpu.memory_space<hbm>> -> memref<80x128xi32, #tpu.memory_space<hbm>>
      tpu.wait_dma2 semaphore(%run_scoped3A_120 : memref<!tpu.dma_semaphore, #tpu.memory_space<semaphore_mem>>) src(%dma_wait3A_135 : memref<80x128xi32, #tpu.memory_space<hbm>>) dst(%arg8 : memref<80x128xi32, #tpu.memory_space<vmem>>)
      tpu.yield
    }) : () -> ()
    %add3A_88 = arith.constant 200000 : i32
    %add3A_89 = arith.addi %add3A_88, %arg0 : i32
    %scan3A_90 = arith.constant 0 : i32
    %scan3A_91 = arith.constant 0 : i32
    %scan3A_92 = arith.constant 80 : i32
    %scan3A_93 = arith.addi %scan3A_91, %scan3A_92 : i32
    %scan3A_94 = arith.constant 1 : i32
    %scan3A_95 = scf.for %scan3A_120 = %scan3A_91 to %scan3A_93 step %scan3A_94 iter_args(%scan3A_121 = %scan3A_90) -> (i32)  : i32 {
      %get3A = arith.index_cast %scan3A_120 : i32 to index
      %get3A_122 = arith.constant 0 : index
      %get3A_123 = tpu.vector_load %arg7[%get3A, %get3A_122] {strides = array<i32>} : memref<80x128xi32, #tpu.memory_space<vmem>>, vector<1x16xi32>,
      %get3A_124 = vector.shape_cast %get3A_123 : vector<1x16xi32> to vector<16xi32>
      %mul3A_125 = arith.constant 2 : i32
      %mul3A_126 = vector.broadcast %mul3A_125 : i32 to vector<16xi32>
      %mul3A_127 = arith.muli %get3A_124, %mul3A_126 : vector<16xi32>
      %add3A_128 = vector.broadcast %add3A_89 : i32 to vector<16xi32>
      %add3A_129 = arith.addi %mul3A_127, %add3A_128 : vector<16xi32>
      %swap3A = arith.index_cast %scan3A_120 : i32 to index
      %swap3A_130 = arith.constant 0 : index
      %swap3A_131 = tpu.vector_load %arg7[%swap3A, %swap3A_130] {strides = array<i32>} : memref<80x128xi32, #tpu.memory_space<vmem>>, vector<1x16xi32>,
      %swap3A_132 = vector.shape_cast %swap3A_131 : vector<1x16xi32> to vector<16xi32>
      %swap3A_133 = vector.shape_cast %add3A_129 : vector<16xi32> to vector<1x16xi32>
      tpu.vector_store %arg7[%swap3A, %swap3A_130], %swap3A_133 {strides = array<i32>} : memref<80x128xi32, #tpu.memory_space<vmem>>, vector<1x16xi32>,
      %get3A_134 = arith.index_cast %scan3A_120 : i32 to index
      %get3A_135 = arith.constant 16 : index
      %get3A_136 = tpu.vector_load %arg7[%get3A_134, %get3A_135] {strides = array<i32>} : memref<80x128xi32, #tpu.memory_space<vmem>>, vector<1x16xi32>,
      %get3A_137 = vector.shape_cast %get3A_136 : vector<1x16xi32> to vector<16xi32>
      %mul3A_138 = arith.constant 2 : i32
      %mul3A_139 = vector.broadcast %mul3A_138 : i32 to vector<16xi32>
      %mul3A_140 = arith.muli %get3A_137, %mul3A_139 : vector<16xi32>
      %add3A_141 = vector.broadcast %add3A_89 : i32 to vector<16xi32>
      %add3A_142 = arith.addi %mul3A_140, %add3A_141 : vector<16xi32>
      %swap3A_143 = arith.index_cast %scan3A_120 : i32 to index
      %swap3A_144 = arith.constant 16 : index
      %swap3A_145 = tpu.vector_load %arg7[%swap3A_143, %swap3A_144] {strides = array<i32>} : memref<80x128xi32, #tpu.memory_space<vmem>>, vector<1x16xi32>,
      %swap3A_146 = vector.shape_cast %swap3A_145 : vector<1x16xi32> to vector<16xi32>
      %swap3A_147 = vector.shape_cast %add3A_142 : vector<16xi32> to vector<1x16xi32>
      tpu.vector_store %arg7[%swap3A_143, %swap3A_144], %swap3A_147 {strides = array<i32>} : memref<80x128xi32, #tpu.memory_space<vmem>>, vector<1x16xi32>,
      %get3A_148 = arith.index_cast %scan3A_120 : i32 to index
      %get3A_149 = arith.constant 32 : index
      %get3A_150 = tpu.vector_load %arg7[%get3A_148, %get3A_149] {strides = array<i32>} : memref<80x128xi32, #tpu.memory_space<vmem>>, vector<1x16xi32>,
      %get3A_151 = vector.shape_cast %get3A_150 : vector<1x16xi32> to vector<16xi32>
      %mul3A_152 = arith.constant 2 : i32
      %mul3A_153 = vector.broadcast %mul3A_152 : i32 to vector<16xi32>
      %mul3A_154 = arith.muli %get3A_151, %mul3A_153 : vector<16xi32>
      %add3A_155 = vector.broadcast %add3A_89 : i32 to vector<16xi32>
      %add3A_156 = arith.addi %mul3A_154, %add3A_155 : vector<16xi32>
      %swap3A_157 = arith.index_cast %scan3A_120 : i32 to index
      %swap3A_158 = arith.constant 32 : index
      %swap3A_159 = tpu.vector_load %arg7[%swap3A_157, %swap3A_158] {strides = array<i32>} : memref<80x128xi32, #tpu.memory_space<vmem>>, vector<1x16xi32>,
      %swap3A_160 = vector.shape_cast %swap3A_159 : vector<1x16xi32> to vector<16xi32>
      %swap3A_161 = vector.shape_cast %add3A_156 : vector<16xi32> to vector<1x16xi32>
      tpu.vector_store %arg7[%swap3A_157, %swap3A_158], %swap3A_161 {strides = array<i32>} : memref<80x128xi32, #tpu.memory_space<vmem>>, vector<1x16xi32>,
      %get3A_162 = arith.index_cast %scan3A_120 : i32 to index
      %get3A_163 = arith.constant 48 : index
      %get3A_164 = tpu.vector_load %arg7[%get3A_162, %get3A_163] {strides = array<i32>} : memref<80x128xi32, #tpu.memory_space<vmem>>, vector<1x16xi32>,
      %get3A_165 = vector.shape_cast %get3A_164 : vector<1x16xi32> to vector<16xi32>
      %mul3A_166 = arith.constant 2 : i32
      %mul3A_167 = vector.broadcast %mul3A_166 : i32 to vector<16xi32>
      %mul3A_168 = arith.muli %get3A_165, %mul3A_167 : vector<16xi32>
      %add3A_169 = vector.broadcast %add3A_89 : i32 to vector<16xi32>
      %add3A_170 = arith.addi %mul3A_168, %add3A_169 : vector<16xi32>
      %swap3A_171 = arith.index_cast %scan3A_120 : i32 to index
      %swap3A_172 = arith.constant 48 : index
      %swap3A_173 = tpu.vector_load %arg7[%swap3A_171, %swap3A_172] {strides = array<i32>} : memref<80x128xi32, #tpu.memory_space<vmem>>, vector<1x16xi32>,
      %swap3A_174 = vector.shape_cast %swap3A_173 : vector<1x16xi32> to vector<16xi32>
      %swap3A_175 = vector.shape_cast %add3A_170 : vector<16xi32> to vector<1x16xi32>
      tpu.vector_store %arg7[%swap3A_171, %swap3A_172], %swap3A_175 {strides = array<i32>} : memref<80x128xi32, #tpu.memory_space<vmem>>, vector<1x16xi32>,
      %get3A_176 = arith.index_cast %scan3A_120 : i32 to index
      %get3A_177 = arith.constant 64 : index
      %get3A_178 = tpu.vector_load %arg7[%get3A_176, %get3A_177] {strides = array<i32>} : memref<80x128xi32, #tpu.memory_space<vmem>>, vector<1x16xi32>,
      %get3A_179 = vector.shape_cast %get3A_178 : vector<1x16xi32> to vector<16xi32>
      %mul3A_180 = arith.constant 2 : i32
      %mul3A_181 = vector.broadcast %mul3A_180 : i32 to vector<16xi32>
      %mul3A_182 = arith.muli %get3A_179, %mul3A_181 : vector<16xi32>
      %add3A_183 = vector.broadcast %add3A_89 : i32 to vector<16xi32>
      %add3A_184 = arith.addi %mul3A_182, %add3A_183 : vector<16xi32>
      %swap3A_185 = arith.index_cast %scan3A_120 : i32 to index
      %swap3A_186 = arith.constant 64 : index
      %swap3A_187 = tpu.vector_load %arg7[%swap3A_185, %swap3A_186] {strides = array<i32>} : memref<80x128xi32, #tpu.memory_space<vmem>>, vector<1x16xi32>,
      %swap3A_188 = vector.shape_cast %swap3A_187 : vector<1x16xi32> to vector<16xi32>
      %swap3A_189 = vector.shape_cast %add3A_184 : vector<16xi32> to vector<1x16xi32>
      tpu.vector_store %arg7[%swap3A_185, %swap3A_186], %swap3A_189 {strides = array<i32>} : memref<80x128xi32, #tpu.memory_space<vmem>>, vector<1x16xi32>,
      %get3A_190 = arith.index_cast %scan3A_120 : i32 to index
      %get3A_191 = arith.constant 80 : index
      %get3A_192 = tpu.vector_load %arg7[%get3A_190, %get3A_191] {strides = array<i32>} : memref<80x128xi32, #tpu.memory_space<vmem>>, vector<1x16xi32>,
      %get3A_193 = vector.shape_cast %get3A_192 : vector<1x16xi32> to vector<16xi32>
      %mul3A_194 = arith.constant 2 : i32
      %mul3A_195 = vector.broadcast %mul3A_194 : i32 to vector<16xi32>
      %mul3A_196 = arith.muli %get3A_193, %mul3A_195 : vector<16xi32>
      %add3A_197 = vector.broadcast %add3A_89 : i32 to vector<16xi32>
      %add3A_198 = arith.addi %mul3A_196, %add3A_197 : vector<16xi32>
      %swap3A_199 = arith.index_cast %scan3A_120 : i32 to index
      %swap3A_200 = arith.constant 80 : index
      %swap3A_201 = tpu.vector_load %arg7[%swap3A_199, %swap3A_200] {strides = array<i32>} : memref<80x128xi32, #tpu.memory_space<vmem>>, vector<1x16xi32>,
      %swap3A_202 = vector.shape_cast %swap3A_201 : vector<1x16xi32> to vector<16xi32>
      %swap3A_203 = vector.shape_cast %add3A_198 : vector<16xi32> to vector<1x16xi32>
      tpu.vector_store %arg7[%swap3A_199, %swap3A_200], %swap3A_203 {strides = array<i32>} : memref<80x128xi32, #tpu.memory_space<vmem>>, vector<1x16xi32>,
      %get3A_204 = arith.index_cast %scan3A_120 : i32 to index
      %get3A_205 = arith.constant 96 : index
      %get3A_206 = tpu.vector_load %arg7[%get3A_204, %get3A_205] {strides = array<i32>} : memref<80x128xi32, #tpu.memory_space<vmem>>, vector<1x16xi32>,
      %get3A_207 = vector.shape_cast %get3A_206 : vector<1x16xi32> to vector<16xi32>
      %mul3A_208 = arith.constant 2 : i32
      %mul3A_209 = vector.broadcast %mul3A_208 : i32 to vector<16xi32>
      %mul3A_210 = arith.muli %get3A_207, %mul3A_209 : vector<16xi32>
      %add3A_211 = vector.broadcast %add3A_89 : i32 to vector<16xi32>
      %add3A_212 = arith.addi %mul3A_210, %add3A_211 : vector<16xi32>
      %swap3A_213 = arith.index_cast %scan3A_120 : i32 to index
      %swap3A_214 = arith.constant 96 : index
      %swap3A_215 = tpu.vector_load %arg7[%swap3A_213, %swap3A_214] {strides = array<i32>} : memref<80x128xi32, #tpu.memory_space<vmem>>, vector<1x16xi32>,
      %swap3A_216 = vector.shape_cast %swap3A_215 : vector<1x16xi32> to vector<16xi32>
      %swap3A_217 = vector.shape_cast %add3A_212 : vector<16xi32> to vector<1x16xi32>
      tpu.vector_store %arg7[%swap3A_213, %swap3A_214], %swap3A_217 {strides = array<i32>} : memref<80x128xi32, #tpu.memory_space<vmem>>, vector<1x16xi32>,
      %get3A_218 = arith.index_cast %scan3A_120 : i32 to index
      %get3A_219 = arith.constant 112 : index
      %get3A_220 = tpu.vector_load %arg7[%get3A_218, %get3A_219] {strides = array<i32>} : memref<80x128xi32, #tpu.memory_space<vmem>>, vector<1x16xi32>,
      %get3A_221 = vector.shape_cast %get3A_220 : vector<1x16xi32> to vector<16xi32>
      %mul3A_222 = arith.constant 2 : i32
      %mul3A_223 = vector.broadcast %mul3A_222 : i32 to vector<16xi32>
      %mul3A_224 = arith.muli %get3A_221, %mul3A_223 : vector<16xi32>
      %add3A_225 = vector.broadcast %add3A_89 : i32 to vector<16xi32>
      %add3A_226 = arith.addi %mul3A_224, %add3A_225 : vector<16xi32>
      %swap3A_227 = arith.index_cast %scan3A_120 : i32 to index
      %swap3A_228 = arith.constant 112 : index
      %swap3A_229 = tpu.vector_load %arg7[%swap3A_227, %swap3A_228] {strides = array<i32>} : memref<80x128xi32, #tpu.memory_space<vmem>>, vector<1x16xi32>,
      %swap3A_230 = vector.shape_cast %swap3A_229 : vector<1x16xi32> to vector<16xi32>
      %swap3A_231 = vector.shape_cast %add3A_226 : vector<16xi32> to vector<1x16xi32>
      tpu.vector_store %arg7[%swap3A_227, %swap3A_228], %swap3A_231 {strides = array<i32>} : memref<80x128xi32, #tpu.memory_space<vmem>>, vector<1x16xi32>,
      %scan3A_232 = arith.constant 0 : i32
      scf.yield %scan3A_232 : i32
    }
    %scan3A_96 = arith.constant 80 : i32
    %dma_start3A_97 = arith.constant 0 : i32
    %dma_start3A_98 = arith.constant 0 : i32
    %dma_start3A_99 = tpu.memref_slice %arg7[%dma_start3A_97, %dma_start3A_98] : memref<80x128xi32, #tpu.memory_space<vmem>> -> memref<1x128xi32, #tpu.memory_space<vmem>>
    %dma_start3A_100 = tpu.memref_squeeze %dma_start3A_99 : memref<1x128xi32, #tpu.memory_space<vmem>> -> memref<128xi32, #tpu.memory_space<vmem>>
    %dma_start3A_101 = arith.constant 0 : i32
    %dma_start3A_102 = arith.constant 0 : i32
    %dma_start3A_103 = tpu.memref_slice %arg2[%dma_start3A_101, %dma_start3A_102] : memref<300000x64xbf16, #tpu.memory_space<hbm>> -> memref<300000x64xbf16, #tpu.memory_space<hbm>>
    tpu.enqueue_indirect_dma source(%dma_start3A_103 : memref<300000x64xbf16, #tpu.memory_space<hbm>>) target(%arg9 : memref<128x64xbf16, #tpu.memory_space<vmem>>) offsets(%dma_start3A_100 : memref<128xi32, #tpu.memory_space<vmem>>) semaphore(%arg13 : memref<!tpu.dma_semaphore, #tpu.memory_space<semaphore_mem>>)
    %scan3A_104 = arith.constant 0 : i32
    %scan3A_105 = arith.constant 0 : i32
    %scan3A_106 = arith.constant 40 : i32
    %scan3A_107 = arith.addi %scan3A_105, %scan3A_106 : i32
    %scan3A_108 = arith.constant 1 : i32
    %scan3A_109 = scf.for %scan3A_120 = %scan3A_105 to %scan3A_107 step %scan3A_108 iter_args(%scan3A_121 = %scan3A_104) -> (i32)  : i32 {
      %mul3A_122 = arith.constant 2 : i32
      %mul3A_123 = arith.muli %mul3A_122, %scan3A_120 : i32
      %add3A_124 = arith.constant 1 : i32
      %add3A_125 = arith.addi %mul3A_123, %add3A_124 : i32
      %dma_start3A_126 = arith.constant 0 : i32
      %dma_start3A_127 = tpu.memref_slice %arg7[%add3A_125, %dma_start3A_126] : memref<80x128xi32, #tpu.memory_space<vmem>> -> memref<1x128xi32, #tpu.memory_space<vmem>>
      %dma_start3A_128 = tpu.memref_squeeze %dma_start3A_127 : memref<1x128xi32, #tpu.memory_space<vmem>> -> memref<128xi32, #tpu.memory_space<vmem>>
      %dma_start3A_129 = arith.constant 0 : i32
      %dma_start3A_130 = arith.constant 0 : i32
      %dma_start3A_131 = tpu.memref_slice %arg2[%dma_start3A_129, %dma_start3A_130] : memref<300000x64xbf16, #tpu.memory_space<hbm>> -> memref<300000x64xbf16, #tpu.memory_space<hbm>>
      tpu.enqueue_indirect_dma source(%dma_start3A_131 : memref<300000x64xbf16, #tpu.memory_space<hbm>>) target(%arg10 : memref<128x64xbf16, #tpu.memory_space<vmem>>) offsets(%dma_start3A_128 : memref<128xi32, #tpu.memory_space<vmem>>) semaphore(%arg14 : memref<!tpu.dma_semaphore, #tpu.memory_space<semaphore_mem>>)
      %dma_wait3A = arith.constant 0 : i32
      %dma_wait3A_132 = tpu.memref_slice %arg7[%mul3A_123, %dma_wait3A] : memref<80x128xi32, #tpu.memory_space<vmem>> -> memref<1x128xi32, #tpu.memory_space<vmem>>
      %dma_wait3A_133 = tpu.memref_squeeze %dma_wait3A_132 : memref<1x128xi32, #tpu.memory_space<vmem>> -> memref<128xi32, #tpu.memory_space<vmem>>
      %dma_wait3A_134 = arith.constant 0 : i32
      %dma_wait3A_135 = arith.constant 0 : i32
      %dma_wait3A_136 = tpu.memref_slice %arg2[%dma_wait3A_134, %dma_wait3A_135] : memref<300000x64xbf16, #tpu.memory_space<hbm>> -> memref<300000x64xbf16, #tpu.memory_space<hbm>>
      tpu.wait_indirect_dma semaphore(%arg13 : memref<!tpu.dma_semaphore, #tpu.memory_space<semaphore_mem>>) src(%dma_wait3A_136 : memref<300000x64xbf16, #tpu.memory_space<hbm>>) dst(%arg9 : memref<128x64xbf16, #tpu.memory_space<vmem>>)
      "tpu.region"() ({
        %run_scoped3A_152 = tpu.sem_alloc : memref<!tpu.dma_semaphore, #tpu.memory_space<semaphore_mem>>
        %dma_start3A_153 = arith.constant 0 : i32
        %dma_start3A_154 = tpu.memref_slice %arg8[%mul3A_123, %dma_start3A_153] : memref<80x128xi32, #tpu.memory_space<vmem>> -> memref<1x128xi32, #tpu.memory_space<vmem>>
        %dma_start3A_155 = tpu.memref_squeeze %dma_start3A_154 : memref<1x128xi32, #tpu.memory_space<vmem>> -> memref<128xi32, #tpu.memory_space<vmem>>
        %dma_start3A_156 = arith.constant 0 : i32
        %dma_start3A_157 = arith.constant 0 : i32
        %dma_start3A_158 = tpu.memref_slice %arg12[%dma_start3A_156, %dma_start3A_157] : memref<50176x64xbf16, #tpu.memory_space<vmem_shared>> -> memref<50176x64xbf16, #tpu.memory_space<vmem_shared>>
        tpu.enqueue_indirect_dma source(%arg9 : memref<128x64xbf16, #tpu.memory_space<vmem>>) target(%dma_start3A_158 : memref<50176x64xbf16, #tpu.memory_space<vmem_shared>>) offsets(%dma_start3A_155 : memref<128xi32, #tpu.memory_space<vmem>>) semaphore(%run_scoped3A_152 : memref<!tpu.dma_semaphore, #tpu.memory_space<semaphore_mem>>) {add = true}
        %dma_wait3A_159 = arith.constant 0 : i32
        %dma_wait3A_160 = tpu.memref_slice %arg8[%mul3A_123, %dma_wait3A_159] : memref<80x128xi32, #tpu.memory_space<vmem>> -> memref<1x128xi32, #tpu.memory_space<vmem>>
        %dma_wait3A_161 = tpu.memref_squeeze %dma_wait3A_160 : memref<1x128xi32, #tpu.memory_space<vmem>> -> memref<128xi32, #tpu.memory_space<vmem>>
        %dma_wait3A_162 = arith.constant 0 : i32
        %dma_wait3A_163 = arith.constant 0 : i32
        %dma_wait3A_164 = tpu.memref_slice %arg12[%dma_wait3A_162, %dma_wait3A_163] : memref<50176x64xbf16, #tpu.memory_space<vmem_shared>> -> memref<50176x64xbf16, #tpu.memory_space<vmem_shared>>
        tpu.wait_indirect_dma semaphore(%run_scoped3A_152 : memref<!tpu.dma_semaphore, #tpu.memory_space<semaphore_mem>>) src(%arg9 : memref<128x64xbf16, #tpu.memory_space<vmem>>) dst(%dma_wait3A_164 : memref<50176x64xbf16, #tpu.memory_space<vmem_shared>>)
        tpu.yield
      }) : () -> ()
      %add3A_137 = arith.constant 1 : i32
      %add3A_138 = arith.addi %scan3A_120, %add3A_137 : i32
      %lt3A = arith.constant 40 : i32
      %lt3A_139 = arith.cmpi slt, %add3A_138, %lt3A : i32
      %convert_element_type3A = arith.extui %lt3A_139 : i1 to i32
      %cond3A = arith.constant 0 : i32
      %cond3A_140 = arith.cmpi ne, %convert_element_type3A, %cond3A : i32
      scf.if %cond3A_140 {
        %add3A_152 = arith.constant 2 : i32
        %add3A_153 = arith.addi %mul3A_123, %add3A_152 : i32
        %dma_start3A_154 = arith.constant 0 : i32
        %dma_start3A_155 = tpu.memref_slice %arg7[%add3A_153, %dma_start3A_154] : memref<80x128xi32, #tpu.memory_space<vmem>> -> memref<1x128xi32, #tpu.memory_space<vmem>>
        %dma_start3A_156 = tpu.memref_squeeze %dma_start3A_155 : memref<1x128xi32, #tpu.memory_space<vmem>> -> memref<128xi32, #tpu.memory_space<vmem>>
        %dma_start3A_157 = arith.constant 0 : i32
        %dma_start3A_158 = arith.constant 0 : i32
        %dma_start3A_159 = tpu.memref_slice %arg2[%dma_start3A_157, %dma_start3A_158] : memref<300000x64xbf16, #tpu.memory_space<hbm>> -> memref<300000x64xbf16, #tpu.memory_space<hbm>>
        tpu.enqueue_indirect_dma source(%dma_start3A_159 : memref<300000x64xbf16, #tpu.memory_space<hbm>>) target(%arg9 : memref<128x64xbf16, #tpu.memory_space<vmem>>) offsets(%dma_start3A_156 : memref<128xi32, #tpu.memory_space<vmem>>) semaphore(%arg13 : memref<!tpu.dma_semaphore, #tpu.memory_space<semaphore_mem>>)
      } else {
      }
      %add3A_141 = arith.constant 1 : i32
      %add3A_142 = arith.addi %mul3A_123, %add3A_141 : i32
      %dma_wait3A_143 = arith.constant 0 : i32
      %dma_wait3A_144 = tpu.memref_slice %arg7[%add3A_142, %dma_wait3A_143] : memref<80x128xi32, #tpu.memory_space<vmem>> -> memref<1x128xi32, #tpu.memory_space<vmem>>
      %dma_wait3A_145 = tpu.memref_squeeze %dma_wait3A_144 : memref<1x128xi32, #tpu.memory_space<vmem>> -> memref<128xi32, #tpu.memory_space<vmem>>
      %dma_wait3A_146 = arith.constant 0 : i32
      %dma_wait3A_147 = arith.constant 0 : i32
      %dma_wait3A_148 = tpu.memref_slice %arg2[%dma_wait3A_146, %dma_wait3A_147] : memref<300000x64xbf16, #tpu.memory_space<hbm>> -> memref<300000x64xbf16, #tpu.memory_space<hbm>>
      tpu.wait_indirect_dma semaphore(%arg14 : memref<!tpu.dma_semaphore, #tpu.memory_space<semaphore_mem>>) src(%dma_wait3A_148 : memref<300000x64xbf16, #tpu.memory_space<hbm>>) dst(%arg10 : memref<128x64xbf16, #tpu.memory_space<vmem>>)
      %add3A_149 = arith.constant 1 : i32
      %add3A_150 = arith.addi %mul3A_123, %add3A_149 : i32
      "tpu.region"() ({
        %run_scoped3A_152 = tpu.sem_alloc : memref<!tpu.dma_semaphore, #tpu.memory_space<semaphore_mem>>
        %dma_start3A_153 = arith.constant 0 : i32
        %dma_start3A_154 = tpu.memref_slice %arg8[%add3A_150, %dma_start3A_153] : memref<80x128xi32, #tpu.memory_space<vmem>> -> memref<1x128xi32, #tpu.memory_space<vmem>>
        %dma_start3A_155 = tpu.memref_squeeze %dma_start3A_154 : memref<1x128xi32, #tpu.memory_space<vmem>> -> memref<128xi32, #tpu.memory_space<vmem>>
        %dma_start3A_156 = arith.constant 0 : i32
        %dma_start3A_157 = arith.constant 0 : i32
        %dma_start3A_158 = tpu.memref_slice %arg12[%dma_start3A_156, %dma_start3A_157] : memref<50176x64xbf16, #tpu.memory_space<vmem_shared>> -> memref<50176x64xbf16, #tpu.memory_space<vmem_shared>>
        tpu.enqueue_indirect_dma source(%arg10 : memref<128x64xbf16, #tpu.memory_space<vmem>>) target(%dma_start3A_158 : memref<50176x64xbf16, #tpu.memory_space<vmem_shared>>) offsets(%dma_start3A_155 : memref<128xi32, #tpu.memory_space<vmem>>) semaphore(%run_scoped3A_152 : memref<!tpu.dma_semaphore, #tpu.memory_space<semaphore_mem>>) {add = true}
        %dma_wait3A_159 = arith.constant 0 : i32
        %dma_wait3A_160 = tpu.memref_slice %arg8[%add3A_150, %dma_wait3A_159] : memref<80x128xi32, #tpu.memory_space<vmem>> -> memref<1x128xi32, #tpu.memory_space<vmem>>
        %dma_wait3A_161 = tpu.memref_squeeze %dma_wait3A_160 : memref<1x128xi32, #tpu.memory_space<vmem>> -> memref<128xi32, #tpu.memory_space<vmem>>
        %dma_wait3A_162 = arith.constant 0 : i32
        %dma_wait3A_163 = arith.constant 0 : i32
        %dma_wait3A_164 = tpu.memref_slice %arg12[%dma_wait3A_162, %dma_wait3A_163] : memref<50176x64xbf16, #tpu.memory_space<vmem_shared>> -> memref<50176x64xbf16, #tpu.memory_space<vmem_shared>>
        tpu.wait_indirect_dma semaphore(%run_scoped3A_152 : memref<!tpu.dma_semaphore, #tpu.memory_space<semaphore_mem>>) src(%arg10 : memref<128x64xbf16, #tpu.memory_space<vmem>>) dst(%dma_wait3A_164 : memref<50176x64xbf16, #tpu.memory_space<vmem_shared>>)
        tpu.yield
      }) : () -> ()
      %scan3A_151 = arith.constant 0 : i32
      scf.yield %scan3A_151 : i32
    }
    %scan3A_110 = arith.constant 40 : i32
    %barrier3A_111 = arith.constant 0 : index
    tpu.barrier barrier_id(%barrier3A_111)
    %mul3A_112 = arith.constant 3125 : i32
    %mul3A_113 = arith.muli %arg1, %mul3A_112 : i32
    %mul3A_114 = arith.constant 3125 : i32
    %mul3A_115 = arith.muli %arg1, %mul3A_114 : i32
    %mul3A_116 = arith.constant 64 : i32
    %mul3A_117 = arith.muli %arg0, %mul3A_116 : i32
    %run_scoped3A_118 = arith.constant 2 : i32
    "tpu.region"() ({
      %run_scoped3A_120 = tpu.sem_alloc : memref<!tpu.dma_semaphore, #tpu.memory_space<semaphore_mem>>
      %dma_start3A_121 = tpu.memref_slice %arg6[%run_scoped3A_118, %mul3A_115, %mul3A_117] : memref<3x50000x128xbf16, #tpu.memory_space<hbm>> -> memref<1x3125x64xbf16, #tpu.memory_space<hbm>>
      %dma_start3A_122 = tpu.memref_squeeze %dma_start3A_121 : memref<1x3125x64xbf16, #tpu.memory_space<hbm>> -> memref<3125x64xbf16, #tpu.memory_space<hbm>>
      %dma_start3A_123 = arith.constant 0 : i32
      %dma_start3A_124 = tpu.memref_slice %arg12[%mul3A_113, %dma_start3A_123] : memref<50176x64xbf16, #tpu.memory_space<vmem_shared>> -> memref<3125x64xbf16, #tpu.memory_space<vmem_shared>>
      tpu.enqueue_dma source(%dma_start3A_124 : memref<3125x64xbf16, #tpu.memory_space<vmem_shared>>) target(%dma_start3A_122 : memref<3125x64xbf16, #tpu.memory_space<hbm>>) target_semaphore(%run_scoped3A_120 : memref<!tpu.dma_semaphore, #tpu.memory_space<semaphore_mem>>)
      %dma_wait3A = tpu.memref_slice %arg6[%run_scoped3A_118, %mul3A_115, %mul3A_117] : memref<3x50000x128xbf16, #tpu.memory_space<hbm>> -> memref<1x3125x64xbf16, #tpu.memory_space<hbm>>
      %dma_wait3A_125 = tpu.memref_squeeze %dma_wait3A : memref<1x3125x64xbf16, #tpu.memory_space<hbm>> -> memref<3125x64xbf16, #tpu.memory_space<hbm>>
      %dma_wait3A_126 = arith.constant 0 : i32
      %dma_wait3A_127 = tpu.memref_slice %arg12[%mul3A_113, %dma_wait3A_126] : memref<50176x64xbf16, #tpu.memory_space<vmem_shared>> -> memref<3125x64xbf16, #tpu.memory_space<vmem_shared>>
      tpu.wait_dma2 semaphore(%run_scoped3A_120 : memref<!tpu.dma_semaphore, #tpu.memory_space<semaphore_mem>>) src(%dma_wait3A_127 : memref<3125x64xbf16, #tpu.memory_space<vmem_shared>>) dst(%dma_wait3A_125 : memref<3125x64xbf16, #tpu.memory_space<hbm>>)
      tpu.yield
    }) : () -> ()
    %barrier3A_119 = arith.constant 0 : index
    tpu.barrier barrier_id(%barrier3A_119)
    return
  }
}

module attributes {stable_mosaic.version = 14 : i64} {
  func.func @_prep_body(%arg0: i32, %arg1: memref<2000x128xf32, #tpu.memory_space<vmem>>, %arg2: memref<2x2000x16xf32, #tpu.memory_space<vmem>>, %arg3: memref<3x2000x128xbf16, #tpu.memory_space<vmem>>) attributes {dimension_semantics = [#tpu.dimension_semantics<arbitrary>], iteration_bounds = array<i64: 25>, scalar_prefetch = 0 : i64, scratch_operands = 0 : i64, tpu.core_type = #tpu.core_type<tc>, window_params = [{transform_indices = @transform_0, window_bounds = array<i64: 2000, 128>}, {transform_indices = @transform_1, window_bounds = array<i64: 2, 2000, 16>}, {transform_indices = @transform_2, window_bounds = array<i64: 3, 2000, 128>}]} {
    %get3A = arith.constant 0 : index
    %get3A_0 = arith.constant 0 : index
    %get3A_1 = arith.constant 0 : index
    %get3A_2 = vector.load %arg2[%get3A, %get3A_0, %get3A_1] : memref<2x2000x16xf32, #tpu.memory_space<vmem>>, vector<2x2000x16xf32>
    %slice3A = vector.extract_strided_slice %get3A_2 {offsets = [0, 0, 0], sizes = [1, 2000, 16], strides = [1, 1, 1]} : vector<2x2000x16xf32> to vector<1x2000x16xf32>
    %squeeze3A = vector.shape_cast %slice3A : vector<1x2000x16xf32> to vector<2000x16xf32>
    %slice3A_3 = vector.extract_strided_slice %get3A_2 {offsets = [1, 0, 0], sizes = [1, 2000, 16], strides = [1, 1, 1]} : vector<2x2000x16xf32> to vector<1x2000x16xf32>
    %squeeze3A_4 = vector.shape_cast %slice3A_3 : vector<1x2000x16xf32> to vector<2000x16xf32>
    %add3A = arith.addf %squeeze3A, %squeeze3A_4 : vector<2000x16xf32>
    %max3A = arith.constant 1.000000e+00 : f32
    %max3A_5 = vector.broadcast %max3A : f32 to vector<2000x16xf32>
    %max3A_6 = arith.maximumf %add3A, %max3A_5 : vector<2000x16xf32>
    %rsqrt3A = math.rsqrt %max3A_6 : vector<2000x16xf32>
    %get3A_7 = arith.constant 0 : index
    %get3A_8 = arith.constant 0 : index
    %get3A_9 = vector.load %arg1[%get3A_7, %get3A_8] : memref<2000x128xf32, #tpu.memory_space<vmem>>, vector<2000x128xf32>
    %slice3A_10 = vector.extract_strided_slice %rsqrt3A {offsets = [0, 0], sizes = [2000, 1], strides = [1, 1]} : vector<2000x16xf32> to vector<2000x1xf32>
    %mul3A = vector.broadcast %slice3A_10 : vector<2000x1xf32> to vector<2000x128xf32>
    %mul3A_11 = arith.mulf %get3A_9, %mul3A : vector<2000x128xf32>
    %convert_element_type3A = arith.truncf %mul3A_11 : vector<2000x128xf32> to vector<2000x128xbf16>
    %swap3A = arith.constant 0 : index
    %swap3A_12 = arith.constant 0 : index
    %swap3A_13 = arith.constant 0 : index
    %swap3A_14 = vector.load %arg3[%swap3A, %swap3A_12, %swap3A_13] : memref<3x2000x128xbf16, #tpu.memory_space<vmem>>, vector<1x2000x128xbf16>
    %swap3A_15 = vector.shape_cast %swap3A_14 : vector<1x2000x128xbf16> to vector<2000x128xbf16>
    %swap3A_16 = vector.shape_cast %convert_element_type3A : vector<2000x128xbf16> to vector<1x2000x128xbf16>
    tpu.vector_store %arg3[%swap3A, %swap3A_12, %swap3A_13], %swap3A_16 {strides = array<i32>} : memref<3x2000x128xbf16, #tpu.memory_space<vmem>>, vector<1x2000x128xbf16>,
    %slice3A_17 = vector.extract_strided_slice %rsqrt3A {offsets = [0, 2], sizes = [2000, 1], strides = [1, 1]} : vector<2000x16xf32> to vector<2000x1xf32>
    %mul3A_18 = vector.broadcast %slice3A_17 : vector<2000x1xf32> to vector<2000x128xf32>
    %mul3A_19 = arith.mulf %get3A_9, %mul3A_18 : vector<2000x128xf32>
    %convert_element_type3A_20 = arith.truncf %mul3A_19 : vector<2000x128xf32> to vector<2000x128xbf16>
    %swap3A_21 = arith.constant 1 : index
    %swap3A_22 = arith.constant 0 : index
    %swap3A_23 = arith.constant 0 : index
    %swap3A_24 = vector.load %arg3[%swap3A_21, %swap3A_22, %swap3A_23] : memref<3x2000x128xbf16, #tpu.memory_space<vmem>>, vector<1x2000x128xbf16>
    %swap3A_25 = vector.shape_cast %swap3A_24 : vector<1x2000x128xbf16> to vector<2000x128xbf16>
    %swap3A_26 = vector.shape_cast %convert_element_type3A_20 : vector<2000x128xbf16> to vector<1x2000x128xbf16>
    tpu.vector_store %arg3[%swap3A_21, %swap3A_22, %swap3A_23], %swap3A_26 {strides = array<i32>} : memref<3x2000x128xbf16, #tpu.memory_space<vmem>>, vector<1x2000x128xbf16>,
    %slice3A_27 = vector.extract_strided_slice %rsqrt3A {offsets = [0, 4], sizes = [2000, 1], strides = [1, 1]} : vector<2000x16xf32> to vector<2000x1xf32>
    %mul3A_28 = vector.broadcast %slice3A_27 : vector<2000x1xf32> to vector<2000x128xf32>
    %mul3A_29 = arith.mulf %get3A_9, %mul3A_28 : vector<2000x128xf32>
    %convert_element_type3A_30 = arith.truncf %mul3A_29 : vector<2000x128xf32> to vector<2000x128xbf16>
    %swap3A_31 = arith.constant 2 : index
    %swap3A_32 = arith.constant 0 : index
    %swap3A_33 = arith.constant 0 : index
    %swap3A_34 = vector.load %arg3[%swap3A_31, %swap3A_32, %swap3A_33] : memref<3x2000x128xbf16, #tpu.memory_space<vmem>>, vector<1x2000x128xbf16>
    %swap3A_35 = vector.shape_cast %swap3A_34 : vector<1x2000x128xbf16> to vector<2000x128xbf16>
    %swap3A_36 = vector.shape_cast %convert_element_type3A_30 : vector<2000x128xbf16> to vector<1x2000x128xbf16>
    tpu.vector_store %arg3[%swap3A_31, %swap3A_32, %swap3A_33], %swap3A_36 {strides = array<i32>} : memref<3x2000x128xbf16, #tpu.memory_space<vmem>>, vector<1x2000x128xbf16>,
    return
  }
  func.func @transform_0(%arg0: i32) -> (i32, i32) {
    %c0_i32 = arith.constant 0 : i32
    %c0_i32_0 = arith.constant 0 : i32
    return %arg0, %c0_i32 : i32, i32
  }
  func.func @transform_1(%arg0: i32) -> (i32, i32, i32) {
    %c0_i32 = arith.constant 0 : i32
    %c0_i32_0 = arith.constant 0 : i32
    %c0_i32_1 = arith.constant 0 : i32
    return %c0_i32, %arg0, %c0_i32_0 : i32, i32, i32
  }
  func.func @transform_2(%arg0: i32) -> (i32, i32, i32) {
    %c0_i32 = arith.constant 0 : i32
    %c0_i32_0 = arith.constant 0 : i32
    %c0_i32_1 = arith.constant 0 : i32
    return %c0_i32, %arg0, %c0_i32_0 : i32, i32, i32
  }
}

module attributes {stable_mosaic.version = 14 : i64} {
  func.func @_layer_body(%arg0: i32, %arg1: memref<3x2000x128xbf16, #tpu.memory_space<vmem>>, %arg2: memref<3x128x128xf32, #tpu.memory_space<vmem>>, %arg3: memref<3x128xf32, #tpu.memory_space<vmem>>, %arg4: memref<2x2000x16xf32, #tpu.memory_space<vmem>>, %arg5: memref<3x2000x128xbf16, #tpu.memory_space<vmem>>) attributes {dimension_semantics = [#tpu.dimension_semantics<arbitrary>], iteration_bounds = array<i64: 25>, scalar_prefetch = 0 : i64, scratch_operands = 0 : i64, tpu.core_type = #tpu.core_type<tc>, window_params = [{transform_indices = @transform_0, window_bounds = array<i64: 3, 2000, 128>}, {pipeline_mode = #tpu.pipeline_mode<synchronous>, transform_indices = @transform_1, window_bounds = array<i64: 3, 128, 128>}, {pipeline_mode = #tpu.pipeline_mode<synchronous>, transform_indices = @transform_2, window_bounds = array<i64: 3, 128>}, {transform_indices = @transform_3, window_bounds = array<i64: 2, 2000, 16>}, {transform_indices = @transform_4, window_bounds = array<i64: 3, 2000, 128>}]} {
    %get3A = arith.constant 0 : index
    %get3A_0 = arith.constant 0 : index
    %get3A_1 = arith.constant 0 : index
    %get3A_2 = vector.load %arg4[%get3A, %get3A_0, %get3A_1] : memref<2x2000x16xf32, #tpu.memory_space<vmem>>, vector<2x2000x16xf32>
    %slice3A = vector.extract_strided_slice %get3A_2 {offsets = [0, 0, 0], sizes = [1, 2000, 16], strides = [1, 1, 1]} : vector<2x2000x16xf32> to vector<1x2000x16xf32>
    %squeeze3A = vector.shape_cast %slice3A : vector<1x2000x16xf32> to vector<2000x16xf32>
    %slice3A_3 = vector.extract_strided_slice %get3A_2 {offsets = [1, 0, 0], sizes = [1, 2000, 16], strides = [1, 1, 1]} : vector<2x2000x16xf32> to vector<1x2000x16xf32>
    %squeeze3A_4 = vector.shape_cast %slice3A_3 : vector<1x2000x16xf32> to vector<2000x16xf32>
    %add3A = arith.addf %squeeze3A, %squeeze3A_4 : vector<2000x16xf32>
    %max3A = arith.constant 1.000000e+00 : f32
    %max3A_5 = vector.broadcast %max3A : f32 to vector<2000x16xf32>
    %max3A_6 = arith.maximumf %add3A, %max3A_5 : vector<2000x16xf32>
    %rsqrt3A = math.rsqrt %max3A_6 : vector<2000x16xf32>
    %get3A_7 = arith.constant 0 : index
    %get3A_8 = arith.constant 0 : index
    %get3A_9 = arith.constant 0 : index
    %get3A_10 = vector.load %arg2[%get3A_7, %get3A_8, %get3A_9] : memref<3x128x128xf32, #tpu.memory_space<vmem>>, vector<3x128x128xf32>
    %get3A_11 = arith.constant 0 : index
    %get3A_12 = arith.constant 0 : index
    %get3A_13 = vector.load %arg3[%get3A_11, %get3A_12] : memref<3x128xf32, #tpu.memory_space<vmem>>, vector<3x128xf32>
    %slice3A_14 = vector.extract_strided_slice %get3A_13 {offsets = [0, 0], sizes = [1, 128], strides = [1, 1]} : vector<3x128xf32> to vector<1x128xf32>
    %squeeze3A_15 = vector.shape_cast %slice3A_14 : vector<1x128xf32> to vector<128xf32>
    %slice3A_16 = vector.extract_strided_slice %get3A_13 {offsets = [1, 0], sizes = [1, 128], strides = [1, 1]} : vector<3x128xf32> to vector<1x128xf32>
    %squeeze3A_17 = vector.shape_cast %slice3A_16 : vector<1x128xf32> to vector<128xf32>
    %add3A_18 = arith.addf %squeeze3A_15, %squeeze3A_17 : vector<128xf32>
    %slice3A_19 = vector.extract_strided_slice %get3A_13 {offsets = [2, 0], sizes = [1, 128], strides = [1, 1]} : vector<3x128xf32> to vector<1x128xf32>
    %squeeze3A_20 = vector.shape_cast %slice3A_19 : vector<1x128xf32> to vector<128xf32>
    %add3A_21 = arith.addf %add3A_18, %squeeze3A_20 : vector<128xf32>
    %broadcast_in_dim3A = vector.shape_cast %add3A_21 : vector<128xf32> to vector<1x128xf32>
    %get3A_22 = arith.constant 0 : index
    %get3A_23 = arith.constant 0 : index
    %get3A_24 = arith.constant 0 : index
    %get3A_25 = vector.load %arg1[%get3A_22, %get3A_23, %get3A_24] : memref<3x2000x128xbf16, #tpu.memory_space<vmem>>, vector<1x2000x128xbf16>
    %get3A_26 = vector.shape_cast %get3A_25 : vector<1x2000x128xbf16> to vector<2000x128xbf16>
    %slice3A_27 = vector.extract_strided_slice %get3A_10 {offsets = [0, 0, 0], sizes = [1, 128, 128], strides = [1, 1, 1]} : vector<3x128x128xf32> to vector<1x128x128xf32>
    %squeeze3A_28 = vector.shape_cast %slice3A_27 : vector<1x128x128xf32> to vector<128x128xf32>
    %dot_general3A = arith.constant dense<0.000000e+00> : vector<2000x128xf32>
    %dot_general3A_29 = tpu.matmul %get3A_26, %squeeze3A_28, %dot_general3A {dimension_numbers = #tpu.dot_dimension_numbers<[1], [0], [0], [1], [0, 0, 1, 1], [], []>, transpose_lhs_hint = false} : vector<2000x128xbf16>, vector<128x128xf32>, vector<2000x128xf32> -> vector<2000x128xf32>
    %slice3A_30 = vector.extract_strided_slice %rsqrt3A {offsets = [0, 1], sizes = [2000, 1], strides = [1, 1]} : vector<2000x16xf32> to vector<2000x1xf32>
    %mul3A = vector.broadcast %slice3A_30 : vector<2000x1xf32> to vector<2000x128xf32>
    %mul3A_31 = arith.mulf %dot_general3A_29, %mul3A : vector<2000x128xf32>
    %add3A_32 = vector.broadcast %broadcast_in_dim3A : vector<1x128xf32> to vector<2000x128xf32>
    %add3A_33 = arith.addf %add3A_32, %mul3A_31 : vector<2000x128xf32>
    %get3A_34 = arith.constant 1 : index
    %get3A_35 = arith.constant 0 : index
    %get3A_36 = arith.constant 0 : index
    %get3A_37 = vector.load %arg1[%get3A_34, %get3A_35, %get3A_36] : memref<3x2000x128xbf16, #tpu.memory_space<vmem>>, vector<1x2000x128xbf16>
    %get3A_38 = vector.shape_cast %get3A_37 : vector<1x2000x128xbf16> to vector<2000x128xbf16>
    %slice3A_39 = vector.extract_strided_slice %get3A_10 {offsets = [1, 0, 0], sizes = [1, 128, 128], strides = [1, 1, 1]} : vector<3x128x128xf32> to vector<1x128x128xf32>
    %squeeze3A_40 = vector.shape_cast %slice3A_39 : vector<1x128x128xf32> to vector<128x128xf32>
    %dot_general3A_41 = arith.constant dense<0.000000e+00> : vector<2000x128xf32>
    %dot_general3A_42 = tpu.matmul %get3A_38, %squeeze3A_40, %dot_general3A_41 {dimension_numbers = #tpu.dot_dimension_numbers<[1], [0], [0], [1], [0, 0, 1, 1], [], []>, transpose_lhs_hint = false} : vector<2000x128xbf16>, vector<128x128xf32>, vector<2000x128xf32> -> vector<2000x128xf32>
    %slice3A_43 = vector.extract_strided_slice %rsqrt3A {offsets = [0, 3], sizes = [2000, 1], strides = [1, 1]} : vector<2000x16xf32> to vector<2000x1xf32>
    %mul3A_44 = vector.broadcast %slice3A_43 : vector<2000x1xf32> to vector<2000x128xf32>
    %mul3A_45 = arith.mulf %dot_general3A_42, %mul3A_44 : vector<2000x128xf32>
    %add3A_46 = arith.addf %add3A_33, %mul3A_45 : vector<2000x128xf32>
    %get3A_47 = arith.constant 2 : index
    %get3A_48 = arith.constant 0 : index
    %get3A_49 = arith.constant 0 : index
    %get3A_50 = vector.load %arg1[%get3A_47, %get3A_48, %get3A_49] : memref<3x2000x128xbf16, #tpu.memory_space<vmem>>, vector<1x2000x128xbf16>
    %get3A_51 = vector.shape_cast %get3A_50 : vector<1x2000x128xbf16> to vector<2000x128xbf16>
    %slice3A_52 = vector.extract_strided_slice %get3A_10 {offsets = [2, 0, 0], sizes = [1, 128, 128], strides = [1, 1, 1]} : vector<3x128x128xf32> to vector<1x128x128xf32>
    %squeeze3A_53 = vector.shape_cast %slice3A_52 : vector<1x128x128xf32> to vector<128x128xf32>
    %dot_general3A_54 = arith.constant dense<0.000000e+00> : vector<2000x128xf32>
    %dot_general3A_55 = tpu.matmul %get3A_51, %squeeze3A_53, %dot_general3A_54 {dimension_numbers = #tpu.dot_dimension_numbers<[1], [0], [0], [1], [0, 0, 1, 1], [], []>, transpose_lhs_hint = false} : vector<2000x128xbf16>, vector<128x128xf32>, vector<2000x128xf32> -> vector<2000x128xf32>
    %slice3A_56 = vector.extract_strided_slice %rsqrt3A {offsets = [0, 5], sizes = [2000, 1], strides = [1, 1]} : vector<2000x16xf32> to vector<2000x1xf32>
    %mul3A_57 = vector.broadcast %slice3A_56 : vector<2000x1xf32> to vector<2000x128xf32>
    %mul3A_58 = arith.mulf %dot_general3A_55, %mul3A_57 : vector<2000x128xf32>
    %add3A_59 = arith.addf %add3A_46, %mul3A_58 : vector<2000x128xf32>
    %max3A_60 = arith.constant 0.000000e+00 : f32
    %max3A_61 = vector.broadcast %max3A_60 : f32 to vector<2000x128xf32>
    %max3A_62 = arith.maximumf %add3A_59, %max3A_61 : vector<2000x128xf32>
    %slice3A_63 = vector.extract_strided_slice %rsqrt3A {offsets = [0, 0], sizes = [2000, 1], strides = [1, 1]} : vector<2000x16xf32> to vector<2000x1xf32>
    %mul3A_64 = vector.broadcast %slice3A_63 : vector<2000x1xf32> to vector<2000x128xf32>
    %mul3A_65 = arith.mulf %max3A_62, %mul3A_64 : vector<2000x128xf32>
    %convert_element_type3A = arith.truncf %mul3A_65 : vector<2000x128xf32> to vector<2000x128xbf16>
    %swap3A = arith.constant 0 : index
    %swap3A_66 = arith.constant 0 : index
    %swap3A_67 = arith.constant 0 : index
    %swap3A_68 = vector.load %arg5[%swap3A, %swap3A_66, %swap3A_67] : memref<3x2000x128xbf16, #tpu.memory_space<vmem>>, vector<1x2000x128xbf16>
    %swap3A_69 = vector.shape_cast %swap3A_68 : vector<1x2000x128xbf16> to vector<2000x128xbf16>
    %swap3A_70 = vector.shape_cast %convert_element_type3A : vector<2000x128xbf16> to vector<1x2000x128xbf16>
    tpu.vector_store %arg5[%swap3A, %swap3A_66, %swap3A_67], %swap3A_70 {strides = array<i32>} : memref<3x2000x128xbf16, #tpu.memory_space<vmem>>, vector<1x2000x128xbf16>,
    %slice3A_71 = vector.extract_strided_slice %rsqrt3A {offsets = [0, 2], sizes = [2000, 1], strides = [1, 1]} : vector<2000x16xf32> to vector<2000x1xf32>
    %mul3A_72 = vector.broadcast %slice3A_71 : vector<2000x1xf32> to vector<2000x128xf32>
    %mul3A_73 = arith.mulf %max3A_62, %mul3A_72 : vector<2000x128xf32>
    %convert_element_type3A_74 = arith.truncf %mul3A_73 : vector<2000x128xf32> to vector<2000x128xbf16>
    %swap3A_75 = arith.constant 1 : index
    %swap3A_76 = arith.constant 0 : index
    %swap3A_77 = arith.constant 0 : index
    %swap3A_78 = vector.load %arg5[%swap3A_75, %swap3A_76, %swap3A_77] : memref<3x2000x128xbf16, #tpu.memory_space<vmem>>, vector<1x2000x128xbf16>
    %swap3A_79 = vector.shape_cast %swap3A_78 : vector<1x2000x128xbf16> to vector<2000x128xbf16>
    %swap3A_80 = vector.shape_cast %convert_element_type3A_74 : vector<2000x128xbf16> to vector<1x2000x128xbf16>
    tpu.vector_store %arg5[%swap3A_75, %swap3A_76, %swap3A_77], %swap3A_80 {strides = array<i32>} : memref<3x2000x128xbf16, #tpu.memory_space<vmem>>, vector<1x2000x128xbf16>,
    %slice3A_81 = vector.extract_strided_slice %rsqrt3A {offsets = [0, 4], sizes = [2000, 1], strides = [1, 1]} : vector<2000x16xf32> to vector<2000x1xf32>
    %mul3A_82 = vector.broadcast %slice3A_81 : vector<2000x1xf32> to vector<2000x128xf32>
    %mul3A_83 = arith.mulf %max3A_62, %mul3A_82 : vector<2000x128xf32>
    %convert_element_type3A_84 = arith.truncf %mul3A_83 : vector<2000x128xf32> to vector<2000x128xbf16>
    %swap3A_85 = arith.constant 2 : index
    %swap3A_86 = arith.constant 0 : index
    %swap3A_87 = arith.constant 0 : index
    %swap3A_88 = vector.load %arg5[%swap3A_85, %swap3A_86, %swap3A_87] : memref<3x2000x128xbf16, #tpu.memory_space<vmem>>, vector<1x2000x128xbf16>
    %swap3A_89 = vector.shape_cast %swap3A_88 : vector<1x2000x128xbf16> to vector<2000x128xbf16>
    %swap3A_90 = vector.shape_cast %convert_element_type3A_84 : vector<2000x128xbf16> to vector<1x2000x128xbf16>
    tpu.vector_store %arg5[%swap3A_85, %swap3A_86, %swap3A_87], %swap3A_90 {strides = array<i32>} : memref<3x2000x128xbf16, #tpu.memory_space<vmem>>, vector<1x2000x128xbf16>,
    return
  }
  func.func @transform_0(%arg0: i32) -> (i32, i32, i32) {
    %c0_i32 = arith.constant 0 : i32
    %c0_i32_0 = arith.constant 0 : i32
    %c0_i32_1 = arith.constant 0 : i32
    return %c0_i32, %arg0, %c0_i32_0 : i32, i32, i32
  }
  func.func @transform_1(%arg0: i32) -> (i32, i32, i32) {
    %c0_i32 = arith.constant 0 : i32
    %c0_i32_0 = arith.constant 0 : i32
    %c0_i32_1 = arith.constant 0 : i32
    %c0_i32_2 = arith.constant 0 : i32
    return %c0_i32, %c0_i32_0, %c0_i32_1 : i32, i32, i32
  }
  func.func @transform_2(%arg0: i32) -> (i32, i32) {
    %c0_i32 = arith.constant 0 : i32
    %c0_i32_0 = arith.constant 0 : i32
    %c0_i32_1 = arith.constant 0 : i32
    return %c0_i32, %c0_i32_0 : i32, i32
  }
  func.func @transform_3(%arg0: i32) -> (i32, i32, i32) {
    %c0_i32 = arith.constant 0 : i32
    %c0_i32_0 = arith.constant 0 : i32
    %c0_i32_1 = arith.constant 0 : i32
    return %c0_i32, %arg0, %c0_i32_0 : i32, i32, i32
  }
  func.func @transform_4(%arg0: i32) -> (i32, i32, i32) {
    %c0_i32 = arith.constant 0 : i32
    %c0_i32_0 = arith.constant 0 : i32
    %c0_i32_1 = arith.constant 0 : i32
    return %c0_i32, %arg0, %c0_i32_0 : i32, i32, i32
  }
}

module attributes {stable_mosaic.version = 14 : i64} {
  func.func @_layer_body(%arg0: i32, %arg1: memref<3x2000x128xbf16, #tpu.memory_space<vmem>>, %arg2: memref<3x128x128xf32, #tpu.memory_space<vmem>>, %arg3: memref<3x128xf32, #tpu.memory_space<vmem>>, %arg4: memref<2x2000x16xf32, #tpu.memory_space<vmem>>, %arg5: memref<2000x128xf32, #tpu.memory_space<vmem>>) attributes {dimension_semantics = [#tpu.dimension_semantics<arbitrary>], iteration_bounds = array<i64: 25>, scalar_prefetch = 0 : i64, scratch_operands = 0 : i64, tpu.core_type = #tpu.core_type<tc>, window_params = [{transform_indices = @transform_0, window_bounds = array<i64: 3, 2000, 128>}, {pipeline_mode = #tpu.pipeline_mode<synchronous>, transform_indices = @transform_1, window_bounds = array<i64: 3, 128, 128>}, {pipeline_mode = #tpu.pipeline_mode<synchronous>, transform_indices = @transform_2, window_bounds = array<i64: 3, 128>}, {transform_indices = @transform_3, window_bounds = array<i64: 2, 2000, 16>}, {transform_indices = @transform_4, window_bounds = array<i64: 2000, 128>}]} {
    %get3A = arith.constant 0 : index
    %get3A_0 = arith.constant 0 : index
    %get3A_1 = arith.constant 0 : index
    %get3A_2 = vector.load %arg4[%get3A, %get3A_0, %get3A_1] : memref<2x2000x16xf32, #tpu.memory_space<vmem>>, vector<2x2000x16xf32>
    %slice3A = vector.extract_strided_slice %get3A_2 {offsets = [0, 0, 0], sizes = [1, 2000, 16], strides = [1, 1, 1]} : vector<2x2000x16xf32> to vector<1x2000x16xf32>
    %squeeze3A = vector.shape_cast %slice3A : vector<1x2000x16xf32> to vector<2000x16xf32>
    %slice3A_3 = vector.extract_strided_slice %get3A_2 {offsets = [1, 0, 0], sizes = [1, 2000, 16], strides = [1, 1, 1]} : vector<2x2000x16xf32> to vector<1x2000x16xf32>
    %squeeze3A_4 = vector.shape_cast %slice3A_3 : vector<1x2000x16xf32> to vector<2000x16xf32>
    %add3A = arith.addf %squeeze3A, %squeeze3A_4 : vector<2000x16xf32>
    %max3A = arith.constant 1.000000e+00 : f32
    %max3A_5 = vector.broadcast %max3A : f32 to vector<2000x16xf32>
    %max3A_6 = arith.maximumf %add3A, %max3A_5 : vector<2000x16xf32>
    %rsqrt3A = math.rsqrt %max3A_6 : vector<2000x16xf32>
    %get3A_7 = arith.constant 0 : index
    %get3A_8 = arith.constant 0 : index
    %get3A_9 = arith.constant 0 : index
    %get3A_10 = vector.load %arg2[%get3A_7, %get3A_8, %get3A_9] : memref<3x128x128xf32, #tpu.memory_space<vmem>>, vector<3x128x128xf32>
    %get3A_11 = arith.constant 0 : index
    %get3A_12 = arith.constant 0 : index
    %get3A_13 = vector.load %arg3[%get3A_11, %get3A_12] : memref<3x128xf32, #tpu.memory_space<vmem>>, vector<3x128xf32>
    %slice3A_14 = vector.extract_strided_slice %get3A_13 {offsets = [0, 0], sizes = [1, 128], strides = [1, 1]} : vector<3x128xf32> to vector<1x128xf32>
    %squeeze3A_15 = vector.shape_cast %slice3A_14 : vector<1x128xf32> to vector<128xf32>
    %slice3A_16 = vector.extract_strided_slice %get3A_13 {offsets = [1, 0], sizes = [1, 128], strides = [1, 1]} : vector<3x128xf32> to vector<1x128xf32>
    %squeeze3A_17 = vector.shape_cast %slice3A_16 : vector<1x128xf32> to vector<128xf32>
    %add3A_18 = arith.addf %squeeze3A_15, %squeeze3A_17 : vector<128xf32>
    %slice3A_19 = vector.extract_strided_slice %get3A_13 {offsets = [2, 0], sizes = [1, 128], strides = [1, 1]} : vector<3x128xf32> to vector<1x128xf32>
    %squeeze3A_20 = vector.shape_cast %slice3A_19 : vector<1x128xf32> to vector<128xf32>
    %add3A_21 = arith.addf %add3A_18, %squeeze3A_20 : vector<128xf32>
    %broadcast_in_dim3A = vector.shape_cast %add3A_21 : vector<128xf32> to vector<1x128xf32>
    %get3A_22 = arith.constant 0 : index
    %get3A_23 = arith.constant 0 : index
    %get3A_24 = arith.constant 0 : index
    %get3A_25 = vector.load %arg1[%get3A_22, %get3A_23, %get3A_24] : memref<3x2000x128xbf16, #tpu.memory_space<vmem>>, vector<1x2000x128xbf16>
    %get3A_26 = vector.shape_cast %get3A_25 : vector<1x2000x128xbf16> to vector<2000x128xbf16>
    %slice3A_27 = vector.extract_strided_slice %get3A_10 {offsets = [0, 0, 0], sizes = [1, 128, 128], strides = [1, 1, 1]} : vector<3x128x128xf32> to vector<1x128x128xf32>
    %squeeze3A_28 = vector.shape_cast %slice3A_27 : vector<1x128x128xf32> to vector<128x128xf32>
    %dot_general3A = arith.constant dense<0.000000e+00> : vector<2000x128xf32>
    %dot_general3A_29 = tpu.matmul %get3A_26, %squeeze3A_28, %dot_general3A {dimension_numbers = #tpu.dot_dimension_numbers<[1], [0], [0], [1], [0, 0, 1, 1], [], []>, transpose_lhs_hint = false} : vector<2000x128xbf16>, vector<128x128xf32>, vector<2000x128xf32> -> vector<2000x128xf32>
    %slice3A_30 = vector.extract_strided_slice %rsqrt3A {offsets = [0, 1], sizes = [2000, 1], strides = [1, 1]} : vector<2000x16xf32> to vector<2000x1xf32>
    %mul3A = vector.broadcast %slice3A_30 : vector<2000x1xf32> to vector<2000x128xf32>
    %mul3A_31 = arith.mulf %dot_general3A_29, %mul3A : vector<2000x128xf32>
    %add3A_32 = vector.broadcast %broadcast_in_dim3A : vector<1x128xf32> to vector<2000x128xf32>
    %add3A_33 = arith.addf %add3A_32, %mul3A_31 : vector<2000x128xf32>
    %get3A_34 = arith.constant 1 : index
    %get3A_35 = arith.constant 0 : index
    %get3A_36 = arith.constant 0 : index
    %get3A_37 = vector.load %arg1[%get3A_34, %get3A_35, %get3A_36] : memref<3x2000x128xbf16, #tpu.memory_space<vmem>>, vector<1x2000x128xbf16>
    %get3A_38 = vector.shape_cast %get3A_37 : vector<1x2000x128xbf16> to vector<2000x128xbf16>
    %slice3A_39 = vector.extract_strided_slice %get3A_10 {offsets = [1, 0, 0], sizes = [1, 128, 128], strides = [1, 1, 1]} : vector<3x128x128xf32> to vector<1x128x128xf32>
    %squeeze3A_40 = vector.shape_cast %slice3A_39 : vector<1x128x128xf32> to vector<128x128xf32>
    %dot_general3A_41 = arith.constant dense<0.000000e+00> : vector<2000x128xf32>
    %dot_general3A_42 = tpu.matmul %get3A_38, %squeeze3A_40, %dot_general3A_41 {dimension_numbers = #tpu.dot_dimension_numbers<[1], [0], [0], [1], [0, 0, 1, 1], [], []>, transpose_lhs_hint = false} : vector<2000x128xbf16>, vector<128x128xf32>, vector<2000x128xf32> -> vector<2000x128xf32>
    %slice3A_43 = vector.extract_strided_slice %rsqrt3A {offsets = [0, 3], sizes = [2000, 1], strides = [1, 1]} : vector<2000x16xf32> to vector<2000x1xf32>
    %mul3A_44 = vector.broadcast %slice3A_43 : vector<2000x1xf32> to vector<2000x128xf32>
    %mul3A_45 = arith.mulf %dot_general3A_42, %mul3A_44 : vector<2000x128xf32>
    %add3A_46 = arith.addf %add3A_33, %mul3A_45 : vector<2000x128xf32>
    %get3A_47 = arith.constant 2 : index
    %get3A_48 = arith.constant 0 : index
    %get3A_49 = arith.constant 0 : index
    %get3A_50 = vector.load %arg1[%get3A_47, %get3A_48, %get3A_49] : memref<3x2000x128xbf16, #tpu.memory_space<vmem>>, vector<1x2000x128xbf16>
    %get3A_51 = vector.shape_cast %get3A_50 : vector<1x2000x128xbf16> to vector<2000x128xbf16>
    %slice3A_52 = vector.extract_strided_slice %get3A_10 {offsets = [2, 0, 0], sizes = [1, 128, 128], strides = [1, 1, 1]} : vector<3x128x128xf32> to vector<1x128x128xf32>
    %squeeze3A_53 = vector.shape_cast %slice3A_52 : vector<1x128x128xf32> to vector<128x128xf32>
    %dot_general3A_54 = arith.constant dense<0.000000e+00> : vector<2000x128xf32>
    %dot_general3A_55 = tpu.matmul %get3A_51, %squeeze3A_53, %dot_general3A_54 {dimension_numbers = #tpu.dot_dimension_numbers<[1], [0], [0], [1], [0, 0, 1, 1], [], []>, transpose_lhs_hint = false} : vector<2000x128xbf16>, vector<128x128xf32>, vector<2000x128xf32> -> vector<2000x128xf32>
    %slice3A_56 = vector.extract_strided_slice %rsqrt3A {offsets = [0, 5], sizes = [2000, 1], strides = [1, 1]} : vector<2000x16xf32> to vector<2000x1xf32>
    %mul3A_57 = vector.broadcast %slice3A_56 : vector<2000x1xf32> to vector<2000x128xf32>
    %mul3A_58 = arith.mulf %dot_general3A_55, %mul3A_57 : vector<2000x128xf32>
    %add3A_59 = arith.addf %add3A_46, %mul3A_58 : vector<2000x128xf32>
    %swap3A = arith.constant 0 : index
    %swap3A_60 = arith.constant 0 : index
    %swap3A_61 = vector.load %arg5[%swap3A, %swap3A_60] : memref<2000x128xf32, #tpu.memory_space<vmem>>, vector<2000x128xf32>
    tpu.vector_store %arg5[%swap3A, %swap3A_60], %add3A_59 {strides = array<i32>} : memref<2000x128xf32, #tpu.memory_space<vmem>>, vector<2000x128xf32>,
    return
  }
  func.func @transform_0(%arg0: i32) -> (i32, i32, i32) {
    %c0_i32 = arith.constant 0 : i32
    %c0_i32_0 = arith.constant 0 : i32
    %c0_i32_1 = arith.constant 0 : i32
    return %c0_i32, %arg0, %c0_i32_0 : i32, i32, i32
  }
  func.func @transform_1(%arg0: i32) -> (i32, i32, i32) {
    %c0_i32 = arith.constant 0 : i32
    %c0_i32_0 = arith.constant 0 : i32
    %c0_i32_1 = arith.constant 0 : i32
    %c0_i32_2 = arith.constant 0 : i32
    return %c0_i32, %c0_i32_0, %c0_i32_1 : i32, i32, i32
  }
  func.func @transform_2(%arg0: i32) -> (i32, i32) {
    %c0_i32 = arith.constant 0 : i32
    %c0_i32_0 = arith.constant 0 : i32
    %c0_i32_1 = arith.constant 0 : i32
    return %c0_i32, %c0_i32_0 : i32, i32
  }
  func.func @transform_3(%arg0: i32) -> (i32, i32, i32) {
    %c0_i32 = arith.constant 0 : i32
    %c0_i32_0 = arith.constant 0 : i32
    %c0_i32_1 = arith.constant 0 : i32
    return %c0_i32, %arg0, %c0_i32_0 : i32, i32, i32
  }
  func.func @transform_4(%arg0: i32) -> (i32, i32) {
    %c0_i32 = arith.constant 0 : i32
    %c0_i32_0 = arith.constant 0 : i32
    return %arg0, %c0_i32 : i32, i32
  }
}

</mosaic_0001>

<sc_bundles>
// kernel: kernel.11.cloned.1.call-start
scs
__scs_entry_jumppad:
0x0: {  	(pc) =	sbr.rel $0x88, $3  }
0x1: {  	(tag) =	ssettag $0x0;
	lr =	simm.s32 $0x1  }
0x2: {  	[smem:$0x3F99] =	sst lr;
	_ =	strace $0xD0000000  }
0x3: {  	_ = 	snop  }
0x4: {  	_ = 	snop  }
0x5: {  	_ = 	snop  }
0x6: {  	_ = 	snop  }
0x7: {  	_ = 	snop  }
__scs_overlays_trampoline_lowered:
0x8: {  	[smem:$0x3FA8] =	sst s0  }
0x9: {  	[smem:$0x3FA9] =	sst s1  }
0xa: {  	[smem:$0x3FAA] =	sst s2  }
0xb: {  	[smem:$0x3FAB] =	sst s3  }
0xc: {  	[smem:$0x3FAC] =	sst s4  }
0xd: {  	[smem:$0x3FAD] =	sst s5  }
0xe: {  	[smem:$0x3FAE] =	sst s6  }
0xf: {  	[smem:$0x3FAF] =	sst s7  }
0x10: {  	[smem:$0x3FB0] =	sst s8  }
0x11: {  	[smem:$0x3FB1] =	sst s9;
	s0 =	simm.s32 @!p0 $0x0  }
0x12: {  	s1 =	sld [smem:$0x3F97];
	s0 =	simm.s32 @p0 $0x1  }
0x13: {  	[smem:$0x3FB2] =	sst s0;
	s0 =	simm.s32 @!p1 $0x0  }
0x14: {  	s2 =	sld [smem:$0x3F96];
	s0 =	simm.s32 @p1 $0x1  }
0x15: {  	[smem:$0x3FB3] =	sst s0;
	s0 =	simm.s32 @!p2 $0x0  }
0x16: {  	s3 =	sld [smem:$0x3FDB];
	s0 =	simm.s32 @p2 $0x1  }
0x17: {  	s4 =	simm.s32 $0x1BF5;
	[smem:$0x3FB5] =	sst s0  }
0x18: {  	s0 =	sld [smem:$0x3F98];
	_ =	swait.ge [sflag:s4], $0x0  }
0x19: {  	s7 =	sld [smem:$0x3F99]  }
0x1a: {  	s8 =	sadd.s32 $0xFFFFE003, lr  }
0x1b: {  	s9 =	sadd.s32 $0xFFFFFEF7, lr;
	s5 =	simm.s32 $0xFFFFFFFF;
	p2 =	slt.u32 s8, $0xFFFFF086  }
0x1c: {  	p1 =	slt.u32 s9, $0xF7A;
	s5 =	simm.s32 @!p2 $0x0  }
0x1d: {  	s5 =	simm.s32 @p1 $0x1;
	p0 =	seq.s32 s7, s2  }
0x1e: {  	s7 =	smul.u32 @!p0 $0xF7A, s2;
	p2 =	seq.s32 @!p0 s5, $0x0  }
0x1f: {  	s9 =	smul.u32 $0xF7A, s1;
	s8 =	simm.s32 @!p0 $0x1BF5;
	p2 =	por !p2, p0  }
0x20: {  	[sflag:s8] =	ssyncset.s32 @!p0 $0xFFFFF086;
	s6 =	sadd.s32 @!p0 s3, s7;
	s7 =	simm.s32 @!p0 $0x108  }
0x21: {  	s3 =	sadd.s32 s3, s9;
	s6 =	sadd.s32 @!p0 $0x88, s6;
	s7 =	simm.s32 @p2 $0x1082  }
0x22: {  	[simem:s7], [sflag:s8] =	dma.local @!p0 [hbm:s6], $0xF7A  }
0x23: {  	s9 =	sor.u32 $0xD0000000, s2;
	s6 =	simm.s32 $0x108;
	_ =	swait.ge @!p0 [sflag:s8], $0x0  }
0x24: {  	s3 =	sadd.s32 $0x88, s3;
	s6 =	simm.s32 @!p1 $0x1082;
	[sflag:s4] =	ssyncset.s32 $0xFFFFF086  }
0x25: {  	[simem:s6], [sflag:s4] =	dma.local [hbm:s3], $0xF7A  }
0x26: {  	[smem:$0x3F99] =	sst s1;
	(tag) =	ssettag s2;
	_ =	strace s9  }
0x27: {  	s1 =	sld [smem:$0x3FA9]  }
0x28: {  	s2 =	sld [smem:$0x3FAA]  }
0x29: {  	s4 =	sld [smem:$0x3FAC]  }
0x2a: {  	p0 =	seq.s32 s5, $0x0;
	s5 =	sld [smem:$0x3FAD]  }
0x2b: {  	s6 =	sld [smem:$0x3FAE]  }
0x2c: {  	s7 =	sld [smem:$0x3FAF]  }
0x2d: {  	s3 =	simm.s32 $0x108;
	s8 =	sld [smem:$0x3FB0]  }
0x2e: {  	s3 =	simm.s32 @!p0 $0x1082;
	s9 =	sld [smem:$0x3FB1]  }
0x2f: {  	lr =	sadd.s32 s0, s3;
	s0 =	sld [smem:$0x3FA8]  }
0x30: {  	s3 =	sld [smem:$0x3FAB]  }
0x31: {  	[smem:$0x3FB4] =	sst s10  }
0x32: {  	s10 =	sld [smem:$0x3FB2];
	_ =	sdelay $0x3  }
0x33: {  	p0 =	seq.s32 s10, $0x1;
	s10 =	sld [smem:$0x3FB4];
	_ =	sdelay $0x3  }
0x34: {  	[smem:$0x3FB4] =	sst s10  }
0x35: {  	s10 =	sld [smem:$0x3FB3];
	_ =	sdelay $0x3  }
0x36: {  	p1 =	seq.s32 s10, $0x1;
	s10 =	sld [smem:$0x3FB4];
	_ =	sdelay $0x3  }
0x37: {  	[smem:$0x3FB4] =	sst s10  }
0x38: {  	s10 =	sld [smem:$0x3FB5]  }
0x39: {  	_ = 	snop;
	(pc) =	sbr.ind lr, $3  }
0x3a: {  	_ = 	snop  }
0x3b: {  	_ = 	snop  }
0x3c: {  	p2 =	seq.s32 s10, $0x1;
	s10 =	sld [smem:$0x3FB4]  }
0x3d: {  	_ =	shalt  }
0x3e: {  	_ =	shalt  }
0x3f: {  	_ =	shalt  }
0x40: {  	_ =	shalt  }
0x41: {  	_ =	shalt  }
0x42: {  	_ =	shalt  }
0x43: {  	_ =	shalt  }
0x44: {  	_ =	shalt  }
0x45: {  	_ =	shalt  }
0x46: {  	_ =	shalt  }
0x47: {  	_ =	shalt  }
0x48: {  	_ =	shalt  }
0x49: {  	_ =	shalt  }
0x4a: {  	_ =	shalt  }
0x4b: {  	_ =	shalt  }
0x4c: {  	_ =	shalt  }
0x4d: {  	_ =	shalt  }
0x4e: {  	_ =	shalt  }
0x4f: {  	_ =	shalt  }
0x50: {  	_ =	shalt  }
0x51: {  	_ =	shalt  }
0x52: {  	_ =	shalt  }
0x53: {  	_ =	shalt  }
0x54: {  	_ =	shalt  }
0x55: {  	_ =	shalt  }
0x56: {  	_ =	shalt  }
0x57: {  	_ =	shalt  }
0x58: {  	_ =	shalt  }
0x59: {  	_ =	shalt  }
0x5a: {  	_ =	shalt  }
0x5b: {  	_ =	shalt  }
0x5c: {  	_ =	shalt  }
0x5d: {  	_ =	shalt  }
0x5e: {  	_ =	shalt  }
0x5f: {  	_ =	shalt  }
0x60: {  	_ =	shalt  }
0x61: {  	_ =	shalt  }
0x62: {  	_ =	shalt  }
0x63: {  	_ =	shalt  }
0x64: {  	_ =	shalt  }
0x65: {  	_ =	shalt  }
0x66: {  	_ =	shalt  }
0x67: {  	_ =	shalt  }
0x68: {  	_ =	shalt  }
0x69: {  	_ =	shalt  }
0x6a: {  	_ =	shalt  }
0x6b: {  	_ =	shalt  }
0x6c: {  	_ =	shalt  }
0x6d: {  	_ =	shalt  }
0x6e: {  	_ =	shalt  }
0x6f: {  	_ =	shalt  }
0x70: {  	_ =	shalt  }
0x71: {  	_ =	shalt  }
0x72: {  	_ =	shalt  }
0x73: {  	_ =	shalt  }
0x74: {  	_ =	shalt  }
0x75: {  	_ =	shalt  }
0x76: {  	_ =	shalt  }
0x77: {  	_ =	shalt  }
0x78: {  	_ =	shalt  }
0x79: {  	_ =	shalt  }
0x7a: {  	_ =	shalt  }
0x7b: {  	_ =	shalt  }
0x7c: {  	_ =	shalt  }
0x7d: {  	_ =	shalt  }
0x7e: {  	_ =	shalt  }
0x7f: {  	_ =	shalt  }
0x80: {  	_ =	shalt  }
0x81: {  	_ =	shalt  }
0x82: {  	_ =	shalt  }
0x83: {  	_ =	shalt  }
0x84: {  	_ =	shalt  }
0x85: {  	_ =	shalt  }
0x86: {  	_ =	shalt  }
0x87: {  	_ =	shalt  }
.Lfunc_end0:
.L_simem_size_0:
called_computation.3_lowered:
.L_overlay_start_0:
0x88: {  	s2 =	sld [smem:$0x3FD9]  }
0x89: {  	s3 =	sld [smem:$0x3FFE];
	_ =	sdelay $0x1  }
0x8a: {  	s1 =	srdreg.scid  }
0x8b: {  	s0 =	sand.u32 $0x1, s1  }
0x8c: {  	s17 =	sshll.u32 s0, $0xA;
	s2 =	sadd.s32 s3, s2  }
0x8d: {  	s2 =	sadd.s32 s2, s17  }
0x8e: {  	[smem:$0x3FC0] =	sst s2  }
0x8f: {  	_ = 	snop  }
0x90: {  	s2 =	sld [smem:$0x3FD0];
	(tm) =	ssettm $0x1  }
0x91: {  	s18 =	sld [smem:$0x3FFB];
	_ =	sdelay $0x3  }
0x92: {  	_ =	strace s18  }
0x93: {  	s3 =	sld [smem:$0x3FFC];
	_ =	sdelay $0x3  }
0x94: {  	_ =	strace s3  }
0x95: {  	s3 =	sld [smem:$0x3FFD];
	_ =	sdelay $0x3  }
0x96: {  	_ =	strace s3  }
0x97: {  	_ =	strace $0x8FFFFFFF  }
0x98: {  	s19 =	sld [smem:$0x3FDB];
	_ =	sdelay $0x1  }
0x99: {  	s4 =	simm.s32 $_scs_section_size  }
0x9a: {  	s5 =	simm.s32 $_size__tile_overlayer_lowered;
	s6 =	simm.s32 $_tile_overlayer_lowered  }
0x9b: {  	s22 =	simm.s32 $0x1BFF;
	s21 =	sshll.u32 s6, $0x1;
	s3 =	sadd.s32 s4, s19  }
0x9c: {  	s7 =	simm.s32 $0x0;
	s20 =	sshll.u32 s5, $0x1;
	s5 =	sadd.s32 s21, s3  }
0x9d: {  	[timem:s7], [sflag:s22] =	dma.local [hbm:s5], s20  }
0x9e: {  	_ =	swait.ge [sflag:s22], s20  }
0x9f: {  	s4 =	ssub.s32 $0x0, s20;
	[sflag:s22] =	ssyncset.done $0x0  }
0xa0: {  	[sflag:s22] =	ssyncadd.s32 s4;
	_ =	sdelay $0x1  }
0xa1: {  	s23 =	simm.s32 $0x1B8B  }
0xa2: {  	_ =	swait.ge [sflag:s23], $0x1  }
0xa3: {  	[sflag:s23] =	ssyncset.done $0x0  }
0xa4: {  	s25 =	simm.s32 $0x1B8E;
	s24 =	sld [smem:$0x3FFE];
	[sflag:s23] =	ssyncadd.s32 $0xFFFFFFFF  }
0xa5: {  	s26 =	simm.s32 $execute0_lowered;
	[smem:$0x3FD2] =	sst s25  }
0xa6: {  	s5 =	sshll.u32 s26, $0x1;
	_ =	strace $0x8000004C;
	[dreg:$0x1] =	wrdreg $0xFFFFFFFF  }
0xa7: {  	s28 =	simm.s32 $_size_execute0_lowered;
	s3 =	sadd.s32 s3, s5;
	[dreg:$0x0] =	wrdreg $0x0  }
0xa8: {  	s5 =	sshll.u32 s28, $0x1;
	[dreg:$0x2] =	wrdreg s3  }
0xa9: {  	[dreg:$0x3] =	wrdreg s5  }
0xaa: {  	[dreg:$0x4] =	wrdreg $0xC0  }
0xab: {  	_ =	task [dreg:s7], $0x5FFFF  }
0xac: {  	[dreg:$0x1] =	wrdreg $0xFFFFFFFF  }
0xad: {  	[dreg:$0x0] =	wrdreg $0x60  }
0xae: {  	[dreg:$0x2] =	wrdreg s24  }
0xaf: {  	[dreg:$0x3] =	wrdreg s2  }
0xb0: {  	[dreg:$0x4] =	wrdreg $0x78000  }
0xb1: {  	[dreg:$0x5] =	wrdreg $0x9  }
0xb2: {  	_ =	task.clear_ibuf [dreg:s7], $0x6FFFF;
	_ =	strace $0x9000004C  }
0xb3: {  	s29 =	simm.s32 $0x9;
	_ =	strace $0x8000004E  }
0xb4: {  	_ =	swait.ge [sflag:s29], $0x1  }
0xb5: {  	[sflag:s29] =	ssyncadd.s32 $0xFFFFFFFF  }
0xb6: {  	_ =	strace $0x9000004E  }
0xb7: {  	_ =	sfence  }
0xb8: {  	s30 =	sld [smem:$0x0];
	_ =	sdelay $0x2  }
0xb9: {  	s31 =	sshll.u32 s1, $0xD;
	s1 =	sshrl.u32 s1, $0x2  }
0xba: {  	s3 =	sand.u32 $0x4000, s31;
	s1 =	sadd.s32 s1, s30  }
0xbb: {  	s0 =	sor.u32 s3, s0;
	s1 =	sshll.u32 s1, $0x11  }
0xbc: {  	s0 =	sor.u32 s1, s0  }
0xbd: {  	s0 =	sadd.s32 $0x8F2B, s0  }
0xbe: {  	[sflag:s0] =	ssyncadd.remote.s32 $0x1  }
0xbf: {  	_ =	sfence.sel $0xFFFF  }
0xc0: {  	[dreg:$0x0] =	wrdreg $0xFFFFFFFF;
	(pc) =	sbr.abs _section_cstart, $3  }
0xc1: {  	[dreg:$0x1] =	wrdreg $0xFFFFFFFF  }
0xc2: {  	_ =	task.clear_ibuf [dreg:s7], $0x2FFFF;
	_ =	strace $0x9FFFFFFF  }
0xc3: {  	(tm) =	ssettm $0x7FFFFFFF  }
tec
execute0_lowered:
.L_overlay_start_1:
0x0: {  	(tag) =	ssettag $0x1  }
0x1: {  	s0 =	rddreg [dreg:$0x0]  }
0x2: {  	s2 =	rddreg [dreg:$0x1]  }
0x3: {  	s1 =	rddreg [dreg:$0x2]  }
0x4: {  	s3 =	simm.s32 $0x0;
	s21 =	srdreg.scid;
	s10 =	stileid.u32  }
0x5: {  	s18 =	simm.s32 $0x7000;
	s19 =	simm.s32 $0x3;
	s20 =	simm.s32 $0x2800  }
0x6: {  	s28 =	simm.s32 $0x4F00;
	s29 =	simm.s32 $0x4F80;
	s31 =	simm.s32 $0x4  }
0x7: {  	[smem:$0x7FF] =	sst s3;
	s3 =	sand.u32 $0x1, s21;
	s5 =	smul.u32 $0x61A80, s10  }
0x8: {  	s4 =	sadd.s32 $0x2CBC00, s0;
	s7 =	sadd.s32 $0xFC00, s0;
	s22 =	smul.u32 $0x62000, s10  }
0x9: {  	s8 =	sadd.s32 $0x3F0C00, s0;
	s10 =	smul.u32 $0x2800, s10;
	s21 =	simm.s32 $0x80  }
0xa: {  	_ =	strace $0x8000004D;
	s6 =	sshll.u32 s3, $0x6;
	[dreg:$0x4] =	wrdreg s8  }
0xb: {  	s9 =	ssub.s32 $0x2, s3;
	s30 =	sor.u32 $0x186A0, s3;
	s6 =	sor.u32 s6, s5  }
0xc: {  	s23 =	sshrl.u32 s9, $0x1;
	s8 =	sshrl.u32 s22, $0x2;
	s13 =	sshrl.u32 s10, $0x3  }
0xd: {  	s5 =	sshrl.u32 s5, $0x2;
	s10 =	sor.u32 $0x30D40, s3;
	s22 =	simm.s32 $0x5000  }
0xe: {  	v1 =	vmov s30;
	s30 =	simm.s32 $0x8;
	s6 =	sshrl.u32 s6, $0x4;
	s17 =	ssub.s32 s9, s23  }
0xf: {  	s24 =	sadd.s32 s2, s13;
	s25 =	sadd.s32 s7, s13;
	s5 =	sadd.s32 s5, s1  }
0x10: {  	s9 =	sadd.s32 $0xA000, s13;
	s23 =	simm.s32 $0x6000;
	[dreg:$0x5] =	wrdreg s24  }
0x11: {  	s0 =	sadd.s32 s6, s0;
	s6 =	sadd.s32 s8, s1;
	[dreg:$0x6] =	wrdreg s25  }
0x12: {  	[dreg:$0x8] =	wrdreg s5;
	s8 =	sadd.s32 $0x5000, s13;
	s14 =	sadd.s32 s2, s9  }
0x13: {  	s15 =	sadd.s32 s7, s9;
	s17 =	smax.u32 s17, $0x1;
	s24 =	simm.s32 $0x1  }
0x14: {  	s25 =	simm.s32 $0x2;
	s26 =	sadd.s32 $0x1A6C00, s0;
	s11 =	sadd.s32 s2, s8  }
0x15: {  	s12 =	sadd.s32 s7, s8;
	s13 =	sadd.s32 $0x208680, s0;
	s16 =	sadd.s32 $0x26A100, s0  }
0x16: {  	v0 =	vmov s3;
	v2 =	vmov s10;
	s0 =	simm.s32 $0x0;
	[dreg:$0x7] =	wrdreg s26;
	s26 =	simm.s32 $0x2780  }
.LBB2_1:
0x17: {  	s2 =	simm.s32 $0x0;
	s3 =	rddreg [dreg:$0x4]  }
0x18: {  	[tilespmem:s18], [sflag:$0x3] =	stream.linear.gather [hbm4b:s3+s2], $0x800, $0x38;
	v63 =	vld [tilespmem:$0x0]  }
0x19: {  	_ =	swait.ge [sflag:s19], $0x800  }
0x1a: {  	[sflag:s19] =	ssyncset.done $0x0  }
0x1b: {  	s10 =	sadd.s32 $0x0, s6;
	[sflag:s19] =	ssyncadd.s32 $0xFFFFF800  }
0x1c: {  	[spmem:s10] =	stream.linear.scatter [tilespmem:s18], [sflag:$0x3], $0x800, $0x38;
	v63 =	vld [tilespmem:$0x0]  }
0x1d: {  	s2 =	simm.s32 $0x2000;
	_ =	swait.ge [sflag:s19], $0x800  }
.LBB2_2:
0x1e: {  	s3 =	sshra.s32 s2, $0x2;
	[sflag:s19] =	ssyncset.done $0x0;
	p0 =	sne.s32 s2, $0x60000  }
.Ltmp0:
0x1f: {  	s3 =	sadd.s32 s3, s6;
	[sflag:s19] =	ssyncadd.s32 $0xFFFFF800;
	(pc) =	sbr.rel @p0 .LBB2_2-.Ltmp0, $3  }
0x20: {  	[spmem:s3] =	stream.linear.scatter [tilespmem:s18], [sflag:$0x3], $0x800, $0x38;
	v63 =	vld [tilespmem:$0x0]  }
0x21: {  	s2 =	sadd.s32 $0x2000, s2;
	_ =	sdelay $0x1  }
0x22: {  	_ =	swait.ge [sflag:s19], $0x800  }
0x23: {  	[sflag:s19] =	ssyncset.done $0x0  }
0x24: {  	[sflag:s19] =	ssyncadd.s32 $0xFFFFF800  }
0x25: {  	[bflag:$0x0] =	sbarrier.arrive $0xFFFF  }
0x26: {  	s2 =	simm.s32 $0x0;
	s3 =	rddreg [dreg:$0x5]  }
0x27: {  	[tilespmem:s2], [sflag:$0x3] =	stream.linear.gather [hbm4b:s3+s2], $0x2800, $0x38;
	v63 =	vld [tilespmem:$0x0]  }
0x28: {  	_ =	swait.ge [sflag:s19], $0x2800  }
0x29: {  	[sflag:s19] =	ssyncset.done $0x0  }
0x2a: {  	s10 =	rddreg [dreg:$0x6];
	[sflag:s19] =	ssyncadd.s32 $0xFFFFD800  }
0x2b: {  	[tilespmem:s20], [sflag:$0x3] =	stream.linear.gather [hbm4b:s10+s2], $0x2800, $0x38;
	v63 =	vld [tilespmem:$0x0]  }
0x2c: {  	_ =	swait.ge [sflag:s19], $0x2800  }
0x2d: {  	[sflag:s19] =	ssyncset.done $0x0  }
0x2e: {  	s2 =	simm.s32 $0x0;
	[sflag:s19] =	ssyncadd.s32 $0xFFFFD800  }
0x2f: {  	v4 =	vld [tilespmem:s2+$0x0]  }
0x30: {  	v5 =	vld [tilespmem:s2+$0x10]  }
0x31: {  	v7 =	vld [tilespmem:s2+$0x20]  }
0x32: {  	v6 =	vld [tilespmem:s2+$0x30]  }
0x33: {  	v3 =	vld [tilespmem:s2+$0x40]  }
0x34: {  	v8 =	vshll.u32 v4, $0x1;
	v4 =	vld [tilespmem:s2+$0x50]  }
0x35: {  	s3 =	simm.s32 $0x200;
	v9 =	vshll.u32 v5, $0x1;
	v5 =	vld [tilespmem:s2+$0x60];
	v8 =	vor.u32 v0, v8  }
.LBB2_4:
0x36: {  	s5 =	sshra.s32 s3, $0x2;
	p0 =	sne.s32 s3, $0x9E00;
	[tilespmem:s2+$0x0] =	vst v8;
	v8 =	vor.u32 v0, v9;
	v7 =	vshll.u32 v7, $0x1;
	v9 =	vld [tilespmem:s2+$0x70]  }
0x37: {  	v10 =	vld [tilespmem:s5+$0x0];
	[tilespmem:s2+$0x10] =	vst v8;
	v7 =	vor.u32 v0, v7;
	v6 =	vshll.u32 v6, $0x1  }
0x38: {  	v11 =	vld [tilespmem:s5+$0x10];
	[tilespmem:s2+$0x20] =	vst v7;
	v6 =	vor.u32 v0, v6;
	v3 =	vshll.u32 v3, $0x1  }
.Ltmp1:
0x39: {  	v7 =	vld [tilespmem:s5+$0x20];
	[tilespmem:s2+$0x30] =	vst v6;
	v3 =	vor.u32 v0, v3;
	v4 =	vshll.u32 v4, $0x1;
	(pc) =	sbr.rel @p0 .LBB2_4-.Ltmp1, $4  }
0x3a: {  	v6 =	vld [tilespmem:s5+$0x30];
	[tilespmem:s2+$0x40] =	vst v3;
	v4 =	vor.u32 v0, v4;
	v5 =	vshll.u32 v5, $0x1  }
0x3b: {  	v3 =	vld [tilespmem:s5+$0x40];
	[tilespmem:s2+$0x50] =	vst v4;
	v5 =	vor.u32 v0, v5;
	v8 =	vshll.u32 v9, $0x1  }
0x3c: {  	v9 =	vshll.u32 v10, $0x1;
	v4 =	vld [tilespmem:s5+$0x50];
	[tilespmem:s2+$0x60] =	vst v5;
	v10 =	vor.u32 v0, v8  }
0x3d: {  	s3 =	sadd.s32 $0x200, s3;
	v8 =	vor.u32 v0, v9;
	v9 =	vshll.u32 v11, $0x1;
	v5 =	vld [tilespmem:s5+$0x60];
	[tilespmem:s2+$0x70] =	vst v10;
	s2 =	smov.u32 s5  }
0x3e: {  	[tilespmem:s2+$0x0] =	vst v8;
	v59 =	vor.u32 v0, v9;
	v7 =	vshll.u32 v7, $0x1;
	v60 =	vld [tilespmem:s2+$0x70]  }
0x3f: {  	[tilespmem:s2+$0x10] =	vst v59;
	v7 =	vor.u32 v0, v7;
	v6 =	vshll.u32 v6, $0x1  }
0x40: {  	[tilespmem:s2+$0x20] =	vst v7;
	v6 =	vor.u32 v0, v6;
	v3 =	vshll.u32 v3, $0x1  }
0x41: {  	[tilespmem:s2+$0x30] =	vst v6;
	v3 =	vor.u32 v0, v3;
	v4 =	vshll.u32 v4, $0x1  }
0x42: {  	[tilespmem:s2+$0x40] =	vst v3;
	v3 =	vor.u32 v0, v4;
	v61 =	vshll.u32 v5, $0x1  }
0x43: {  	[tilespmem:s2+$0x50] =	vst v3;
	v3 =	vor.u32 v0, v61;
	v62 =	vshll.u32 v60, $0x1  }
0x44: {  	[tilespmem:s2+$0x60] =	vst v3;
	v3 =	vor.u32 v0, v62  }
0x45: {  	s5 =	simm.s32 $0x0;
	[tilespmem:s2+$0x70] =	vst v3  }
0x46: {  	[tilespmem:s22], [sflag:$0x1] =	stream.indirect.gather [hbm4b:s4+s21], $0x20, s5, s21, $0xb8;
	v63 =	vld [tilespmem:$0x0]  }
0x47: {  	s7 =	simm.s32 $0x80  }
0x48: {  	[tilespmem:s23], [sflag:$0x2] =	stream.indirect.gather [hbm4b:s4+s21], $0x20, s7, s21, $0xb8;
	v63 =	vld [tilespmem:$0x0]  }
0x49: {  	_ =	swait.ge [sflag:s24], $0x1000  }
0x4a: {  	[sflag:s24] =	ssyncset.done $0x0  }
0x4b: {  	s8 =	simm.s32 $0x2800;
	[sflag:s24] =	ssyncadd.s32 $0xFFFFF000  }
0x4c: {  	[spmem:s1] =	stream.indirect.scatter.add.bf16 [tilespmem:s22], [sflag:$0x3], $0x20, s8, s21, $0xb8;
	v63 =	vld [tilespmem:$0x0]  }
0x4d: {  	_ =	swait.ge [sflag:s19], $0x1000  }
0x4e: {  	[sflag:s19] =	ssyncset.done $0x0  }
0x4f: {  	s9 =	simm.s32 $0x100;
	[sflag:s19] =	ssyncadd.s32 $0xFFFFF000  }
0x50: {  	[tilespmem:s22], [sflag:$0x1] =	stream.indirect.gather [hbm4b:s4+s21], $0x20, s9, s21, $0xb8;
	v63 =	vld [tilespmem:$0x0]  }
0x51: {  	_ =	swait.ge [sflag:s25], $0x1000  }
0x52: {  	[sflag:s25] =	ssyncset.done $0x0  }
0x53: {  	s10 =	simm.s32 $0x2880;
	[sflag:s25] =	ssyncadd.s32 $0xFFFFF000  }
0x54: {  	[spmem:s1] =	stream.indirect.scatter.add.bf16 [tilespmem:s23], [sflag:$0x3], $0x20, s10, s21, $0xb8;
	v63 =	vld [tilespmem:$0x0]  }
0x55: {  	_ =	swait.ge [sflag:s19], $0x1000  }
0x56: {  	s3 =	simm.s32 $0x800;
	s2 =	simm.s32 $0x100;
	[sflag:s19] =	ssyncset.done $0x0  }
.LBB2_6:
0x57: {  	s5 =	sadd.s32 $0x80, s2  }
0x58: {  	[sflag:s19] =	ssyncadd.s32 $0xFFFFF000;
	s7 =	smov.u32 s3;
	s8 =	sadd.s32 $0x400, s3  }
0x59: {  	[tilespmem:s23], [sflag:$0x2] =	stream.indirect.gather [hbm4b:s4+s21], $0x20, s5, s21, $0xb8;
	v63 =	vld [tilespmem:$0x0]  }
0x5a: {  	p0 =	sne.s32 s3, $0x9800;
	_ =	swait.ge [sflag:s24], $0x1000  }
0x5b: {  	[sflag:s24] =	ssyncset.done $0x0  }
0x5c: {  	s3 =	sadd.s32 $0x2800, s2;
	[sflag:s24] =	ssyncadd.s32 $0xFFFFF000  }
0x5d: {  	[spmem:s1] =	stream.indirect.scatter.add.bf16 [tilespmem:s22], [sflag:$0x3], $0x20, s3, s21, $0xb8;
	v63 =	vld [tilespmem:$0x0]  }
0x5e: {  	_ =	swait.ge [sflag:s19], $0x1000  }
0x5f: {  	[sflag:s19] =	ssyncset.done $0x0  }
0x60: {  	s3 =	sadd.s32 $0x100, s2;
	[sflag:s19] =	ssyncadd.s32 $0xFFFFF000  }
0x61: {  	[tilespmem:s22], [sflag:$0x1] =	stream.indirect.gather [hbm4b:s4+s21], $0x20, s3, s21, $0xb8;
	v63 =	vld [tilespmem:$0x0]  }
0x62: {  	_ =	swait.ge [sflag:s25], $0x1000  }
.Ltmp2:
0x63: {  	[sflag:s25] =	ssyncset.done $0x0;
	(pc) =	sbr.rel @p0 .LBB2_6-.Ltmp2, $4  }
0x64: {  	s2 =	sadd.s32 $0x2880, s2;
	[sflag:s25] =	ssyncadd.s32 $0xFFFFF000  }
0x65: {  	[spmem:s1] =	stream.indirect.scatter.add.bf16 [tilespmem:s23], [sflag:$0x3], $0x20, s2, s21, $0xb8;
	v63 =	vld [tilespmem:$0x0]  }
0x66: {  	_ =	swait.ge [sflag:s19], $0x1000  }
0x67: {  	s3 =	smov.u32 s8;
	s2 =	sshra.s32 s7, $0x2;
	[sflag:s19] =	ssyncset.done $0x0  }
0x68: {  	s3 =	sadd.s32 $0x80, s2;
	[sflag:s19] =	ssyncadd.s32 $0xFFFFF000  }
0x69: {  	[tilespmem:s23], [sflag:$0x2] =	stream.indirect.gather [hbm4b:s4+s21], $0x20, s3, s21, $0xb8;
	v63 =	vld [tilespmem:$0x0]  }
0x6a: {  	_ =	swait.ge [sflag:s24], $0x1000  }
0x6b: {  	[sflag:s24] =	ssyncset.done $0x0  }
0x6c: {  	s10 =	sadd.s32 $0x2800, s2;
	[sflag:s24] =	ssyncadd.s32 $0xFFFFF000  }
0x6d: {  	[spmem:s1] =	stream.indirect.scatter.add.bf16 [tilespmem:s22], [sflag:$0x3], $0x20, s10, s21, $0xb8;
	v63 =	vld [tilespmem:$0x0]  }
0x6e: {  	_ =	swait.ge [sflag:s19], $0x1000  }
0x6f: {  	[sflag:s19] =	ssyncset.done $0x0  }
0x70: {  	s5 =	sadd.s32 $0x100, s2;
	[sflag:s19] =	ssyncadd.s32 $0xFFFFF000  }
0x71: {  	[tilespmem:s22], [sflag:$0x1] =	stream.indirect.gather [hbm4b:s4+s21], $0x20, s5, s21, $0xb8;
	v63 =	vld [tilespmem:$0x0]  }
0x72: {  	_ =	swait.ge [sflag:s25], $0x1000  }
0x73: {  	[sflag:s25] =	ssyncset.done $0x0  }
0x74: {  	s7 =	sadd.s32 $0x2880, s2;
	[sflag:s25] =	ssyncadd.s32 $0xFFFFF000  }
0x75: {  	[spmem:s1] =	stream.indirect.scatter.add.bf16 [tilespmem:s23], [sflag:$0x3], $0x20, s7, s21, $0xb8;
	v63 =	vld [tilespmem:$0x0]  }
0x76: {  	_ =	swait.ge [sflag:s19], $0x1000  }
0x77: {  	[sflag:s19] =	ssyncset.done $0x0  }
0x78: {  	[sflag:s19] =	ssyncadd.s32 $0xFFFFF000  }
0x79: {  	[tilespmem:s23], [sflag:$0x2] =	stream.indirect.gather [hbm4b:s4+s21], $0x20, s26, s21, $0xb8;
	v63 =	vld [tilespmem:$0x0]  }
0x7a: {  	_ =	swait.ge [sflag:s24], $0x1000  }
0x7b: {  	[sflag:s24] =	ssyncset.done $0x0  }
0x7c: {  	[sflag:s24] =	ssyncadd.s32 $0xFFFFF000  }
0x7d: {  	[spmem:s1] =	stream.indirect.scatter.add.bf16 [tilespmem:s22], [sflag:$0x3], $0x20, s28, s21, $0xb8;
	v63 =	vld [tilespmem:$0x0]  }
0x7e: {  	_ =	swait.ge [sflag:s19], $0x1000  }
0x7f: {  	[sflag:s19] =	ssyncset.done $0x0  }
0x80: {  	[sflag:s19] =	ssyncadd.s32 $0xFFFFF000  }
0x81: {  	_ =	swait.ge [sflag:s25], $0x1000  }
0x82: {  	[sflag:s25] =	ssyncset.done $0x0  }
0x83: {  	[sflag:s25] =	ssyncadd.s32 $0xFFFFF000  }
0x84: {  	[spmem:s1] =	stream.indirect.scatter.add.bf16 [tilespmem:s23], [sflag:$0x3], $0x20, s29, s21, $0xb8;
	v63 =	vld [tilespmem:$0x0]  }
0x85: {  	_ =	swait.ge [sflag:s19], $0x1000  }
0x86: {  	[sflag:s19] =	ssyncset.done $0x0  }
0x87: {  	[sflag:s19] =	ssyncadd.s32 $0xFFFFF000  }
0x88: {  	s8 =	stileid.u32;
	[bflag:$0x0] =	sbarrier.arrive $0xFFFF  }
0x89: {  	s2 =	sshll.u32 s8, $0x6;
	s9 =	rddreg [dreg:$0x8]  }
0x8a: {  	s3 =	sor.u32 $0x1C03, s2;
	s5 =	rddreg [dreg:$0x7];
	s2 =	sshrl.u32 s9, $0x3  }
0x8b: {  	[hbm:s5@s30], [sflag:s3] =	dma.strided [spmem:s2@s31], $0x30D4, s24, $0x4   }
0x8c: {  	_ =	swait.ge [sflag:s19], $0x30D4  }
0x8d: {  	[sflag:s19] =	ssyncset.done $0x0  }
0x8e: {  	[sflag:s19] =	ssyncadd.s32 $0xFFFFCF2C  }
0x8f: {  	s10 =	sadd.s32 $0x0, s6;
	[bflag:$0x0] =	sbarrier.arrive $0xFFFF  }
0x90: {  	[spmem:s10] =	stream.linear.scatter [tilespmem:s18], [sflag:$0x3], $0x800, $0x38;
	v63 =	vld [tilespmem:$0x0]  }
0x91: {  	s5 =	simm.s32 $0x2000;
	_ =	swait.ge [sflag:s19], $0x800  }
.LBB2_8:
0x92: {  	s7 =	sshra.s32 s5, $0x2;
	[sflag:s19] =	ssyncset.done $0x0;
	p0 =	sne.s32 s5, $0x60000  }
.Ltmp3:
0x93: {  	s7 =	sadd.s32 s7, s6;
	[sflag:s19] =	ssyncadd.s32 $0xFFFFF800;
	(pc) =	sbr.rel @p0 .LBB2_8-.Ltmp3, $3  }
0x94: {  	[spmem:s7] =	stream.linear.scatter [tilespmem:s18], [sflag:$0x3], $0x800, $0x38;
	v63 =	vld [tilespmem:$0x0]  }
0x95: {  	s5 =	sadd.s32 $0x2000, s5;
	_ =	sdelay $0x1  }
0x96: {  	_ =	swait.ge [sflag:s19], $0x800  }
0x97: {  	[sflag:s19] =	ssyncset.done $0x0  }
0x98: {  	[sflag:s19] =	ssyncadd.s32 $0xFFFFF800  }
0x99: {  	s5 =	simm.s32 $0x0;
	[bflag:$0x0] =	sbarrier.arrive $0xFFFF  }
0x9a: {  	[tilespmem:s5], [sflag:$0x3] =	stream.linear.gather [hbm4b:s11+s5], $0x2800, $0x38;
	v63 =	vld [tilespmem:$0x0]  }
0x9b: {  	_ =	swait.ge [sflag:s19], $0x2800  }
0x9c: {  	[sflag:s19] =	ssyncset.done $0x0  }
0x9d: {  	[sflag:s19] =	ssyncadd.s32 $0xFFFFD800  }
0x9e: {  	[tilespmem:s20], [sflag:$0x3] =	stream.linear.gather [hbm4b:s12+s5], $0x2800, $0x38;
	v63 =	vld [tilespmem:$0x0]  }
0x9f: {  	_ =	swait.ge [sflag:s19], $0x2800  }
0xa0: {  	[sflag:s19] =	ssyncset.done $0x0  }
0xa1: {  	s5 =	simm.s32 $0x0;
	[sflag:s19] =	ssyncadd.s32 $0xFFFFD800  }
0xa2: {  	v4 =	vld [tilespmem:s5+$0x0]  }
0xa3: {  	v5 =	vld [tilespmem:s5+$0x10]  }
0xa4: {  	v7 =	vld [tilespmem:s5+$0x20]  }
0xa5: {  	v6 =	vld [tilespmem:s5+$0x30]  }
0xa6: {  	v3 =	vld [tilespmem:s5+$0x40]  }
0xa7: {  	v8 =	vshll.u32 v4, $0x1;
	v4 =	vld [tilespmem:s5+$0x50]  }
0xa8: {  	s7 =	simm.s32 $0x200;
	v9 =	vshll.u32 v5, $0x1;
	v5 =	vld [tilespmem:s5+$0x60];
	v8 =	vadd.s32 v1, v8  }
.LBB2_10:
0xa9: {  	s8 =	sshra.s32 s7, $0x2;
	p0 =	sne.s32 s7, $0x9E00;
	[tilespmem:s5+$0x0] =	vst v8;
	v8 =	vadd.s32 v1, v9;
	v7 =	vshll.u32 v7, $0x1;
	v9 =	vld [tilespmem:s5+$0x70]  }
0xaa: {  	v10 =	vld [tilespmem:s8+$0x0];
	[tilespmem:s5+$0x10] =	vst v8;
	v7 =	vadd.s32 v1, v7;
	v6 =	vshll.u32 v6, $0x1  }
0xab: {  	v11 =	vld [tilespmem:s8+$0x10];
	[tilespmem:s5+$0x20] =	vst v7;
	v6 =	vadd.s32 v1, v6;
	v3 =	vshll.u32 v3, $0x1  }
.Ltmp4:
0xac: {  	v7 =	vld [tilespmem:s8+$0x20];
	[tilespmem:s5+$0x30] =	vst v6;
	v3 =	vadd.s32 v1, v3;
	v4 =	vshll.u32 v4, $0x1;
	(pc) =	sbr.rel @p0 .LBB2_10-.Ltmp4, $4  }
0xad: {  	v6 =	vld [tilespmem:s8+$0x30];
	[tilespmem:s5+$0x40] =	vst v3;
	v4 =	vadd.s32 v1, v4;
	v5 =	vshll.u32 v5, $0x1  }
0xae: {  	v3 =	vld [tilespmem:s8+$0x40];
	[tilespmem:s5+$0x50] =	vst v4;
	v5 =	vadd.s32 v1, v5;
	v8 =	vshll.u32 v9, $0x1  }
0xaf: {  	v9 =	vshll.u32 v10, $0x1;
	v4 =	vld [tilespmem:s8+$0x50];
	[tilespmem:s5+$0x60] =	vst v5;
	v10 =	vadd.s32 v1, v8  }
0xb0: {  	s7 =	sadd.s32 $0x200, s7;
	v8 =	vadd.s32 v1, v9;
	v9 =	vshll.u32 v11, $0x1;
	v5 =	vld [tilespmem:s8+$0x60];
	[tilespmem:s5+$0x70] =	vst v10;
	s5 =	smov.u32 s8  }
0xb1: {  	[tilespmem:s5+$0x0] =	vst v8;
	v59 =	vadd.s32 v1, v9;
	v7 =	vshll.u32 v7, $0x1;
	v60 =	vld [tilespmem:s5+$0x70]  }
0xb2: {  	[tilespmem:s5+$0x10] =	vst v59;
	v7 =	vadd.s32 v1, v7;
	v6 =	vshll.u32 v6, $0x1  }
0xb3: {  	[tilespmem:s5+$0x20] =	vst v7;
	v6 =	vadd.s32 v1, v6;
	v3 =	vshll.u32 v3, $0x1  }
0xb4: {  	[tilespmem:s5+$0x30] =	vst v6;
	v3 =	vadd.s32 v1, v3;
	v4 =	vshll.u32 v4, $0x1  }
0xb5: {  	[tilespmem:s5+$0x40] =	vst v3;
	v3 =	vadd.s32 v1, v4;
	v61 =	vshll.u32 v5, $0x1  }
0xb6: {  	[tilespmem:s5+$0x50] =	vst v3;
	v3 =	vadd.s32 v1, v61;
	v62 =	vshll.u32 v60, $0x1  }
0xb7: {  	[tilespmem:s5+$0x60] =	vst v3;
	v3 =	vadd.s32 v1, v62  }
0xb8: {  	s10 =	simm.s32 $0x0;
	[tilespmem:s5+$0x70] =	vst v3  }
0xb9: {  	[tilespmem:s22], [sflag:$0x1] =	stream.indirect.gather [hbm4b:s4+s21], $0x20, s10, s21, $0xb8;
	v63 =	vld [tilespmem:$0x0]  }
0xba: {  	s7 =	simm.s32 $0x80  }
0xbb: {  	[tilespmem:s23], [sflag:$0x2] =	stream.indirect.gather [hbm4b:s4+s21], $0x20, s7, s21, $0xb8;
	v63 =	vld [tilespmem:$0x0]  }
0xbc: {  	_ =	swait.ge [sflag:s24], $0x1000  }
0xbd: {  	[sflag:s24] =	ssyncset.done $0x0  }
0xbe: {  	s8 =	simm.s32 $0x2800;
	[sflag:s24] =	ssyncadd.s32 $0xFFFFF000  }
0xbf: {  	[spmem:s1] =	stream.indirect.scatter.add.bf16 [tilespmem:s22], [sflag:$0x3], $0x20, s8, s21, $0xb8;
	v63 =	vld [tilespmem:$0x0]  }
0xc0: {  	_ =	swait.ge [sflag:s19], $0x1000  }
0xc1: {  	[sflag:s19] =	ssyncset.done $0x0  }
0xc2: {  	s9 =	simm.s32 $0x100;
	[sflag:s19] =	ssyncadd.s32 $0xFFFFF000  }
0xc3: {  	[tilespmem:s22], [sflag:$0x1] =	stream.indirect.gather [hbm4b:s4+s21], $0x20, s9, s21, $0xb8;
	v63 =	vld [tilespmem:$0x0]  }
0xc4: {  	_ =	swait.ge [sflag:s25], $0x1000  }
0xc5: {  	[sflag:s25] =	ssyncset.done $0x0  }
0xc6: {  	s10 =	simm.s32 $0x2880;
	[sflag:s25] =	ssyncadd.s32 $0xFFFFF000  }
0xc7: {  	[spmem:s1] =	stream.indirect.scatter.add.bf16 [tilespmem:s23], [sflag:$0x3], $0x20, s10, s21, $0xb8;
	v63 =	vld [tilespmem:$0x0]  }
0xc8: {  	_ =	swait.ge [sflag:s19], $0x1000  }
0xc9: {  	s5 =	simm.s32 $0x100;
	s7 =	simm.s32 $0x800;
	[sflag:s19] =	ssyncset.done $0x0  }
.LBB2_12:
0xca: {  	s8 =	sadd.s32 $0x80, s5  }
0xcb: {  	[sflag:s19] =	ssyncadd.s32 $0xFFFFF000;
	s9 =	smov.u32 s7;
	s10 =	sadd.s32 $0x400, s7  }
0xcc: {  	[tilespmem:s23], [sflag:$0x2] =	stream.indirect.gather [hbm4b:s4+s21], $0x20, s8, s21, $0xb8;
	v63 =	vld [tilespmem:$0x0]  }
0xcd: {  	p0 =	sne.s32 s7, $0x9800;
	_ =	swait.ge [sflag:s24], $0x1000  }
0xce: {  	[sflag:s24] =	ssyncset.done $0x0  }
0xcf: {  	s7 =	sadd.s32 $0x2800, s5;
	[sflag:s24] =	ssyncadd.s32 $0xFFFFF000  }
0xd0: {  	[spmem:s1] =	stream.indirect.scatter.add.bf16 [tilespmem:s22], [sflag:$0x3], $0x20, s7, s21, $0xb8;
	v63 =	vld [tilespmem:$0x0]  }
0xd1: {  	_ =	swait.ge [sflag:s19], $0x1000  }
0xd2: {  	[sflag:s19] =	ssyncset.done $0x0  }
0xd3: {  	s7 =	sadd.s32 $0x100, s5;
	[sflag:s19] =	ssyncadd.s32 $0xFFFFF000  }
0xd4: {  	[tilespmem:s22], [sflag:$0x1] =	stream.indirect.gather [hbm4b:s4+s21], $0x20, s7, s21, $0xb8;
	v63 =	vld [tilespmem:$0x0]  }
0xd5: {  	_ =	swait.ge [sflag:s25], $0x1000  }
.Ltmp5:
0xd6: {  	[sflag:s25] =	ssyncset.done $0x0;
	(pc) =	sbr.rel @p0 .LBB2_12-.Ltmp5, $4  }
0xd7: {  	s5 =	sadd.s32 $0x2880, s5;
	[sflag:s25] =	ssyncadd.s32 $0xFFFFF000  }
0xd8: {  	[spmem:s1] =	stream.indirect.scatter.add.bf16 [tilespmem:s23], [sflag:$0x3], $0x20, s5, s21, $0xb8;
	v63 =	vld [tilespmem:$0x0]  }
0xd9: {  	_ =	swait.ge [sflag:s19], $0x1000  }
0xda: {  	s7 =	smov.u32 s10;
	s5 =	sshra.s32 s9, $0x2;
	[sflag:s19] =	ssyncset.done $0x0  }
0xdb: {  	s7 =	sadd.s32 $0x80, s5;
	[sflag:s19] =	ssyncadd.s32 $0xFFFFF000  }
0xdc: {  	[tilespmem:s23], [sflag:$0x2] =	stream.indirect.gather [hbm4b:s4+s21], $0x20, s7, s21, $0xb8;
	v63 =	vld [tilespmem:$0x0]  }
0xdd: {  	_ =	swait.ge [sflag:s24], $0x1000  }
0xde: {  	[sflag:s24] =	ssyncset.done $0x0  }
0xdf: {  	s10 =	sadd.s32 $0x2800, s5;
	[sflag:s24] =	ssyncadd.s32 $0xFFFFF000  }
0xe0: {  	[spmem:s1] =	stream.indirect.scatter.add.bf16 [tilespmem:s22], [sflag:$0x3], $0x20, s10, s21, $0xb8;
	v63 =	vld [tilespmem:$0x0]  }
0xe1: {  	_ =	swait.ge [sflag:s19], $0x1000  }
0xe2: {  	[sflag:s19] =	ssyncset.done $0x0  }
0xe3: {  	s8 =	sadd.s32 $0x100, s5;
	[sflag:s19] =	ssyncadd.s32 $0xFFFFF000  }
0xe4: {  	[tilespmem:s22], [sflag:$0x1] =	stream.indirect.gather [hbm4b:s4+s21], $0x20, s8, s21, $0xb8;
	v63 =	vld [tilespmem:$0x0]  }
0xe5: {  	_ =	swait.ge [sflag:s25], $0x1000  }
0xe6: {  	[sflag:s25] =	ssyncset.done $0x0  }
0xe7: {  	s9 =	sadd.s32 $0x2880, s5;
	[sflag:s25] =	ssyncadd.s32 $0xFFFFF000  }
0xe8: {  	[spmem:s1] =	stream.indirect.scatter.add.bf16 [tilespmem:s23], [sflag:$0x3], $0x20, s9, s21, $0xb8;
	v63 =	vld [tilespmem:$0x0]  }
0xe9: {  	_ =	swait.ge [sflag:s19], $0x1000  }
0xea: {  	[sflag:s19] =	ssyncset.done $0x0  }
0xeb: {  	[sflag:s19] =	ssyncadd.s32 $0xFFFFF000  }
0xec: {  	[tilespmem:s23], [sflag:$0x2] =	stream.indirect.gather [hbm4b:s4+s21], $0x20, s26, s21, $0xb8;
	v63 =	vld [tilespmem:$0x0]  }
0xed: {  	_ =	swait.ge [sflag:s24], $0x1000  }
0xee: {  	[sflag:s24] =	ssyncset.done $0x0  }
0xef: {  	[sflag:s24] =	ssyncadd.s32 $0xFFFFF000  }
0xf0: {  	[spmem:s1] =	stream.indirect.scatter.add.bf16 [tilespmem:s22], [sflag:$0x3], $0x20, s28, s21, $0xb8;
	v63 =	vld [tilespmem:$0x0]  }
0xf1: {  	_ =	swait.ge [sflag:s19], $0x1000  }
0xf2: {  	[sflag:s19] =	ssyncset.done $0x0  }
0xf3: {  	[sflag:s19] =	ssyncadd.s32 $0xFFFFF000  }
0xf4: {  	_ =	swait.ge [sflag:s25], $0x1000  }
0xf5: {  	[sflag:s25] =	ssyncset.done $0x0  }
0xf6: {  	[sflag:s25] =	ssyncadd.s32 $0xFFFFF000  }
0xf7: {  	[spmem:s1] =	stream.indirect.scatter.add.bf16 [tilespmem:s23], [sflag:$0x3], $0x20, s29, s21, $0xb8;
	v63 =	vld [tilespmem:$0x0]  }
0xf8: {  	_ =	swait.ge [sflag:s19], $0x1000  }
0xf9: {  	[sflag:s19] =	ssyncset.done $0x0  }
0xfa: {  	[sflag:s19] =	ssyncadd.s32 $0xFFFFF000  }
0xfb: {  	[bflag:$0x0] =	sbarrier.arrive $0xFFFF  }
0xfc: {  	[hbm:s13@s30], [sflag:s3] =	dma.strided [spmem:s2@s31], $0x30D4, s24, $0x4   }
0xfd: {  	_ =	swait.ge [sflag:s19], $0x30D4  }
0xfe: {  	[sflag:s19] =	ssyncset.done $0x0  }
0xff: {  	[sflag:s19] =	ssyncadd.s32 $0xFFFFCF2C  }
0x100: {  	s10 =	sadd.s32 $0x0, s6;
	[bflag:$0x0] =	sbarrier.arrive $0xFFFF  }
0x101: {  	[spmem:s10] =	stream.linear.scatter [tilespmem:s18], [sflag:$0x3], $0x800, $0x38;
	v63 =	vld [tilespmem:$0x0]  }
0x102: {  	s5 =	simm.s32 $0x2000;
	_ =	swait.ge [sflag:s19], $0x800  }
.LBB2_14:
0x103: {  	s7 =	sshra.s32 s5, $0x2;
	[sflag:s19] =	ssyncset.done $0x0;
	p0 =	sne.s32 s5, $0x60000  }
.Ltmp6:
0x104: {  	s7 =	sadd.s32 s7, s6;
	[sflag:s19] =	ssyncadd.s32 $0xFFFFF800;
	(pc) =	sbr.rel @p0 .LBB2_14-.Ltmp6, $3  }
0x105: {  	[spmem:s7] =	stream.linear.scatter [tilespmem:s18], [sflag:$0x3], $0x800, $0x38;
	v63 =	vld [tilespmem:$0x0]  }
0x106: {  	s5 =	sadd.s32 $0x2000, s5;
	_ =	sdelay $0x1  }
0x107: {  	_ =	swait.ge [sflag:s19], $0x800  }
0x108: {  	[sflag:s19] =	ssyncset.done $0x0  }
0x109: {  	[sflag:s19] =	ssyncadd.s32 $0xFFFFF800  }
0x10a: {  	s5 =	simm.s32 $0x0;
	[bflag:$0x0] =	sbarrier.arrive $0xFFFF  }
0x10b: {  	[tilespmem:s5], [sflag:$0x3] =	stream.linear.gather [hbm4b:s14+s5], $0x2800, $0x38;
	v63 =	vld [tilespmem:$0x0]  }
0x10c: {  	_ =	swait.ge [sflag:s19], $0x2800  }
0x10d: {  	[sflag:s19] =	ssyncset.done $0x0  }
0x10e: {  	[sflag:s19] =	ssyncadd.s32 $0xFFFFD800  }
0x10f: {  	[tilespmem:s20], [sflag:$0x3] =	stream.linear.gather [hbm4b:s15+s5], $0x2800, $0x38;
	v63 =	vld [tilespmem:$0x0]  }
0x110: {  	_ =	swait.ge [sflag:s19], $0x2800  }
0x111: {  	[sflag:s19] =	ssyncset.done $0x0  }
0x112: {  	s5 =	simm.s32 $0x0;
	[sflag:s19] =	ssyncadd.s32 $0xFFFFD800  }
0x113: {  	v4 =	vld [tilespmem:s5+$0x0]  }
0x114: {  	v5 =	vld [tilespmem:s5+$0x10]  }
0x115: {  	v7 =	vld [tilespmem:s5+$0x20]  }
0x116: {  	v6 =	vld [tilespmem:s5+$0x30]  }
0x117: {  	v3 =	vld [tilespmem:s5+$0x40]  }
0x118: {  	v8 =	vshll.u32 v4, $0x1;
	v4 =	vld [tilespmem:s5+$0x50]  }
0x119: {  	s7 =	simm.s32 $0x200;
	v9 =	vshll.u32 v5, $0x1;
	v5 =	vld [tilespmem:s5+$0x60];
	v8 =	vadd.s32 v2, v8  }
.LBB2_16:
0x11a: {  	s8 =	sshra.s32 s7, $0x2;
	p0 =	sne.s32 s7, $0x9E00;
	[tilespmem:s5+$0x0] =	vst v8;
	v8 =	vadd.s32 v2, v9;
	v7 =	vshll.u32 v7, $0x1;
	v9 =	vld [tilespmem:s5+$0x70]  }
0x11b: {  	v10 =	vld [tilespmem:s8+$0x0];
	[tilespmem:s5+$0x10] =	vst v8;
	v7 =	vadd.s32 v2, v7;
	v6 =	vshll.u32 v6, $0x1  }
0x11c: {  	v11 =	vld [tilespmem:s8+$0x10];
	[tilespmem:s5+$0x20] =	vst v7;
	v6 =	vadd.s32 v2, v6;
	v3 =	vshll.u32 v3, $0x1  }
.Ltmp7:
0x11d: {  	v7 =	vld [tilespmem:s8+$0x20];
	[tilespmem:s5+$0x30] =	vst v6;
	v3 =	vadd.s32 v2, v3;
	v4 =	vshll.u32 v4, $0x1;
	(pc) =	sbr.rel @p0 .LBB2_16-.Ltmp7, $4  }
0x11e: {  	v6 =	vld [tilespmem:s8+$0x30];
	[tilespmem:s5+$0x40] =	vst v3;
	v4 =	vadd.s32 v2, v4;
	v5 =	vshll.u32 v5, $0x1  }
0x11f: {  	v3 =	vld [tilespmem:s8+$0x40];
	[tilespmem:s5+$0x50] =	vst v4;
	v5 =	vadd.s32 v2, v5;
	v8 =	vshll.u32 v9, $0x1  }
0x120: {  	v9 =	vshll.u32 v10, $0x1;
	v4 =	vld [tilespmem:s8+$0x50];
	[tilespmem:s5+$0x60] =	vst v5;
	v10 =	vadd.s32 v2, v8  }
0x121: {  	s7 =	sadd.s32 $0x200, s7;
	v8 =	vadd.s32 v2, v9;
	v9 =	vshll.u32 v11, $0x1;
	v5 =	vld [tilespmem:s8+$0x60];
	[tilespmem:s5+$0x70] =	vst v10;
	s5 =	smov.u32 s8  }
0x122: {  	[tilespmem:s5+$0x0] =	vst v8;
	v59 =	vadd.s32 v2, v9;
	v7 =	vshll.u32 v7, $0x1;
	v60 =	vld [tilespmem:s5+$0x70]  }
0x123: {  	[tilespmem:s5+$0x10] =	vst v59;
	v7 =	vadd.s32 v2, v7;
	v6 =	vshll.u32 v6, $0x1  }
0x124: {  	[tilespmem:s5+$0x20] =	vst v7;
	v6 =	vadd.s32 v2, v6;
	v3 =	vshll.u32 v3, $0x1  }
0x125: {  	[tilespmem:s5+$0x30] =	vst v6;
	v3 =	vadd.s32 v2, v3;
	v4 =	vshll.u32 v4, $0x1  }
0x126: {  	[tilespmem:s5+$0x40] =	vst v3;
	v3 =	vadd.s32 v2, v4;
	v61 =	vshll.u32 v5, $0x1  }
0x127: {  	[tilespmem:s5+$0x50] =	vst v3;
	v3 =	vadd.s32 v2, v61;
	v62 =	vshll.u32 v60, $0x1  }
0x128: {  	[tilespmem:s5+$0x60] =	vst v3;
	v3 =	vadd.s32 v2, v62  }
0x129: {  	s10 =	simm.s32 $0x0;
	[tilespmem:s5+$0x70] =	vst v3  }
0x12a: {  	[tilespmem:s22], [sflag:$0x1] =	stream.indirect.gather [hbm4b:s4+s21], $0x20, s10, s21, $0xb8;
	v63 =	vld [tilespmem:$0x0]  }
0x12b: {  	s7 =	simm.s32 $0x80  }
0x12c: {  	[tilespmem:s23], [sflag:$0x2] =	stream.indirect.gather [hbm4b:s4+s21], $0x20, s7, s21, $0xb8;
	v63 =	vld [tilespmem:$0x0]  }
0x12d: {  	_ =	swait.ge [sflag:s24], $0x1000  }
0x12e: {  	[sflag:s24] =	ssyncset.done $0x0  }
0x12f: {  	s8 =	simm.s32 $0x2800;
	[sflag:s24] =	ssyncadd.s32 $0xFFFFF000  }
0x130: {  	[spmem:s1] =	stream.indirect.scatter.add.bf16 [tilespmem:s22], [sflag:$0x3], $0x20, s8, s21, $0xb8;
	v63 =	vld [tilespmem:$0x0]  }
0x131: {  	_ =	swait.ge [sflag:s19], $0x1000  }
0x132: {  	[sflag:s19] =	ssyncset.done $0x0  }
0x133: {  	s9 =	simm.s32 $0x100;
	[sflag:s19] =	ssyncadd.s32 $0xFFFFF000  }
0x134: {  	[tilespmem:s22], [sflag:$0x1] =	stream.indirect.gather [hbm4b:s4+s21], $0x20, s9, s21, $0xb8;
	v63 =	vld [tilespmem:$0x0]  }
0x135: {  	_ =	swait.ge [sflag:s25], $0x1000  }
0x136: {  	[sflag:s25] =	ssyncset.done $0x0  }
0x137: {  	s10 =	simm.s32 $0x2880;
	[sflag:s25] =	ssyncadd.s32 $0xFFFFF000  }
0x138: {  	[spmem:s1] =	stream.indirect.scatter.add.bf16 [tilespmem:s23], [sflag:$0x3], $0x20, s10, s21, $0xb8;
	v63 =	vld [tilespmem:$0x0]  }
0x139: {  	_ =	swait.ge [sflag:s19], $0x1000  }
0x13a: {  	s5 =	simm.s32 $0x100;
	s7 =	simm.s32 $0x800;
	[sflag:s19] =	ssyncset.done $0x0  }
.LBB2_18:
0x13b: {  	s8 =	sadd.s32 $0x80, s5  }
0x13c: {  	[sflag:s19] =	ssyncadd.s32 $0xFFFFF000;
	s9 =	smov.u32 s7;
	s10 =	sadd.s32 $0x400, s7  }
0x13d: {  	[tilespmem:s23], [sflag:$0x2] =	stream.indirect.gather [hbm4b:s4+s21], $0x20, s8, s21, $0xb8;
	v63 =	vld [tilespmem:$0x0]  }
0x13e: {  	p0 =	sne.s32 s7, $0x9800;
	_ =	swait.ge [sflag:s24], $0x1000  }
0x13f: {  	[sflag:s24] =	ssyncset.done $0x0  }
0x140: {  	s7 =	sadd.s32 $0x2800, s5;
	[sflag:s24] =	ssyncadd.s32 $0xFFFFF000  }
0x141: {  	[spmem:s1] =	stream.indirect.scatter.add.bf16 [tilespmem:s22], [sflag:$0x3], $0x20, s7, s21, $0xb8;
	v63 =	vld [tilespmem:$0x0]  }
0x142: {  	_ =	swait.ge [sflag:s19], $0x1000  }
0x143: {  	[sflag:s19] =	ssyncset.done $0x0  }
0x144: {  	s7 =	sadd.s32 $0x100, s5;
	[sflag:s19] =	ssyncadd.s32 $0xFFFFF000  }
0x145: {  	[tilespmem:s22], [sflag:$0x1] =	stream.indirect.gather [hbm4b:s4+s21], $0x20, s7, s21, $0xb8;
	v63 =	vld [tilespmem:$0x0]  }
0x146: {  	_ =	swait.ge [sflag:s25], $0x1000  }
.Ltmp8:
0x147: {  	[sflag:s25] =	ssyncset.done $0x0;
	(pc) =	sbr.rel @p0 .LBB2_18-.Ltmp8, $4  }
0x148: {  	s5 =	sadd.s32 $0x2880, s5;
	[sflag:s25] =	ssyncadd.s32 $0xFFFFF000  }
0x149: {  	[spmem:s1] =	stream.indirect.scatter.add.bf16 [tilespmem:s23], [sflag:$0x3], $0x20, s5, s21, $0xb8;
	v63 =	vld [tilespmem:$0x0]  }
0x14a: {  	_ =	swait.ge [sflag:s19], $0x1000  }
0x14b: {  	s7 =	smov.u32 s10;
	s5 =	sshra.s32 s9, $0x2;
	[sflag:s19] =	ssyncset.done $0x0  }
0x14c: {  	s7 =	sadd.s32 $0x80, s5;
	[sflag:s19] =	ssyncadd.s32 $0xFFFFF000  }
0x14d: {  	[tilespmem:s23], [sflag:$0x2] =	stream.indirect.gather [hbm4b:s4+s21], $0x20, s7, s21, $0xb8;
	v63 =	vld [tilespmem:$0x0]  }
0x14e: {  	_ =	swait.ge [sflag:s24], $0x1000  }
0x14f: {  	[sflag:s24] =	ssyncset.done $0x0  }
0x150: {  	s8 =	sadd.s32 $0x2800, s5;
	[sflag:s24] =	ssyncadd.s32 $0xFFFFF000  }
0x151: {  	[spmem:s1] =	stream.indirect.scatter.add.bf16 [tilespmem:s22], [sflag:$0x3], $0x20, s8, s21, $0xb8;
	v63 =	vld [tilespmem:$0x0]  }
0x152: {  	_ =	swait.ge [sflag:s19], $0x1000  }
0x153: {  	[sflag:s19] =	ssyncset.done $0x0  }
0x154: {  	s9 =	sadd.s32 $0x100, s5;
	[sflag:s19] =	ssyncadd.s32 $0xFFFFF000  }
0x155: {  	[tilespmem:s22], [sflag:$0x1] =	stream.indirect.gather [hbm4b:s4+s21], $0x20, s9, s21, $0xb8;
	v63 =	vld [tilespmem:$0x0]  }
0x156: {  	_ =	swait.ge [sflag:s25], $0x1000  }
0x157: {  	[sflag:s25] =	ssyncset.done $0x0  }
0x158: {  	s10 =	sadd.s32 $0x2880, s5;
	[sflag:s25] =	ssyncadd.s32 $0xFFFFF000  }
0x159: {  	[spmem:s1] =	stream.indirect.scatter.add.bf16 [tilespmem:s23], [sflag:$0x3], $0x20, s10, s21, $0xb8;
	v63 =	vld [tilespmem:$0x0]  }
0x15a: {  	_ =	swait.ge [sflag:s19], $0x1000  }
0x15b: {  	[sflag:s19] =	ssyncset.done $0x0  }
0x15c: {  	[sflag:s19] =	ssyncadd.s32 $0xFFFFF000  }
0x15d: {  	[tilespmem:s23], [sflag:$0x2] =	stream.indirect.gather [hbm4b:s4+s21], $0x20, s26, s21, $0xb8;
	v63 =	vld [tilespmem:$0x0]  }
0x15e: {  	_ =	swait.ge [sflag:s24], $0x1000  }
0x15f: {  	[sflag:s24] =	ssyncset.done $0x0  }
0x160: {  	[sflag:s24] =	ssyncadd.s32 $0xFFFFF000  }
0x161: {  	[spmem:s1] =	stream.indirect.scatter.add.bf16 [tilespmem:s22], [sflag:$0x3], $0x20, s28, s21, $0xb8;
	v63 =	vld [tilespmem:$0x0]  }
0x162: {  	_ =	swait.ge [sflag:s19], $0x1000  }
0x163: {  	[sflag:s19] =	ssyncset.done $0x0  }
0x164: {  	[sflag:s19] =	ssyncadd.s32 $0xFFFFF000  }
0x165: {  	_ =	swait.ge [sflag:s25], $0x1000  }
0x166: {  	[sflag:s25] =	ssyncset.done $0x0  }
0x167: {  	[sflag:s25] =	ssyncadd.s32 $0xFFFFF000  }
0x168: {  	[spmem:s1] =	stream.indirect.scatter.add.bf16 [tilespmem:s23], [sflag:$0x3], $0x20, s29, s21, $0xb8;
	v63 =	vld [tilespmem:$0x0]  }
0x169: {  	_ =	swait.ge [sflag:s19], $0x1000  }
0x16a: {  	[sflag:s19] =	ssyncset.done $0x0  }
0x16b: {  	s0 =	sadd.s32 $0x1, s0;
	[sflag:s19] =	ssyncadd.s32 $0xFFFFF000  }
0x16c: {  	p0 =	sne.s32 s0, s17;
	[bflag:$0x0] =	sbarrier.arrive $0xFFFF  }
0x16d: {  	[hbm:s16@s30], [sflag:s3] =	dma.strided [spmem:s2@s31], $0x30D4, s24, $0x4   }
.Ltmp9:
0x16e: {  	_ =	swait.ge [sflag:s19], $0x30D4;
	(pc) =	sbr.rel @p0 .LBB2_1-.Ltmp9, $3  }
0x16f: {  	[sflag:s19] =	ssyncset.done $0x0  }
0x170: {  	[sflag:s19] =	ssyncadd.s32 $0xFFFFCF2C  }
0x171: {  	[bflag:$0x0] =	sbarrier.arrive $0xFFFF;
	_ =	sdelay $0x1  }
0x172: {  	_ =	sfence.sel $0x180000  }
0x173: {  	[bflag:$0x0] =	sbarrier.arrive $0xFFFF  }
0x174: {  	_ =	strace $0x9000004D  }
0x175: {  	s0 =	stileid.u32;
	[bflag:$0x2] =	sbarrier.arrive $0xFFFF  }
0x176: {  	p0 =	sne.s32 s0, $0x0;
	s0 =	rddreg [dreg:$0x3]  }
0x177: {  	s0 =	sadd.s32 @!p0 $0x100000, s0  }
0x178: {  	[sflag:s0] =	ssyncadd.tile.s32 @!p0 $0x1;
	_ =	shalt  }
.Lfunc_end2:
_tile_overlayer_lowered:
.L_overlay_start_2:
0x179: {  	(tag) =	ssettag $0x2  }
0x17a: {  	s0 =	rddreg [dreg:$0x0];
	s2 =	stileid.u32  }
0x17b: {  	s1 =	rddreg [dreg:$0x1];
	p0 =	sne.s32 s2, $0x0  }
0x17c: {  	s3 =	rddreg [dreg:$0x2];
	[bflag:$0x3] =	sbarrier.arrive $0xFFFF;
	s2 =	simm.s32 @!p0 $0x1C03  }
0x17d: {  	[timem:s3], [sflag:s2] =	dma.local @!p0 [hbm:s0], s1  }
0x17e: {  	s0 =	simm.s32 @!p0 $0x3  }
0x17f: {  	_ =	swait.ge @!p0 [sflag:s0], s1  }
0x180: {  	s1 =	ssub.s32 @!p0 $0x0, s1;
	[sflag:s0] =	ssyncset.done @!p0 $0x0  }
0x181: {  	[sflag:s0] =	ssyncadd.s32 @!p0 s1  }
0x182: {  	[bflag:$0x3] =	sbarrier.arrive $0xFFFF  }
0x183: {  	_ =	shalt  }

// kernel: kernel.14.cloned.1.call-start
scs
__scs_entry_jumppad:
0x0: {  	(pc) =	sbr.rel $0x88, $3  }
0x1: {  	(tag) =	ssettag $0x0;
	lr =	simm.s32 $0x1  }
0x2: {  	[smem:$0x3F99] =	sst lr;
	_ =	strace $0xD0000000  }
0x3: {  	_ = 	snop  }
0x4: {  	_ = 	snop  }
0x5: {  	_ = 	snop  }
0x6: {  	_ = 	snop  }
0x7: {  	_ = 	snop  }
__scs_overlays_trampoline_lowered:
0x8: {  	[smem:$0x3FA8] =	sst s0  }
0x9: {  	[smem:$0x3FA9] =	sst s1  }
0xa: {  	[smem:$0x3FAA] =	sst s2  }
0xb: {  	[smem:$0x3FAB] =	sst s3  }
0xc: {  	[smem:$0x3FAC] =	sst s4  }
0xd: {  	[smem:$0x3FAD] =	sst s5  }
0xe: {  	[smem:$0x3FAE] =	sst s6  }
0xf: {  	[smem:$0x3FAF] =	sst s7  }
0x10: {  	[smem:$0x3FB0] =	sst s8  }
0x11: {  	[smem:$0x3FB1] =	sst s9;
	s0 =	simm.s32 @!p0 $0x0  }
0x12: {  	s1 =	sld [smem:$0x3F97];
	s0 =	simm.s32 @p0 $0x1  }
0x13: {  	[smem:$0x3FB2] =	sst s0;
	s0 =	simm.s32 @!p1 $0x0  }
0x14: {  	s2 =	sld [smem:$0x3F96];
	s0 =	simm.s32 @p1 $0x1  }
0x15: {  	[smem:$0x3FB3] =	sst s0;
	s0 =	simm.s32 @!p2 $0x0  }
0x16: {  	s3 =	sld [smem:$0x3FDB];
	s0 =	simm.s32 @p2 $0x1  }
0x17: {  	s4 =	simm.s32 $0x1BF5;
	[smem:$0x3FB5] =	sst s0  }
0x18: {  	s0 =	sld [smem:$0x3F98];
	_ =	swait.ge [sflag:s4], $0x0  }
0x19: {  	s7 =	sld [smem:$0x3F99]  }
0x1a: {  	s8 =	sadd.s32 $0xFFFFE003, lr  }
0x1b: {  	s9 =	sadd.s32 $0xFFFFFEF7, lr;
	s5 =	simm.s32 $0xFFFFFFFF;
	p2 =	slt.u32 s8, $0xFFFFF086  }
0x1c: {  	p1 =	slt.u32 s9, $0xF7A;
	s5 =	simm.s32 @!p2 $0x0  }
0x1d: {  	s5 =	simm.s32 @p1 $0x1;
	p0 =	seq.s32 s7, s2  }
0x1e: {  	s7 =	smul.u32 @!p0 $0xF7A, s2;
	p2 =	seq.s32 @!p0 s5, $0x0  }
0x1f: {  	s9 =	smul.u32 $0xF7A, s1;
	s8 =	simm.s32 @!p0 $0x1BF5;
	p2 =	por !p2, p0  }
0x20: {  	[sflag:s8] =	ssyncset.s32 @!p0 $0xFFFFF086;
	s6 =	sadd.s32 @!p0 s3, s7;
	s7 =	simm.s32 @!p0 $0x108  }
0x21: {  	s3 =	sadd.s32 s3, s9;
	s6 =	sadd.s32 @!p0 $0x88, s6;
	s7 =	simm.s32 @p2 $0x1082  }
0x22: {  	[simem:s7], [sflag:s8] =	dma.local @!p0 [hbm:s6], $0xF7A  }
0x23: {  	s9 =	sor.u32 $0xD0000000, s2;
	s6 =	simm.s32 $0x108;
	_ =	swait.ge @!p0 [sflag:s8], $0x0  }
0x24: {  	s3 =	sadd.s32 $0x88, s3;
	s6 =	simm.s32 @!p1 $0x1082;
	[sflag:s4] =	ssyncset.s32 $0xFFFFF086  }
0x25: {  	[simem:s6], [sflag:s4] =	dma.local [hbm:s3], $0xF7A  }
0x26: {  	[smem:$0x3F99] =	sst s1;
	(tag) =	ssettag s2;
	_ =	strace s9  }
0x27: {  	s1 =	sld [smem:$0x3FA9]  }
0x28: {  	s2 =	sld [smem:$0x3FAA]  }
0x29: {  	s4 =	sld [smem:$0x3FAC]  }
0x2a: {  	p0 =	seq.s32 s5, $0x0;
	s5 =	sld [smem:$0x3FAD]  }
0x2b: {  	s6 =	sld [smem:$0x3FAE]  }
0x2c: {  	s7 =	sld [smem:$0x3FAF]  }
0x2d: {  	s3 =	simm.s32 $0x108;
	s8 =	sld [smem:$0x3FB0]  }
0x2e: {  	s3 =	simm.s32 @!p0 $0x1082;
	s9 =	sld [smem:$0x3FB1]  }
0x2f: {  	lr =	sadd.s32 s0, s3;
	s0 =	sld [smem:$0x3FA8]  }
0x30: {  	s3 =	sld [smem:$0x3FAB]  }
0x31: {  	[smem:$0x3FB4] =	sst s10  }
0x32: {  	s10 =	sld [smem:$0x3FB2];
	_ =	sdelay $0x3  }
0x33: {  	p0 =	seq.s32 s10, $0x1;
	s10 =	sld [smem:$0x3FB4];
	_ =	sdelay $0x3  }
0x34: {  	[smem:$0x3FB4] =	sst s10  }
0x35: {  	s10 =	sld [smem:$0x3FB3];
	_ =	sdelay $0x3  }
0x36: {  	p1 =	seq.s32 s10, $0x1;
	s10 =	sld [smem:$0x3FB4];
	_ =	sdelay $0x3  }
0x37: {  	[smem:$0x3FB4] =	sst s10  }
0x38: {  	s10 =	sld [smem:$0x3FB5]  }
0x39: {  	_ = 	snop;
	(pc) =	sbr.ind lr, $3  }
0x3a: {  	_ = 	snop  }
0x3b: {  	_ = 	snop  }
0x3c: {  	p2 =	seq.s32 s10, $0x1;
	s10 =	sld [smem:$0x3FB4]  }
0x3d: {  	_ =	shalt  }
0x3e: {  	_ =	shalt  }
0x3f: {  	_ =	shalt  }
0x40: {  	_ =	shalt  }
0x41: {  	_ =	shalt  }
0x42: {  	_ =	shalt  }
0x43: {  	_ =	shalt  }
0x44: {  	_ =	shalt  }
0x45: {  	_ =	shalt  }
0x46: {  	_ =	shalt  }
0x47: {  	_ =	shalt  }
0x48: {  	_ =	shalt  }
0x49: {  	_ =	shalt  }
0x4a: {  	_ =	shalt  }
0x4b: {  	_ =	shalt  }
0x4c: {  	_ =	shalt  }
0x4d: {  	_ =	shalt  }
0x4e: {  	_ =	shalt  }
0x4f: {  	_ =	shalt  }
0x50: {  	_ =	shalt  }
0x51: {  	_ =	shalt  }
0x52: {  	_ =	shalt  }
0x53: {  	_ =	shalt  }
0x54: {  	_ =	shalt  }
0x55: {  	_ =	shalt  }
0x56: {  	_ =	shalt  }
0x57: {  	_ =	shalt  }
0x58: {  	_ =	shalt  }
0x59: {  	_ =	shalt  }
0x5a: {  	_ =	shalt  }
0x5b: {  	_ =	shalt  }
0x5c: {  	_ =	shalt  }
0x5d: {  	_ =	shalt  }
0x5e: {  	_ =	shalt  }
0x5f: {  	_ =	shalt  }
0x60: {  	_ =	shalt  }
0x61: {  	_ =	shalt  }
0x62: {  	_ =	shalt  }
0x63: {  	_ =	shalt  }
0x64: {  	_ =	shalt  }
0x65: {  	_ =	shalt  }
0x66: {  	_ =	shalt  }
0x67: {  	_ =	shalt  }
0x68: {  	_ =	shalt  }
0x69: {  	_ =	shalt  }
0x6a: {  	_ =	shalt  }
0x6b: {  	_ =	shalt  }
0x6c: {  	_ =	shalt  }
0x6d: {  	_ =	shalt  }
0x6e: {  	_ =	shalt  }
0x6f: {  	_ =	shalt  }
0x70: {  	_ =	shalt  }
0x71: {  	_ =	shalt  }
0x72: {  	_ =	shalt  }
0x73: {  	_ =	shalt  }
0x74: {  	_ =	shalt  }
0x75: {  	_ =	shalt  }
0x76: {  	_ =	shalt  }
0x77: {  	_ =	shalt  }
0x78: {  	_ =	shalt  }
0x79: {  	_ =	shalt  }
0x7a: {  	_ =	shalt  }
0x7b: {  	_ =	shalt  }
0x7c: {  	_ =	shalt  }
0x7d: {  	_ =	shalt  }
0x7e: {  	_ =	shalt  }
0x7f: {  	_ =	shalt  }
0x80: {  	_ =	shalt  }
0x81: {  	_ =	shalt  }
0x82: {  	_ =	shalt  }
0x83: {  	_ =	shalt  }
0x84: {  	_ =	shalt  }
0x85: {  	_ =	shalt  }
0x86: {  	_ =	shalt  }
0x87: {  	_ =	shalt  }
.Lfunc_end0:
.L_simem_size_0:
called_computation.4_lowered:
.L_overlay_start_0:
0x88: {  	s2 =	sld [smem:$0x3FD9]  }
0x89: {  	s3 =	sld [smem:$0x3FFE];
	_ =	sdelay $0x1  }
0x8a: {  	s1 =	srdreg.scid  }
0x8b: {  	s0 =	sand.u32 $0x1, s1  }
0x8c: {  	s17 =	sshll.u32 s0, $0xA;
	s2 =	sadd.s32 s3, s2  }
0x8d: {  	s2 =	sadd.s32 s2, s17  }
0x8e: {  	[smem:$0x3FC0] =	sst s2  }
0x8f: {  	_ = 	snop  }
0x90: {  	s2 =	sld [smem:$0x3FD0];
	(tm) =	ssettm $0x1  }
0x91: {  	s18 =	sld [smem:$0x3FFB];
	_ =	sdelay $0x3  }
0x92: {  	_ =	strace s18  }
0x93: {  	s3 =	sld [smem:$0x3FFC];
	_ =	sdelay $0x3  }
0x94: {  	_ =	strace s3  }
0x95: {  	s3 =	sld [smem:$0x3FFD];
	_ =	sdelay $0x3  }
0x96: {  	_ =	strace s3  }
0x97: {  	_ =	strace $0x8FFFFFFF  }
0x98: {  	s19 =	sld [smem:$0x3FDB];
	_ =	sdelay $0x1  }
0x99: {  	s4 =	simm.s32 $_scs_section_size  }
0x9a: {  	s5 =	simm.s32 $_size__tile_overlayer_lowered;
	s6 =	simm.s32 $_tile_overlayer_lowered  }
0x9b: {  	s22 =	simm.s32 $0x1BFF;
	s21 =	sshll.u32 s6, $0x1;
	s3 =	sadd.s32 s4, s19  }
0x9c: {  	s7 =	simm.s32 $0x0;
	s20 =	sshll.u32 s5, $0x1;
	s5 =	sadd.s32 s21, s3  }
0x9d: {  	[timem:s7], [sflag:s22] =	dma.local [hbm:s5], s20  }
0x9e: {  	_ =	swait.ge [sflag:s22], s20  }
0x9f: {  	s4 =	ssub.s32 $0x0, s20;
	[sflag:s22] =	ssyncset.done $0x0  }
0xa0: {  	[sflag:s22] =	ssyncadd.s32 s4;
	_ =	sdelay $0x1  }
0xa1: {  	s23 =	simm.s32 $0x1B8B  }
0xa2: {  	_ =	swait.ge [sflag:s23], $0x1  }
0xa3: {  	[sflag:s23] =	ssyncset.done $0x0  }
0xa4: {  	s25 =	simm.s32 $0x1B8E;
	s24 =	sld [smem:$0x3FFE];
	[sflag:s23] =	ssyncadd.s32 $0xFFFFFFFF  }
0xa5: {  	s26 =	simm.s32 $execute0_lowered;
	[smem:$0x3FD2] =	sst s25  }
0xa6: {  	s5 =	sshll.u32 s26, $0x1;
	_ =	strace $0x80000052;
	[dreg:$0x1] =	wrdreg $0xFFFFFFFF  }
0xa7: {  	s28 =	simm.s32 $_size_execute0_lowered;
	s3 =	sadd.s32 s3, s5;
	[dreg:$0x0] =	wrdreg $0x0  }
0xa8: {  	s5 =	sshll.u32 s28, $0x1;
	[dreg:$0x2] =	wrdreg s3  }
0xa9: {  	[dreg:$0x3] =	wrdreg s5  }
0xaa: {  	[dreg:$0x4] =	wrdreg $0xC0  }
0xab: {  	_ =	task [dreg:s7], $0x5FFFF  }
0xac: {  	[dreg:$0x1] =	wrdreg $0xFFFFFFFF  }
0xad: {  	[dreg:$0x0] =	wrdreg $0x60  }
0xae: {  	[dreg:$0x2] =	wrdreg s24  }
0xaf: {  	[dreg:$0x3] =	wrdreg s2  }
0xb0: {  	[dreg:$0x4] =	wrdreg $0x78000  }
0xb1: {  	[dreg:$0x5] =	wrdreg $0x9  }
0xb2: {  	_ =	task.clear_ibuf [dreg:s7], $0x6FFFF;
	_ =	strace $0x90000052  }
0xb3: {  	s29 =	simm.s32 $0x9;
	_ =	strace $0x80000054  }
0xb4: {  	_ =	swait.ge [sflag:s29], $0x1  }
0xb5: {  	[sflag:s29] =	ssyncadd.s32 $0xFFFFFFFF  }
0xb6: {  	_ =	strace $0x90000054  }
0xb7: {  	_ =	sfence  }
0xb8: {  	s30 =	sld [smem:$0x0];
	_ =	sdelay $0x2  }
0xb9: {  	s31 =	sshll.u32 s1, $0xD;
	s1 =	sshrl.u32 s1, $0x2  }
0xba: {  	s3 =	sand.u32 $0x4000, s31;
	s1 =	sadd.s32 s1, s30  }
0xbb: {  	s0 =	sor.u32 s3, s0;
	s1 =	sshll.u32 s1, $0x11  }
0xbc: {  	s0 =	sor.u32 s1, s0  }
0xbd: {  	s0 =	sadd.s32 $0x8F2B, s0  }
0xbe: {  	[sflag:s0] =	ssyncadd.remote.s32 $0x1  }
0xbf: {  	_ =	sfence.sel $0xFFFF  }
0xc0: {  	[dreg:$0x0] =	wrdreg $0xFFFFFFFF;
	(pc) =	sbr.abs _section_cstart, $3  }
0xc1: {  	[dreg:$0x1] =	wrdreg $0xFFFFFFFF  }
0xc2: {  	_ =	task.clear_ibuf [dreg:s7], $0x2FFFF;
	_ =	strace $0x9FFFFFFF  }
0xc3: {  	(tm) =	ssettm $0x7FFFFFFF  }
tec
execute0_lowered:
.L_overlay_start_1:
0x0: {  	(tag) =	ssettag $0x1  }
0x1: {  	s0 =	rddreg [dreg:$0x0]  }
0x2: {  	s2 =	rddreg [dreg:$0x1]  }
0x3: {  	s1 =	rddreg [dreg:$0x2]  }
0x4: {  	s3 =	simm.s32 $0x0;
	s21 =	srdreg.scid;
	s10 =	stileid.u32  }
0x5: {  	s18 =	simm.s32 $0x7000;
	s19 =	simm.s32 $0x3;
	s20 =	simm.s32 $0x2800  }
0x6: {  	s28 =	simm.s32 $0x4F00;
	s29 =	simm.s32 $0x4F80;
	s31 =	simm.s32 $0x4  }
0x7: {  	[smem:$0x7FF] =	sst s3;
	s3 =	sand.u32 $0x1, s21;
	s5 =	smul.u32 $0x61A80, s10  }
0x8: {  	s4 =	sadd.s32 $0x2CBC00, s0;
	s7 =	sadd.s32 $0xFC00, s0;
	s22 =	smul.u32 $0x62000, s10  }
0x9: {  	s8 =	sadd.s32 $0x3F0C00, s0;
	s10 =	smul.u32 $0x2800, s10;
	s21 =	simm.s32 $0x80  }
0xa: {  	_ =	strace $0x80000053;
	s6 =	sshll.u32 s3, $0x6;
	[dreg:$0x4] =	wrdreg s8  }
0xb: {  	s9 =	ssub.s32 $0x2, s3;
	s30 =	sor.u32 $0x186A0, s3;
	s6 =	sor.u32 s6, s5  }
0xc: {  	s23 =	sshrl.u32 s9, $0x1;
	s8 =	sshrl.u32 s22, $0x2;
	s13 =	sshrl.u32 s10, $0x3  }
0xd: {  	s5 =	sshrl.u32 s5, $0x2;
	s10 =	sor.u32 $0x30D40, s3;
	s22 =	simm.s32 $0x5000  }
0xe: {  	v1 =	vmov s30;
	s30 =	simm.s32 $0x8;
	s6 =	sshrl.u32 s6, $0x4;
	s17 =	ssub.s32 s9, s23  }
0xf: {  	s24 =	sadd.s32 s2, s13;
	s25 =	sadd.s32 s7, s13;
	s5 =	sadd.s32 s5, s1  }
0x10: {  	s9 =	sadd.s32 $0xA000, s13;
	s23 =	simm.s32 $0x6000;
	[dreg:$0x5] =	wrdreg s24  }
0x11: {  	s0 =	sadd.s32 s6, s0;
	s6 =	sadd.s32 s8, s1;
	[dreg:$0x6] =	wrdreg s25  }
0x12: {  	[dreg:$0x8] =	wrdreg s5;
	s8 =	sadd.s32 $0x5000, s13;
	s14 =	sadd.s32 s2, s9  }
0x13: {  	s15 =	sadd.s32 s7, s9;
	s17 =	smax.u32 s17, $0x1;
	s24 =	simm.s32 $0x1  }
0x14: {  	s25 =	simm.s32 $0x2;
	s26 =	sadd.s32 $0x1A6C00, s0;
	s11 =	sadd.s32 s2, s8  }
0x15: {  	s12 =	sadd.s32 s7, s8;
	s13 =	sadd.s32 $0x208680, s0;
	s16 =	sadd.s32 $0x26A100, s0  }
0x16: {  	v0 =	vmov s3;
	v2 =	vmov s10;
	s0 =	simm.s32 $0x0;
	[dreg:$0x7] =	wrdreg s26;
	s26 =	simm.s32 $0x2780  }
.LBB2_1:
0x17: {  	s2 =	simm.s32 $0x0;
	s3 =	rddreg [dreg:$0x4]  }
0x18: {  	[tilespmem:s18], [sflag:$0x3] =	stream.linear.gather [hbm4b:s3+s2], $0x800, $0x38;
	v63 =	vld [tilespmem:$0x0]  }
0x19: {  	_ =	swait.ge [sflag:s19], $0x800  }
0x1a: {  	[sflag:s19] =	ssyncset.done $0x0  }
0x1b: {  	s10 =	sadd.s32 $0x0, s6;
	[sflag:s19] =	ssyncadd.s32 $0xFFFFF800  }
0x1c: {  	[spmem:s10] =	stream.linear.scatter [tilespmem:s18], [sflag:$0x3], $0x800, $0x38;
	v63 =	vld [tilespmem:$0x0]  }
0x1d: {  	s2 =	simm.s32 $0x2000;
	_ =	swait.ge [sflag:s19], $0x800  }
.LBB2_2:
0x1e: {  	s3 =	sshra.s32 s2, $0x2;
	[sflag:s19] =	ssyncset.done $0x0;
	p0 =	sne.s32 s2, $0x60000  }
.Ltmp0:
0x1f: {  	s3 =	sadd.s32 s3, s6;
	[sflag:s19] =	ssyncadd.s32 $0xFFFFF800;
	(pc) =	sbr.rel @p0 .LBB2_2-.Ltmp0, $3  }
0x20: {  	[spmem:s3] =	stream.linear.scatter [tilespmem:s18], [sflag:$0x3], $0x800, $0x38;
	v63 =	vld [tilespmem:$0x0]  }
0x21: {  	s2 =	sadd.s32 $0x2000, s2;
	_ =	sdelay $0x1  }
0x22: {  	_ =	swait.ge [sflag:s19], $0x800  }
0x23: {  	[sflag:s19] =	ssyncset.done $0x0  }
0x24: {  	[sflag:s19] =	ssyncadd.s32 $0xFFFFF800  }
0x25: {  	[bflag:$0x0] =	sbarrier.arrive $0xFFFF  }
0x26: {  	s2 =	simm.s32 $0x0;
	s3 =	rddreg [dreg:$0x5]  }
0x27: {  	[tilespmem:s2], [sflag:$0x3] =	stream.linear.gather [hbm4b:s3+s2], $0x2800, $0x38;
	v63 =	vld [tilespmem:$0x0]  }
0x28: {  	_ =	swait.ge [sflag:s19], $0x2800  }
0x29: {  	[sflag:s19] =	ssyncset.done $0x0  }
0x2a: {  	s10 =	rddreg [dreg:$0x6];
	[sflag:s19] =	ssyncadd.s32 $0xFFFFD800  }
0x2b: {  	[tilespmem:s20], [sflag:$0x3] =	stream.linear.gather [hbm4b:s10+s2], $0x2800, $0x38;
	v63 =	vld [tilespmem:$0x0]  }
0x2c: {  	_ =	swait.ge [sflag:s19], $0x2800  }
0x2d: {  	[sflag:s19] =	ssyncset.done $0x0  }
0x2e: {  	s2 =	simm.s32 $0x0;
	[sflag:s19] =	ssyncadd.s32 $0xFFFFD800  }
0x2f: {  	v4 =	vld [tilespmem:s2+$0x0]  }
0x30: {  	v5 =	vld [tilespmem:s2+$0x10]  }
0x31: {  	v7 =	vld [tilespmem:s2+$0x20]  }
0x32: {  	v6 =	vld [tilespmem:s2+$0x30]  }
0x33: {  	v3 =	vld [tilespmem:s2+$0x40]  }
0x34: {  	v8 =	vshll.u32 v4, $0x1;
	v4 =	vld [tilespmem:s2+$0x50]  }
0x35: {  	s3 =	simm.s32 $0x200;
	v9 =	vshll.u32 v5, $0x1;
	v5 =	vld [tilespmem:s2+$0x60];
	v8 =	vor.u32 v0, v8  }
.LBB2_4:
0x36: {  	s5 =	sshra.s32 s3, $0x2;
	p0 =	sne.s32 s3, $0x9E00;
	[tilespmem:s2+$0x0] =	vst v8;
	v8 =	vor.u32 v0, v9;
	v7 =	vshll.u32 v7, $0x1;
	v9 =	vld [tilespmem:s2+$0x70]  }
0x37: {  	v10 =	vld [tilespmem:s5+$0x0];
	[tilespmem:s2+$0x10] =	vst v8;
	v7 =	vor.u32 v0, v7;
	v6 =	vshll.u32 v6, $0x1  }
0x38: {  	v11 =	vld [tilespmem:s5+$0x10];
	[tilespmem:s2+$0x20] =	vst v7;
	v6 =	vor.u32 v0, v6;
	v3 =	vshll.u32 v3, $0x1  }
.Ltmp1:
0x39: {  	v7 =	vld [tilespmem:s5+$0x20];
	[tilespmem:s2+$0x30] =	vst v6;
	v3 =	vor.u32 v0, v3;
	v4 =	vshll.u32 v4, $0x1;
	(pc) =	sbr.rel @p0 .LBB2_4-.Ltmp1, $4  }
0x3a: {  	v6 =	vld [tilespmem:s5+$0x30];
	[tilespmem:s2+$0x40] =	vst v3;
	v4 =	vor.u32 v0, v4;
	v5 =	vshll.u32 v5, $0x1  }
0x3b: {  	v3 =	vld [tilespmem:s5+$0x40];
	[tilespmem:s2+$0x50] =	vst v4;
	v5 =	vor.u32 v0, v5;
	v8 =	vshll.u32 v9, $0x1  }
0x3c: {  	v9 =	vshll.u32 v10, $0x1;
	v4 =	vld [tilespmem:s5+$0x50];
	[tilespmem:s2+$0x60] =	vst v5;
	v10 =	vor.u32 v0, v8  }
0x3d: {  	s3 =	sadd.s32 $0x200, s3;
	v8 =	vor.u32 v0, v9;
	v9 =	vshll.u32 v11, $0x1;
	v5 =	vld [tilespmem:s5+$0x60];
	[tilespmem:s2+$0x70] =	vst v10;
	s2 =	smov.u32 s5  }
0x3e: {  	[tilespmem:s2+$0x0] =	vst v8;
	v59 =	vor.u32 v0, v9;
	v7 =	vshll.u32 v7, $0x1;
	v60 =	vld [tilespmem:s2+$0x70]  }
0x3f: {  	[tilespmem:s2+$0x10] =	vst v59;
	v7 =	vor.u32 v0, v7;
	v6 =	vshll.u32 v6, $0x1  }
0x40: {  	[tilespmem:s2+$0x20] =	vst v7;
	v6 =	vor.u32 v0, v6;
	v3 =	vshll.u32 v3, $0x1  }
0x41: {  	[tilespmem:s2+$0x30] =	vst v6;
	v3 =	vor.u32 v0, v3;
	v4 =	vshll.u32 v4, $0x1  }
0x42: {  	[tilespmem:s2+$0x40] =	vst v3;
	v3 =	vor.u32 v0, v4;
	v61 =	vshll.u32 v5, $0x1  }
0x43: {  	[tilespmem:s2+$0x50] =	vst v3;
	v3 =	vor.u32 v0, v61;
	v62 =	vshll.u32 v60, $0x1  }
0x44: {  	[tilespmem:s2+$0x60] =	vst v3;
	v3 =	vor.u32 v0, v62  }
0x45: {  	s5 =	simm.s32 $0x0;
	[tilespmem:s2+$0x70] =	vst v3  }
0x46: {  	[tilespmem:s22], [sflag:$0x1] =	stream.indirect.gather [hbm4b:s4+s21], $0x20, s5, s21, $0xb8;
	v63 =	vld [tilespmem:$0x0]  }
0x47: {  	s7 =	simm.s32 $0x80  }
0x48: {  	[tilespmem:s23], [sflag:$0x2] =	stream.indirect.gather [hbm4b:s4+s21], $0x20, s7, s21, $0xb8;
	v63 =	vld [tilespmem:$0x0]  }
0x49: {  	_ =	swait.ge [sflag:s24], $0x1000  }
0x4a: {  	[sflag:s24] =	ssyncset.done $0x0  }
0x4b: {  	s8 =	simm.s32 $0x2800;
	[sflag:s24] =	ssyncadd.s32 $0xFFFFF000  }
0x4c: {  	[spmem:s1] =	stream.indirect.scatter.add.bf16 [tilespmem:s22], [sflag:$0x3], $0x20, s8, s21, $0xb8;
	v63 =	vld [tilespmem:$0x0]  }
0x4d: {  	_ =	swait.ge [sflag:s19], $0x1000  }
0x4e: {  	[sflag:s19] =	ssyncset.done $0x0  }
0x4f: {  	s9 =	simm.s32 $0x100;
	[sflag:s19] =	ssyncadd.s32 $0xFFFFF000  }
0x50: {  	[tilespmem:s22], [sflag:$0x1] =	stream.indirect.gather [hbm4b:s4+s21], $0x20, s9, s21, $0xb8;
	v63 =	vld [tilespmem:$0x0]  }
0x51: {  	_ =	swait.ge [sflag:s25], $0x1000  }
0x52: {  	[sflag:s25] =	ssyncset.done $0x0  }
0x53: {  	s10 =	simm.s32 $0x2880;
	[sflag:s25] =	ssyncadd.s32 $0xFFFFF000  }
0x54: {  	[spmem:s1] =	stream.indirect.scatter.add.bf16 [tilespmem:s23], [sflag:$0x3], $0x20, s10, s21, $0xb8;
	v63 =	vld [tilespmem:$0x0]  }
0x55: {  	_ =	swait.ge [sflag:s19], $0x1000  }
0x56: {  	s3 =	simm.s32 $0x800;
	s2 =	simm.s32 $0x100;
	[sflag:s19] =	ssyncset.done $0x0  }
.LBB2_6:
0x57: {  	s5 =	sadd.s32 $0x80, s2  }
0x58: {  	[sflag:s19] =	ssyncadd.s32 $0xFFFFF000;
	s7 =	smov.u32 s3;
	s8 =	sadd.s32 $0x400, s3  }
0x59: {  	[tilespmem:s23], [sflag:$0x2] =	stream.indirect.gather [hbm4b:s4+s21], $0x20, s5, s21, $0xb8;
	v63 =	vld [tilespmem:$0x0]  }
0x5a: {  	p0 =	sne.s32 s3, $0x9800;
	_ =	swait.ge [sflag:s24], $0x1000  }
0x5b: {  	[sflag:s24] =	ssyncset.done $0x0  }
0x5c: {  	s3 =	sadd.s32 $0x2800, s2;
	[sflag:s24] =	ssyncadd.s32 $0xFFFFF000  }
0x5d: {  	[spmem:s1] =	stream.indirect.scatter.add.bf16 [tilespmem:s22], [sflag:$0x3], $0x20, s3, s21, $0xb8;
	v63 =	vld [tilespmem:$0x0]  }
0x5e: {  	_ =	swait.ge [sflag:s19], $0x1000  }
0x5f: {  	[sflag:s19] =	ssyncset.done $0x0  }
0x60: {  	s3 =	sadd.s32 $0x100, s2;
	[sflag:s19] =	ssyncadd.s32 $0xFFFFF000  }
0x61: {  	[tilespmem:s22], [sflag:$0x1] =	stream.indirect.gather [hbm4b:s4+s21], $0x20, s3, s21, $0xb8;
	v63 =	vld [tilespmem:$0x0]  }
0x62: {  	_ =	swait.ge [sflag:s25], $0x1000  }
.Ltmp2:
0x63: {  	[sflag:s25] =	ssyncset.done $0x0;
	(pc) =	sbr.rel @p0 .LBB2_6-.Ltmp2, $4  }
0x64: {  	s2 =	sadd.s32 $0x2880, s2;
	[sflag:s25] =	ssyncadd.s32 $0xFFFFF000  }
0x65: {  	[spmem:s1] =	stream.indirect.scatter.add.bf16 [tilespmem:s23], [sflag:$0x3], $0x20, s2, s21, $0xb8;
	v63 =	vld [tilespmem:$0x0]  }
0x66: {  	_ =	swait.ge [sflag:s19], $0x1000  }
0x67: {  	s3 =	smov.u32 s8;
	s2 =	sshra.s32 s7, $0x2;
	[sflag:s19] =	ssyncset.done $0x0  }
0x68: {  	s3 =	sadd.s32 $0x80, s2;
	[sflag:s19] =	ssyncadd.s32 $0xFFFFF000  }
0x69: {  	[tilespmem:s23], [sflag:$0x2] =	stream.indirect.gather [hbm4b:s4+s21], $0x20, s3, s21, $0xb8;
	v63 =	vld [tilespmem:$0x0]  }
0x6a: {  	_ =	swait.ge [sflag:s24], $0x1000  }
0x6b: {  	[sflag:s24] =	ssyncset.done $0x0  }
0x6c: {  	s10 =	sadd.s32 $0x2800, s2;
	[sflag:s24] =	ssyncadd.s32 $0xFFFFF000  }
0x6d: {  	[spmem:s1] =	stream.indirect.scatter.add.bf16 [tilespmem:s22], [sflag:$0x3], $0x20, s10, s21, $0xb8;
	v63 =	vld [tilespmem:$0x0]  }
0x6e: {  	_ =	swait.ge [sflag:s19], $0x1000  }
0x6f: {  	[sflag:s19] =	ssyncset.done $0x0  }
0x70: {  	s5 =	sadd.s32 $0x100, s2;
	[sflag:s19] =	ssyncadd.s32 $0xFFFFF000  }
0x71: {  	[tilespmem:s22], [sflag:$0x1] =	stream.indirect.gather [hbm4b:s4+s21], $0x20, s5, s21, $0xb8;
	v63 =	vld [tilespmem:$0x0]  }
0x72: {  	_ =	swait.ge [sflag:s25], $0x1000  }
0x73: {  	[sflag:s25] =	ssyncset.done $0x0  }
0x74: {  	s7 =	sadd.s32 $0x2880, s2;
	[sflag:s25] =	ssyncadd.s32 $0xFFFFF000  }
0x75: {  	[spmem:s1] =	stream.indirect.scatter.add.bf16 [tilespmem:s23], [sflag:$0x3], $0x20, s7, s21, $0xb8;
	v63 =	vld [tilespmem:$0x0]  }
0x76: {  	_ =	swait.ge [sflag:s19], $0x1000  }
0x77: {  	[sflag:s19] =	ssyncset.done $0x0  }
0x78: {  	[sflag:s19] =	ssyncadd.s32 $0xFFFFF000  }
0x79: {  	[tilespmem:s23], [sflag:$0x2] =	stream.indirect.gather [hbm4b:s4+s21], $0x20, s26, s21, $0xb8;
	v63 =	vld [tilespmem:$0x0]  }
0x7a: {  	_ =	swait.ge [sflag:s24], $0x1000  }
0x7b: {  	[sflag:s24] =	ssyncset.done $0x0  }
0x7c: {  	[sflag:s24] =	ssyncadd.s32 $0xFFFFF000  }
0x7d: {  	[spmem:s1] =	stream.indirect.scatter.add.bf16 [tilespmem:s22], [sflag:$0x3], $0x20, s28, s21, $0xb8;
	v63 =	vld [tilespmem:$0x0]  }
0x7e: {  	_ =	swait.ge [sflag:s19], $0x1000  }
0x7f: {  	[sflag:s19] =	ssyncset.done $0x0  }
0x80: {  	[sflag:s19] =	ssyncadd.s32 $0xFFFFF000  }
0x81: {  	_ =	swait.ge [sflag:s25], $0x1000  }
0x82: {  	[sflag:s25] =	ssyncset.done $0x0  }
0x83: {  	[sflag:s25] =	ssyncadd.s32 $0xFFFFF000  }
0x84: {  	[spmem:s1] =	stream.indirect.scatter.add.bf16 [tilespmem:s23], [sflag:$0x3], $0x20, s29, s21, $0xb8;
	v63 =	vld [tilespmem:$0x0]  }
0x85: {  	_ =	swait.ge [sflag:s19], $0x1000  }
0x86: {  	[sflag:s19] =	ssyncset.done $0x0  }
0x87: {  	[sflag:s19] =	ssyncadd.s32 $0xFFFFF000  }
0x88: {  	s8 =	stileid.u32;
	[bflag:$0x0] =	sbarrier.arrive $0xFFFF  }
0x89: {  	s2 =	sshll.u32 s8, $0x6;
	s9 =	rddreg [dreg:$0x8]  }
0x8a: {  	s3 =	sor.u32 $0x1C03, s2;
	s5 =	rddreg [dreg:$0x7];
	s2 =	sshrl.u32 s9, $0x3  }
0x8b: {  	[hbm:s5@s30], [sflag:s3] =	dma.strided [spmem:s2@s31], $0x30D4, s24, $0x4   }
0x8c: {  	_ =	swait.ge [sflag:s19], $0x30D4  }
0x8d: {  	[sflag:s19] =	ssyncset.done $0x0  }
0x8e: {  	[sflag:s19] =	ssyncadd.s32 $0xFFFFCF2C  }
0x8f: {  	s10 =	sadd.s32 $0x0, s6;
	[bflag:$0x0] =	sbarrier.arrive $0xFFFF  }
0x90: {  	[spmem:s10] =	stream.linear.scatter [tilespmem:s18], [sflag:$0x3], $0x800, $0x38;
	v63 =	vld [tilespmem:$0x0]  }
0x91: {  	s5 =	simm.s32 $0x2000;
	_ =	swait.ge [sflag:s19], $0x800  }
.LBB2_8:
0x92: {  	s7 =	sshra.s32 s5, $0x2;
	[sflag:s19] =	ssyncset.done $0x0;
	p0 =	sne.s32 s5, $0x60000  }
.Ltmp3:
0x93: {  	s7 =	sadd.s32 s7, s6;
	[sflag:s19] =	ssyncadd.s32 $0xFFFFF800;
	(pc) =	sbr.rel @p0 .LBB2_8-.Ltmp3, $3  }
0x94: {  	[spmem:s7] =	stream.linear.scatter [tilespmem:s18], [sflag:$0x3], $0x800, $0x38;
	v63 =	vld [tilespmem:$0x0]  }
0x95: {  	s5 =	sadd.s32 $0x2000, s5;
	_ =	sdelay $0x1  }
0x96: {  	_ =	swait.ge [sflag:s19], $0x800  }
0x97: {  	[sflag:s19] =	ssyncset.done $0x0  }
0x98: {  	[sflag:s19] =	ssyncadd.s32 $0xFFFFF800  }
0x99: {  	s5 =	simm.s32 $0x0;
	[bflag:$0x0] =	sbarrier.arrive $0xFFFF  }
0x9a: {  	[tilespmem:s5], [sflag:$0x3] =	stream.linear.gather [hbm4b:s11+s5], $0x2800, $0x38;
	v63 =	vld [tilespmem:$0x0]  }
0x9b: {  	_ =	swait.ge [sflag:s19], $0x2800  }
0x9c: {  	[sflag:s19] =	ssyncset.done $0x0  }
0x9d: {  	[sflag:s19] =	ssyncadd.s32 $0xFFFFD800  }
0x9e: {  	[tilespmem:s20], [sflag:$0x3] =	stream.linear.gather [hbm4b:s12+s5], $0x2800, $0x38;
	v63 =	vld [tilespmem:$0x0]  }
0x9f: {  	_ =	swait.ge [sflag:s19], $0x2800  }
0xa0: {  	[sflag:s19] =	ssyncset.done $0x0  }
0xa1: {  	s5 =	simm.s32 $0x0;
	[sflag:s19] =	ssyncadd.s32 $0xFFFFD800  }
0xa2: {  	v4 =	vld [tilespmem:s5+$0x0]  }
0xa3: {  	v5 =	vld [tilespmem:s5+$0x10]  }
0xa4: {  	v7 =	vld [tilespmem:s5+$0x20]  }
0xa5: {  	v6 =	vld [tilespmem:s5+$0x30]  }
0xa6: {  	v3 =	vld [tilespmem:s5+$0x40]  }
0xa7: {  	v8 =	vshll.u32 v4, $0x1;
	v4 =	vld [tilespmem:s5+$0x50]  }
0xa8: {  	s7 =	simm.s32 $0x200;
	v9 =	vshll.u32 v5, $0x1;
	v5 =	vld [tilespmem:s5+$0x60];
	v8 =	vadd.s32 v1, v8  }
.LBB2_10:
0xa9: {  	s8 =	sshra.s32 s7, $0x2;
	p0 =	sne.s32 s7, $0x9E00;
	[tilespmem:s5+$0x0] =	vst v8;
	v8 =	vadd.s32 v1, v9;
	v7 =	vshll.u32 v7, $0x1;
	v9 =	vld [tilespmem:s5+$0x70]  }
0xaa: {  	v10 =	vld [tilespmem:s8+$0x0];
	[tilespmem:s5+$0x10] =	vst v8;
	v7 =	vadd.s32 v1, v7;
	v6 =	vshll.u32 v6, $0x1  }
0xab: {  	v11 =	vld [tilespmem:s8+$0x10];
	[tilespmem:s5+$0x20] =	vst v7;
	v6 =	vadd.s32 v1, v6;
	v3 =	vshll.u32 v3, $0x1  }
.Ltmp4:
0xac: {  	v7 =	vld [tilespmem:s8+$0x20];
	[tilespmem:s5+$0x30] =	vst v6;
	v3 =	vadd.s32 v1, v3;
	v4 =	vshll.u32 v4, $0x1;
	(pc) =	sbr.rel @p0 .LBB2_10-.Ltmp4, $4  }
0xad: {  	v6 =	vld [tilespmem:s8+$0x30];
	[tilespmem:s5+$0x40] =	vst v3;
	v4 =	vadd.s32 v1, v4;
	v5 =	vshll.u32 v5, $0x1  }
0xae: {  	v3 =	vld [tilespmem:s8+$0x40];
	[tilespmem:s5+$0x50] =	vst v4;
	v5 =	vadd.s32 v1, v5;
	v8 =	vshll.u32 v9, $0x1  }
0xaf: {  	v9 =	vshll.u32 v10, $0x1;
	v4 =	vld [tilespmem:s8+$0x50];
	[tilespmem:s5+$0x60] =	vst v5;
	v10 =	vadd.s32 v1, v8  }
0xb0: {  	s7 =	sadd.s32 $0x200, s7;
	v8 =	vadd.s32 v1, v9;
	v9 =	vshll.u32 v11, $0x1;
	v5 =	vld [tilespmem:s8+$0x60];
	[tilespmem:s5+$0x70] =	vst v10;
	s5 =	smov.u32 s8  }
0xb1: {  	[tilespmem:s5+$0x0] =	vst v8;
	v59 =	vadd.s32 v1, v9;
	v7 =	vshll.u32 v7, $0x1;
	v60 =	vld [tilespmem:s5+$0x70]  }
0xb2: {  	[tilespmem:s5+$0x10] =	vst v59;
	v7 =	vadd.s32 v1, v7;
	v6 =	vshll.u32 v6, $0x1  }
0xb3: {  	[tilespmem:s5+$0x20] =	vst v7;
	v6 =	vadd.s32 v1, v6;
	v3 =	vshll.u32 v3, $0x1  }
0xb4: {  	[tilespmem:s5+$0x30] =	vst v6;
	v3 =	vadd.s32 v1, v3;
	v4 =	vshll.u32 v4, $0x1  }
0xb5: {  	[tilespmem:s5+$0x40] =	vst v3;
	v3 =	vadd.s32 v1, v4;
	v61 =	vshll.u32 v5, $0x1  }
0xb6: {  	[tilespmem:s5+$0x50] =	vst v3;
	v3 =	vadd.s32 v1, v61;
	v62 =	vshll.u32 v60, $0x1  }
0xb7: {  	[tilespmem:s5+$0x60] =	vst v3;
	v3 =	vadd.s32 v1, v62  }
0xb8: {  	s10 =	simm.s32 $0x0;
	[tilespmem:s5+$0x70] =	vst v3  }
0xb9: {  	[tilespmem:s22], [sflag:$0x1] =	stream.indirect.gather [hbm4b:s4+s21], $0x20, s10, s21, $0xb8;
	v63 =	vld [tilespmem:$0x0]  }
0xba: {  	s7 =	simm.s32 $0x80  }
0xbb: {  	[tilespmem:s23], [sflag:$0x2] =	stream.indirect.gather [hbm4b:s4+s21], $0x20, s7, s21, $0xb8;
	v63 =	vld [tilespmem:$0x0]  }
0xbc: {  	_ =	swait.ge [sflag:s24], $0x1000  }
0xbd: {  	[sflag:s24] =	ssyncset.done $0x0  }
0xbe: {  	s8 =	simm.s32 $0x2800;
	[sflag:s24] =	ssyncadd.s32 $0xFFFFF000  }
0xbf: {  	[spmem:s1] =	stream.indirect.scatter.add.bf16 [tilespmem:s22], [sflag:$0x3], $0x20, s8, s21, $0xb8;
	v63 =	vld [tilespmem:$0x0]  }
0xc0: {  	_ =	swait.ge [sflag:s19], $0x1000  }
0xc1: {  	[sflag:s19] =	ssyncset.done $0x0  }
0xc2: {  	s9 =	simm.s32 $0x100;
	[sflag:s19] =	ssyncadd.s32 $0xFFFFF000  }
0xc3: {  	[tilespmem:s22], [sflag:$0x1] =	stream.indirect.gather [hbm4b:s4+s21], $0x20, s9, s21, $0xb8;
	v63 =	vld [tilespmem:$0x0]  }
0xc4: {  	_ =	swait.ge [sflag:s25], $0x1000  }
0xc5: {  	[sflag:s25] =	ssyncset.done $0x0  }
0xc6: {  	s10 =	simm.s32 $0x2880;
	[sflag:s25] =	ssyncadd.s32 $0xFFFFF000  }
0xc7: {  	[spmem:s1] =	stream.indirect.scatter.add.bf16 [tilespmem:s23], [sflag:$0x3], $0x20, s10, s21, $0xb8;
	v63 =	vld [tilespmem:$0x0]  }
0xc8: {  	_ =	swait.ge [sflag:s19], $0x1000  }
0xc9: {  	s5 =	simm.s32 $0x100;
	s7 =	simm.s32 $0x800;
	[sflag:s19] =	ssyncset.done $0x0  }
.LBB2_12:
0xca: {  	s8 =	sadd.s32 $0x80, s5  }
0xcb: {  	[sflag:s19] =	ssyncadd.s32 $0xFFFFF000;
	s9 =	smov.u32 s7;
	s10 =	sadd.s32 $0x400, s7  }
0xcc: {  	[tilespmem:s23], [sflag:$0x2] =	stream.indirect.gather [hbm4b:s4+s21], $0x20, s8, s21, $0xb8;
	v63 =	vld [tilespmem:$0x0]  }
0xcd: {  	p0 =	sne.s32 s7, $0x9800;
	_ =	swait.ge [sflag:s24], $0x1000  }
0xce: {  	[sflag:s24] =	ssyncset.done $0x0  }
0xcf: {  	s7 =	sadd.s32 $0x2800, s5;
	[sflag:s24] =	ssyncadd.s32 $0xFFFFF000  }
0xd0: {  	[spmem:s1] =	stream.indirect.scatter.add.bf16 [tilespmem:s22], [sflag:$0x3], $0x20, s7, s21, $0xb8;
	v63 =	vld [tilespmem:$0x0]  }
0xd1: {  	_ =	swait.ge [sflag:s19], $0x1000  }
0xd2: {  	[sflag:s19] =	ssyncset.done $0x0  }
0xd3: {  	s7 =	sadd.s32 $0x100, s5;
	[sflag:s19] =	ssyncadd.s32 $0xFFFFF000  }
0xd4: {  	[tilespmem:s22], [sflag:$0x1] =	stream.indirect.gather [hbm4b:s4+s21], $0x20, s7, s21, $0xb8;
	v63 =	vld [tilespmem:$0x0]  }
0xd5: {  	_ =	swait.ge [sflag:s25], $0x1000  }
.Ltmp5:
0xd6: {  	[sflag:s25] =	ssyncset.done $0x0;
	(pc) =	sbr.rel @p0 .LBB2_12-.Ltmp5, $4  }
0xd7: {  	s5 =	sadd.s32 $0x2880, s5;
	[sflag:s25] =	ssyncadd.s32 $0xFFFFF000  }
0xd8: {  	[spmem:s1] =	stream.indirect.scatter.add.bf16 [tilespmem:s23], [sflag:$0x3], $0x20, s5, s21, $0xb8;
	v63 =	vld [tilespmem:$0x0]  }
0xd9: {  	_ =	swait.ge [sflag:s19], $0x1000  }
0xda: {  	s7 =	smov.u32 s10;
	s5 =	sshra.s32 s9, $0x2;
	[sflag:s19] =	ssyncset.done $0x0  }
0xdb: {  	s7 =	sadd.s32 $0x80, s5;
	[sflag:s19] =	ssyncadd.s32 $0xFFFFF000  }
0xdc: {  	[tilespmem:s23], [sflag:$0x2] =	stream.indirect.gather [hbm4b:s4+s21], $0x20, s7, s21, $0xb8;
	v63 =	vld [tilespmem:$0x0]  }
0xdd: {  	_ =	swait.ge [sflag:s24], $0x1000  }
0xde: {  	[sflag:s24] =	ssyncset.done $0x0  }
0xdf: {  	s10 =	sadd.s32 $0x2800, s5;
	[sflag:s24] =	ssyncadd.s32 $0xFFFFF000  }
0xe0: {  	[spmem:s1] =	stream.indirect.scatter.add.bf16 [tilespmem:s22], [sflag:$0x3], $0x20, s10, s21, $0xb8;
	v63 =	vld [tilespmem:$0x0]  }
0xe1: {  	_ =	swait.ge [sflag:s19], $0x1000  }
0xe2: {  	[sflag:s19] =	ssyncset.done $0x0  }
0xe3: {  	s8 =	sadd.s32 $0x100, s5;
	[sflag:s19] =	ssyncadd.s32 $0xFFFFF000  }
0xe4: {  	[tilespmem:s22], [sflag:$0x1] =	stream.indirect.gather [hbm4b:s4+s21], $0x20, s8, s21, $0xb8;
	v63 =	vld [tilespmem:$0x0]  }
0xe5: {  	_ =	swait.ge [sflag:s25], $0x1000  }
0xe6: {  	[sflag:s25] =	ssyncset.done $0x0  }
0xe7: {  	s9 =	sadd.s32 $0x2880, s5;
	[sflag:s25] =	ssyncadd.s32 $0xFFFFF000  }
0xe8: {  	[spmem:s1] =	stream.indirect.scatter.add.bf16 [tilespmem:s23], [sflag:$0x3], $0x20, s9, s21, $0xb8;
	v63 =	vld [tilespmem:$0x0]  }
0xe9: {  	_ =	swait.ge [sflag:s19], $0x1000  }
0xea: {  	[sflag:s19] =	ssyncset.done $0x0  }
0xeb: {  	[sflag:s19] =	ssyncadd.s32 $0xFFFFF000  }
0xec: {  	[tilespmem:s23], [sflag:$0x2] =	stream.indirect.gather [hbm4b:s4+s21], $0x20, s26, s21, $0xb8;
	v63 =	vld [tilespmem:$0x0]  }
0xed: {  	_ =	swait.ge [sflag:s24], $0x1000  }
0xee: {  	[sflag:s24] =	ssyncset.done $0x0  }
0xef: {  	[sflag:s24] =	ssyncadd.s32 $0xFFFFF000  }
0xf0: {  	[spmem:s1] =	stream.indirect.scatter.add.bf16 [tilespmem:s22], [sflag:$0x3], $0x20, s28, s21, $0xb8;
	v63 =	vld [tilespmem:$0x0]  }
0xf1: {  	_ =	swait.ge [sflag:s19], $0x1000  }
0xf2: {  	[sflag:s19] =	ssyncset.done $0x0  }
0xf3: {  	[sflag:s19] =	ssyncadd.s32 $0xFFFFF000  }
0xf4: {  	_ =	swait.ge [sflag:s25], $0x1000  }
0xf5: {  	[sflag:s25] =	ssyncset.done $0x0  }
0xf6: {  	[sflag:s25] =	ssyncadd.s32 $0xFFFFF000  }
0xf7: {  	[spmem:s1] =	stream.indirect.scatter.add.bf16 [tilespmem:s23], [sflag:$0x3], $0x20, s29, s21, $0xb8;
	v63 =	vld [tilespmem:$0x0]  }
0xf8: {  	_ =	swait.ge [sflag:s19], $0x1000  }
0xf9: {  	[sflag:s19] =	ssyncset.done $0x0  }
0xfa: {  	[sflag:s19] =	ssyncadd.s32 $0xFFFFF000  }
0xfb: {  	[bflag:$0x0] =	sbarrier.arrive $0xFFFF  }
0xfc: {  	[hbm:s13@s30], [sflag:s3] =	dma.strided [spmem:s2@s31], $0x30D4, s24, $0x4   }
0xfd: {  	_ =	swait.ge [sflag:s19], $0x30D4  }
0xfe: {  	[sflag:s19] =	ssyncset.done $0x0  }
0xff: {  	[sflag:s19] =	ssyncadd.s32 $0xFFFFCF2C  }
0x100: {  	s10 =	sadd.s32 $0x0, s6;
	[bflag:$0x0] =	sbarrier.arrive $0xFFFF  }
0x101: {  	[spmem:s10] =	stream.linear.scatter [tilespmem:s18], [sflag:$0x3], $0x800, $0x38;
	v63 =	vld [tilespmem:$0x0]  }
0x102: {  	s5 =	simm.s32 $0x2000;
	_ =	swait.ge [sflag:s19], $0x800  }
.LBB2_14:
0x103: {  	s7 =	sshra.s32 s5, $0x2;
	[sflag:s19] =	ssyncset.done $0x0;
	p0 =	sne.s32 s5, $0x60000  }
.Ltmp6:
0x104: {  	s7 =	sadd.s32 s7, s6;
	[sflag:s19] =	ssyncadd.s32 $0xFFFFF800;
	(pc) =	sbr.rel @p0 .LBB2_14-.Ltmp6, $3  }
0x105: {  	[spmem:s7] =	stream.linear.scatter [tilespmem:s18], [sflag:$0x3], $0x800, $0x38;
	v63 =	vld [tilespmem:$0x0]  }
0x106: {  	s5 =	sadd.s32 $0x2000, s5;
	_ =	sdelay $0x1  }
0x107: {  	_ =	swait.ge [sflag:s19], $0x800  }
0x108: {  	[sflag:s19] =	ssyncset.done $0x0  }
0x109: {  	[sflag:s19] =	ssyncadd.s32 $0xFFFFF800  }
0x10a: {  	s5 =	simm.s32 $0x0;
	[bflag:$0x0] =	sbarrier.arrive $0xFFFF  }
0x10b: {  	[tilespmem:s5], [sflag:$0x3] =	stream.linear.gather [hbm4b:s14+s5], $0x2800, $0x38;
	v63 =	vld [tilespmem:$0x0]  }
0x10c: {  	_ =	swait.ge [sflag:s19], $0x2800  }
0x10d: {  	[sflag:s19] =	ssyncset.done $0x0  }
0x10e: {  	[sflag:s19] =	ssyncadd.s32 $0xFFFFD800  }
0x10f: {  	[tilespmem:s20], [sflag:$0x3] =	stream.linear.gather [hbm4b:s15+s5], $0x2800, $0x38;
	v63 =	vld [tilespmem:$0x0]  }
0x110: {  	_ =	swait.ge [sflag:s19], $0x2800  }
0x111: {  	[sflag:s19] =	ssyncset.done $0x0  }
0x112: {  	s5 =	simm.s32 $0x0;
	[sflag:s19] =	ssyncadd.s32 $0xFFFFD800  }
0x113: {  	v4 =	vld [tilespmem:s5+$0x0]  }
0x114: {  	v5 =	vld [tilespmem:s5+$0x10]  }
0x115: {  	v7 =	vld [tilespmem:s5+$0x20]  }
0x116: {  	v6 =	vld [tilespmem:s5+$0x30]  }
0x117: {  	v3 =	vld [tilespmem:s5+$0x40]  }
0x118: {  	v8 =	vshll.u32 v4, $0x1;
	v4 =	vld [tilespmem:s5+$0x50]  }
0x119: {  	s7 =	simm.s32 $0x200;
	v9 =	vshll.u32 v5, $0x1;
	v5 =	vld [tilespmem:s5+$0x60];
	v8 =	vadd.s32 v2, v8  }
.LBB2_16:
0x11a: {  	s8 =	sshra.s32 s7, $0x2;
	p0 =	sne.s32 s7, $0x9E00;
	[tilespmem:s5+$0x0] =	vst v8;
	v8 =	vadd.s32 v2, v9;
	v7 =	vshll.u32 v7, $0x1;
	v9 =	vld [tilespmem:s5+$0x70]  }
0x11b: {  	v10 =	vld [tilespmem:s8+$0x0];
	[tilespmem:s5+$0x10] =	vst v8;
	v7 =	vadd.s32 v2, v7;
	v6 =	vshll.u32 v6, $0x1  }
0x11c: {  	v11 =	vld [tilespmem:s8+$0x10];
	[tilespmem:s5+$0x20] =	vst v7;
	v6 =	vadd.s32 v2, v6;
	v3 =	vshll.u32 v3, $0x1  }
.Ltmp7:
0x11d: {  	v7 =	vld [tilespmem:s8+$0x20];
	[tilespmem:s5+$0x30] =	vst v6;
	v3 =	vadd.s32 v2, v3;
	v4 =	vshll.u32 v4, $0x1;
	(pc) =	sbr.rel @p0 .LBB2_16-.Ltmp7, $4  }
0x11e: {  	v6 =	vld [tilespmem:s8+$0x30];
	[tilespmem:s5+$0x40] =	vst v3;
	v4 =	vadd.s32 v2, v4;
	v5 =	vshll.u32 v5, $0x1  }
0x11f: {  	v3 =	vld [tilespmem:s8+$0x40];
	[tilespmem:s5+$0x50] =	vst v4;
	v5 =	vadd.s32 v2, v5;
	v8 =	vshll.u32 v9, $0x1  }
0x120: {  	v9 =	vshll.u32 v10, $0x1;
	v4 =	vld [tilespmem:s8+$0x50];
	[tilespmem:s5+$0x60] =	vst v5;
	v10 =	vadd.s32 v2, v8  }
0x121: {  	s7 =	sadd.s32 $0x200, s7;
	v8 =	vadd.s32 v2, v9;
	v9 =	vshll.u32 v11, $0x1;
	v5 =	vld [tilespmem:s8+$0x60];
	[tilespmem:s5+$0x70] =	vst v10;
	s5 =	smov.u32 s8  }
0x122: {  	[tilespmem:s5+$0x0] =	vst v8;
	v59 =	vadd.s32 v2, v9;
	v7 =	vshll.u32 v7, $0x1;
	v60 =	vld [tilespmem:s5+$0x70]  }
0x123: {  	[tilespmem:s5+$0x10] =	vst v59;
	v7 =	vadd.s32 v2, v7;
	v6 =	vshll.u32 v6, $0x1  }
0x124: {  	[tilespmem:s5+$0x20] =	vst v7;
	v6 =	vadd.s32 v2, v6;
	v3 =	vshll.u32 v3, $0x1  }
0x125: {  	[tilespmem:s5+$0x30] =	vst v6;
	v3 =	vadd.s32 v2, v3;
	v4 =	vshll.u32 v4, $0x1  }
0x126: {  	[tilespmem:s5+$0x40] =	vst v3;
	v3 =	vadd.s32 v2, v4;
	v61 =	vshll.u32 v5, $0x1  }
0x127: {  	[tilespmem:s5+$0x50] =	vst v3;
	v3 =	vadd.s32 v2, v61;
	v62 =	vshll.u32 v60, $0x1  }
0x128: {  	[tilespmem:s5+$0x60] =	vst v3;
	v3 =	vadd.s32 v2, v62  }
0x129: {  	s10 =	simm.s32 $0x0;
	[tilespmem:s5+$0x70] =	vst v3  }
0x12a: {  	[tilespmem:s22], [sflag:$0x1] =	stream.indirect.gather [hbm4b:s4+s21], $0x20, s10, s21, $0xb8;
	v63 =	vld [tilespmem:$0x0]  }
0x12b: {  	s7 =	simm.s32 $0x80  }
0x12c: {  	[tilespmem:s23], [sflag:$0x2] =	stream.indirect.gather [hbm4b:s4+s21], $0x20, s7, s21, $0xb8;
	v63 =	vld [tilespmem:$0x0]  }
0x12d: {  	_ =	swait.ge [sflag:s24], $0x1000  }
0x12e: {  	[sflag:s24] =	ssyncset.done $0x0  }
0x12f: {  	s8 =	simm.s32 $0x2800;
	[sflag:s24] =	ssyncadd.s32 $0xFFFFF000  }
0x130: {  	[spmem:s1] =	stream.indirect.scatter.add.bf16 [tilespmem:s22], [sflag:$0x3], $0x20, s8, s21, $0xb8;
	v63 =	vld [tilespmem:$0x0]  }
0x131: {  	_ =	swait.ge [sflag:s19], $0x1000  }
0x132: {  	[sflag:s19] =	ssyncset.done $0x0  }
0x133: {  	s9 =	simm.s32 $0x100;
	[sflag:s19] =	ssyncadd.s32 $0xFFFFF000  }
0x134: {  	[tilespmem:s22], [sflag:$0x1] =	stream.indirect.gather [hbm4b:s4+s21], $0x20, s9, s21, $0xb8;
	v63 =	vld [tilespmem:$0x0]  }
0x135: {  	_ =	swait.ge [sflag:s25], $0x1000  }
0x136: {  	[sflag:s25] =	ssyncset.done $0x0  }
0x137: {  	s10 =	simm.s32 $0x2880;
	[sflag:s25] =	ssyncadd.s32 $0xFFFFF000  }
0x138: {  	[spmem:s1] =	stream.indirect.scatter.add.bf16 [tilespmem:s23], [sflag:$0x3], $0x20, s10, s21, $0xb8;
	v63 =	vld [tilespmem:$0x0]  }
0x139: {  	_ =	swait.ge [sflag:s19], $0x1000  }
0x13a: {  	s5 =	simm.s32 $0x100;
	s7 =	simm.s32 $0x800;
	[sflag:s19] =	ssyncset.done $0x0  }
.LBB2_18:
0x13b: {  	s8 =	sadd.s32 $0x80, s5  }
0x13c: {  	[sflag:s19] =	ssyncadd.s32 $0xFFFFF000;
	s9 =	smov.u32 s7;
	s10 =	sadd.s32 $0x400, s7  }
0x13d: {  	[tilespmem:s23], [sflag:$0x2] =	stream.indirect.gather [hbm4b:s4+s21], $0x20, s8, s21, $0xb8;
	v63 =	vld [tilespmem:$0x0]  }
0x13e: {  	p0 =	sne.s32 s7, $0x9800;
	_ =	swait.ge [sflag:s24], $0x1000  }
0x13f: {  	[sflag:s24] =	ssyncset.done $0x0  }
0x140: {  	s7 =	sadd.s32 $0x2800, s5;
	[sflag:s24] =	ssyncadd.s32 $0xFFFFF000  }
0x141: {  	[spmem:s1] =	stream.indirect.scatter.add.bf16 [tilespmem:s22], [sflag:$0x3], $0x20, s7, s21, $0xb8;
	v63 =	vld [tilespmem:$0x0]  }
0x142: {  	_ =	swait.ge [sflag:s19], $0x1000  }
0x143: {  	[sflag:s19] =	ssyncset.done $0x0  }
0x144: {  	s7 =	sadd.s32 $0x100, s5;
	[sflag:s19] =	ssyncadd.s32 $0xFFFFF000  }
0x145: {  	[tilespmem:s22], [sflag:$0x1] =	stream.indirect.gather [hbm4b:s4+s21], $0x20, s7, s21, $0xb8;
	v63 =	vld [tilespmem:$0x0]  }
0x146: {  	_ =	swait.ge [sflag:s25], $0x1000  }
.Ltmp8:
0x147: {  	[sflag:s25] =	ssyncset.done $0x0;
	(pc) =	sbr.rel @p0 .LBB2_18-.Ltmp8, $4  }
0x148: {  	s5 =	sadd.s32 $0x2880, s5;
	[sflag:s25] =	ssyncadd.s32 $0xFFFFF000  }
0x149: {  	[spmem:s1] =	stream.indirect.scatter.add.bf16 [tilespmem:s23], [sflag:$0x3], $0x20, s5, s21, $0xb8;
	v63 =	vld [tilespmem:$0x0]  }
0x14a: {  	_ =	swait.ge [sflag:s19], $0x1000  }
0x14b: {  	s7 =	smov.u32 s10;
	s5 =	sshra.s32 s9, $0x2;
	[sflag:s19] =	ssyncset.done $0x0  }
0x14c: {  	s7 =	sadd.s32 $0x80, s5;
	[sflag:s19] =	ssyncadd.s32 $0xFFFFF000  }
0x14d: {  	[tilespmem:s23], [sflag:$0x2] =	stream.indirect.gather [hbm4b:s4+s21], $0x20, s7, s21, $0xb8;
	v63 =	vld [tilespmem:$0x0]  }
0x14e: {  	_ =	swait.ge [sflag:s24], $0x1000  }
0x14f: {  	[sflag:s24] =	ssyncset.done $0x0  }
0x150: {  	s8 =	sadd.s32 $0x2800, s5;
	[sflag:s24] =	ssyncadd.s32 $0xFFFFF000  }
0x151: {  	[spmem:s1] =	stream.indirect.scatter.add.bf16 [tilespmem:s22], [sflag:$0x3], $0x20, s8, s21, $0xb8;
	v63 =	vld [tilespmem:$0x0]  }
0x152: {  	_ =	swait.ge [sflag:s19], $0x1000  }
0x153: {  	[sflag:s19] =	ssyncset.done $0x0  }
0x154: {  	s9 =	sadd.s32 $0x100, s5;
	[sflag:s19] =	ssyncadd.s32 $0xFFFFF000  }
0x155: {  	[tilespmem:s22], [sflag:$0x1] =	stream.indirect.gather [hbm4b:s4+s21], $0x20, s9, s21, $0xb8;
	v63 =	vld [tilespmem:$0x0]  }
0x156: {  	_ =	swait.ge [sflag:s25], $0x1000  }
0x157: {  	[sflag:s25] =	ssyncset.done $0x0  }
0x158: {  	s10 =	sadd.s32 $0x2880, s5;
	[sflag:s25] =	ssyncadd.s32 $0xFFFFF000  }
0x159: {  	[spmem:s1] =	stream.indirect.scatter.add.bf16 [tilespmem:s23], [sflag:$0x3], $0x20, s10, s21, $0xb8;
	v63 =	vld [tilespmem:$0x0]  }
0x15a: {  	_ =	swait.ge [sflag:s19], $0x1000  }
0x15b: {  	[sflag:s19] =	ssyncset.done $0x0  }
0x15c: {  	[sflag:s19] =	ssyncadd.s32 $0xFFFFF000  }
0x15d: {  	[tilespmem:s23], [sflag:$0x2] =	stream.indirect.gather [hbm4b:s4+s21], $0x20, s26, s21, $0xb8;
	v63 =	vld [tilespmem:$0x0]  }
0x15e: {  	_ =	swait.ge [sflag:s24], $0x1000  }
0x15f: {  	[sflag:s24] =	ssyncset.done $0x0  }
0x160: {  	[sflag:s24] =	ssyncadd.s32 $0xFFFFF000  }
0x161: {  	[spmem:s1] =	stream.indirect.scatter.add.bf16 [tilespmem:s22], [sflag:$0x3], $0x20, s28, s21, $0xb8;
	v63 =	vld [tilespmem:$0x0]  }
0x162: {  	_ =	swait.ge [sflag:s19], $0x1000  }
0x163: {  	[sflag:s19] =	ssyncset.done $0x0  }
0x164: {  	[sflag:s19] =	ssyncadd.s32 $0xFFFFF000  }
0x165: {  	_ =	swait.ge [sflag:s25], $0x1000  }
0x166: {  	[sflag:s25] =	ssyncset.done $0x0  }
0x167: {  	[sflag:s25] =	ssyncadd.s32 $0xFFFFF000  }
0x168: {  	[spmem:s1] =	stream.indirect.scatter.add.bf16 [tilespmem:s23], [sflag:$0x3], $0x20, s29, s21, $0xb8;
	v63 =	vld [tilespmem:$0x0]  }
0x169: {  	_ =	swait.ge [sflag:s19], $0x1000  }
0x16a: {  	[sflag:s19] =	ssyncset.done $0x0  }
0x16b: {  	s0 =	sadd.s32 $0x1, s0;
	[sflag:s19] =	ssyncadd.s32 $0xFFFFF000  }
0x16c: {  	p0 =	sne.s32 s0, s17;
	[bflag:$0x0] =	sbarrier.arrive $0xFFFF  }
0x16d: {  	[hbm:s16@s30], [sflag:s3] =	dma.strided [spmem:s2@s31], $0x30D4, s24, $0x4   }
.Ltmp9:
0x16e: {  	_ =	swait.ge [sflag:s19], $0x30D4;
	(pc) =	sbr.rel @p0 .LBB2_1-.Ltmp9, $3  }
0x16f: {  	[sflag:s19] =	ssyncset.done $0x0  }
0x170: {  	[sflag:s19] =	ssyncadd.s32 $0xFFFFCF2C  }
0x171: {  	[bflag:$0x0] =	sbarrier.arrive $0xFFFF;
	_ =	sdelay $0x1  }
0x172: {  	_ =	sfence.sel $0x180000  }
0x173: {  	[bflag:$0x0] =	sbarrier.arrive $0xFFFF  }
0x174: {  	_ =	strace $0x90000053  }
0x175: {  	s0 =	stileid.u32;
	[bflag:$0x2] =	sbarrier.arrive $0xFFFF  }
0x176: {  	p0 =	sne.s32 s0, $0x0;
	s0 =	rddreg [dreg:$0x3]  }
0x177: {  	s0 =	sadd.s32 @!p0 $0x100000, s0  }
0x178: {  	[sflag:s0] =	ssyncadd.tile.s32 @!p0 $0x1;
	_ =	shalt  }
.Lfunc_end2:
_tile_overlayer_lowered:
.L_overlay_start_2:
0x179: {  	(tag) =	ssettag $0x2  }
0x17a: {  	s0 =	rddreg [dreg:$0x0];
	s2 =	stileid.u32  }
0x17b: {  	s1 =	rddreg [dreg:$0x1];
	p0 =	sne.s32 s2, $0x0  }
0x17c: {  	s3 =	rddreg [dreg:$0x2];
	[bflag:$0x3] =	sbarrier.arrive $0xFFFF;
	s2 =	simm.s32 @!p0 $0x1C03  }
0x17d: {  	[timem:s3], [sflag:s2] =	dma.local @!p0 [hbm:s0], s1  }
0x17e: {  	s0 =	simm.s32 @!p0 $0x3  }
0x17f: {  	_ =	swait.ge @!p0 [sflag:s0], s1  }
0x180: {  	s1 =	ssub.s32 @!p0 $0x0, s1;
	[sflag:s0] =	ssyncset.done @!p0 $0x0  }
0x181: {  	[sflag:s0] =	ssyncadd.s32 @!p0 s1  }
0x182: {  	[bflag:$0x3] =	sbarrier.arrive $0xFFFF  }
0x183: {  	_ =	shalt  }

// kernel: kernel.8.cloned.1.call-start
scs
__scs_entry_jumppad:
0x0: {  	(pc) =	sbr.rel $0x88, $3  }
0x1: {  	(tag) =	ssettag $0x0;
	lr =	simm.s32 $0x1  }
0x2: {  	[smem:$0x3F99] =	sst lr;
	_ =	strace $0xD0000000  }
0x3: {  	_ = 	snop  }
0x4: {  	_ = 	snop  }
0x5: {  	_ = 	snop  }
0x6: {  	_ = 	snop  }
0x7: {  	_ = 	snop  }
__scs_overlays_trampoline_lowered:
0x8: {  	[smem:$0x3FA8] =	sst s0  }
0x9: {  	[smem:$0x3FA9] =	sst s1  }
0xa: {  	[smem:$0x3FAA] =	sst s2  }
0xb: {  	[smem:$0x3FAB] =	sst s3  }
0xc: {  	[smem:$0x3FAC] =	sst s4  }
0xd: {  	[smem:$0x3FAD] =	sst s5  }
0xe: {  	[smem:$0x3FAE] =	sst s6  }
0xf: {  	[smem:$0x3FAF] =	sst s7  }
0x10: {  	[smem:$0x3FB0] =	sst s8  }
0x11: {  	[smem:$0x3FB1] =	sst s9;
	s0 =	simm.s32 @!p0 $0x0  }
0x12: {  	s1 =	sld [smem:$0x3F97];
	s0 =	simm.s32 @p0 $0x1  }
0x13: {  	[smem:$0x3FB2] =	sst s0;
	s0 =	simm.s32 @!p1 $0x0  }
0x14: {  	s2 =	sld [smem:$0x3F96];
	s0 =	simm.s32 @p1 $0x1  }
0x15: {  	[smem:$0x3FB3] =	sst s0;
	s0 =	simm.s32 @!p2 $0x0  }
0x16: {  	s3 =	sld [smem:$0x3FDB];
	s0 =	simm.s32 @p2 $0x1  }
0x17: {  	s4 =	simm.s32 $0x1BF5;
	[smem:$0x3FB5] =	sst s0  }
0x18: {  	s0 =	sld [smem:$0x3F98];
	_ =	swait.ge [sflag:s4], $0x0  }
0x19: {  	s7 =	sld [smem:$0x3F99]  }
0x1a: {  	s8 =	sadd.s32 $0xFFFFE003, lr  }
0x1b: {  	s9 =	sadd.s32 $0xFFFFFEF7, lr;
	s5 =	simm.s32 $0xFFFFFFFF;
	p2 =	slt.u32 s8, $0xFFFFF086  }
0x1c: {  	p1 =	slt.u32 s9, $0xF7A;
	s5 =	simm.s32 @!p2 $0x0  }
0x1d: {  	s5 =	simm.s32 @p1 $0x1;
	p0 =	seq.s32 s7, s2  }
0x1e: {  	s7 =	smul.u32 @!p0 $0xF7A, s2;
	p2 =	seq.s32 @!p0 s5, $0x0  }
0x1f: {  	s9 =	smul.u32 $0xF7A, s1;
	s8 =	simm.s32 @!p0 $0x1BF5;
	p2 =	por !p2, p0  }
0x20: {  	[sflag:s8] =	ssyncset.s32 @!p0 $0xFFFFF086;
	s6 =	sadd.s32 @!p0 s3, s7;
	s7 =	simm.s32 @!p0 $0x108  }
0x21: {  	s3 =	sadd.s32 s3, s9;
	s6 =	sadd.s32 @!p0 $0x88, s6;
	s7 =	simm.s32 @p2 $0x1082  }
0x22: {  	[simem:s7], [sflag:s8] =	dma.local @!p0 [hbm:s6], $0xF7A  }
0x23: {  	s9 =	sor.u32 $0xD0000000, s2;
	s6 =	simm.s32 $0x108;
	_ =	swait.ge @!p0 [sflag:s8], $0x0  }
0x24: {  	s3 =	sadd.s32 $0x88, s3;
	s6 =	simm.s32 @!p1 $0x1082;
	[sflag:s4] =	ssyncset.s32 $0xFFFFF086  }
0x25: {  	[simem:s6], [sflag:s4] =	dma.local [hbm:s3], $0xF7A  }
0x26: {  	[smem:$0x3F99] =	sst s1;
	(tag) =	ssettag s2;
	_ =	strace s9  }
0x27: {  	s1 =	sld [smem:$0x3FA9]  }
0x28: {  	s2 =	sld [smem:$0x3FAA]  }
0x29: {  	s4 =	sld [smem:$0x3FAC]  }
0x2a: {  	p0 =	seq.s32 s5, $0x0;
	s5 =	sld [smem:$0x3FAD]  }
0x2b: {  	s6 =	sld [smem:$0x3FAE]  }
0x2c: {  	s7 =	sld [smem:$0x3FAF]  }
0x2d: {  	s3 =	simm.s32 $0x108;
	s8 =	sld [smem:$0x3FB0]  }
0x2e: {  	s3 =	simm.s32 @!p0 $0x1082;
	s9 =	sld [smem:$0x3FB1]  }
0x2f: {  	lr =	sadd.s32 s0, s3;
	s0 =	sld [smem:$0x3FA8]  }
0x30: {  	s3 =	sld [smem:$0x3FAB]  }
0x31: {  	[smem:$0x3FB4] =	sst s10  }
0x32: {  	s10 =	sld [smem:$0x3FB2];
	_ =	sdelay $0x3  }
0x33: {  	p0 =	seq.s32 s10, $0x1;
	s10 =	sld [smem:$0x3FB4];
	_ =	sdelay $0x3  }
0x34: {  	[smem:$0x3FB4] =	sst s10  }
0x35: {  	s10 =	sld [smem:$0x3FB3];
	_ =	sdelay $0x3  }
0x36: {  	p1 =	seq.s32 s10, $0x1;
	s10 =	sld [smem:$0x3FB4];
	_ =	sdelay $0x3  }
0x37: {  	[smem:$0x3FB4] =	sst s10  }
0x38: {  	s10 =	sld [smem:$0x3FB5]  }
0x39: {  	_ = 	snop;
	(pc) =	sbr.ind lr, $3  }
0x3a: {  	_ = 	snop  }
0x3b: {  	_ = 	snop  }
0x3c: {  	p2 =	seq.s32 s10, $0x1;
	s10 =	sld [smem:$0x3FB4]  }
0x3d: {  	_ =	shalt  }
0x3e: {  	_ =	shalt  }
0x3f: {  	_ =	shalt  }
0x40: {  	_ =	shalt  }
0x41: {  	_ =	shalt  }
0x42: {  	_ =	shalt  }
0x43: {  	_ =	shalt  }
0x44: {  	_ =	shalt  }
0x45: {  	_ =	shalt  }
0x46: {  	_ =	shalt  }
0x47: {  	_ =	shalt  }
0x48: {  	_ =	shalt  }
0x49: {  	_ =	shalt  }
0x4a: {  	_ =	shalt  }
0x4b: {  	_ =	shalt  }
0x4c: {  	_ =	shalt  }
0x4d: {  	_ =	shalt  }
0x4e: {  	_ =	shalt  }
0x4f: {  	_ =	shalt  }
0x50: {  	_ =	shalt  }
0x51: {  	_ =	shalt  }
0x52: {  	_ =	shalt  }
0x53: {  	_ =	shalt  }
0x54: {  	_ =	shalt  }
0x55: {  	_ =	shalt  }
0x56: {  	_ =	shalt  }
0x57: {  	_ =	shalt  }
0x58: {  	_ =	shalt  }
0x59: {  	_ =	shalt  }
0x5a: {  	_ =	shalt  }
0x5b: {  	_ =	shalt  }
0x5c: {  	_ =	shalt  }
0x5d: {  	_ =	shalt  }
0x5e: {  	_ =	shalt  }
0x5f: {  	_ =	shalt  }
0x60: {  	_ =	shalt  }
0x61: {  	_ =	shalt  }
0x62: {  	_ =	shalt  }
0x63: {  	_ =	shalt  }
0x64: {  	_ =	shalt  }
0x65: {  	_ =	shalt  }
0x66: {  	_ =	shalt  }
0x67: {  	_ =	shalt  }
0x68: {  	_ =	shalt  }
0x69: {  	_ =	shalt  }
0x6a: {  	_ =	shalt  }
0x6b: {  	_ =	shalt  }
0x6c: {  	_ =	shalt  }
0x6d: {  	_ =	shalt  }
0x6e: {  	_ =	shalt  }
0x6f: {  	_ =	shalt  }
0x70: {  	_ =	shalt  }
0x71: {  	_ =	shalt  }
0x72: {  	_ =	shalt  }
0x73: {  	_ =	shalt  }
0x74: {  	_ =	shalt  }
0x75: {  	_ =	shalt  }
0x76: {  	_ =	shalt  }
0x77: {  	_ =	shalt  }
0x78: {  	_ =	shalt  }
0x79: {  	_ =	shalt  }
0x7a: {  	_ =	shalt  }
0x7b: {  	_ =	shalt  }
0x7c: {  	_ =	shalt  }
0x7d: {  	_ =	shalt  }
0x7e: {  	_ =	shalt  }
0x7f: {  	_ =	shalt  }
0x80: {  	_ =	shalt  }
0x81: {  	_ =	shalt  }
0x82: {  	_ =	shalt  }
0x83: {  	_ =	shalt  }
0x84: {  	_ =	shalt  }
0x85: {  	_ =	shalt  }
0x86: {  	_ =	shalt  }
0x87: {  	_ =	shalt  }
.Lfunc_end0:
.L_simem_size_0:
called_computation.2_lowered:
.L_overlay_start_0:
0x88: {  	s2 =	sld [smem:$0x3FD9]  }
0x89: {  	s3 =	sld [smem:$0x3FFE];
	_ =	sdelay $0x1  }
0x8a: {  	s1 =	srdreg.scid  }
0x8b: {  	s0 =	sand.u32 $0x1, s1  }
0x8c: {  	s17 =	sshll.u32 s0, $0xA;
	s2 =	sadd.s32 s3, s2  }
0x8d: {  	s2 =	sadd.s32 s2, s17  }
0x8e: {  	[smem:$0x3FC0] =	sst s2  }
0x8f: {  	_ = 	snop  }
0x90: {  	s2 =	sld [smem:$0x3FD0];
	(tm) =	ssettm $0x1  }
0x91: {  	s18 =	sld [smem:$0x3FFB];
	_ =	sdelay $0x3  }
0x92: {  	_ =	strace s18  }
0x93: {  	s3 =	sld [smem:$0x3FFC];
	_ =	sdelay $0x3  }
0x94: {  	_ =	strace s3  }
0x95: {  	s3 =	sld [smem:$0x3FFD];
	_ =	sdelay $0x3  }
0x96: {  	_ =	strace s3  }
0x97: {  	_ =	strace $0x8FFFFFFF  }
0x98: {  	s19 =	sld [smem:$0x3FDB];
	_ =	sdelay $0x1  }
0x99: {  	s4 =	simm.s32 $_scs_section_size  }
0x9a: {  	s5 =	simm.s32 $_size__tile_overlayer_lowered;
	s6 =	simm.s32 $_tile_overlayer_lowered  }
0x9b: {  	s22 =	simm.s32 $0x1BFF;
	s21 =	sshll.u32 s6, $0x1;
	s3 =	sadd.s32 s4, s19  }
0x9c: {  	s7 =	simm.s32 $0x0;
	s20 =	sshll.u32 s5, $0x1;
	s5 =	sadd.s32 s21, s3  }
0x9d: {  	[timem:s7], [sflag:s22] =	dma.local [hbm:s5], s20  }
0x9e: {  	_ =	swait.ge [sflag:s22], s20  }
0x9f: {  	s4 =	ssub.s32 $0x0, s20;
	[sflag:s22] =	ssyncset.done $0x0  }
0xa0: {  	[sflag:s22] =	ssyncadd.s32 s4;
	_ =	sdelay $0x1  }
0xa1: {  	s23 =	simm.s32 $0x1B8B  }
0xa2: {  	_ =	swait.ge [sflag:s23], $0x1  }
0xa3: {  	[sflag:s23] =	ssyncset.done $0x0  }
0xa4: {  	s25 =	simm.s32 $0x1B8E;
	s24 =	sld [smem:$0x3FFE];
	[sflag:s23] =	ssyncadd.s32 $0xFFFFFFFF  }
0xa5: {  	s26 =	simm.s32 $execute0_lowered;
	[smem:$0x3FD2] =	sst s25  }
0xa6: {  	s5 =	sshll.u32 s26, $0x1;
	_ =	strace $0x80000046;
	[dreg:$0x1] =	wrdreg $0xFFFFFFFF  }
0xa7: {  	s28 =	simm.s32 $_size_execute0_lowered;
	s3 =	sadd.s32 s3, s5;
	[dreg:$0x0] =	wrdreg $0x0  }
0xa8: {  	s5 =	sshll.u32 s28, $0x1;
	[dreg:$0x2] =	wrdreg s3  }
0xa9: {  	[dreg:$0x3] =	wrdreg s5  }
0xaa: {  	[dreg:$0x4] =	wrdreg $0xC0  }
0xab: {  	_ =	task [dreg:s7], $0x5FFFF  }
0xac: {  	[dreg:$0x1] =	wrdreg $0xFFFFFFFF  }
0xad: {  	[dreg:$0x0] =	wrdreg $0x60  }
0xae: {  	[dreg:$0x2] =	wrdreg s24  }
0xaf: {  	[dreg:$0x3] =	wrdreg s2  }
0xb0: {  	[dreg:$0x4] =	wrdreg $0x61000  }
0xb1: {  	[dreg:$0x5] =	wrdreg $0x9  }
0xb2: {  	_ =	task.clear_ibuf [dreg:s7], $0x6FFFF;
	_ =	strace $0x90000046  }
0xb3: {  	s29 =	simm.s32 $0x9;
	_ =	strace $0x80000048  }
0xb4: {  	_ =	swait.ge [sflag:s29], $0x1  }
0xb5: {  	[sflag:s29] =	ssyncadd.s32 $0xFFFFFFFF  }
0xb6: {  	_ =	strace $0x90000048  }
0xb7: {  	_ =	sfence  }
0xb8: {  	s30 =	sld [smem:$0x0];
	_ =	sdelay $0x2  }
0xb9: {  	s31 =	sshll.u32 s1, $0xD;
	s1 =	sshrl.u32 s1, $0x2  }
0xba: {  	s3 =	sand.u32 $0x4000, s31;
	s1 =	sadd.s32 s1, s30  }
0xbb: {  	s0 =	sor.u32 s3, s0;
	s1 =	sshll.u32 s1, $0x11  }
0xbc: {  	s0 =	sor.u32 s1, s0  }
0xbd: {  	s0 =	sadd.s32 $0x8F2B, s0  }
0xbe: {  	[sflag:s0] =	ssyncadd.remote.s32 $0x1  }
0xbf: {  	_ =	sfence.sel $0xFFFF  }
0xc0: {  	[dreg:$0x0] =	wrdreg $0xFFFFFFFF;
	(pc) =	sbr.abs _section_cstart, $3  }
0xc1: {  	[dreg:$0x1] =	wrdreg $0xFFFFFFFF  }
0xc2: {  	_ =	task.clear_ibuf [dreg:s7], $0x2FFFF;
	_ =	strace $0x9FFFFFFF  }
0xc3: {  	(tm) =	ssettm $0x7FFFFFFF  }
tec
execute0_lowered:
.L_overlay_start_1:
0x0: {  	(tag) =	ssettag $0x1  }
0x1: {  	s4 =	rddreg [dreg:$0x0]  }
0x2: {  	s17 =	rddreg [dreg:$0x1]  }
0x3: {  	s2 =	rddreg [dreg:$0x2]  }
0x4: {  	s0 =	rddreg [dreg:$0x3];
	s5 =	srdreg.scid;
	s3 =	simm.s32 $0x0  }
0x5: {  	s1 =	stileid.u32;
	s23 =	simm.s32 $0x0;
	s8 =	sand.u32 $0x1, s5  }
0x6: {  	[smem:$0x7FF] =	sst s3;
	s11 =	smul.u32 $0xC400, s1;
	s12 =	sadd.s32 $0x1EC00, s4  }
0x7: {  	s13 =	sadd.s32 $0xFC00, s4;
	s9 =	smul.u32 $0x2800, s1;
	s5 =	ssub.s32 $0x2, s8  }
0x8: {  	_ =	strace $0x80000047;
	s20 =	smul.u32 $0xC4000, s8;
	p0 =	seq.s32 s8, $0x1  }
0x9: {  	s6 =	sshrl.u32 s5, $0x1;
	s4 =	sadd.s32 s11, s2;
	s15 =	sadd.s32 $0x3100, s11  }
0xa: {  	s16 =	sadd.s32 $0x6200, s11;
	s19 =	sadd.s32 $0x9300, s11;
	s14 =	sshrl.u32 s9, $0x3  }
0xb: {  	s18 =	ssub.s32 s5, s6;
	s5 =	sadd.s32 s15, s2;
	s6 =	sadd.s32 s16, s2  }
0xc: {  	s7 =	sadd.s32 s19, s2;
	s8 =	sadd.s32 s12, s14;
	s21 =	sadd.s32 $0x5000, s14  }
0xd: {  	s9 =	sadd.s32 s13, s14;
	s22 =	sadd.s32 s11, s20;
	s14 =	sadd.s32 $0xA000, s14  }
0xe: {  	s15 =	sadd.s32 s20, s15;
	s16 =	sadd.s32 s20, s16;
	s19 =	sadd.s32 s20, s19  }
0xf: {  	s20 =	simm.s32 $0x1;
	s10 =	sadd.s32 s12, s21;
	s11 =	sadd.s32 s13, s21  }
.Ltmp0:
0x10: {  	v0 =	vimm.f32 $0.0e+00;
	s31 =	sshrl.u32 s22, $0x3;
	s12 =	sadd.s32 s12, s14;
	(pc) =	sbr.rel .LBB2_1-.Ltmp0, $4  }
0x11: {  	vm0 =	vcmask $0xF0C;
	vm1 =	vcmask $0x1310;
	vm2 =	vcmask $0x1714;
	s13 =	sadd.s32 s13, s14;
	s15 =	sshrl.u32 s15, $0x3;
	s16 =	sshrl.u32 s16, $0x3  }
0x12: {  	vm13 =	vcmask $0x300;
	vm14 =	vcmask $0x704;
	vm15 =	vcmask $0xB08;
	s19 =	sshrl.u32 s19, $0x3;
	s18 =	smax.u32 s18, $0x1;
	s21 =	simm.s32 $0x80  }
0x13: {  	v1 =	vsel vm0, $0x3F800000, v0;
	v2 =	vsel vm1, $0x3F800000, v0;
	v3 =	vsel vm2, $0x3F800000, v0;
	s22 =	simm.s32 $0x2800;
	s14 =	sadd.s32 s17, s31;
	s15 =	sadd.s32 s17, s15  }
0x14: {  	v4 =	vsel vm13, $0x3F800000, v0;
	v5 =	vsel vm14, $0x3F800000, v0;
	v6 =	vsel vm15, $0x3F800000, v0;
	s16 =	sadd.s32 s17, s16;
	s17 =	sadd.s32 s17, s19;
	s19 =	simm.s32 $0x3000  }
.LBB2_15:
0x15: {  	[sflag:s20] =	ssyncadd.s32 $0xFFFFF800  }
.LBB2_28:
0x16: {  	[bflag:$0x0] =	sbarrier.arrive $0xFFFF  }
0x17: {  	[tilespmem:s19], [sflag:$0x1] =	stream.linear.gather [spmem:s4], $0x3100, $0x38;
	[tilespmem:$0x12500] =	vst v63  }
0x18: {  	_ =	swait.ge [sflag:s20], $0x3100  }
0x19: {  	[sflag:s20] =	ssyncset.done $0x0  }
0x1a: {  	[sflag:s20] =	ssyncadd.s32 $0xFFFFCF00  }
0x1b: {  	[hbm4b:s14+s3] =	stream.linear.scatter [tilespmem:s19], [sflag:$0x1], $0x3100, $0x38;
	[tilespmem:$0x12500] =	vst v63  }
0x1c: {  	_ =	swait.ge [sflag:s20], $0x3100  }
0x1d: {  	[sflag:s20] =	ssyncset.done $0x0  }
0x1e: {  	[sflag:s20] =	ssyncadd.s32 $0xFFFFCF00  }
0x1f: {  	[tilespmem:s19], [sflag:$0x1] =	stream.linear.gather [spmem:s5], $0x3100, $0x38;
	[tilespmem:$0x12500] =	vst v63  }
0x20: {  	_ =	swait.ge [sflag:s20], $0x3100  }
0x21: {  	[sflag:s20] =	ssyncset.done $0x0  }
0x22: {  	[sflag:s20] =	ssyncadd.s32 $0xFFFFCF00  }
0x23: {  	[hbm4b:s15+s3] =	stream.linear.scatter [tilespmem:s19], [sflag:$0x1], $0x3100, $0x38;
	[tilespmem:$0x12500] =	vst v63  }
0x24: {  	_ =	swait.ge [sflag:s20], $0x3100  }
0x25: {  	[sflag:s20] =	ssyncset.done $0x0  }
0x26: {  	[sflag:s20] =	ssyncadd.s32 $0xFFFFCF00  }
0x27: {  	[tilespmem:s19], [sflag:$0x1] =	stream.linear.gather [spmem:s6], $0x3100, $0x38;
	[tilespmem:$0x12500] =	vst v63  }
0x28: {  	_ =	swait.ge [sflag:s20], $0x3100  }
0x29: {  	[sflag:s20] =	ssyncset.done $0x0  }
0x2a: {  	[sflag:s20] =	ssyncadd.s32 $0xFFFFCF00  }
0x2b: {  	[hbm4b:s16+s3] =	stream.linear.scatter [tilespmem:s19], [sflag:$0x1], $0x3100, $0x38;
	[tilespmem:$0x12500] =	vst v63  }
0x2c: {  	_ =	swait.ge [sflag:s20], $0x3100  }
0x2d: {  	[sflag:s20] =	ssyncset.done $0x0  }
0x2e: {  	[sflag:s20] =	ssyncadd.s32 $0xFFFFCF00  }
0x2f: {  	[tilespmem:s19], [sflag:$0x1] =	stream.linear.gather [spmem:s7], $0x3100, $0x38;
	[tilespmem:$0x12500] =	vst v63  }
0x30: {  	s23 =	sadd.s32 $0x1, s23;
	_ =	swait.ge [sflag:s20], $0x3100  }
0x31: {  	p1 =	sne.s32 s23, s18;
	[sflag:s20] =	ssyncset.done $0x0  }
.Ltmp1:
0x32: {  	[sflag:s20] =	ssyncadd.s32 $0xFFFFCF00;
	(pc) =	sbr.rel @!p1 .LBB2_29-.Ltmp1, $4  }
0x33: {  	[hbm4b:s17+s3] =	stream.linear.scatter [tilespmem:s19], [sflag:$0x1], $0x3100, $0x38;
	[tilespmem:$0x12500] =	vst v63  }
0x34: {  	_ =	swait.ge [sflag:s20], $0x3100  }
0x35: {  	[sflag:s20] =	ssyncset.done $0x0  }
0x36: {  	[sflag:s20] =	ssyncadd.s32 $0xFFFFCF00  }
.LBB2_1:
0x37: {  	s24 =	simm.s32 $0x40;
	s25 =	simm.s32 $0x0  }
.LBB2_2:
0x38: {  	p1 =	sne.s32 s24, $0xC3C0;
	[tilespmem:s25+$0x3000] =	vst v0;
	s25 =	smov.u32 s24;
	s24 =	sadd.s32 $0x40, s24  }
.Ltmp2:
0x39: {  	(pc) =	sbr.rel @p1 .LBB2_2-.Ltmp2, $2  }
0x3a: {  	_ =	sdelay $0x2  }
0x3b: {  	s25 =	sshra.s32 s25, $0x2  }
0x3c: {  	[tilespmem:s25+$0x3000] =	vst v0  }
0x3d: {  	[spmem:s4] =	stream.linear.scatter [tilespmem:s19], [sflag:$0x1], $0x3100, $0x38;
	[tilespmem:$0x12500] =	vst v63  }
0x3e: {  	_ =	swait.ge [sflag:s20], $0x3100  }
0x3f: {  	[sflag:s20] =	ssyncset.done $0x0  }
0x40: {  	[sflag:s20] =	ssyncadd.s32 $0xFFFFCF00  }
0x41: {  	[spmem:s5] =	stream.linear.scatter [tilespmem:s19], [sflag:$0x1], $0x3100, $0x38;
	[tilespmem:$0x12500] =	vst v63  }
0x42: {  	_ =	swait.ge [sflag:s20], $0x3100  }
0x43: {  	[sflag:s20] =	ssyncset.done $0x0  }
0x44: {  	[sflag:s20] =	ssyncadd.s32 $0xFFFFCF00  }
0x45: {  	[spmem:s6] =	stream.linear.scatter [tilespmem:s19], [sflag:$0x1], $0x3100, $0x38;
	[tilespmem:$0x12500] =	vst v63  }
0x46: {  	_ =	swait.ge [sflag:s20], $0x3100  }
0x47: {  	[sflag:s20] =	ssyncset.done $0x0  }
0x48: {  	[sflag:s20] =	ssyncadd.s32 $0xFFFFCF00  }
0x49: {  	[spmem:s7] =	stream.linear.scatter [tilespmem:s19], [sflag:$0x1], $0x3100, $0x38;
	[tilespmem:$0x12500] =	vst v63  }
.Ltmp3:
0x4a: {  	_ =	swait.ge [sflag:s20], $0x3100;
	(pc) =	sbr.rel @!p0 .LBB2_4-.Ltmp3, $4  }
0x4b: {  	[sflag:s20] =	ssyncset.done $0x0  }
0x4c: {  	[sflag:s20] =	ssyncadd.s32 $0xFFFFCF00  }
0x4d: {  	[bflag:$0x0] =	sbarrier.arrive $0xFFFF  }
0x4e: {  	s24 =	simm.s32 $0x40;
	s25 =	simm.s32 $0x0  }
.LBB2_16:
0x4f: {  	p1 =	sne.s32 s24, $0x1FC0;
	[tilespmem:s25+$0x2800] =	vst v1;
	s25 =	smov.u32 s24;
	s24 =	sadd.s32 $0x40, s24  }
.Ltmp4:
0x50: {  	(pc) =	sbr.rel @p1 .LBB2_16-.Ltmp4, $2  }
0x51: {  	_ =	sdelay $0x2  }
0x52: {  	s25 =	sshra.s32 s25, $0x2  }
0x53: {  	[tilespmem:s25+$0x2800] =	vst v1;
	s24 =	simm.s32 $0x0  }
0x54: {  	[tilespmem:s24], [sflag:$0x1] =	stream.linear.gather [hbm4b:s11+s24], $0x2800, $0x38;
	[tilespmem:$0x12500] =	vst v63  }
0x55: {  	_ =	swait.ge [sflag:s20], $0x2800  }
0x56: {  	[sflag:s20] =	ssyncset.done $0x0  }
0x57: {  	s31 =	simm.s32 $0x0;
	[sflag:s20] =	ssyncadd.s32 $0xFFFFD800  }
0x58: {  	[spmem:s2] =	stream.indirect.scatter.add.f32 [tilespmem:s22], [sflag:$0x1], $0x10, s31, s21, $0xb8;
	[tilespmem:$0x12500] =	vst v63  }
0x59: {  	_ =	swait.ge [sflag:s20], $0x800  }
0x5a: {  	s24 =	simm.s32 $0x200;
	[sflag:s20] =	ssyncset.done $0x0  }
.LBB2_18:
0x5b: {  	s25 =	sshra.s32 s24, $0x2;
	[sflag:s20] =	ssyncadd.s32 $0xFFFFF800;
	p1 =	sne.s32 s24, $0x9E00  }
0x5c: {  	[spmem:s2] =	stream.indirect.scatter.add.f32 [tilespmem:s22], [sflag:$0x1], $0x10, s25, s21, $0xb8;
	[tilespmem:$0x12500] =	vst v63  }
.Ltmp5:
0x5d: {  	_ = 	snop;
	(pc) =	sbr.rel @p1 .LBB2_18-.Ltmp5, $4  }
0x5e: {  	_ = 	snop  }
0x5f: {  	s24 =	sadd.s32 $0x200, s24  }
0x60: {  	_ =	swait.ge [sflag:s20], $0x800  }
0x61: {  	[sflag:s20] =	ssyncset.done $0x0  }
0x62: {  	[sflag:s20] =	ssyncadd.s32 $0xFFFFF800;
	s24 =	simm.s32 $0x40;
	s25 =	simm.s32 $0x0  }
.LBB2_20:
0x63: {  	p1 =	sne.s32 s24, $0x1FC0;
	[tilespmem:s25+$0x2800] =	vst v2;
	s25 =	smov.u32 s24;
	s24 =	sadd.s32 $0x40, s24  }
.Ltmp6:
0x64: {  	(pc) =	sbr.rel @p1 .LBB2_20-.Ltmp6, $2  }
0x65: {  	_ =	sdelay $0x2  }
0x66: {  	s25 =	sshra.s32 s25, $0x2  }
0x67: {  	[tilespmem:s25+$0x2800] =	vst v2;
	s24 =	simm.s32 $0x0  }
0x68: {  	[tilespmem:s24], [sflag:$0x1] =	stream.linear.gather [hbm4b:s12+s24], $0x2800, $0x38;
	[tilespmem:$0x12500] =	vst v63  }
0x69: {  	_ =	swait.ge [sflag:s20], $0x2800  }
0x6a: {  	[sflag:s20] =	ssyncset.done $0x0  }
0x6b: {  	s31 =	simm.s32 $0x0;
	[sflag:s20] =	ssyncadd.s32 $0xFFFFD800  }
0x6c: {  	[spmem:s2] =	stream.indirect.scatter.add.f32 [tilespmem:s22], [sflag:$0x1], $0x10, s31, s21, $0xb8;
	[tilespmem:$0x12500] =	vst v63  }
0x6d: {  	_ =	swait.ge [sflag:s20], $0x800  }
0x6e: {  	s24 =	simm.s32 $0x200;
	[sflag:s20] =	ssyncset.done $0x0  }
.LBB2_22:
0x6f: {  	s25 =	sshra.s32 s24, $0x2;
	[sflag:s20] =	ssyncadd.s32 $0xFFFFF800;
	p1 =	sne.s32 s24, $0x9E00  }
0x70: {  	[spmem:s2] =	stream.indirect.scatter.add.f32 [tilespmem:s22], [sflag:$0x1], $0x10, s25, s21, $0xb8;
	[tilespmem:$0x12500] =	vst v63  }
.Ltmp7:
0x71: {  	_ = 	snop;
	(pc) =	sbr.rel @p1 .LBB2_22-.Ltmp7, $4  }
0x72: {  	_ = 	snop  }
0x73: {  	s24 =	sadd.s32 $0x200, s24  }
0x74: {  	_ =	swait.ge [sflag:s20], $0x800  }
0x75: {  	[sflag:s20] =	ssyncset.done $0x0  }
0x76: {  	[sflag:s20] =	ssyncadd.s32 $0xFFFFF800;
	s24 =	simm.s32 $0x40;
	s25 =	simm.s32 $0x0  }
.LBB2_24:
0x77: {  	p1 =	sne.s32 s24, $0x1FC0;
	[tilespmem:s25+$0x2800] =	vst v3;
	s25 =	smov.u32 s24;
	s24 =	sadd.s32 $0x40, s24  }
.Ltmp8:
0x78: {  	(pc) =	sbr.rel @p1 .LBB2_24-.Ltmp8, $2  }
0x79: {  	_ =	sdelay $0x2  }
0x7a: {  	s25 =	sshra.s32 s25, $0x2  }
0x7b: {  	[tilespmem:s25+$0x2800] =	vst v3;
	s24 =	simm.s32 $0x0  }
0x7c: {  	[tilespmem:s24], [sflag:$0x1] =	stream.linear.gather [hbm4b:s13+s24], $0x2800, $0x38;
	[tilespmem:$0x12500] =	vst v63  }
0x7d: {  	_ =	swait.ge [sflag:s20], $0x2800  }
0x7e: {  	[sflag:s20] =	ssyncset.done $0x0  }
0x7f: {  	s31 =	simm.s32 $0x0;
	[sflag:s20] =	ssyncadd.s32 $0xFFFFD800  }
0x80: {  	[spmem:s2] =	stream.indirect.scatter.add.f32 [tilespmem:s22], [sflag:$0x1], $0x10, s31, s21, $0xb8;
	[tilespmem:$0x12500] =	vst v63  }
0x81: {  	_ =	swait.ge [sflag:s20], $0x800  }
0x82: {  	s24 =	simm.s32 $0x200;
	[sflag:s20] =	ssyncset.done $0x0  }
.LBB2_26:
0x83: {  	s25 =	sshra.s32 s24, $0x2;
	[sflag:s20] =	ssyncadd.s32 $0xFFFFF800;
	p1 =	sne.s32 s24, $0x9E00  }
0x84: {  	[spmem:s2] =	stream.indirect.scatter.add.f32 [tilespmem:s22], [sflag:$0x1], $0x10, s25, s21, $0xb8;
	[tilespmem:$0x12500] =	vst v63  }
.Ltmp9:
0x85: {  	_ = 	snop;
	(pc) =	sbr.rel @p1 .LBB2_26-.Ltmp9, $4  }
0x86: {  	_ = 	snop  }
0x87: {  	s24 =	sadd.s32 $0x200, s24  }
0x88: {  	_ =	swait.ge [sflag:s20], $0x800  }
0x89: {  	[sflag:s20] =	ssyncset.done $0x0  }
.Ltmp10:
0x8a: {  	(pc) =	sbr.rel .LBB2_28-.Ltmp10, $2  }
0x8b: {  	_ =	sdelay $0x2  }
0x8c: {  	[sflag:s20] =	ssyncadd.s32 $0xFFFFF800  }
.LBB2_4:
0x8d: {  	p1 =	sne.s32 s24, $0x1FC0;
	[tilespmem:s25+$0x2800] =	vst v4;
	s25 =	smov.u32 s24;
	s24 =	sadd.s32 $0x40, s24  }
.Ltmp11:
0x8e: {  	(pc) =	sbr.rel @p1 .LBB2_4-.Ltmp11, $2  }
0x8f: {  	_ =	sdelay $0x2  }
0x90: {  	s25 =	sshra.s32 s25, $0x2  }
0x91: {  	[tilespmem:s25+$0x2800] =	vst v4;
	s24 =	simm.s32 $0x0  }
0x92: {  	[tilespmem:s24], [sflag:$0x1] =	stream.linear.gather [hbm4b:s8+s24], $0x2800, $0x38;
	[tilespmem:$0x12500] =	vst v63  }
0x93: {  	_ =	swait.ge [sflag:s20], $0x2800  }
0x94: {  	[sflag:s20] =	ssyncset.done $0x0  }
0x95: {  	s31 =	simm.s32 $0x0;
	[sflag:s20] =	ssyncadd.s32 $0xFFFFD800  }
0x96: {  	[spmem:s2] =	stream.indirect.scatter.add.f32 [tilespmem:s22], [sflag:$0x1], $0x10, s31, s21, $0xb8;
	[tilespmem:$0x12500] =	vst v63  }
0x97: {  	_ =	swait.ge [sflag:s20], $0x800  }
0x98: {  	s24 =	simm.s32 $0x200;
	[sflag:s20] =	ssyncset.done $0x0  }
.LBB2_6:
0x99: {  	s25 =	sshra.s32 s24, $0x2;
	[sflag:s20] =	ssyncadd.s32 $0xFFFFF800;
	p1 =	sne.s32 s24, $0x9E00  }
0x9a: {  	[spmem:s2] =	stream.indirect.scatter.add.f32 [tilespmem:s22], [sflag:$0x1], $0x10, s25, s21, $0xb8;
	[tilespmem:$0x12500] =	vst v63  }
.Ltmp12:
0x9b: {  	_ = 	snop;
	(pc) =	sbr.rel @p1 .LBB2_6-.Ltmp12, $4  }
0x9c: {  	_ = 	snop  }
0x9d: {  	s24 =	sadd.s32 $0x200, s24  }
0x9e: {  	_ =	swait.ge [sflag:s20], $0x800  }
0x9f: {  	[sflag:s20] =	ssyncset.done $0x0  }
0xa0: {  	[sflag:s20] =	ssyncadd.s32 $0xFFFFF800;
	s24 =	simm.s32 $0x40;
	s25 =	simm.s32 $0x0  }
.LBB2_8:
0xa1: {  	p1 =	sne.s32 s24, $0x1FC0;
	[tilespmem:s25+$0x2800] =	vst v5;
	s25 =	smov.u32 s24;
	s24 =	sadd.s32 $0x40, s24  }
.Ltmp13:
0xa2: {  	(pc) =	sbr.rel @p1 .LBB2_8-.Ltmp13, $2  }
0xa3: {  	_ =	sdelay $0x2  }
0xa4: {  	s25 =	sshra.s32 s25, $0x2  }
0xa5: {  	[tilespmem:s25+$0x2800] =	vst v5;
	s24 =	simm.s32 $0x0  }
0xa6: {  	[tilespmem:s24], [sflag:$0x1] =	stream.linear.gather [hbm4b:s9+s24], $0x2800, $0x38;
	[tilespmem:$0x12500] =	vst v63  }
0xa7: {  	_ =	swait.ge [sflag:s20], $0x2800  }
0xa8: {  	[sflag:s20] =	ssyncset.done $0x0  }
0xa9: {  	s31 =	simm.s32 $0x0;
	[sflag:s20] =	ssyncadd.s32 $0xFFFFD800  }
0xaa: {  	[spmem:s2] =	stream.indirect.scatter.add.f32 [tilespmem:s22], [sflag:$0x1], $0x10, s31, s21, $0xb8;
	[tilespmem:$0x12500] =	vst v63  }
0xab: {  	_ =	swait.ge [sflag:s20], $0x800  }
0xac: {  	s24 =	simm.s32 $0x200;
	[sflag:s20] =	ssyncset.done $0x0  }
.LBB2_10:
0xad: {  	s25 =	sshra.s32 s24, $0x2;
	[sflag:s20] =	ssyncadd.s32 $0xFFFFF800;
	p1 =	sne.s32 s24, $0x9E00  }
0xae: {  	[spmem:s2] =	stream.indirect.scatter.add.f32 [tilespmem:s22], [sflag:$0x1], $0x10, s25, s21, $0xb8;
	[tilespmem:$0x12500] =	vst v63  }
.Ltmp14:
0xaf: {  	_ = 	snop;
	(pc) =	sbr.rel @p1 .LBB2_10-.Ltmp14, $4  }
0xb0: {  	_ = 	snop  }
0xb1: {  	s24 =	sadd.s32 $0x200, s24  }
0xb2: {  	_ =	swait.ge [sflag:s20], $0x800  }
0xb3: {  	[sflag:s20] =	ssyncset.done $0x0  }
0xb4: {  	[sflag:s20] =	ssyncadd.s32 $0xFFFFF800;
	s24 =	simm.s32 $0x40;
	s25 =	simm.s32 $0x0  }
.LBB2_12:
0xb5: {  	p1 =	sne.s32 s24, $0x1FC0;
	[tilespmem:s25+$0x2800] =	vst v6;
	s25 =	smov.u32 s24;
	s24 =	sadd.s32 $0x40, s24  }
.Ltmp15:
0xb6: {  	(pc) =	sbr.rel @p1 .LBB2_12-.Ltmp15, $2  }
0xb7: {  	_ =	sdelay $0x2  }
0xb8: {  	s25 =	sshra.s32 s25, $0x2  }
0xb9: {  	[tilespmem:s25+$0x2800] =	vst v6;
	s24 =	simm.s32 $0x0  }
0xba: {  	[tilespmem:s24], [sflag:$0x1] =	stream.linear.gather [hbm4b:s10+s24], $0x2800, $0x38;
	[tilespmem:$0x12500] =	vst v63  }
0xbb: {  	_ =	swait.ge [sflag:s20], $0x2800  }
0xbc: {  	[sflag:s20] =	ssyncset.done $0x0  }
0xbd: {  	s31 =	simm.s32 $0x0;
	[sflag:s20] =	ssyncadd.s32 $0xFFFFD800  }
0xbe: {  	[spmem:s2] =	stream.indirect.scatter.add.f32 [tilespmem:s22], [sflag:$0x1], $0x10, s31, s21, $0xb8;
	[tilespmem:$0x12500] =	vst v63  }
0xbf: {  	_ =	swait.ge [sflag:s20], $0x800  }
0xc0: {  	s24 =	simm.s32 $0x200;
	[sflag:s20] =	ssyncset.done $0x0  }
.LBB2_14:
0xc1: {  	s25 =	sshra.s32 s24, $0x2;
	[sflag:s20] =	ssyncadd.s32 $0xFFFFF800;
	p1 =	seq.s32 s24, $0x9E00  }
0xc2: {  	[spmem:s2] =	stream.indirect.scatter.add.f32 [tilespmem:s22], [sflag:$0x1], $0x10, s25, s21, $0xb8;
	[tilespmem:$0x12500] =	vst v63  }
.Ltmp16:
0xc3: {  	_ = 	snop;
	(pc) =	sbr.rel @!p1 .LBB2_14-.Ltmp16, $4  }
0xc4: {  	_ = 	snop  }
0xc5: {  	s24 =	sadd.s32 $0x200, s24  }
0xc6: {  	_ =	swait.ge [sflag:s20], $0x800  }
0xc7: {  	[sflag:s20] =	ssyncset.done $0x0  }
.Ltmp17:
0xc8: {  	_ = 	snop;
	(pc) =	sbr.rel .LBB2_15-.Ltmp17, $1  }
0xc9: {  	_ =	sdelay $0x3  }
.LBB2_29:
0xca: {  	_ =	sfence.sel $0x180000  }
0xcb: {  	[bflag:$0x0] =	sbarrier.arrive $0xFFFF  }
0xcc: {  	p0 =	sne.s32 s1, $0x0;
	_ =	strace $0x90000047  }
0xcd: {  	s0 =	sadd.s32 @!p0 $0x100000, s0;
	[bflag:$0x2] =	sbarrier.arrive $0xFFFF  }
0xce: {  	[sflag:s0] =	ssyncadd.tile.s32 @!p0 $0x1;
	_ =	shalt  }
.Lfunc_end2:
_tile_overlayer_lowered:
.L_overlay_start_2:
0xcf: {  	(tag) =	ssettag $0x2  }
0xd0: {  	s0 =	rddreg [dreg:$0x0];
	s2 =	stileid.u32  }
0xd1: {  	s1 =	rddreg [dreg:$0x1];
	p0 =	sne.s32 s2, $0x0  }
0xd2: {  	s3 =	rddreg [dreg:$0x2];
	[bflag:$0x3] =	sbarrier.arrive $0xFFFF;
	s2 =	simm.s32 @!p0 $0x1C01  }
0xd3: {  	[timem:s3], [sflag:s2] =	dma.local @!p0 [hbm:s0], s1  }
0xd4: {  	s0 =	simm.s32 @!p0 $0x1  }
0xd5: {  	_ =	swait.ge @!p0 [sflag:s0], s1  }
0xd6: {  	s1 =	ssub.s32 @!p0 $0x0, s1;
	[sflag:s0] =	ssyncset.done @!p0 $0x0  }
0xd7: {  	[sflag:s0] =	ssyncadd.s32 @!p0 s1  }
0xd8: {  	[bflag:$0x3] =	sbarrier.arrive $0xFFFF  }
0xd9: {  	_ =	shalt  }

// kernel: sparse-core-data-format-call.1.cloned.1.call-start
scs
called_computation.1_lowered:
.L_overlay_start_0:
0x0: {  	s1 =	sld [smem:$0x3FD9]  }
0x1: {  	s2 =	sld [smem:$0x3FFE];
	_ =	sdelay $0x1  }
0x2: {  	s3 =	srdreg.scid  }
0x3: {  	s0 =	sand.u32 $0x1, s3  }
0x4: {  	s17 =	sshll.u32 s0, $0xA;
	s1 =	sadd.s32 s2, s1  }
0x5: {  	s1 =	sadd.s32 s1, s17  }
0x6: {  	[smem:$0x3FC0] =	sst s1  }
0x7: {  	_ = 	snop  }
0x8: {  	(tm) =	ssettm $0x1  }
0x9: {  	s18 =	sld [smem:$0x3FFB];
	_ =	sdelay $0x3  }
0xa: {  	_ =	strace s18  }
0xb: {  	s1 =	sld [smem:$0x3FFC];
	_ =	sdelay $0x3  }
0xc: {  	_ =	strace s1  }
0xd: {  	s1 =	sld [smem:$0x3FFD];
	_ =	sdelay $0x3  }
0xe: {  	_ =	strace s1  }
0xf: {  	_ =	strace $0x8FFFFFFF  }
0x10: {  	s19 =	sld [smem:$0x3FDB];
	_ =	sdelay $0x1  }
0x11: {  	s20 =	simm.s32 $_scs_section_size  }
0x12: {  	s4 =	simm.s32 $_size__tile_overlayer_lowered;
	s5 =	simm.s32 $_tile_overlayer_lowered  }
0x13: {  	s23 =	simm.s32 $0x1BFF;
	s22 =	sshll.u32 s5, $0x1;
	s1 =	sadd.s32 s20, s19  }
0x14: {  	s6 =	simm.s32 $0x0;
	s21 =	sshll.u32 s4, $0x1;
	s4 =	sadd.s32 s22, s1  }
0x15: {  	[timem:s6], [sflag:s23] =	dma.local [hbm:s4], s21  }
0x16: {  	_ =	swait.ge [sflag:s23], s21  }
0x17: {  	s2 =	ssub.s32 $0x0, s21;
	[sflag:s23] =	ssyncset.done $0x0  }
0x18: {  	[sflag:s23] =	ssyncadd.s32 s2;
	_ =	sdelay $0x1  }
0x19: {  	s24 =	simm.s32 $0x1B8B  }
0x1a: {  	_ =	swait.ge [sflag:s24], $0x1  }
0x1b: {  	[sflag:s24] =	ssyncset.done $0x0  }
0x1c: {  	s26 =	simm.s32 $0x1B8E;
	s25 =	sld [smem:$0x3FFE];
	[sflag:s24] =	ssyncadd.s32 $0xFFFFFFFF  }
0x1d: {  	s27 =	simm.s32 $execute0_lowered;
	[smem:$0x3FD2] =	sst s26  }
0x1e: {  	s4 =	sshll.u32 s27, $0x1;
	_ =	strace $0x80000049;
	[dreg:$0x1] =	wrdreg $0xFFFFFFFF  }
0x1f: {  	s28 =	simm.s32 $_size_execute0_lowered;
	s1 =	sadd.s32 s1, s4;
	[dreg:$0x0] =	wrdreg $0x0  }
0x20: {  	s4 =	sshll.u32 s28, $0x1;
	[dreg:$0x2] =	wrdreg s1  }
0x21: {  	[dreg:$0x3] =	wrdreg s4  }
0x22: {  	[dreg:$0x4] =	wrdreg $0xC0  }
0x23: {  	_ =	task [dreg:s6], $0x5FFFF  }
0x24: {  	[dreg:$0x1] =	wrdreg $0xFFFFFFFF  }
0x25: {  	[dreg:$0x0] =	wrdreg $0x60  }
0x26: {  	[dreg:$0x2] =	wrdreg s25  }
0x27: {  	[dreg:$0x3] =	wrdreg $0x9  }
0x28: {  	_ =	task.clear_ibuf [dreg:s6], $0x4FFFF;
	_ =	strace $0x90000049  }
0x29: {  	s29 =	simm.s32 $0x9;
	_ =	strace $0x8000004B  }
0x2a: {  	_ =	swait.ge [sflag:s29], $0x1  }
0x2b: {  	[sflag:s29] =	ssyncadd.s32 $0xFFFFFFFF  }
0x2c: {  	_ =	strace $0x9000004B  }
0x2d: {  	_ =	sfence  }
0x2e: {  	s30 =	sld [smem:$0x0];
	_ =	sdelay $0x2  }
0x2f: {  	s31 =	sshll.u32 s3, $0xD;
	s3 =	sshrl.u32 s3, $0x2  }
0x30: {  	s2 =	sand.u32 $0x4000, s31;
	s1 =	sadd.s32 s3, s30  }
0x31: {  	s0 =	sor.u32 s2, s0;
	s1 =	sshll.u32 s1, $0x11  }
0x32: {  	s0 =	sor.u32 s1, s0  }
0x33: {  	s0 =	sadd.s32 $0x8F2B, s0  }
0x34: {  	[sflag:s0] =	ssyncadd.remote.s32 $0x1  }
0x35: {  	_ =	sfence.sel $0xFFFF  }
0x36: {  	[dreg:$0x0] =	wrdreg $0xFFFFFFFF;
	(pc) =	sbr.abs _section_cstart, $3  }
0x37: {  	[dreg:$0x1] =	wrdreg $0xFFFFFFFF  }
0x38: {  	_ =	task.clear_ibuf [dreg:s6], $0x2FFFF;
	_ =	strace $0x9FFFFFFF  }
0x39: {  	(tm) =	ssettm $0x7FFFFFFF  }
tec
execute0_lowered:
.L_overlay_start_1:
0x0: {  	(tag) =	ssettag $0x1  }
0x1: {  	s0 =	srdreg.scid  }
0x2: {  	s5 =	rddreg [dreg:$0x0];
	s1 =	stileid.u32;
	s4 =	simm.s32 $0x1  }
0x3: {  	s6 =	simm.s32 $0x2;
	s8 =	simm.s32 $0x0;
	s2 =	sshll.u32 s0, $0x4  }
0x4: {  	s9 =	simm.s32 $0x0;
	s13 =	simm.s32 $0x0;
	s2 =	sand.u32 $0x10, s2  }
.Ltmp0:
0x5: {  	s10 =	simm.s32 $0x0;
	s3 =	sor.u32 s1, s2;
	(pc) =	sbr.rel .LBB1_1-.Ltmp0, $4  }
0x6: {  	s0 =	rddreg [dreg:$0x1];
	_ =	strace $0x8000004A;
	s3 =	sshll.u32 s3, $0x4  }
0x7: {  	s12 =	simm.s32 $0x0;
	[sflag:s4] =	ssyncpa.u1 $0x0;
	s7 =	ssub.s32 $0x2490, s3  }
0x8: {  	s2 =	sadd.s32 $0x1A6C00, s5;
	[sflag:s6] =	ssyncpa.u1 $0x0;
	s6 =	sshrl.u32 s7, $0x9  }
0x9: {  	s5 =	sadd.s32 $0x2CBC00, s5;
	s11 =	smov.u32 s3;
	s7 =	sadd.s32 $0x2, s6  }
.LBB1_7:
0xa: {  	s15 =	sshll.u32 s12, $0xF  }
0xb: {  	s15 =	sand.u32 $0x8000, s15  }
0xc: {  	s16 =	sshll.u32 s10, $0x7;
	s15 =	sshrl.u32 s15, $0x1  }
0xd: {  	s16 =	sadd.s32 s5, s16;
	s15 =	sor.u32 $0x8000, s15  }
0xe: {  	[hbm4b:s16+s8] =	stream.linear.scatter [tilespmem:s15], [sflag:$0x2], s14, $0x38;
	[tilespmem:$0x10000] =	vst v63  }
.LBB1_8:
0xf: {  	p0 =	slt.u32 s12, $0x2  }
0x10: {  	p1 =	sgt.s32 @!p0 s13, $0x248F  }
0x11: {  	s14 =	smov.u32 s13;
	s15 =	sshra.s32 @!p0 s13, $0x1F;
	p1 =	por !p1, p0  }
0x12: {  	s13 =	sand.u32 @!p0 s15, s13;
	s14 =	simm.s32 @p1 $0x248F  }
0x13: {  	s13 =	ssub.s32 @!p0 s14, s13  }
0x14: {  	s13 =	sadd.s32 @!p0 $0xFFFFDB71, s13  }
0x15: {  	s14 =	sshll.u32 @!p0 s13, $0xC  }
0x16: {  	p1 =	sgt.s32 @!p0 s13, $0xF;
	s13 =	ssub.s32 @!p0 $0x10000, s14  }
0x17: {  	s15 =	sadd.s32 $0x200, s11;
	p1 =	por !p1, p0;
	s13 =	sshrl.u32 @!p0 s13, $0x2  }
0x18: {  	s13 =	simm.s32 @!p1 $0x0;
	p1 =	sgt.s32 s15, $0x249E  }
0x19: {  	s15 =	smov.u32 @p1 s3;
	p1 =	sne.s32 s12, s7  }
.Ltmp1:
0x1a: {  	_ = 	snop;
	(pc) =	sbr.rel @!p1 .LBB1_9-.Ltmp1, $4  }
0x1b: {  	s14 =	simm.s32 @!p0 $0x2  }
0x1c: {  	s9 =	sadd.s32 $0x8000, s9;
	_ =	swait.ge @!p0 [sflag:s14], s13;
	s16 =	ssub.s32 @!p0 $0x0, s13  }
0x1d: {  	s13 =	smov.u32 s10;
	s12 =	sadd.s32 $0x1, s12;
	[sflag:s14] =	ssyncset.done @!p0 $0x0  }
0x1e: {  	s10 =	smov.u32 s11;
	s11 =	smov.u32 s15;
	[sflag:s14] =	ssyncadd.s32 @!p0 s16  }
.LBB1_1:
0x1f: {  	p0 =	sgt.u32 s12, s6  }
0x20: {  	p1 =	sgt.s32 @!p0 s11, $0x248F  }
0x21: {  	s14 =	smov.u32 s11;
	s15 =	sshra.s32 @!p0 s11, $0x1F;
	p1 =	por !p1, p0  }
0x22: {  	s15 =	sand.u32 @!p0 s15, s11;
	s14 =	simm.s32 @p1 $0x248F  }
0x23: {  	s14 =	ssub.s32 @!p0 s14, s15  }
0x24: {  	s14 =	sadd.s32 @!p0 $0xFFFFDB71, s14  }
0x25: {  	s16 =	sshll.u32 @!p0 s11, $0x7;
	s17 =	simm.s32 @!p0 $0x0;
	s15 =	sshll.u32 @!p0 s14, $0xC  }
0x26: {  	p1 =	sgt.s32 @!p0 s14, $0xF;
	s14 =	ssub.s32 @!p0 $0x10000, s15;
	s15 =	sxor.u32 @!p0 $0xFFFFFFFF, s12  }
0x27: {  	p1 =	por !p1, p0;
	s14 =	sshrl.u32 @!p0 s14, $0x2;
	s15 =	sshll.u32 @!p0 s15, $0xE  }
0x28: {  	s16 =	sadd.s32 @!p0 s2, s16;
	s14 =	simm.s32 @!p1 $0x0;
	s15 =	sand.u32 @!p0 $0x4000, s15  }
0x29: {  	[tilespmem:s15], [sflag:$0x1] =	stream.linear.gather @!p0 [hbm4b:s16+s17], s14, $0x38;
	[tilespmem:$0x10000] =	vst v63  }
0x2a: {  	p0 =	seq.s32 s12, $0x0  }
0x2b: {  	p1 =	sge.u32 @!p0 s12, s7  }
0x2c: {  	p0 =	por p0, p1  }
.Ltmp2:
0x2d: {  	_ = 	snop;
	(pc) =	sbr.rel @p0 .LBB1_8-.Ltmp2, $1  }
0x2e: {  	_ =	sdelay $0x3  }
0x2f: {  	p0 =	sgt.s32 s10, $0x248F;
	s14 =	smov.u32 s10;
	s15 =	sshra.s32 s10, $0x1F  }
0x30: {  	s14 =	simm.s32 @!p0 $0x248F;
	s15 =	sand.u32 s15, s10  }
0x31: {  	s14 =	ssub.s32 s14, s15  }
0x32: {  	s16 =	sadd.s32 $0x10, s10;
	s14 =	sadd.s32 $0xFFFFDB71, s14  }
0x33: {  	p1 =	slt.s32 s16, $0x249F;
	s30 =	sshll.u32 s14, $0xC  }
0x34: {  	s16 =	simm.s32 @!p1 $0x249F;
	s15 =	ssub.s32 $0x10000, s30  }
0x35: {  	p0 =	sgt.s32 s14, $0xF;
	s14 =	sshrl.u32 s15, $0x2;
	s15 =	ssub.s32 s16, s10  }
0x36: {  	s14 =	simm.s32 @p0 $0x0;
	p0 =	slt.s32 s15, $0x1  }
.Ltmp3:
0x37: {  	_ = 	snop;
	(pc) =	sbr.rel @p0 .LBB1_7-.Ltmp3, $4  }
0x38: {  	_ = 	snop  }
0x39: {  	_ =	swait.ge [sflag:s4], s14  }
0x3a: {  	s31 =	ssub.s32 $0x0, s14;
	[sflag:s4] =	ssyncset.done $0x0  }
0x3b: {  	[sflag:s4] =	ssyncadd.s32 s31  }
0x3c: {  	s16 =	sshrl.u32 s9, $0x1  }
0x3d: {  	s17 =	sand.u32 $0x4000, s16  }
0x3e: {  	s18 =	simm.s32 $0x0;
	s16 =	sor.u32 $0x200, s17;
	s17 =	sor.u32 $0x8080, s17  }
.LBB1_4:
0x3f: {  	v0 =	vld [tilespmem:s16+$0xFFFFFE70]  }
0x40: {  	v1 =	vld [tilespmem:s16+$0x70]  }
0x41: {  	v2 =	vld [tilespmem:s16+$0x0]  }
0x42: {  	v3 =	vld [tilespmem:s16+$0xFFFFFE10]  }
0x43: {  	v4 =	vld [tilespmem:s16+$0x10]  }
0x44: {  	v5 =	vld [tilespmem:s16+$0xFFFFFE20]  }
0x45: {  	v7 =	vld [tilespmem:s16+$0x20]  }
0x46: {  	v11 =	vld [tilespmem:s16+$0x30];
	v6 =	vunpack.i.l.s16.s32 v0;
	v8 =	vunpack.i.u.s16.s32 v0;
	v9 =	vunpack.i.u.s16.s32 v1  }
0x47: {  	v10 =	vunpack.i.l.s16.s32 v1;
	v0 =	vunpack.i.u.s16.s32 v2;
	v1 =	vunpack.i.l.s16.s32 v2;
	v2 =	vld [tilespmem:s16+$0xFFFFFE30]  }
0x48: {  	v8 =	vpack.i.b32.b16 v9, v8;
	v9 =	vunpack.i.u.s16.s32 v3;
	v3 =	vunpack.i.l.s16.s32 v3  }
0x49: {  	v12 =	vld [tilespmem:s16+$0xFFFFFE40];
	v6 =	vpack.i.b32.b16 v10, v6;
	[tilespmem:s17+$0x70] =	vst v8;
	v8 =	vunpack.i.u.s16.s32 v4;
	v4 =	vunpack.i.l.s16.s32 v4  }
0x4a: {  	v13 =	vld [tilespmem:s16+$0x40];
	v10 =	vunpack.i.u.s16.s32 v5;
	v5 =	vunpack.i.l.s16.s32 v5;
	[tilespmem:s17+$0xFFFFFFF0] =	vst v6;
	v3 =	vpack.i.b32.b16 v4, v3  }
0x4b: {  	v6 =	vunpack.i.l.s16.s32 v7;
	v4 =	vld [tilespmem:s16+$0xFFFFFE50];
	[tilespmem:s17+$0xFFFFFF90] =	vst v3;
	v3 =	vpack.i.b32.b16 v8, v9;
	v8 =	vunpack.i.u.s16.s32 v7  }
0x4c: {  	v7 =	vunpack.i.l.s16.s32 v11;
	[tilespmem:s17+$0x10] =	vst v3;
	v3 =	vpack.i.b32.b16 v6, v5;
	v9 =	vunpack.i.u.s16.s32 v2;
	v6 =	vld [tilespmem:s16+$0x50]  }
0x4d: {  	v5 =	vunpack.i.l.s16.s32 v2;
	v2 =	vld [tilespmem:s16+$0xFFFFFE60];
	[tilespmem:s17+$0xFFFFFFA0] =	vst v3;
	v3 =	vpack.i.b32.b16 v8, v10;
	v10 =	vunpack.i.u.s16.s32 v11  }
0x4e: {  	s21 =	simm.s32 $0x0;
	v11 =	vpack.i.b32.b16 v7, v5;
	v7 =	vunpack.i.u.s16.s32 v12;
	v8 =	vunpack.i.l.s16.s32 v12;
	[tilespmem:s17+$0x20] =	vst v3;
	v3 =	vld [tilespmem:s16+$0x60]  }
0x4f: {  	s22 =	sadd.s32 $0x80, s16;
	s20 =	smov.u32 s17;
	s19 =	smov.u32 s17;
	v5 =	vld [tilespmem:s16+$0xFFFFFE00];
	[tilespmem:s17+$0xFFFFFFB0] =	vst v11;
	v10 =	vpack.i.b32.b16 v10, v9;
	v9 =	vunpack.i.u.s16.s32 v13;
	v11 =	vunpack.i.l.s16.s32 v13  }
.LBB1_5:
0x50: {  	v12 =	vld [tilespmem:s22+$0xFFFFFE70];
	[tilespmem:s20+$0x30] =	vst v10;
	v8 =	vpack.i.b32.b16 v11, v8;
	v10 =	vunpack.i.u.s16.s32 v4;
	v4 =	vunpack.i.l.s16.s32 v4  }
0x51: {  	s21 =	sadd.s32 $0x2, s21;
	v7 =	vpack.i.b32.b16 v9, v7;
	v11 =	vld [tilespmem:s22+$0x70];
	[tilespmem:s20+$0xFFFFFFC0] =	vst v8;
	v8 =	vunpack.i.u.s16.s32 v6;
	v6 =	vunpack.i.l.s16.s32 v6  }
0x52: {  	p0 =	slt.u32 s21, $0x6;
	v9 =	vld [tilespmem:s22+$0x0];
	[tilespmem:s20+$0x40] =	vst v7;
	v4 =	vpack.i.b32.b16 v6, v4;
	v6 =	vunpack.i.u.s16.s32 v2;
	v2 =	vunpack.i.l.s16.s32 v2  }
0x53: {  	v7 =	vld [tilespmem:s22+$0xFFFFFE10];
	[tilespmem:s20+$0xFFFFFFD0] =	vst v4;
	v4 =	vpack.i.b32.b16 v8, v10;
	v8 =	vunpack.i.u.s16.s32 v3;
	v3 =	vunpack.i.l.s16.s32 v3  }
0x54: {  	v10 =	vld [tilespmem:s22+$0x10];
	v13 =	vunpack.i.u.s16.s32 v5;
	v5 =	vunpack.i.l.s16.s32 v5;
	[tilespmem:s20+$0x50] =	vst v4;
	v2 =	vpack.i.b32.b16 v3, v2  }
0x55: {  	v3 =	vld [tilespmem:s22+$0xFFFFFE20];
	v4 =	vunpack.i.l.s16.s32 v12;
	v1 =	vpack.i.b32.b16 v1, v5;
	v5 =	vpack.i.b32.b16 v0, v13;
	[tilespmem:s20+$0xFFFFFFE0] =	vst v2  }
0x56: {  	v12 =	vunpack.i.u.s16.s32 v12;
	v2 =	vld [tilespmem:s22+$0x20];
	v13 =	vunpack.i.u.s16.s32 v11;
	v11 =	vunpack.i.l.s16.s32 v11;
	[tilespmem:s20+$0xFFFFFF80] =	vst v1  }
0x57: {  	s20 =	sadd.s32 $0x100, s20;
	v0 =	vunpack.i.u.s16.s32 v9;
	v1 =	vunpack.i.l.s16.s32 v9;
	v9 =	vld [tilespmem:s22+$0xFFFFFE30];
	v12 =	vpack.i.b32.b16 v13, v12;
	[tilespmem:s19+$0x0] =	vst v5  }
0x58: {  	v6 =	vpack.i.b32.b16 v8, v6;
	v5 =	vunpack.i.u.s16.s32 v7;
	v7 =	vunpack.i.l.s16.s32 v7;
	v13 =	vld [tilespmem:s22+$0x30];
	[tilespmem:s20+$0x70] =	vst v12  }
0x59: {  	v4 =	vpack.i.b32.b16 v11, v4;
	v8 =	vunpack.i.u.s16.s32 v10;
	v10 =	vunpack.i.l.s16.s32 v10;
	v12 =	vld [tilespmem:s22+$0xFFFFFE40];
	[tilespmem:s19+$0x60] =	vst v6;
	s19 =	smov.u32 s20  }
0x5a: {  	v6 =	vpack.i.b32.b16 v10, v7;
	v7 =	vunpack.i.u.s16.s32 v3;
	v3 =	vunpack.i.l.s16.s32 v3;
	v11 =	vld [tilespmem:s22+$0x40];
	[tilespmem:s20+$0xFFFFFFF0] =	vst v4  }
.Ltmp4:
0x5b: {  	v5 =	vpack.i.b32.b16 v8, v5;
	[tilespmem:s20+$0xFFFFFF90] =	vst v6;
	v8 =	vunpack.i.u.s16.s32 v2;
	v2 =	vunpack.i.l.s16.s32 v2;
	v4 =	vld [tilespmem:s22+$0xFFFFFE50];
	(pc) =	sbr.rel @p0 .LBB1_5-.Ltmp4, $4  }
0x5c: {  	[tilespmem:s20+$0x10] =	vst v5;
	v2 =	vpack.i.b32.b16 v2, v3;
	v10 =	vunpack.i.u.s16.s32 v9;
	v3 =	vunpack.i.l.s16.s32 v9;
	v6 =	vld [tilespmem:s22+$0x50]  }
0x5d: {  	v5 =	vpack.i.b32.b16 v8, v7;
	[tilespmem:s20+$0xFFFFFFA0] =	vst v2;
	v9 =	vunpack.i.u.s16.s32 v13;
	v7 =	vunpack.i.l.s16.s32 v13;
	v2 =	vld [tilespmem:s22+$0xFFFFFE60]  }
0x5e: {  	[tilespmem:s20+$0x20] =	vst v5;
	v13 =	vpack.i.b32.b16 v7, v3;
	v7 =	vunpack.i.u.s16.s32 v12;
	v8 =	vunpack.i.l.s16.s32 v12;
	v3 =	vld [tilespmem:s22+$0x60]  }
0x5f: {  	v10 =	vpack.i.b32.b16 v9, v10;
	v5 =	vld [tilespmem:s22+$0xFFFFFE00];
	[tilespmem:s20+$0xFFFFFFB0] =	vst v13;
	v9 =	vunpack.i.u.s16.s32 v11;
	v11 =	vunpack.i.l.s16.s32 v11;
	s22 =	sadd.s32 $0x80, s22  }
0x60: {  	[tilespmem:s20+$0x30] =	vst v10;
	v8 =	vpack.i.b32.b16 v11, v8  }
0x61: {  	v51 =	vunpack.i.l.s16.s32 v4;
	v7 =	vpack.i.b32.b16 v9, v7;
	[tilespmem:s20+$0xFFFFFFC0] =	vst v8;
	v52 =	vunpack.i.l.s16.s32 v6  }
0x62: {  	v53 =	vunpack.i.u.s16.s32 v4;
	s18 =	sadd.s32 $0x1, s18;
	v54 =	vunpack.i.u.s16.s32 v6;
	[tilespmem:s20+$0x40] =	vst v7;
	v55 =	vpack.i.b32.b16 v52, v51  }
0x63: {  	p0 =	sne.s32 s18, s15;
	v56 =	vunpack.i.l.s16.s32 v2;
	v4 =	vpack.i.b32.b16 v54, v53;
	[tilespmem:s20+$0xFFFFFFD0] =	vst v55;
	v57 =	vunpack.i.l.s16.s32 v3  }
.Ltmp5:
0x64: {  	[tilespmem:s20+$0x50] =	vst v4;
	v58 =	vunpack.i.l.s16.s32 v5;
	v59 =	vpack.i.b32.b16 v57, v56;
	(pc) =	sbr.rel @p0 .LBB1_4-.Ltmp5, $4  }
.Ltmp6:
0x65: {  	v61 =	vunpack.i.u.s16.s32 v2;
	v62 =	vunpack.i.u.s16.s32 v3;
	v1 =	vpack.i.b32.b16 v1, v58;
	[tilespmem:s20+$0xFFFFFFE0] =	vst v59;
	(pc) =	sbr.rel @!p0 .LBB1_7-.Ltmp6, $4  }
0x66: {  	v60 =	vunpack.i.u.s16.s32 v5;
	v63 =	vpack.i.b32.b16 v62, v61;
	[tilespmem:s20+$0xFFFFFF80] =	vst v1  }
0x67: {  	v0 =	vpack.i.b32.b16 v0, v60;
	[tilespmem:s19+$0x60] =	vst v63  }
0x68: {  	s16 =	sadd.s32 $0x400, s16;
	s17 =	sadd.s32 $0x400, s17;
	[tilespmem:s19+$0x0] =	vst v0  }
0x69: {  	_ = 	snop  }
.LBB1_9:
0x6a: {  	_ =	sfence.sel $0x180000  }
0x6b: {  	s2 =	simm.s32 $0x1;
	[bflag:$0x0] =	sbarrier.arrive $0xFFFF  }
0x6c: {  	s31 =	simm.s32 $0x2;
	[sflag:s2] =	ssyncpa.u1 $0x1  }
0x6d: {  	[sflag:s31] =	ssyncpa.u1 $0x1  }
0x6e: {  	p0 =	sne.s32 s1, $0x0;
	_ =	strace $0x9000004A  }
0x6f: {  	s0 =	sadd.s32 @!p0 $0x100000, s0;
	[bflag:$0x2] =	sbarrier.arrive $0xFFFF  }
0x70: {  	[sflag:s0] =	ssyncadd.tile.s32 @!p0 $0x1;
	_ =	shalt  }
.Lfunc_end1:
_tile_overlayer_lowered:
.L_overlay_start_2:
0x71: {  	(tag) =	ssettag $0x2  }
0x72: {  	s0 =	rddreg [dreg:$0x0];
	s2 =	stileid.u32  }
0x73: {  	s1 =	rddreg [dreg:$0x1];
	p0 =	sne.s32 s2, $0x0  }
0x74: {  	s3 =	rddreg [dreg:$0x2];
	[bflag:$0x3] =	sbarrier.arrive $0xFFFF;
	s2 =	simm.s32 @!p0 $0x1C01  }
0x75: {  	[timem:s3], [sflag:s2] =	dma.local @!p0 [hbm:s0], s1  }
0x76: {  	s0 =	simm.s32 @!p0 $0x1  }
0x77: {  	_ =	swait.ge @!p0 [sflag:s0], s1  }
0x78: {  	s1 =	ssub.s32 @!p0 $0x0, s1;
	[sflag:s0] =	ssyncset.done @!p0 $0x0  }
0x79: {  	[sflag:s0] =	ssyncadd.s32 @!p0 s1  }
0x7a: {  	[bflag:$0x3] =	sbarrier.arrive $0xFFFF  }
0x7b: {  	_ =	shalt  }

// kernel: sparse-core-data-format-call.cloned.1.call-start
scs
called_computation_lowered:
.L_overlay_start_0:
0x0: {  	s1 =	sld [smem:$0x3FD9]  }
0x1: {  	s2 =	sld [smem:$0x3FFE];
	_ =	sdelay $0x1  }
0x2: {  	s3 =	srdreg.scid  }
0x3: {  	s0 =	sand.u32 $0x1, s3  }
0x4: {  	s17 =	sshll.u32 s0, $0xA;
	s1 =	sadd.s32 s2, s1  }
0x5: {  	s1 =	sadd.s32 s1, s17  }
0x6: {  	[smem:$0x3FC0] =	sst s1  }
0x7: {  	_ = 	snop  }
0x8: {  	(tm) =	ssettm $0x1  }
0x9: {  	s18 =	sld [smem:$0x3FFB];
	_ =	sdelay $0x3  }
0xa: {  	_ =	strace s18  }
0xb: {  	s1 =	sld [smem:$0x3FFC];
	_ =	sdelay $0x3  }
0xc: {  	_ =	strace s1  }
0xd: {  	s1 =	sld [smem:$0x3FFD];
	_ =	sdelay $0x3  }
0xe: {  	_ =	strace s1  }
0xf: {  	_ =	strace $0x8FFFFFFF  }
0x10: {  	s19 =	sld [smem:$0x3FDB];
	_ =	sdelay $0x1  }
0x11: {  	s20 =	simm.s32 $_scs_section_size  }
0x12: {  	s4 =	simm.s32 $_size__tile_overlayer_lowered;
	s5 =	simm.s32 $_tile_overlayer_lowered  }
0x13: {  	s23 =	simm.s32 $0x1BFF;
	s22 =	sshll.u32 s5, $0x1;
	s1 =	sadd.s32 s20, s19  }
0x14: {  	s6 =	simm.s32 $0x0;
	s21 =	sshll.u32 s4, $0x1;
	s4 =	sadd.s32 s22, s1  }
0x15: {  	[timem:s6], [sflag:s23] =	dma.local [hbm:s4], s21  }
0x16: {  	_ =	swait.ge [sflag:s23], s21  }
0x17: {  	s2 =	ssub.s32 $0x0, s21;
	[sflag:s23] =	ssyncset.done $0x0  }
0x18: {  	[sflag:s23] =	ssyncadd.s32 s2;
	_ =	sdelay $0x1  }
0x19: {  	s24 =	simm.s32 $0x1B8B  }
0x1a: {  	_ =	swait.ge [sflag:s24], $0x1  }
0x1b: {  	[sflag:s24] =	ssyncset.done $0x0  }
0x1c: {  	s26 =	simm.s32 $0x1B8E;
	s25 =	sld [smem:$0x3FFE];
	[sflag:s24] =	ssyncadd.s32 $0xFFFFFFFF  }
0x1d: {  	s27 =	simm.s32 $execute0_lowered;
	[smem:$0x3FD2] =	sst s26  }
0x1e: {  	s4 =	sshll.u32 s27, $0x1;
	_ =	strace $0x8000004F;
	[dreg:$0x1] =	wrdreg $0xFFFFFFFF  }
0x1f: {  	s28 =	simm.s32 $_size_execute0_lowered;
	s1 =	sadd.s32 s1, s4;
	[dreg:$0x0] =	wrdreg $0x0  }
0x20: {  	s4 =	sshll.u32 s28, $0x1;
	[dreg:$0x2] =	wrdreg s1  }
0x21: {  	[dreg:$0x3] =	wrdreg s4  }
0x22: {  	[dreg:$0x4] =	wrdreg $0xC0  }
0x23: {  	_ =	task [dreg:s6], $0x5FFFF  }
0x24: {  	[dreg:$0x1] =	wrdreg $0xFFFFFFFF  }
0x25: {  	[dreg:$0x0] =	wrdreg $0x60  }
0x26: {  	[dreg:$0x2] =	wrdreg s25  }
0x27: {  	[dreg:$0x3] =	wrdreg $0x9  }
0x28: {  	_ =	task.clear_ibuf [dreg:s6], $0x4FFFF;
	_ =	strace $0x9000004F  }
0x29: {  	s29 =	simm.s32 $0x9;
	_ =	strace $0x80000051  }
0x2a: {  	_ =	swait.ge [sflag:s29], $0x1  }
0x2b: {  	[sflag:s29] =	ssyncadd.s32 $0xFFFFFFFF  }
0x2c: {  	_ =	strace $0x90000051  }
0x2d: {  	_ =	sfence  }
0x2e: {  	s30 =	sld [smem:$0x0];
	_ =	sdelay $0x2  }
0x2f: {  	s31 =	sshll.u32 s3, $0xD;
	s3 =	sshrl.u32 s3, $0x2  }
0x30: {  	s2 =	sand.u32 $0x4000, s31;
	s1 =	sadd.s32 s3, s30  }
0x31: {  	s0 =	sor.u32 s2, s0;
	s1 =	sshll.u32 s1, $0x11  }
0x32: {  	s0 =	sor.u32 s1, s0  }
0x33: {  	s0 =	sadd.s32 $0x8F2B, s0  }
0x34: {  	[sflag:s0] =	ssyncadd.remote.s32 $0x1  }
0x35: {  	_ =	sfence.sel $0xFFFF  }
0x36: {  	[dreg:$0x0] =	wrdreg $0xFFFFFFFF;
	(pc) =	sbr.abs _section_cstart, $3  }
0x37: {  	[dreg:$0x1] =	wrdreg $0xFFFFFFFF  }
0x38: {  	_ =	task.clear_ibuf [dreg:s6], $0x2FFFF;
	_ =	strace $0x9FFFFFFF  }
0x39: {  	(tm) =	ssettm $0x7FFFFFFF  }
tec
execute0_lowered:
.L_overlay_start_1:
0x0: {  	(tag) =	ssettag $0x1  }
0x1: {  	s0 =	srdreg.scid  }
0x2: {  	s5 =	rddreg [dreg:$0x0];
	s1 =	stileid.u32;
	s4 =	simm.s32 $0x1  }
0x3: {  	s6 =	simm.s32 $0x2;
	s8 =	simm.s32 $0x0;
	s2 =	sshll.u32 s0, $0x4  }
0x4: {  	s9 =	simm.s32 $0x0;
	s13 =	simm.s32 $0x0;
	s2 =	sand.u32 $0x10, s2  }
.Ltmp0:
0x5: {  	s10 =	simm.s32 $0x0;
	s3 =	sor.u32 s1, s2;
	(pc) =	sbr.rel .LBB1_1-.Ltmp0, $4  }
0x6: {  	s0 =	rddreg [dreg:$0x1];
	_ =	strace $0x80000050;
	s3 =	sshll.u32 s3, $0x4  }
0x7: {  	s12 =	simm.s32 $0x0;
	[sflag:s4] =	ssyncpa.u1 $0x0;
	s7 =	ssub.s32 $0x2490, s3  }
0x8: {  	s2 =	sadd.s32 $0x1A6C00, s5;
	[sflag:s6] =	ssyncpa.u1 $0x0;
	s6 =	sshrl.u32 s7, $0x9  }
0x9: {  	s5 =	sadd.s32 $0x2CBC00, s5;
	s11 =	smov.u32 s3;
	s7 =	sadd.s32 $0x2, s6  }
.LBB1_7:
0xa: {  	s15 =	sshll.u32 s12, $0xF  }
0xb: {  	s15 =	sand.u32 $0x8000, s15  }
0xc: {  	s16 =	sshll.u32 s10, $0x7;
	s15 =	sshrl.u32 s15, $0x1  }
0xd: {  	s16 =	sadd.s32 s5, s16;
	s15 =	sor.u32 $0x8000, s15  }
0xe: {  	[hbm4b:s16+s8] =	stream.linear.scatter [tilespmem:s15], [sflag:$0x2], s14, $0x38;
	[tilespmem:$0x10000] =	vst v63  }
.LBB1_8:
0xf: {  	p0 =	slt.u32 s12, $0x2  }
0x10: {  	p1 =	sgt.s32 @!p0 s13, $0x248F  }
0x11: {  	s14 =	smov.u32 s13;
	s15 =	sshra.s32 @!p0 s13, $0x1F;
	p1 =	por !p1, p0  }
0x12: {  	s13 =	sand.u32 @!p0 s15, s13;
	s14 =	simm.s32 @p1 $0x248F  }
0x13: {  	s13 =	ssub.s32 @!p0 s14, s13  }
0x14: {  	s13 =	sadd.s32 @!p0 $0xFFFFDB71, s13  }
0x15: {  	s14 =	sshll.u32 @!p0 s13, $0xC  }
0x16: {  	p1 =	sgt.s32 @!p0 s13, $0xF;
	s13 =	ssub.s32 @!p0 $0x10000, s14  }
0x17: {  	s15 =	sadd.s32 $0x200, s11;
	p1 =	por !p1, p0;
	s13 =	sshrl.u32 @!p0 s13, $0x2  }
0x18: {  	s13 =	simm.s32 @!p1 $0x0;
	p1 =	sgt.s32 s15, $0x249E  }
0x19: {  	s15 =	smov.u32 @p1 s3;
	p1 =	sne.s32 s12, s7  }
.Ltmp1:
0x1a: {  	_ = 	snop;
	(pc) =	sbr.rel @!p1 .LBB1_9-.Ltmp1, $4  }
0x1b: {  	s14 =	simm.s32 @!p0 $0x2  }
0x1c: {  	s9 =	sadd.s32 $0x8000, s9;
	_ =	swait.ge @!p0 [sflag:s14], s13;
	s16 =	ssub.s32 @!p0 $0x0, s13  }
0x1d: {  	s13 =	smov.u32 s10;
	s12 =	sadd.s32 $0x1, s12;
	[sflag:s14] =	ssyncset.done @!p0 $0x0  }
0x1e: {  	s10 =	smov.u32 s11;
	s11 =	smov.u32 s15;
	[sflag:s14] =	ssyncadd.s32 @!p0 s16  }
.LBB1_1:
0x1f: {  	p0 =	sgt.u32 s12, s6  }
0x20: {  	p1 =	sgt.s32 @!p0 s11, $0x248F  }
0x21: {  	s14 =	smov.u32 s11;
	s15 =	sshra.s32 @!p0 s11, $0x1F;
	p1 =	por !p1, p0  }
0x22: {  	s15 =	sand.u32 @!p0 s15, s11;
	s14 =	simm.s32 @p1 $0x248F  }
0x23: {  	s14 =	ssub.s32 @!p0 s14, s15  }
0x24: {  	s14 =	sadd.s32 @!p0 $0xFFFFDB71, s14  }
0x25: {  	s16 =	sshll.u32 @!p0 s11, $0x7;
	s17 =	simm.s32 @!p0 $0x0;
	s15 =	sshll.u32 @!p0 s14, $0xC  }
0x26: {  	p1 =	sgt.s32 @!p0 s14, $0xF;
	s14 =	ssub.s32 @!p0 $0x10000, s15;
	s15 =	sxor.u32 @!p0 $0xFFFFFFFF, s12  }
0x27: {  	p1 =	por !p1, p0;
	s14 =	sshrl.u32 @!p0 s14, $0x2;
	s15 =	sshll.u32 @!p0 s15, $0xE  }
0x28: {  	s16 =	sadd.s32 @!p0 s2, s16;
	s14 =	simm.s32 @!p1 $0x0;
	s15 =	sand.u32 @!p0 $0x4000, s15  }
0x29: {  	[tilespmem:s15], [sflag:$0x1] =	stream.linear.gather @!p0 [hbm4b:s16+s17], s14, $0x38;
	[tilespmem:$0x10000] =	vst v63  }
0x2a: {  	p0 =	seq.s32 s12, $0x0  }
0x2b: {  	p1 =	sge.u32 @!p0 s12, s7  }
0x2c: {  	p0 =	por p0, p1  }
.Ltmp2:
0x2d: {  	_ = 	snop;
	(pc) =	sbr.rel @p0 .LBB1_8-.Ltmp2, $1  }
0x2e: {  	_ =	sdelay $0x3  }
0x2f: {  	p0 =	sgt.s32 s10, $0x248F;
	s14 =	smov.u32 s10;
	s15 =	sshra.s32 s10, $0x1F  }
0x30: {  	s14 =	simm.s32 @!p0 $0x248F;
	s15 =	sand.u32 s15, s10  }
0x31: {  	s14 =	ssub.s32 s14, s15  }
0x32: {  	s16 =	sadd.s32 $0x10, s10;
	s14 =	sadd.s32 $0xFFFFDB71, s14  }
0x33: {  	p1 =	slt.s32 s16, $0x249F;
	s30 =	sshll.u32 s14, $0xC  }
0x34: {  	s16 =	simm.s32 @!p1 $0x249F;
	s15 =	ssub.s32 $0x10000, s30  }
0x35: {  	p0 =	sgt.s32 s14, $0xF;
	s14 =	sshrl.u32 s15, $0x2;
	s15 =	ssub.s32 s16, s10  }
0x36: {  	s14 =	simm.s32 @p0 $0x0;
	p0 =	slt.s32 s15, $0x1  }
.Ltmp3:
0x37: {  	_ = 	snop;
	(pc) =	sbr.rel @p0 .LBB1_7-.Ltmp3, $4  }
0x38: {  	_ = 	snop  }
0x39: {  	_ =	swait.ge [sflag:s4], s14  }
0x3a: {  	s31 =	ssub.s32 $0x0, s14;
	[sflag:s4] =	ssyncset.done $0x0  }
0x3b: {  	[sflag:s4] =	ssyncadd.s32 s31  }
0x3c: {  	s16 =	sshrl.u32 s9, $0x1  }
0x3d: {  	s17 =	sand.u32 $0x4000, s16  }
0x3e: {  	s18 =	simm.s32 $0x0;
	s16 =	sor.u32 $0x200, s17;
	s17 =	sor.u32 $0x8080, s17  }
.LBB1_4:
0x3f: {  	v0 =	vld [tilespmem:s16+$0xFFFFFE70]  }
0x40: {  	v1 =	vld [tilespmem:s16+$0x70]  }
0x41: {  	v2 =	vld [tilespmem:s16+$0x0]  }
0x42: {  	v3 =	vld [tilespmem:s16+$0xFFFFFE10]  }
0x43: {  	v4 =	vld [tilespmem:s16+$0x10]  }
0x44: {  	v5 =	vld [tilespmem:s16+$0xFFFFFE20]  }
0x45: {  	v7 =	vld [tilespmem:s16+$0x20]  }
0x46: {  	v11 =	vld [tilespmem:s16+$0x30];
	v6 =	vunpack.i.l.s16.s32 v0;
	v8 =	vunpack.i.u.s16.s32 v0;
	v9 =	vunpack.i.u.s16.s32 v1  }
0x47: {  	v10 =	vunpack.i.l.s16.s32 v1;
	v0 =	vunpack.i.u.s16.s32 v2;
	v1 =	vunpack.i.l.s16.s32 v2;
	v2 =	vld [tilespmem:s16+$0xFFFFFE30]  }
0x48: {  	v8 =	vpack.i.b32.b16 v9, v8;
	v9 =	vunpack.i.u.s16.s32 v3;
	v3 =	vunpack.i.l.s16.s32 v3  }
0x49: {  	v12 =	vld [tilespmem:s16+$0xFFFFFE40];
	v6 =	vpack.i.b32.b16 v10, v6;
	[tilespmem:s17+$0x70] =	vst v8;
	v8 =	vunpack.i.u.s16.s32 v4;
	v4 =	vunpack.i.l.s16.s32 v4  }
0x4a: {  	v13 =	vld [tilespmem:s16+$0x40];
	v10 =	vunpack.i.u.s16.s32 v5;
	v5 =	vunpack.i.l.s16.s32 v5;
	[tilespmem:s17+$0xFFFFFFF0] =	vst v6;
	v3 =	vpack.i.b32.b16 v4, v3  }
0x4b: {  	v6 =	vunpack.i.l.s16.s32 v7;
	v4 =	vld [tilespmem:s16+$0xFFFFFE50];
	[tilespmem:s17+$0xFFFFFF90] =	vst v3;
	v3 =	vpack.i.b32.b16 v8, v9;
	v8 =	vunpack.i.u.s16.s32 v7  }
0x4c: {  	v7 =	vunpack.i.l.s16.s32 v11;
	[tilespmem:s17+$0x10] =	vst v3;
	v3 =	vpack.i.b32.b16 v6, v5;
	v9 =	vunpack.i.u.s16.s32 v2;
	v6 =	vld [tilespmem:s16+$0x50]  }
0x4d: {  	v5 =	vunpack.i.l.s16.s32 v2;
	v2 =	vld [tilespmem:s16+$0xFFFFFE60];
	[tilespmem:s17+$0xFFFFFFA0] =	vst v3;
	v3 =	vpack.i.b32.b16 v8, v10;
	v10 =	vunpack.i.u.s16.s32 v11  }
0x4e: {  	s21 =	simm.s32 $0x0;
	v11 =	vpack.i.b32.b16 v7, v5;
	v7 =	vunpack.i.u.s16.s32 v12;
	v8 =	vunpack.i.l.s16.s32 v12;
	[tilespmem:s17+$0x20] =	vst v3;
	v3 =	vld [tilespmem:s16+$0x60]  }
0x4f: {  	s22 =	sadd.s32 $0x80, s16;
	s20 =	smov.u32 s17;
	s19 =	smov.u32 s17;
	v5 =	vld [tilespmem:s16+$0xFFFFFE00];
	[tilespmem:s17+$0xFFFFFFB0] =	vst v11;
	v10 =	vpack.i.b32.b16 v10, v9;
	v9 =	vunpack.i.u.s16.s32 v13;
	v11 =	vunpack.i.l.s16.s32 v13  }
.LBB1_5:
0x50: {  	v12 =	vld [tilespmem:s22+$0xFFFFFE70];
	[tilespmem:s20+$0x30] =	vst v10;
	v8 =	vpack.i.b32.b16 v11, v8;
	v10 =	vunpack.i.u.s16.s32 v4;
	v4 =	vunpack.i.l.s16.s32 v4  }
0x51: {  	s21 =	sadd.s32 $0x2, s21;
	v7 =	vpack.i.b32.b16 v9, v7;
	v11 =	vld [tilespmem:s22+$0x70];
	[tilespmem:s20+$0xFFFFFFC0] =	vst v8;
	v8 =	vunpack.i.u.s16.s32 v6;
	v6 =	vunpack.i.l.s16.s32 v6  }
0x52: {  	p0 =	slt.u32 s21, $0x6;
	v9 =	vld [tilespmem:s22+$0x0];
	[tilespmem:s20+$0x40] =	vst v7;
	v4 =	vpack.i.b32.b16 v6, v4;
	v6 =	vunpack.i.u.s16.s32 v2;
	v2 =	vunpack.i.l.s16.s32 v2  }
0x53: {  	v7 =	vld [tilespmem:s22+$0xFFFFFE10];
	[tilespmem:s20+$0xFFFFFFD0] =	vst v4;
	v4 =	vpack.i.b32.b16 v8, v10;
	v8 =	vunpack.i.u.s16.s32 v3;
	v3 =	vunpack.i.l.s16.s32 v3  }
0x54: {  	v10 =	vld [tilespmem:s22+$0x10];
	v13 =	vunpack.i.u.s16.s32 v5;
	v5 =	vunpack.i.l.s16.s32 v5;
	[tilespmem:s20+$0x50] =	vst v4;
	v2 =	vpack.i.b32.b16 v3, v2  }
0x55: {  	v3 =	vld [tilespmem:s22+$0xFFFFFE20];
	v4 =	vunpack.i.l.s16.s32 v12;
	v1 =	vpack.i.b32.b16 v1, v5;
	v5 =	vpack.i.b32.b16 v0, v13;
	[tilespmem:s20+$0xFFFFFFE0] =	vst v2  }
0x56: {  	v12 =	vunpack.i.u.s16.s32 v12;
	v2 =	vld [tilespmem:s22+$0x20];
	v13 =	vunpack.i.u.s16.s32 v11;
	v11 =	vunpack.i.l.s16.s32 v11;
	[tilespmem:s20+$0xFFFFFF80] =	vst v1  }
0x57: {  	s20 =	sadd.s32 $0x100, s20;
	v0 =	vunpack.i.u.s16.s32 v9;
	v1 =	vunpack.i.l.s16.s32 v9;
	v9 =	vld [tilespmem:s22+$0xFFFFFE30];
	v12 =	vpack.i.b32.b16 v13, v12;
	[tilespmem:s19+$0x0] =	vst v5  }
0x58: {  	v6 =	vpack.i.b32.b16 v8, v6;
	v5 =	vunpack.i.u.s16.s32 v7;
	v7 =	vunpack.i.l.s16.s32 v7;
	v13 =	vld [tilespmem:s22+$0x30];
	[tilespmem:s20+$0x70] =	vst v12  }
0x59: {  	v4 =	vpack.i.b32.b16 v11, v4;
	v8 =	vunpack.i.u.s16.s32 v10;
	v10 =	vunpack.i.l.s16.s32 v10;
	v12 =	vld [tilespmem:s22+$0xFFFFFE40];
	[tilespmem:s19+$0x60] =	vst v6;
	s19 =	smov.u32 s20  }
0x5a: {  	v6 =	vpack.i.b32.b16 v10, v7;
	v7 =	vunpack.i.u.s16.s32 v3;
	v3 =	vunpack.i.l.s16.s32 v3;
	v11 =	vld [tilespmem:s22+$0x40];
	[tilespmem:s20+$0xFFFFFFF0] =	vst v4  }
.Ltmp4:
0x5b: {  	v5 =	vpack.i.b32.b16 v8, v5;
	[tilespmem:s20+$0xFFFFFF90] =	vst v6;
	v8 =	vunpack.i.u.s16.s32 v2;
	v2 =	vunpack.i.l.s16.s32 v2;
	v4 =	vld [tilespmem:s22+$0xFFFFFE50];
	(pc) =	sbr.rel @p0 .LBB1_5-.Ltmp4, $4  }
0x5c: {  	[tilespmem:s20+$0x10] =	vst v5;
	v2 =	vpack.i.b32.b16 v2, v3;
	v10 =	vunpack.i.u.s16.s32 v9;
	v3 =	vunpack.i.l.s16.s32 v9;
	v6 =	vld [tilespmem:s22+$0x50]  }
0x5d: {  	v5 =	vpack.i.b32.b16 v8, v7;
	[tilespmem:s20+$0xFFFFFFA0] =	vst v2;
	v9 =	vunpack.i.u.s16.s32 v13;
	v7 =	vunpack.i.l.s16.s32 v13;
	v2 =	vld [tilespmem:s22+$0xFFFFFE60]  }
0x5e: {  	[tilespmem:s20+$0x20] =	vst v5;
	v13 =	vpack.i.b32.b16 v7, v3;
	v7 =	vunpack.i.u.s16.s32 v12;
	v8 =	vunpack.i.l.s16.s32 v12;
	v3 =	vld [tilespmem:s22+$0x60]  }
0x5f: {  	v10 =	vpack.i.b32.b16 v9, v10;
	v5 =	vld [tilespmem:s22+$0xFFFFFE00];
	[tilespmem:s20+$0xFFFFFFB0] =	vst v13;
	v9 =	vunpack.i.u.s16.s32 v11;
	v11 =	vunpack.i.l.s16.s32 v11;
	s22 =	sadd.s32 $0x80, s22  }
0x60: {  	[tilespmem:s20+$0x30] =	vst v10;
	v8 =	vpack.i.b32.b16 v11, v8  }
0x61: {  	v51 =	vunpack.i.l.s16.s32 v4;
	v7 =	vpack.i.b32.b16 v9, v7;
	[tilespmem:s20+$0xFFFFFFC0] =	vst v8;
	v52 =	vunpack.i.l.s16.s32 v6  }
0x62: {  	v53 =	vunpack.i.u.s16.s32 v4;
	s18 =	sadd.s32 $0x1, s18;
	v54 =	vunpack.i.u.s16.s32 v6;
	[tilespmem:s20+$0x40] =	vst v7;
	v55 =	vpack.i.b32.b16 v52, v51  }
0x63: {  	p0 =	sne.s32 s18, s15;
	v56 =	vunpack.i.l.s16.s32 v2;
	v4 =	vpack.i.b32.b16 v54, v53;
	[tilespmem:s20+$0xFFFFFFD0] =	vst v55;
	v57 =	vunpack.i.l.s16.s32 v3  }
.Ltmp5:
0x64: {  	[tilespmem:s20+$0x50] =	vst v4;
	v58 =	vunpack.i.l.s16.s32 v5;
	v59 =	vpack.i.b32.b16 v57, v56;
	(pc) =	sbr.rel @p0 .LBB1_4-.Ltmp5, $4  }
.Ltmp6:
0x65: {  	v61 =	vunpack.i.u.s16.s32 v2;
	v62 =	vunpack.i.u.s16.s32 v3;
	v1 =	vpack.i.b32.b16 v1, v58;
	[tilespmem:s20+$0xFFFFFFE0] =	vst v59;
	(pc) =	sbr.rel @!p0 .LBB1_7-.Ltmp6, $4  }
0x66: {  	v60 =	vunpack.i.u.s16.s32 v5;
	v63 =	vpack.i.b32.b16 v62, v61;
	[tilespmem:s20+$0xFFFFFF80] =	vst v1  }
0x67: {  	v0 =	vpack.i.b32.b16 v0, v60;
	[tilespmem:s19+$0x60] =	vst v63  }
0x68: {  	s16 =	sadd.s32 $0x400, s16;
	s17 =	sadd.s32 $0x400, s17;
	[tilespmem:s19+$0x0] =	vst v0  }
0x69: {  	_ = 	snop  }
.LBB1_9:
0x6a: {  	_ =	sfence.sel $0x180000  }
0x6b: {  	s2 =	simm.s32 $0x1;
	[bflag:$0x0] =	sbarrier.arrive $0xFFFF  }
0x6c: {  	s31 =	simm.s32 $0x2;
	[sflag:s2] =	ssyncpa.u1 $0x1  }
0x6d: {  	[sflag:s31] =	ssyncpa.u1 $0x1  }
0x6e: {  	p0 =	sne.s32 s1, $0x0;
	_ =	strace $0x90000050  }
0x6f: {  	s0 =	sadd.s32 @!p0 $0x100000, s0;
	[bflag:$0x2] =	sbarrier.arrive $0xFFFF  }
0x70: {  	[sflag:s0] =	ssyncadd.tile.s32 @!p0 $0x1;
	_ =	shalt  }
.Lfunc_end1:
_tile_overlayer_lowered:
.L_overlay_start_2:
0x71: {  	(tag) =	ssettag $0x2  }
0x72: {  	s0 =	rddreg [dreg:$0x0];
	s2 =	stileid.u32  }
0x73: {  	s1 =	rddreg [dreg:$0x1];
	p0 =	sne.s32 s2, $0x0  }
0x74: {  	s3 =	rddreg [dreg:$0x2];
	[bflag:$0x3] =	sbarrier.arrive $0xFFFF;
	s2 =	simm.s32 @!p0 $0x1C01  }
0x75: {  	[timem:s3], [sflag:s2] =	dma.local @!p0 [hbm:s0], s1  }
0x76: {  	s0 =	simm.s32 @!p0 $0x1  }
0x77: {  	_ =	swait.ge @!p0 [sflag:s0], s1  }
0x78: {  	s1 =	ssub.s32 @!p0 $0x0, s1;
	[sflag:s0] =	ssyncset.done @!p0 $0x0  }
0x79: {  	[sflag:s0] =	ssyncadd.s32 @!p0 s1  }
0x7a: {  	[bflag:$0x3] =	sbarrier.arrive $0xFFFF  }
0x7b: {  	_ =	shalt  }

</sc_bundles>
